<compile_context>
chip_gen: v7x
topology: tpu7x:2x2x1
jax: 0.10.2.dev20260603
libtpu: 0.0.44.dev20260713+nightly
codegen_flags: <defaults>
</compile_context>

<pallas_src>
import functools

import jax
import jax.numpy as jnp
from jax import lax
from jax.experimental import pallas as pl
from jax.experimental.pallas import tpu as pltpu
from jax.experimental.pallas import tpu_sc as plsc

_N_EXPERTS = 8
_TOKENS = 2 * 2048
_D = 1024
_TB = 2048

_NW = 32
_CW = _TOKENS // _NW
_SUB = 16
_NSUB = _CW // _SUB
_NPAIR = _NSUB // 2


def _router_body(sh_ref, rw_ref, w_ref, aux_ref):
    sh = sh_ref[...]
    rw = rw_ref[...]

    lt = lax.dot_general(
        rw, sh, dimension_numbers=(((1,), (1,)), ((), ())),
        preferred_element_type=jnp.float32)
    eidsT = lax.broadcasted_iota(jnp.int32, lt.shape, 0)
    n0 = jnp.max(lt, axis=0, keepdims=True)
    j0 = jnp.min(jnp.where(lt == n0, eidsT, _N_EXPERTS), axis=0,
                 keepdims=True)
    maskedT = jnp.where(eidsT == j0, -jnp.inf, lt)
    n1 = jnp.max(maskedT, axis=0, keepdims=True)
    j1 = jnp.min(jnp.where(maskedT == n1, eidsT, _N_EXPERTS), axis=0,
                 keepdims=True)
    tt = jnp.exp(n1 - n0)
    q0 = 1.0 / (1.0 + tt)
    q1 = tt * q0
    wT = (jnp.where(eidsT == j0, q0, 0.0)
          + jnp.where(eidsT == j1, q1, 0.0))
    w_ref[...] = wT.T
    aux_ref[0:1, :] = j0.astype(jnp.float32)
    aux_ref[1:2, :] = j1.astype(jnp.float32)
    aux_ref[2:3, :] = q0
    aux_ref[3:4, :] = q1


def _router(shared2d, router_w):
    grid = (_TOKENS // _TB,)
    return pl.pallas_call(
        _router_body,
        grid=grid,
        in_specs=[pl.BlockSpec((_TB, _D), lambda i: (i, 0)),
                  pl.BlockSpec((_N_EXPERTS, _D), lambda i: (0, 0))],
        out_specs=[pl.BlockSpec((_TB, _N_EXPERTS), lambda i: (i, 0)),
                   pl.BlockSpec((4, _TB), lambda i: (0, i))],
        out_shape=[
            jax.ShapeDtypeStruct((_TOKENS, _N_EXPERTS), jnp.float32),
            jax.ShapeDtypeStruct((4, _TOKENS), jnp.float32),
        ],
    )(shared2d, router_w)


def _sc_body(e0, e1, e2, e3, e4, e5, e6, e7, aux_h, out_h,
             i0_v, i1_v, p0_v, p1_v,
             bufa0, bufa1, bufb0, bufb1, outa, outb,
             sema, semb, semoa, semob):
    experts = (e0, e1, e2, e3, e4, e5, e6, e7)
    wid = lax.axis_index("s") * 2 + lax.axis_index("c")
    base = wid * _CW
    pltpu.sync_copy(aux_h.at[0, pl.ds(base, _CW)], i0_v.at[pl.ds(0, _CW)])
    pltpu.sync_copy(aux_h.at[1, pl.ds(base, _CW)], i1_v.at[pl.ds(0, _CW)])
    pltpu.sync_copy(aux_h.at[2, pl.ds(base, _CW)], p0_v)
    pltpu.sync_copy(aux_h.at[3, pl.ds(base, _CW)], p1_v)

    def dispatch(x, row, dst, sem):
        def arm(lo, hi):
            if hi - lo == 1:
                pltpu.async_copy(experts[lo].at[row], dst, sem)
            else:
                mid = (lo + hi) // 2

                @pl.when(x < float(mid))
                def _():
                    arm(lo, mid)

                @pl.when(x >= float(mid))
                def _():
                    arm(mid, hi)
        arm(0, _N_EXPERTS)

    def fire(sub, b0, b1, sem):
        def tok(r, c):
            x0 = i0_v[pl.ds(sub * _SUB + r, 16)][0]
            x1 = i1_v[pl.ds(sub * _SUB + r, 16)][0]
            row = base + sub * _SUB + r
            dispatch(x0, row, b0.at[r], sem)
            dispatch(x1, row, b1.at[r], sem)
            return c
        lax.fori_loop(0, _SUB, tok, 0)

    def drain(b0, b1, sem):
        pltpu.make_async_copy(e0.at[pl.ds(0, _SUB)], b0, sem).wait()
        pltpu.make_async_copy(e0.at[pl.ds(0, _SUB)], b1, sem).wait()

    def waitout(ob, semo):
        pltpu.make_async_copy(e0.at[pl.ds(0, _SUB)], ob, semo).wait()

    def compute(sub, b0, b1, ob):
        q0 = p0_v[pl.ds(sub * _SUB, _SUB)]
        q1 = p1_v[pl.ds(sub * _SUB, _SUB)]
        s0 = [q0[r] for r in range(_SUB)]
        s1 = [q1[r] for r in range(_SUB)]

        def col(j, c):
            for r in range(_SUB):
                sl = pl.ds(j * 16, 16)
                ob[r, sl] = s0[r] * b0[r, sl] + s1[r] * b1[r, sl]
            return c
        lax.fori_loop(0, _D // 16, col, 0)

    fire(0, bufa0, bufa1, sema)

    def pair(m, c):
        fire(2 * m + 1, bufb0, bufb1, semb)
        drain(bufa0, bufa1, sema)

        @pl.when(m > 0)
        def _():
            waitout(outa, semoa)
        compute(2 * m, bufa0, bufa1, outa)
        pltpu.async_copy(outa, out_h.at[pl.ds(base + 2 * m * _SUB, _SUB)],
                         semoa)

        @pl.when(m < _NPAIR - 1)
        def _():
            fire(2 * m + 2, bufa0, bufa1, sema)
        drain(bufb0, bufb1, semb)

        @pl.when(m > 0)
        def _():
            waitout(outb, semob)
        compute(2 * m + 1, bufb0, bufb1, outb)
        pltpu.async_copy(outb,
                         out_h.at[pl.ds(base + (2 * m + 1) * _SUB, _SUB)],
                         semob)
        return c

    lax.fori_loop(0, _NPAIR, pair, 0)
    waitout(outa, semoa)
    waitout(outb, semob)


_sc_combine = functools.partial(
    pl.kernel,
    mesh=plsc.VectorSubcoreMesh(core_axis_name="c", subcore_axis_name="s"),
    out_type=jax.ShapeDtypeStruct((_TOKENS, _D), jnp.float32),
    scratch_types=[
        pltpu.VMEM((_CW + 16,), jnp.float32),
        pltpu.VMEM((_CW + 16,), jnp.float32),
        pltpu.VMEM((_CW,), jnp.float32),
        pltpu.VMEM((_CW,), jnp.float32),
        pltpu.VMEM((_SUB, _D), jnp.float32),
        pltpu.VMEM((_SUB, _D), jnp.float32),
        pltpu.VMEM((_SUB, _D), jnp.float32),
        pltpu.VMEM((_SUB, _D), jnp.float32),
        pltpu.VMEM((_SUB, _D), jnp.float32),
        pltpu.VMEM((_SUB, _D), jnp.float32),
        pltpu.SemaphoreType.DMA,
        pltpu.SemaphoreType.DMA,
        pltpu.SemaphoreType.DMA,
        pltpu.SemaphoreType.DMA,
    ],
)(_sc_body)


@jax.jit
def _run(experts2d, shared2d, router_w):
    weights, aux = _router(shared2d, router_w)
    fused = _sc_combine(*experts2d, aux)
    return fused, weights


def kernel(expert_out_0, expert_out_1, expert_out_2, expert_out_3,
           expert_out_4, expert_out_5, expert_out_6, expert_out_7,
           shared_hidden, router_w):
    B, T, D = shared_hidden.shape
    experts2d = [e.reshape(B * T, D) for e in
                 (expert_out_0, expert_out_1, expert_out_2, expert_out_3,
                  expert_out_4, expert_out_5, expert_out_6, expert_out_7)]
    fused, weights = _run(experts2d, shared_hidden.reshape(B * T, D),
                          router_w)
    return (fused.reshape(B, T, D), weights.reshape(B, T, _N_EXPERTS))

# --- scband reference (transcript-rebuilt; emitter-appended) ---
"""Pipeline reference for scband-mo-efusion-24068996727394 (READ-ONLY COPY).

The authoritative reference and input builder live on the scoring server;
editing this copy changes nothing except your own understanding.
"""

import jax, jax.numpy as jnp
import numpy as np

N_EXPERTS = 8
TOP_K = 2
B, T, D = 2, 2048, 1024


def setup_inputs(seed: int = 0) -> dict:
    key = jax.random.key(seed)
    keys = jax.random.split(key, N_EXPERTS + 2)
    inp = {}
    for i in range(N_EXPERTS):
        inp[f"expert_out_{i}"] = jax.random.normal(keys[i], (B, T, D), dtype=jnp.float32)
    inp["shared_hidden"] = jax.random.normal(keys[N_EXPERTS], (B, T, D), dtype=jnp.float32)
    inp["router_w"] = jax.random.normal(keys[N_EXPERTS + 1], (N_EXPERTS, D), dtype=jnp.float32) * (1.0 / np.sqrt(D))
    return inp


def reference(expert_out_0, expert_out_1, expert_out_2, expert_out_3,
              expert_out_4, expert_out_5, expert_out_6, expert_out_7,
              shared_hidden, router_w):
    experts = [expert_out_0, expert_out_1, expert_out_2, expert_out_3,
               expert_out_4, expert_out_5, expert_out_6, expert_out_7]
    # router on detached backbone output: logits = shared_hidden @ W^T
    logits = jnp.einsum('btd,ed->bte', jax.lax.stop_gradient(shared_hidden), router_w)
    if TOP_K < N_EXPERTS:
        topk_vals, topk_idx = jax.lax.top_k(logits, TOP_K)  # (B, T, k)
        sm = jax.nn.softmax(topk_vals, axis=-1)
        # scatter softmaxed top-k values back into a dense (B, T, E) weight tensor
        weights = jnp.sum(jax.nn.one_hot(topk_idx, N_EXPERTS, dtype=logits.dtype) * sm[..., None], axis=-2)
    else:
        weights = jax.nn.softmax(logits, axis=-1)
    stacked = jnp.stack(experts, axis=-1)  # (B, T, D, E)
    fused = jnp.sum(stacked * weights[:, :, None, :], axis=-1)  # (B, T, D)
    return (fused, weights)

if __name__ == "__main__":
    import jax
    _d = setup_inputs()
    print(jax.jit(kernel)(*tuple(_d.values())))

</pallas_src>

<mosaic_0001>
#map = affine_map<(d0, d1) -> (0, 0)>
module attributes {stable_mosaic.version = 14 : i64} {
  func.func @_sc_body(%arg0: i32, %arg1: i32, %arg2: memref<4096x1024xf32, #tpu.memory_space<hbm>>, %arg3: memref<4096x1024xf32, #tpu.memory_space<hbm>>, %arg4: memref<4096x1024xf32, #tpu.memory_space<hbm>>, %arg5: memref<4096x1024xf32, #tpu.memory_space<hbm>>, %arg6: memref<4096x1024xf32, #tpu.memory_space<hbm>>, %arg7: memref<4096x1024xf32, #tpu.memory_space<hbm>>, %arg8: memref<4096x1024xf32, #tpu.memory_space<hbm>>, %arg9: memref<4096x1024xf32, #tpu.memory_space<hbm>>, %arg10: memref<4x4096xf32, #tpu.memory_space<hbm>>, %arg11: memref<4096x1024xf32, #tpu.memory_space<hbm>>, %arg12: memref<144xf32, #tpu.memory_space<vmem>>, %arg13: memref<144xf32, #tpu.memory_space<vmem>>, %arg14: memref<128xf32, #tpu.memory_space<vmem>>, %arg15: memref<128xf32, #tpu.memory_space<vmem>>, %arg16: memref<16x1024xf32, #tpu.memory_space<vmem>>, %arg17: memref<16x1024xf32, #tpu.memory_space<vmem>>, %arg18: memref<16x1024xf32, #tpu.memory_space<vmem>>, %arg19: memref<16x1024xf32, #tpu.memory_space<vmem>>, %arg20: memref<16x1024xf32, #tpu.memory_space<vmem>>, %arg21: memref<16x1024xf32, #tpu.memory_space<vmem>>, %arg22: memref<!tpu.dma_semaphore, #tpu.memory_space<semaphore_mem>>, %arg23: memref<!tpu.dma_semaphore, #tpu.memory_space<semaphore_mem>>, %arg24: memref<!tpu.dma_semaphore, #tpu.memory_space<semaphore_mem>>, %arg25: memref<!tpu.dma_semaphore, #tpu.memory_space<semaphore_mem>>) attributes {dimension_semantics = [#tpu.dimension_semantics<core_parallel>, #tpu.dimension_semantics<subcore_parallel>], iteration_bounds = array<i64: 2, 16>, scalar_prefetch = 0 : i64, scratch_operands = 14 : i64, tpu.core_type = #tpu.core_type<sc_vector_subcore>, window_params = [{transform_indices = #map}, {transform_indices = #map}, {transform_indices = #map}, {transform_indices = #map}, {transform_indices = #map}, {transform_indices = #map}, {transform_indices = #map}, {transform_indices = #map}, {transform_indices = #map}, {transform_indices = #map}]} {
    %mul3A = arith.constant 2 : i32
    %mul3A_0 = arith.muli %arg1, %mul3A : i32
    %add3A = arith.addi %mul3A_0, %arg0 : i32
    %mul3A_1 = arith.constant 128 : i32
    %mul3A_2 = arith.muli %add3A, %mul3A_1 : i32
    %run_scoped3A = arith.constant 0 : i32
    "tpu.region"() ({
      %run_scoped3A_28 = tpu.sem_alloc : memref<!tpu.dma_semaphore, #tpu.memory_space<semaphore_mem>>
      %dma_start3A = arith.constant 0 : i32
      %dma_start3A_29 = tpu.memref_slice %arg12[%dma_start3A] : memref<144xf32, #tpu.memory_space<vmem>> -> memref<128xf32, #tpu.memory_space<vmem>>
      %dma_start3A_30 = tpu.memref_slice %arg10[%run_scoped3A, %mul3A_2] : memref<4x4096xf32, #tpu.memory_space<hbm>> -> memref<1x128xf32, #tpu.memory_space<hbm>>
      %dma_start3A_31 = tpu.memref_squeeze %dma_start3A_30 : memref<1x128xf32, #tpu.memory_space<hbm>> -> memref<128xf32, #tpu.memory_space<hbm>>
      %dma_start3A_32 = arith.constant 0 : i32
      %dma_start3A_33 = tpu.memref_slice %arg12[%dma_start3A_32] : memref<144xf32, #tpu.memory_space<vmem>> -> memref<128xf32, #tpu.memory_space<vmem>>
      %dma_start3A_34 = tpu.memref_slice %arg10[%run_scoped3A, %mul3A_2] : memref<4x4096xf32, #tpu.memory_space<hbm>> -> memref<1x128xf32, #tpu.memory_space<hbm>>
      %dma_start3A_35 = tpu.memref_squeeze %dma_start3A_34 : memref<1x128xf32, #tpu.memory_space<hbm>> -> memref<128xf32, #tpu.memory_space<hbm>>
      tpu.enqueue_dma source(%dma_start3A_35 : memref<128xf32, #tpu.memory_space<hbm>>) target(%dma_start3A_33 : memref<128xf32, #tpu.memory_space<vmem>>) target_semaphore(%run_scoped3A_28 : memref<!tpu.dma_semaphore, #tpu.memory_space<semaphore_mem>>)
      %dma_wait3A_36 = arith.constant 0 : i32
      %dma_wait3A_37 = tpu.memref_slice %arg12[%dma_wait3A_36] : memref<144xf32, #tpu.memory_space<vmem>> -> memref<128xf32, #tpu.memory_space<vmem>>
      %dma_wait3A_38 = tpu.memref_slice %arg10[%run_scoped3A, %mul3A_2] : memref<4x4096xf32, #tpu.memory_space<hbm>> -> memref<1x128xf32, #tpu.memory_space<hbm>>
      %dma_wait3A_39 = tpu.memref_squeeze %dma_wait3A_38 : memref<1x128xf32, #tpu.memory_space<hbm>> -> memref<128xf32, #tpu.memory_space<hbm>>
      %dma_wait3A_40 = arith.constant 0 : i32
      %dma_wait3A_41 = tpu.memref_slice %arg12[%dma_wait3A_40] : memref<144xf32, #tpu.memory_space<vmem>> -> memref<128xf32, #tpu.memory_space<vmem>>
      %dma_wait3A_42 = tpu.memref_slice %arg10[%run_scoped3A, %mul3A_2] : memref<4x4096xf32, #tpu.memory_space<hbm>> -> memref<1x128xf32, #tpu.memory_space<hbm>>
      %dma_wait3A_43 = tpu.memref_squeeze %dma_wait3A_42 : memref<1x128xf32, #tpu.memory_space<hbm>> -> memref<128xf32, #tpu.memory_space<hbm>>
      tpu.wait_dma2 semaphore(%run_scoped3A_28 : memref<!tpu.dma_semaphore, #tpu.memory_space<semaphore_mem>>) src(%dma_wait3A_43 : memref<128xf32, #tpu.memory_space<hbm>>) dst(%dma_wait3A_41 : memref<128xf32, #tpu.memory_space<vmem>>)
      tpu.yield
    }) : () -> ()
    %run_scoped3A_3 = arith.constant 1 : i32
    "tpu.region"() ({
      %run_scoped3A_28 = tpu.sem_alloc : memref<!tpu.dma_semaphore, #tpu.memory_space<semaphore_mem>>
      %dma_start3A = arith.constant 0 : i32
      %dma_start3A_29 = tpu.memref_slice %arg13[%dma_start3A] : memref<144xf32, #tpu.memory_space<vmem>> -> memref<128xf32, #tpu.memory_space<vmem>>
      %dma_start3A_30 = tpu.memref_slice %arg10[%run_scoped3A_3, %mul3A_2] : memref<4x4096xf32, #tpu.memory_space<hbm>> -> memref<1x128xf32, #tpu.memory_space<hbm>>
      %dma_start3A_31 = tpu.memref_squeeze %dma_start3A_30 : memref<1x128xf32, #tpu.memory_space<hbm>> -> memref<128xf32, #tpu.memory_space<hbm>>
      %dma_start3A_32 = arith.constant 0 : i32
      %dma_start3A_33 = tpu.memref_slice %arg13[%dma_start3A_32] : memref<144xf32, #tpu.memory_space<vmem>> -> memref<128xf32, #tpu.memory_space<vmem>>
      %dma_start3A_34 = tpu.memref_slice %arg10[%run_scoped3A_3, %mul3A_2] : memref<4x4096xf32, #tpu.memory_space<hbm>> -> memref<1x128xf32, #tpu.memory_space<hbm>>
      %dma_start3A_35 = tpu.memref_squeeze %dma_start3A_34 : memref<1x128xf32, #tpu.memory_space<hbm>> -> memref<128xf32, #tpu.memory_space<hbm>>
      tpu.enqueue_dma source(%dma_start3A_35 : memref<128xf32, #tpu.memory_space<hbm>>) target(%dma_start3A_33 : memref<128xf32, #tpu.memory_space<vmem>>) target_semaphore(%run_scoped3A_28 : memref<!tpu.dma_semaphore, #tpu.memory_space<semaphore_mem>>)
      %dma_wait3A_36 = arith.constant 0 : i32
      %dma_wait3A_37 = tpu.memref_slice %arg13[%dma_wait3A_36] : memref<144xf32, #tpu.memory_space<vmem>> -> memref<128xf32, #tpu.memory_space<vmem>>
      %dma_wait3A_38 = tpu.memref_slice %arg10[%run_scoped3A_3, %mul3A_2] : memref<4x4096xf32, #tpu.memory_space<hbm>> -> memref<1x128xf32, #tpu.memory_space<hbm>>
      %dma_wait3A_39 = tpu.memref_squeeze %dma_wait3A_38 : memref<1x128xf32, #tpu.memory_space<hbm>> -> memref<128xf32, #tpu.memory_space<hbm>>
      %dma_wait3A_40 = arith.constant 0 : i32
      %dma_wait3A_41 = tpu.memref_slice %arg13[%dma_wait3A_40] : memref<144xf32, #tpu.memory_space<vmem>> -> memref<128xf32, #tpu.memory_space<vmem>>
      %dma_wait3A_42 = tpu.memref_slice %arg10[%run_scoped3A_3, %mul3A_2] : memref<4x4096xf32, #tpu.memory_space<hbm>> -> memref<1x128xf32, #tpu.memory_space<hbm>>
      %dma_wait3A_43 = tpu.memref_squeeze %dma_wait3A_42 : memref<1x128xf32, #tpu.memory_space<hbm>> -> memref<128xf32, #tpu.memory_space<hbm>>
      tpu.wait_dma2 semaphore(%run_scoped3A_28 : memref<!tpu.dma_semaphore, #tpu.memory_space<semaphore_mem>>) src(%dma_wait3A_43 : memref<128xf32, #tpu.memory_space<hbm>>) dst(%dma_wait3A_41 : memref<128xf32, #tpu.memory_space<vmem>>)
      tpu.yield
    }) : () -> ()
    %run_scoped3A_4 = arith.constant 2 : i32
    "tpu.region"() ({
      %run_scoped3A_28 = tpu.sem_alloc : memref<!tpu.dma_semaphore, #tpu.memory_space<semaphore_mem>>
      %dma_start3A = tpu.memref_slice %arg10[%run_scoped3A_4, %mul3A_2] : memref<4x4096xf32, #tpu.memory_space<hbm>> -> memref<1x128xf32, #tpu.memory_space<hbm>>
      %dma_start3A_29 = tpu.memref_squeeze %dma_start3A : memref<1x128xf32, #tpu.memory_space<hbm>> -> memref<128xf32, #tpu.memory_space<hbm>>
      %dma_start3A_30 = tpu.memref_slice %arg10[%run_scoped3A_4, %mul3A_2] : memref<4x4096xf32, #tpu.memory_space<hbm>> -> memref<1x128xf32, #tpu.memory_space<hbm>>
      %dma_start3A_31 = tpu.memref_squeeze %dma_start3A_30 : memref<1x128xf32, #tpu.memory_space<hbm>> -> memref<128xf32, #tpu.memory_space<hbm>>
      tpu.enqueue_dma source(%dma_start3A_31 : memref<128xf32, #tpu.memory_space<hbm>>) target(%arg14 : memref<128xf32, #tpu.memory_space<vmem>>) target_semaphore(%run_scoped3A_28 : memref<!tpu.dma_semaphore, #tpu.memory_space<semaphore_mem>>)
      %dma_wait3A_32 = tpu.memref_slice %arg10[%run_scoped3A_4, %mul3A_2] : memref<4x4096xf32, #tpu.memory_space<hbm>> -> memref<1x128xf32, #tpu.memory_space<hbm>>
      %dma_wait3A_33 = tpu.memref_squeeze %dma_wait3A_32 : memref<1x128xf32, #tpu.memory_space<hbm>> -> memref<128xf32, #tpu.memory_space<hbm>>
      %dma_wait3A_34 = tpu.memref_slice %arg10[%run_scoped3A_4, %mul3A_2] : memref<4x4096xf32, #tpu.memory_space<hbm>> -> memref<1x128xf32, #tpu.memory_space<hbm>>
      %dma_wait3A_35 = tpu.memref_squeeze %dma_wait3A_34 : memref<1x128xf32, #tpu.memory_space<hbm>> -> memref<128xf32, #tpu.memory_space<hbm>>
      tpu.wait_dma2 semaphore(%run_scoped3A_28 : memref<!tpu.dma_semaphore, #tpu.memory_space<semaphore_mem>>) src(%dma_wait3A_35 : memref<128xf32, #tpu.memory_space<hbm>>) dst(%arg14 : memref<128xf32, #tpu.memory_space<vmem>>)
      tpu.yield
    }) : () -> ()
    %run_scoped3A_5 = arith.constant 3 : i32
    "tpu.region"() ({
      %run_scoped3A_28 = tpu.sem_alloc : memref<!tpu.dma_semaphore, #tpu.memory_space<semaphore_mem>>
      %dma_start3A = tpu.memref_slice %arg10[%run_scoped3A_5, %mul3A_2] : memref<4x4096xf32, #tpu.memory_space<hbm>> -> memref<1x128xf32, #tpu.memory_space<hbm>>
      %dma_start3A_29 = tpu.memref_squeeze %dma_start3A : memref<1x128xf32, #tpu.memory_space<hbm>> -> memref<128xf32, #tpu.memory_space<hbm>>
      %dma_start3A_30 = tpu.memref_slice %arg10[%run_scoped3A_5, %mul3A_2] : memref<4x4096xf32, #tpu.memory_space<hbm>> -> memref<1x128xf32, #tpu.memory_space<hbm>>
      %dma_start3A_31 = tpu.memref_squeeze %dma_start3A_30 : memref<1x128xf32, #tpu.memory_space<hbm>> -> memref<128xf32, #tpu.memory_space<hbm>>
      tpu.enqueue_dma source(%dma_start3A_31 : memref<128xf32, #tpu.memory_space<hbm>>) target(%arg15 : memref<128xf32, #tpu.memory_space<vmem>>) target_semaphore(%run_scoped3A_28 : memref<!tpu.dma_semaphore, #tpu.memory_space<semaphore_mem>>)
      %dma_wait3A_32 = tpu.memref_slice %arg10[%run_scoped3A_5, %mul3A_2] : memref<4x4096xf32, #tpu.memory_space<hbm>> -> memref<1x128xf32, #tpu.memory_space<hbm>>
      %dma_wait3A_33 = tpu.memref_squeeze %dma_wait3A_32 : memref<1x128xf32, #tpu.memory_space<hbm>> -> memref<128xf32, #tpu.memory_space<hbm>>
      %dma_wait3A_34 = tpu.memref_slice %arg10[%run_scoped3A_5, %mul3A_2] : memref<4x4096xf32, #tpu.memory_space<hbm>> -> memref<1x128xf32, #tpu.memory_space<hbm>>
      %dma_wait3A_35 = tpu.memref_squeeze %dma_wait3A_34 : memref<1x128xf32, #tpu.memory_space<hbm>> -> memref<128xf32, #tpu.memory_space<hbm>>
      tpu.wait_dma2 semaphore(%run_scoped3A_28 : memref<!tpu.dma_semaphore, #tpu.memory_space<semaphore_mem>>) src(%dma_wait3A_35 : memref<128xf32, #tpu.memory_space<hbm>>) dst(%arg15 : memref<128xf32, #tpu.memory_space<vmem>>)
      tpu.yield
    }) : () -> ()
    %scan3A = arith.constant 0 : i32
    %scan3A_6 = arith.constant 0 : i32
    %scan3A_7 = arith.constant 16 : i32
    %scan3A_8 = arith.addi %scan3A_6, %scan3A_7 : i32
    %scan3A_9 = arith.constant 1 : i32
    scf.for %scan3A_28 = %scan3A_6 to %scan3A_8 step %scan3A_9  : i32 {
      %add3A_29 = arith.constant 0 : i32
      %add3A_30 = arith.addi %add3A_29, %scan3A_28 : i32
      %get3A = arith.index_cast %add3A_30 : i32 to index
      %get3A_31 = tpu.vector_load %arg12[%get3A] {strides = array<i32>} : memref<144xf32, #tpu.memory_space<vmem>>, vector<16xf32>,
      %get3A_32 = vector.shape_cast %get3A_31 : vector<16xf32> to vector<16xf32>
      %slice3A = vector.extract_strided_slice %get3A_32 {offsets = [0], sizes = [1], strides = [1]} : vector<16xf32> to vector<1xf32>
      %squeeze3A = vector.extract %slice3A[0] : f32 from vector<1xf32>
      %add3A_33 = arith.constant 0 : i32
      %add3A_34 = arith.addi %add3A_33, %scan3A_28 : i32
      %get3A_35 = arith.index_cast %add3A_34 : i32 to index
      %get3A_36 = tpu.vector_load %arg13[%get3A_35] {strides = array<i32>} : memref<144xf32, #tpu.memory_space<vmem>>, vector<16xf32>,
      %get3A_37 = vector.shape_cast %get3A_36 : vector<16xf32> to vector<16xf32>
      %slice3A_38 = vector.extract_strided_slice %get3A_37 {offsets = [0], sizes = [1], strides = [1]} : vector<16xf32> to vector<1xf32>
      %squeeze3A_39 = vector.extract %slice3A_38[0] : f32 from vector<1xf32>
      %add3A_40 = arith.constant 0 : i32
      %add3A_41 = arith.addi %mul3A_2, %add3A_40 : i32
      %add3A_42 = arith.addi %add3A_41, %scan3A_28 : i32
      %lt3A = arith.constant 4.000000e+00 : f32
      %lt3A_43 = arith.cmpf olt, %squeeze3A, %lt3A : f32
      %convert_element_type3A = arith.extui %lt3A_43 : i1 to i32
      %cond3A = arith.constant 0 : i32
      %cond3A_44 = arith.cmpi ne, %convert_element_type3A, %cond3A : i32
      scf.if %cond3A_44 {
        %lt3A_59 = arith.constant 2.000000e+00 : f32
        %lt3A_60 = arith.cmpf olt, %squeeze3A, %lt3A_59 : f32
        %convert_element_type3A_61 = arith.extui %lt3A_60 : i1 to i32
        %cond3A_62 = arith.constant 0 : i32
        %cond3A_63 = arith.cmpi ne, %convert_element_type3A_61, %cond3A_62 : i32
        scf.if %cond3A_63 {
          %lt3A_69 = arith.constant 1.000000e+00 : f32
          %lt3A_70 = arith.cmpf olt, %squeeze3A, %lt3A_69 : f32
          %convert_element_type3A_71 = arith.extui %lt3A_70 : i1 to i32
          %cond3A_72 = arith.constant 0 : i32
          %cond3A_73 = arith.cmpi ne, %convert_element_type3A_71, %cond3A_72 : i32
          scf.if %cond3A_73 {
            %dma_start3A = arith.constant 0 : i32
            %dma_start3A_79 = tpu.memref_slice %arg16[%scan3A_28, %dma_start3A] : memref<16x1024xf32, #tpu.memory_space<vmem>> -> memref<1x1024xf32, #tpu.memory_space<vmem>>
            %dma_start3A_80 = tpu.memref_squeeze %dma_start3A_79 : memref<1x1024xf32, #tpu.memory_space<vmem>> -> memref<1024xf32, #tpu.memory_space<vmem>>
            %dma_start3A_81 = arith.constant 0 : i32
            %dma_start3A_82 = tpu.memref_slice %arg2[%add3A_42, %dma_start3A_81] : memref<4096x1024xf32, #tpu.memory_space<hbm>> -> memref<1x1024xf32, #tpu.memory_space<hbm>>
            %dma_start3A_83 = tpu.memref_squeeze %dma_start3A_82 : memref<1x1024xf32, #tpu.memory_space<hbm>> -> memref<1024xf32, #tpu.memory_space<hbm>>
            %dma_start3A_84 = arith.constant 0 : i32
            %dma_start3A_85 = tpu.memref_slice %arg16[%scan3A_28, %dma_start3A_84] : memref<16x1024xf32, #tpu.memory_space<vmem>> -> memref<1x1024xf32, #tpu.memory_space<vmem>>
            %dma_start3A_86 = tpu.memref_squeeze %dma_start3A_85 : memref<1x1024xf32, #tpu.memory_space<vmem>> -> memref<1024xf32, #tpu.memory_space<vmem>>
            %dma_start3A_87 = arith.constant 0 : i32
            %dma_start3A_88 = tpu.memref_slice %arg2[%add3A_42, %dma_start3A_87] : memref<4096x1024xf32, #tpu.memory_space<hbm>> -> memref<1x1024xf32, #tpu.memory_space<hbm>>
            %dma_start3A_89 = tpu.memref_squeeze %dma_start3A_88 : memref<1x1024xf32, #tpu.memory_space<hbm>> -> memref<1024xf32, #tpu.memory_space<hbm>>
            tpu.enqueue_dma source(%dma_start3A_89 : memref<1024xf32, #tpu.memory_space<hbm>>) target(%dma_start3A_86 : memref<1024xf32, #tpu.memory_space<vmem>>) target_semaphore(%arg22 : memref<!tpu.dma_semaphore, #tpu.memory_space<semaphore_mem>>)
          } else {
          }
          %ge3A_74 = arith.constant 1.000000e+00 : f32
          %ge3A_75 = arith.cmpf oge, %squeeze3A, %ge3A_74 : f32
          %convert_element_type3A_76 = arith.extui %ge3A_75 : i1 to i32
          %cond3A_77 = arith.constant 0 : i32
          %cond3A_78 = arith.cmpi ne, %convert_element_type3A_76, %cond3A_77 : i32
          scf.if %cond3A_78 {
            %dma_start3A = arith.constant 0 : i32
            %dma_start3A_79 = tpu.memref_slice %arg16[%scan3A_28, %dma_start3A] : memref<16x1024xf32, #tpu.memory_space<vmem>> -> memref<1x1024xf32, #tpu.memory_space<vmem>>
            %dma_start3A_80 = tpu.memref_squeeze %dma_start3A_79 : memref<1x1024xf32, #tpu.memory_space<vmem>> -> memref<1024xf32, #tpu.memory_space<vmem>>
            %dma_start3A_81 = arith.constant 0 : i32
            %dma_start3A_82 = tpu.memref_slice %arg3[%add3A_42, %dma_start3A_81] : memref<4096x1024xf32, #tpu.memory_space<hbm>> -> memref<1x1024xf32, #tpu.memory_space<hbm>>
            %dma_start3A_83 = tpu.memref_squeeze %dma_start3A_82 : memref<1x1024xf32, #tpu.memory_space<hbm>> -> memref<1024xf32, #tpu.memory_space<hbm>>
            %dma_start3A_84 = arith.constant 0 : i32
            %dma_start3A_85 = tpu.memref_slice %arg16[%scan3A_28, %dma_start3A_84] : memref<16x1024xf32, #tpu.memory_space<vmem>> -> memref<1x1024xf32, #tpu.memory_space<vmem>>
            %dma_start3A_86 = tpu.memref_squeeze %dma_start3A_85 : memref<1x1024xf32, #tpu.memory_space<vmem>> -> memref<1024xf32, #tpu.memory_space<vmem>>
            %dma_start3A_87 = arith.constant 0 : i32
            %dma_start3A_88 = tpu.memref_slice %arg3[%add3A_42, %dma_start3A_87] : memref<4096x1024xf32, #tpu.memory_space<hbm>> -> memref<1x1024xf32, #tpu.memory_space<hbm>>
            %dma_start3A_89 = tpu.memref_squeeze %dma_start3A_88 : memref<1x1024xf32, #tpu.memory_space<hbm>> -> memref<1024xf32, #tpu.memory_space<hbm>>
            tpu.enqueue_dma source(%dma_start3A_89 : memref<1024xf32, #tpu.memory_space<hbm>>) target(%dma_start3A_86 : memref<1024xf32, #tpu.memory_space<vmem>>) target_semaphore(%arg22 : memref<!tpu.dma_semaphore, #tpu.memory_space<semaphore_mem>>)
          } else {
          }
        } else {
        }
        %ge3A_64 = arith.constant 2.000000e+00 : f32
        %ge3A_65 = arith.cmpf oge, %squeeze3A, %ge3A_64 : f32
        %convert_element_type3A_66 = arith.extui %ge3A_65 : i1 to i32
        %cond3A_67 = arith.constant 0 : i32
        %cond3A_68 = arith.cmpi ne, %convert_element_type3A_66, %cond3A_67 : i32
        scf.if %cond3A_68 {
          %lt3A_69 = arith.constant 3.000000e+00 : f32
          %lt3A_70 = arith.cmpf olt, %squeeze3A, %lt3A_69 : f32
          %convert_element_type3A_71 = arith.extui %lt3A_70 : i1 to i32
          %cond3A_72 = arith.constant 0 : i32
          %cond3A_73 = arith.cmpi ne, %convert_element_type3A_71, %cond3A_72 : i32
          scf.if %cond3A_73 {
            %dma_start3A = arith.constant 0 : i32
            %dma_start3A_79 = tpu.memref_slice %arg16[%scan3A_28, %dma_start3A] : memref<16x1024xf32, #tpu.memory_space<vmem>> -> memref<1x1024xf32, #tpu.memory_space<vmem>>
            %dma_start3A_80 = tpu.memref_squeeze %dma_start3A_79 : memref<1x1024xf32, #tpu.memory_space<vmem>> -> memref<1024xf32, #tpu.memory_space<vmem>>
            %dma_start3A_81 = arith.constant 0 : i32
            %dma_start3A_82 = tpu.memref_slice %arg4[%add3A_42, %dma_start3A_81] : memref<4096x1024xf32, #tpu.memory_space<hbm>> -> memref<1x1024xf32, #tpu.memory_space<hbm>>
            %dma_start3A_83 = tpu.memref_squeeze %dma_start3A_82 : memref<1x1024xf32, #tpu.memory_space<hbm>> -> memref<1024xf32, #tpu.memory_space<hbm>>
            %dma_start3A_84 = arith.constant 0 : i32
            %dma_start3A_85 = tpu.memref_slice %arg16[%scan3A_28, %dma_start3A_84] : memref<16x1024xf32, #tpu.memory_space<vmem>> -> memref<1x1024xf32, #tpu.memory_space<vmem>>
            %dma_start3A_86 = tpu.memref_squeeze %dma_start3A_85 : memref<1x1024xf32, #tpu.memory_space<vmem>> -> memref<1024xf32, #tpu.memory_space<vmem>>
            %dma_start3A_87 = arith.constant 0 : i32
            %dma_start3A_88 = tpu.memref_slice %arg4[%add3A_42, %dma_start3A_87] : memref<4096x1024xf32, #tpu.memory_space<hbm>> -> memref<1x1024xf32, #tpu.memory_space<hbm>>
            %dma_start3A_89 = tpu.memref_squeeze %dma_start3A_88 : memref<1x1024xf32, #tpu.memory_space<hbm>> -> memref<1024xf32, #tpu.memory_space<hbm>>
            tpu.enqueue_dma source(%dma_start3A_89 : memref<1024xf32, #tpu.memory_space<hbm>>) target(%dma_start3A_86 : memref<1024xf32, #tpu.memory_space<vmem>>) target_semaphore(%arg22 : memref<!tpu.dma_semaphore, #tpu.memory_space<semaphore_mem>>)
          } else {
          }
          %ge3A_74 = arith.constant 3.000000e+00 : f32
          %ge3A_75 = arith.cmpf oge, %squeeze3A, %ge3A_74 : f32
          %convert_element_type3A_76 = arith.extui %ge3A_75 : i1 to i32
          %cond3A_77 = arith.constant 0 : i32
          %cond3A_78 = arith.cmpi ne, %convert_element_type3A_76, %cond3A_77 : i32
          scf.if %cond3A_78 {
            %dma_start3A = arith.constant 0 : i32
            %dma_start3A_79 = tpu.memref_slice %arg16[%scan3A_28, %dma_start3A] : memref<16x1024xf32, #tpu.memory_space<vmem>> -> memref<1x1024xf32, #tpu.memory_space<vmem>>
            %dma_start3A_80 = tpu.memref_squeeze %dma_start3A_79 : memref<1x1024xf32, #tpu.memory_space<vmem>> -> memref<1024xf32, #tpu.memory_space<vmem>>
            %dma_start3A_81 = arith.constant 0 : i32
            %dma_start3A_82 = tpu.memref_slice %arg5[%add3A_42, %dma_start3A_81] : memref<4096x1024xf32, #tpu.memory_space<hbm>> -> memref<1x1024xf32, #tpu.memory_space<hbm>>
            %dma_start3A_83 = tpu.memref_squeeze %dma_start3A_82 : memref<1x1024xf32, #tpu.memory_space<hbm>> -> memref<1024xf32, #tpu.memory_space<hbm>>
            %dma_start3A_84 = arith.constant 0 : i32
            %dma_start3A_85 = tpu.memref_slice %arg16[%scan3A_28, %dma_start3A_84] : memref<16x1024xf32, #tpu.memory_space<vmem>> -> memref<1x1024xf32, #tpu.memory_space<vmem>>
            %dma_start3A_86 = tpu.memref_squeeze %dma_start3A_85 : memref<1x1024xf32, #tpu.memory_space<vmem>> -> memref<1024xf32, #tpu.memory_space<vmem>>
            %dma_start3A_87 = arith.constant 0 : i32
            %dma_start3A_88 = tpu.memref_slice %arg5[%add3A_42, %dma_start3A_87] : memref<4096x1024xf32, #tpu.memory_space<hbm>> -> memref<1x1024xf32, #tpu.memory_space<hbm>>
            %dma_start3A_89 = tpu.memref_squeeze %dma_start3A_88 : memref<1x1024xf32, #tpu.memory_space<hbm>> -> memref<1024xf32, #tpu.memory_space<hbm>>
            tpu.enqueue_dma source(%dma_start3A_89 : memref<1024xf32, #tpu.memory_space<hbm>>) target(%dma_start3A_86 : memref<1024xf32, #tpu.memory_space<vmem>>) target_semaphore(%arg22 : memref<!tpu.dma_semaphore, #tpu.memory_space<semaphore_mem>>)
          } else {
          }
        } else {
        }
      } else {
      }
      %ge3A = arith.constant 4.000000e+00 : f32
      %ge3A_45 = arith.cmpf oge, %squeeze3A, %ge3A : f32
      %convert_element_type3A_46 = arith.extui %ge3A_45 : i1 to i32
      %cond3A_47 = arith.constant 0 : i32
      %cond3A_48 = arith.cmpi ne, %convert_element_type3A_46, %cond3A_47 : i32
      scf.if %cond3A_48 {
        %lt3A_59 = arith.constant 6.000000e+00 : f32
        %lt3A_60 = arith.cmpf olt, %squeeze3A, %lt3A_59 : f32
        %convert_element_type3A_61 = arith.extui %lt3A_60 : i1 to i32
        %cond3A_62 = arith.constant 0 : i32
        %cond3A_63 = arith.cmpi ne, %convert_element_type3A_61, %cond3A_62 : i32
        scf.if %cond3A_63 {
          %lt3A_69 = arith.constant 5.000000e+00 : f32
          %lt3A_70 = arith.cmpf olt, %squeeze3A, %lt3A_69 : f32
          %convert_element_type3A_71 = arith.extui %lt3A_70 : i1 to i32
          %cond3A_72 = arith.constant 0 : i32
          %cond3A_73 = arith.cmpi ne, %convert_element_type3A_71, %cond3A_72 : i32
          scf.if %cond3A_73 {
            %dma_start3A = arith.constant 0 : i32
            %dma_start3A_79 = tpu.memref_slice %arg16[%scan3A_28, %dma_start3A] : memref<16x1024xf32, #tpu.memory_space<vmem>> -> memref<1x1024xf32, #tpu.memory_space<vmem>>
            %dma_start3A_80 = tpu.memref_squeeze %dma_start3A_79 : memref<1x1024xf32, #tpu.memory_space<vmem>> -> memref<1024xf32, #tpu.memory_space<vmem>>
            %dma_start3A_81 = arith.constant 0 : i32
            %dma_start3A_82 = tpu.memref_slice %arg6[%add3A_42, %dma_start3A_81] : memref<4096x1024xf32, #tpu.memory_space<hbm>> -> memref<1x1024xf32, #tpu.memory_space<hbm>>
            %dma_start3A_83 = tpu.memref_squeeze %dma_start3A_82 : memref<1x1024xf32, #tpu.memory_space<hbm>> -> memref<1024xf32, #tpu.memory_space<hbm>>
            %dma_start3A_84 = arith.constant 0 : i32
            %dma_start3A_85 = tpu.memref_slice %arg16[%scan3A_28, %dma_start3A_84] : memref<16x1024xf32, #tpu.memory_space<vmem>> -> memref<1x1024xf32, #tpu.memory_space<vmem>>
            %dma_start3A_86 = tpu.memref_squeeze %dma_start3A_85 : memref<1x1024xf32, #tpu.memory_space<vmem>> -> memref<1024xf32, #tpu.memory_space<vmem>>
            %dma_start3A_87 = arith.constant 0 : i32
            %dma_start3A_88 = tpu.memref_slice %arg6[%add3A_42, %dma_start3A_87] : memref<4096x1024xf32, #tpu.memory_space<hbm>> -> memref<1x1024xf32, #tpu.memory_space<hbm>>
            %dma_start3A_89 = tpu.memref_squeeze %dma_start3A_88 : memref<1x1024xf32, #tpu.memory_space<hbm>> -> memref<1024xf32, #tpu.memory_space<hbm>>
            tpu.enqueue_dma source(%dma_start3A_89 : memref<1024xf32, #tpu.memory_space<hbm>>) target(%dma_start3A_86 : memref<1024xf32, #tpu.memory_space<vmem>>) target_semaphore(%arg22 : memref<!tpu.dma_semaphore, #tpu.memory_space<semaphore_mem>>)
          } else {
          }
          %ge3A_74 = arith.constant 5.000000e+00 : f32
          %ge3A_75 = arith.cmpf oge, %squeeze3A, %ge3A_74 : f32
          %convert_element_type3A_76 = arith.extui %ge3A_75 : i1 to i32
          %cond3A_77 = arith.constant 0 : i32
          %cond3A_78 = arith.cmpi ne, %convert_element_type3A_76, %cond3A_77 : i32
          scf.if %cond3A_78 {
            %dma_start3A = arith.constant 0 : i32
            %dma_start3A_79 = tpu.memref_slice %arg16[%scan3A_28, %dma_start3A] : memref<16x1024xf32, #tpu.memory_space<vmem>> -> memref<1x1024xf32, #tpu.memory_space<vmem>>
            %dma_start3A_80 = tpu.memref_squeeze %dma_start3A_79 : memref<1x1024xf32, #tpu.memory_space<vmem>> -> memref<1024xf32, #tpu.memory_space<vmem>>
            %dma_start3A_81 = arith.constant 0 : i32
            %dma_start3A_82 = tpu.memref_slice %arg7[%add3A_42, %dma_start3A_81] : memref<4096x1024xf32, #tpu.memory_space<hbm>> -> memref<1x1024xf32, #tpu.memory_space<hbm>>
            %dma_start3A_83 = tpu.memref_squeeze %dma_start3A_82 : memref<1x1024xf32, #tpu.memory_space<hbm>> -> memref<1024xf32, #tpu.memory_space<hbm>>
            %dma_start3A_84 = arith.constant 0 : i32
            %dma_start3A_85 = tpu.memref_slice %arg16[%scan3A_28, %dma_start3A_84] : memref<16x1024xf32, #tpu.memory_space<vmem>> -> memref<1x1024xf32, #tpu.memory_space<vmem>>
            %dma_start3A_86 = tpu.memref_squeeze %dma_start3A_85 : memref<1x1024xf32, #tpu.memory_space<vmem>> -> memref<1024xf32, #tpu.memory_space<vmem>>
            %dma_start3A_87 = arith.constant 0 : i32
            %dma_start3A_88 = tpu.memref_slice %arg7[%add3A_42, %dma_start3A_87] : memref<4096x1024xf32, #tpu.memory_space<hbm>> -> memref<1x1024xf32, #tpu.memory_space<hbm>>
            %dma_start3A_89 = tpu.memref_squeeze %dma_start3A_88 : memref<1x1024xf32, #tpu.memory_space<hbm>> -> memref<1024xf32, #tpu.memory_space<hbm>>
            tpu.enqueue_dma source(%dma_start3A_89 : memref<1024xf32, #tpu.memory_space<hbm>>) target(%dma_start3A_86 : memref<1024xf32, #tpu.memory_space<vmem>>) target_semaphore(%arg22 : memref<!tpu.dma_semaphore, #tpu.memory_space<semaphore_mem>>)
          } else {
          }
        } else {
        }
        %ge3A_64 = arith.constant 6.000000e+00 : f32
        %ge3A_65 = arith.cmpf oge, %squeeze3A, %ge3A_64 : f32
        %convert_element_type3A_66 = arith.extui %ge3A_65 : i1 to i32
        %cond3A_67 = arith.constant 0 : i32
        %cond3A_68 = arith.cmpi ne, %convert_element_type3A_66, %cond3A_67 : i32
        scf.if %cond3A_68 {
          %lt3A_69 = arith.constant 7.000000e+00 : f32
          %lt3A_70 = arith.cmpf olt, %squeeze3A, %lt3A_69 : f32
          %convert_element_type3A_71 = arith.extui %lt3A_70 : i1 to i32
          %cond3A_72 = arith.constant 0 : i32
          %cond3A_73 = arith.cmpi ne, %convert_element_type3A_71, %cond3A_72 : i32
          scf.if %cond3A_73 {
            %dma_start3A = arith.constant 0 : i32
            %dma_start3A_79 = tpu.memref_slice %arg16[%scan3A_28, %dma_start3A] : memref<16x1024xf32, #tpu.memory_space<vmem>> -> memref<1x1024xf32, #tpu.memory_space<vmem>>
            %dma_start3A_80 = tpu.memref_squeeze %dma_start3A_79 : memref<1x1024xf32, #tpu.memory_space<vmem>> -> memref<1024xf32, #tpu.memory_space<vmem>>
            %dma_start3A_81 = arith.constant 0 : i32
            %dma_start3A_82 = tpu.memref_slice %arg8[%add3A_42, %dma_start3A_81] : memref<4096x1024xf32, #tpu.memory_space<hbm>> -> memref<1x1024xf32, #tpu.memory_space<hbm>>
            %dma_start3A_83 = tpu.memref_squeeze %dma_start3A_82 : memref<1x1024xf32, #tpu.memory_space<hbm>> -> memref<1024xf32, #tpu.memory_space<hbm>>
            %dma_start3A_84 = arith.constant 0 : i32
            %dma_start3A_85 = tpu.memref_slice %arg16[%scan3A_28, %dma_start3A_84] : memref<16x1024xf32, #tpu.memory_space<vmem>> -> memref<1x1024xf32, #tpu.memory_space<vmem>>
            %dma_start3A_86 = tpu.memref_squeeze %dma_start3A_85 : memref<1x1024xf32, #tpu.memory_space<vmem>> -> memref<1024xf32, #tpu.memory_space<vmem>>
            %dma_start3A_87 = arith.constant 0 : i32
            %dma_start3A_88 = tpu.memref_slice %arg8[%add3A_42, %dma_start3A_87] : memref<4096x1024xf32, #tpu.memory_space<hbm>> -> memref<1x1024xf32, #tpu.memory_space<hbm>>
            %dma_start3A_89 = tpu.memref_squeeze %dma_start3A_88 : memref<1x1024xf32, #tpu.memory_space<hbm>> -> memref<1024xf32, #tpu.memory_space<hbm>>
            tpu.enqueue_dma source(%dma_start3A_89 : memref<1024xf32, #tpu.memory_space<hbm>>) target(%dma_start3A_86 : memref<1024xf32, #tpu.memory_space<vmem>>) target_semaphore(%arg22 : memref<!tpu.dma_semaphore, #tpu.memory_space<semaphore_mem>>)
          } else {
          }
          %ge3A_74 = arith.constant 7.000000e+00 : f32
          %ge3A_75 = arith.cmpf oge, %squeeze3A, %ge3A_74 : f32
          %convert_element_type3A_76 = arith.extui %ge3A_75 : i1 to i32
          %cond3A_77 = arith.constant 0 : i32
          %cond3A_78 = arith.cmpi ne, %convert_element_type3A_76, %cond3A_77 : i32
          scf.if %cond3A_78 {
            %dma_start3A = arith.constant 0 : i32
            %dma_start3A_79 = tpu.memref_slice %arg16[%scan3A_28, %dma_start3A] : memref<16x1024xf32, #tpu.memory_space<vmem>> -> memref<1x1024xf32, #tpu.memory_space<vmem>>
            %dma_start3A_80 = tpu.memref_squeeze %dma_start3A_79 : memref<1x1024xf32, #tpu.memory_space<vmem>> -> memref<1024xf32, #tpu.memory_space<vmem>>
            %dma_start3A_81 = arith.constant 0 : i32
            %dma_start3A_82 = tpu.memref_slice %arg9[%add3A_42, %dma_start3A_81] : memref<4096x1024xf32, #tpu.memory_space<hbm>> -> memref<1x1024xf32, #tpu.memory_space<hbm>>
            %dma_start3A_83 = tpu.memref_squeeze %dma_start3A_82 : memref<1x1024xf32, #tpu.memory_space<hbm>> -> memref<1024xf32, #tpu.memory_space<hbm>>
            %dma_start3A_84 = arith.constant 0 : i32
            %dma_start3A_85 = tpu.memref_slice %arg16[%scan3A_28, %dma_start3A_84] : memref<16x1024xf32, #tpu.memory_space<vmem>> -> memref<1x1024xf32, #tpu.memory_space<vmem>>
            %dma_start3A_86 = tpu.memref_squeeze %dma_start3A_85 : memref<1x1024xf32, #tpu.memory_space<vmem>> -> memref<1024xf32, #tpu.memory_space<vmem>>
            %dma_start3A_87 = arith.constant 0 : i32
            %dma_start3A_88 = tpu.memref_slice %arg9[%add3A_42, %dma_start3A_87] : memref<4096x1024xf32, #tpu.memory_space<hbm>> -> memref<1x1024xf32, #tpu.memory_space<hbm>>
            %dma_start3A_89 = tpu.memref_squeeze %dma_start3A_88 : memref<1x1024xf32, #tpu.memory_space<hbm>> -> memref<1024xf32, #tpu.memory_space<hbm>>
            tpu.enqueue_dma source(%dma_start3A_89 : memref<1024xf32, #tpu.memory_space<hbm>>) target(%dma_start3A_86 : memref<1024xf32, #tpu.memory_space<vmem>>) target_semaphore(%arg22 : memref<!tpu.dma_semaphore, #tpu.memory_space<semaphore_mem>>)
          } else {
          }
        } else {
        }
      } else {
      }
      %lt3A_49 = arith.constant 4.000000e+00 : f32
      %lt3A_50 = arith.cmpf olt, %squeeze3A_39, %lt3A_49 : f32
      %convert_element_type3A_51 = arith.extui %lt3A_50 : i1 to i32
      %cond3A_52 = arith.constant 0 : i32
      %cond3A_53 = arith.cmpi ne, %convert_element_type3A_51, %cond3A_52 : i32
      scf.if %cond3A_53 {
        %lt3A_59 = arith.constant 2.000000e+00 : f32
        %lt3A_60 = arith.cmpf olt, %squeeze3A_39, %lt3A_59 : f32
        %convert_element_type3A_61 = arith.extui %lt3A_60 : i1 to i32
        %cond3A_62 = arith.constant 0 : i32
        %cond3A_63 = arith.cmpi ne, %convert_element_type3A_61, %cond3A_62 : i32
        scf.if %cond3A_63 {
          %lt3A_69 = arith.constant 1.000000e+00 : f32
          %lt3A_70 = arith.cmpf olt, %squeeze3A_39, %lt3A_69 : f32
          %convert_element_type3A_71 = arith.extui %lt3A_70 : i1 to i32
          %cond3A_72 = arith.constant 0 : i32
          %cond3A_73 = arith.cmpi ne, %convert_element_type3A_71, %cond3A_72 : i32
          scf.if %cond3A_73 {
            %dma_start3A = arith.constant 0 : i32
            %dma_start3A_79 = tpu.memref_slice %arg17[%scan3A_28, %dma_start3A] : memref<16x1024xf32, #tpu.memory_space<vmem>> -> memref<1x1024xf32, #tpu.memory_space<vmem>>
            %dma_start3A_80 = tpu.memref_squeeze %dma_start3A_79 : memref<1x1024xf32, #tpu.memory_space<vmem>> -> memref<1024xf32, #tpu.memory_space<vmem>>
            %dma_start3A_81 = arith.constant 0 : i32
            %dma_start3A_82 = tpu.memref_slice %arg2[%add3A_42, %dma_start3A_81] : memref<4096x1024xf32, #tpu.memory_space<hbm>> -> memref<1x1024xf32, #tpu.memory_space<hbm>>
            %dma_start3A_83 = tpu.memref_squeeze %dma_start3A_82 : memref<1x1024xf32, #tpu.memory_space<hbm>> -> memref<1024xf32, #tpu.memory_space<hbm>>
            %dma_start3A_84 = arith.constant 0 : i32
            %dma_start3A_85 = tpu.memref_slice %arg17[%scan3A_28, %dma_start3A_84] : memref<16x1024xf32, #tpu.memory_space<vmem>> -> memref<1x1024xf32, #tpu.memory_space<vmem>>
            %dma_start3A_86 = tpu.memref_squeeze %dma_start3A_85 : memref<1x1024xf32, #tpu.memory_space<vmem>> -> memref<1024xf32, #tpu.memory_space<vmem>>
            %dma_start3A_87 = arith.constant 0 : i32
            %dma_start3A_88 = tpu.memref_slice %arg2[%add3A_42, %dma_start3A_87] : memref<4096x1024xf32, #tpu.memory_space<hbm>> -> memref<1x1024xf32, #tpu.memory_space<hbm>>
            %dma_start3A_89 = tpu.memref_squeeze %dma_start3A_88 : memref<1x1024xf32, #tpu.memory_space<hbm>> -> memref<1024xf32, #tpu.memory_space<hbm>>
            tpu.enqueue_dma source(%dma_start3A_89 : memref<1024xf32, #tpu.memory_space<hbm>>) target(%dma_start3A_86 : memref<1024xf32, #tpu.memory_space<vmem>>) target_semaphore(%arg22 : memref<!tpu.dma_semaphore, #tpu.memory_space<semaphore_mem>>)
          } else {
          }
          %ge3A_74 = arith.constant 1.000000e+00 : f32
          %ge3A_75 = arith.cmpf oge, %squeeze3A_39, %ge3A_74 : f32
          %convert_element_type3A_76 = arith.extui %ge3A_75 : i1 to i32
          %cond3A_77 = arith.constant 0 : i32
          %cond3A_78 = arith.cmpi ne, %convert_element_type3A_76, %cond3A_77 : i32
          scf.if %cond3A_78 {
            %dma_start3A = arith.constant 0 : i32
            %dma_start3A_79 = tpu.memref_slice %arg17[%scan3A_28, %dma_start3A] : memref<16x1024xf32, #tpu.memory_space<vmem>> -> memref<1x1024xf32, #tpu.memory_space<vmem>>
            %dma_start3A_80 = tpu.memref_squeeze %dma_start3A_79 : memref<1x1024xf32, #tpu.memory_space<vmem>> -> memref<1024xf32, #tpu.memory_space<vmem>>
            %dma_start3A_81 = arith.constant 0 : i32
            %dma_start3A_82 = tpu.memref_slice %arg3[%add3A_42, %dma_start3A_81] : memref<4096x1024xf32, #tpu.memory_space<hbm>> -> memref<1x1024xf32, #tpu.memory_space<hbm>>
            %dma_start3A_83 = tpu.memref_squeeze %dma_start3A_82 : memref<1x1024xf32, #tpu.memory_space<hbm>> -> memref<1024xf32, #tpu.memory_space<hbm>>
            %dma_start3A_84 = arith.constant 0 : i32
            %dma_start3A_85 = tpu.memref_slice %arg17[%scan3A_28, %dma_start3A_84] : memref<16x1024xf32, #tpu.memory_space<vmem>> -> memref<1x1024xf32, #tpu.memory_space<vmem>>
            %dma_start3A_86 = tpu.memref_squeeze %dma_start3A_85 : memref<1x1024xf32, #tpu.memory_space<vmem>> -> memref<1024xf32, #tpu.memory_space<vmem>>
            %dma_start3A_87 = arith.constant 0 : i32
            %dma_start3A_88 = tpu.memref_slice %arg3[%add3A_42, %dma_start3A_87] : memref<4096x1024xf32, #tpu.memory_space<hbm>> -> memref<1x1024xf32, #tpu.memory_space<hbm>>
            %dma_start3A_89 = tpu.memref_squeeze %dma_start3A_88 : memref<1x1024xf32, #tpu.memory_space<hbm>> -> memref<1024xf32, #tpu.memory_space<hbm>>
            tpu.enqueue_dma source(%dma_start3A_89 : memref<1024xf32, #tpu.memory_space<hbm>>) target(%dma_start3A_86 : memref<1024xf32, #tpu.memory_space<vmem>>) target_semaphore(%arg22 : memref<!tpu.dma_semaphore, #tpu.memory_space<semaphore_mem>>)
          } else {
          }
        } else {
        }
        %ge3A_64 = arith.constant 2.000000e+00 : f32
        %ge3A_65 = arith.cmpf oge, %squeeze3A_39, %ge3A_64 : f32
        %convert_element_type3A_66 = arith.extui %ge3A_65 : i1 to i32
        %cond3A_67 = arith.constant 0 : i32
        %cond3A_68 = arith.cmpi ne, %convert_element_type3A_66, %cond3A_67 : i32
        scf.if %cond3A_68 {
          %lt3A_69 = arith.constant 3.000000e+00 : f32
          %lt3A_70 = arith.cmpf olt, %squeeze3A_39, %lt3A_69 : f32
          %convert_element_type3A_71 = arith.extui %lt3A_70 : i1 to i32
          %cond3A_72 = arith.constant 0 : i32
          %cond3A_73 = arith.cmpi ne, %convert_element_type3A_71, %cond3A_72 : i32
          scf.if %cond3A_73 {
            %dma_start3A = arith.constant 0 : i32
            %dma_start3A_79 = tpu.memref_slice %arg17[%scan3A_28, %dma_start3A] : memref<16x1024xf32, #tpu.memory_space<vmem>> -> memref<1x1024xf32, #tpu.memory_space<vmem>>
            %dma_start3A_80 = tpu.memref_squeeze %dma_start3A_79 : memref<1x1024xf32, #tpu.memory_space<vmem>> -> memref<1024xf32, #tpu.memory_space<vmem>>
            %dma_start3A_81 = arith.constant 0 : i32
            %dma_start3A_82 = tpu.memref_slice %arg4[%add3A_42, %dma_start3A_81] : memref<4096x1024xf32, #tpu.memory_space<hbm>> -> memref<1x1024xf32, #tpu.memory_space<hbm>>
            %dma_start3A_83 = tpu.memref_squeeze %dma_start3A_82 : memref<1x1024xf32, #tpu.memory_space<hbm>> -> memref<1024xf32, #tpu.memory_space<hbm>>
            %dma_start3A_84 = arith.constant 0 : i32
            %dma_start3A_85 = tpu.memref_slice %arg17[%scan3A_28, %dma_start3A_84] : memref<16x1024xf32, #tpu.memory_space<vmem>> -> memref<1x1024xf32, #tpu.memory_space<vmem>>
            %dma_start3A_86 = tpu.memref_squeeze %dma_start3A_85 : memref<1x1024xf32, #tpu.memory_space<vmem>> -> memref<1024xf32, #tpu.memory_space<vmem>>
            %dma_start3A_87 = arith.constant 0 : i32
            %dma_start3A_88 = tpu.memref_slice %arg4[%add3A_42, %dma_start3A_87] : memref<4096x1024xf32, #tpu.memory_space<hbm>> -> memref<1x1024xf32, #tpu.memory_space<hbm>>
            %dma_start3A_89 = tpu.memref_squeeze %dma_start3A_88 : memref<1x1024xf32, #tpu.memory_space<hbm>> -> memref<1024xf32, #tpu.memory_space<hbm>>
            tpu.enqueue_dma source(%dma_start3A_89 : memref<1024xf32, #tpu.memory_space<hbm>>) target(%dma_start3A_86 : memref<1024xf32, #tpu.memory_space<vmem>>) target_semaphore(%arg22 : memref<!tpu.dma_semaphore, #tpu.memory_space<semaphore_mem>>)
          } else {
          }
          %ge3A_74 = arith.constant 3.000000e+00 : f32
          %ge3A_75 = arith.cmpf oge, %squeeze3A_39, %ge3A_74 : f32
          %convert_element_type3A_76 = arith.extui %ge3A_75 : i1 to i32
          %cond3A_77 = arith.constant 0 : i32
          %cond3A_78 = arith.cmpi ne, %convert_element_type3A_76, %cond3A_77 : i32
          scf.if %cond3A_78 {
            %dma_start3A = arith.constant 0 : i32
            %dma_start3A_79 = tpu.memref_slice %arg17[%scan3A_28, %dma_start3A] : memref<16x1024xf32, #tpu.memory_space<vmem>> -> memref<1x1024xf32, #tpu.memory_space<vmem>>
            %dma_start3A_80 = tpu.memref_squeeze %dma_start3A_79 : memref<1x1024xf32, #tpu.memory_space<vmem>> -> memref<1024xf32, #tpu.memory_space<vmem>>
            %dma_start3A_81 = arith.constant 0 : i32
            %dma_start3A_82 = tpu.memref_slice %arg5[%add3A_42, %dma_start3A_81] : memref<4096x1024xf32, #tpu.memory_space<hbm>> -> memref<1x1024xf32, #tpu.memory_space<hbm>>
            %dma_start3A_83 = tpu.memref_squeeze %dma_start3A_82 : memref<1x1024xf32, #tpu.memory_space<hbm>> -> memref<1024xf32, #tpu.memory_space<hbm>>
            %dma_start3A_84 = arith.constant 0 : i32
            %dma_start3A_85 = tpu.memref_slice %arg17[%scan3A_28, %dma_start3A_84] : memref<16x1024xf32, #tpu.memory_space<vmem>> -> memref<1x1024xf32, #tpu.memory_space<vmem>>
            %dma_start3A_86 = tpu.memref_squeeze %dma_start3A_85 : memref<1x1024xf32, #tpu.memory_space<vmem>> -> memref<1024xf32, #tpu.memory_space<vmem>>
            %dma_start3A_87 = arith.constant 0 : i32
            %dma_start3A_88 = tpu.memref_slice %arg5[%add3A_42, %dma_start3A_87] : memref<4096x1024xf32, #tpu.memory_space<hbm>> -> memref<1x1024xf32, #tpu.memory_space<hbm>>
            %dma_start3A_89 = tpu.memref_squeeze %dma_start3A_88 : memref<1x1024xf32, #tpu.memory_space<hbm>> -> memref<1024xf32, #tpu.memory_space<hbm>>
            tpu.enqueue_dma source(%dma_start3A_89 : memref<1024xf32, #tpu.memory_space<hbm>>) target(%dma_start3A_86 : memref<1024xf32, #tpu.memory_space<vmem>>) target_semaphore(%arg22 : memref<!tpu.dma_semaphore, #tpu.memory_space<semaphore_mem>>)
          } else {
          }
        } else {
        }
      } else {
      }
      %ge3A_54 = arith.constant 4.000000e+00 : f32
      %ge3A_55 = arith.cmpf oge, %squeeze3A_39, %ge3A_54 : f32
      %convert_element_type3A_56 = arith.extui %ge3A_55 : i1 to i32
      %cond3A_57 = arith.constant 0 : i32
      %cond3A_58 = arith.cmpi ne, %convert_element_type3A_56, %cond3A_57 : i32
      scf.if %cond3A_58 {
        %lt3A_59 = arith.constant 6.000000e+00 : f32
        %lt3A_60 = arith.cmpf olt, %squeeze3A_39, %lt3A_59 : f32
        %convert_element_type3A_61 = arith.extui %lt3A_60 : i1 to i32
        %cond3A_62 = arith.constant 0 : i32
        %cond3A_63 = arith.cmpi ne, %convert_element_type3A_61, %cond3A_62 : i32
        scf.if %cond3A_63 {
          %lt3A_69 = arith.constant 5.000000e+00 : f32
          %lt3A_70 = arith.cmpf olt, %squeeze3A_39, %lt3A_69 : f32
          %convert_element_type3A_71 = arith.extui %lt3A_70 : i1 to i32
          %cond3A_72 = arith.constant 0 : i32
          %cond3A_73 = arith.cmpi ne, %convert_element_type3A_71, %cond3A_72 : i32
          scf.if %cond3A_73 {
            %dma_start3A = arith.constant 0 : i32
            %dma_start3A_79 = tpu.memref_slice %arg17[%scan3A_28, %dma_start3A] : memref<16x1024xf32, #tpu.memory_space<vmem>> -> memref<1x1024xf32, #tpu.memory_space<vmem>>
            %dma_start3A_80 = tpu.memref_squeeze %dma_start3A_79 : memref<1x1024xf32, #tpu.memory_space<vmem>> -> memref<1024xf32, #tpu.memory_space<vmem>>
            %dma_start3A_81 = arith.constant 0 : i32
            %dma_start3A_82 = tpu.memref_slice %arg6[%add3A_42, %dma_start3A_81] : memref<4096x1024xf32, #tpu.memory_space<hbm>> -> memref<1x1024xf32, #tpu.memory_space<hbm>>
            %dma_start3A_83 = tpu.memref_squeeze %dma_start3A_82 : memref<1x1024xf32, #tpu.memory_space<hbm>> -> memref<1024xf32, #tpu.memory_space<hbm>>
            %dma_start3A_84 = arith.constant 0 : i32
            %dma_start3A_85 = tpu.memref_slice %arg17[%scan3A_28, %dma_start3A_84] : memref<16x1024xf32, #tpu.memory_space<vmem>> -> memref<1x1024xf32, #tpu.memory_space<vmem>>
            %dma_start3A_86 = tpu.memref_squeeze %dma_start3A_85 : memref<1x1024xf32, #tpu.memory_space<vmem>> -> memref<1024xf32, #tpu.memory_space<vmem>>
            %dma_start3A_87 = arith.constant 0 : i32
            %dma_start3A_88 = tpu.memref_slice %arg6[%add3A_42, %dma_start3A_87] : memref<4096x1024xf32, #tpu.memory_space<hbm>> -> memref<1x1024xf32, #tpu.memory_space<hbm>>
            %dma_start3A_89 = tpu.memref_squeeze %dma_start3A_88 : memref<1x1024xf32, #tpu.memory_space<hbm>> -> memref<1024xf32, #tpu.memory_space<hbm>>
            tpu.enqueue_dma source(%dma_start3A_89 : memref<1024xf32, #tpu.memory_space<hbm>>) target(%dma_start3A_86 : memref<1024xf32, #tpu.memory_space<vmem>>) target_semaphore(%arg22 : memref<!tpu.dma_semaphore, #tpu.memory_space<semaphore_mem>>)
          } else {
          }
          %ge3A_74 = arith.constant 5.000000e+00 : f32
          %ge3A_75 = arith.cmpf oge, %squeeze3A_39, %ge3A_74 : f32
          %convert_element_type3A_76 = arith.extui %ge3A_75 : i1 to i32
          %cond3A_77 = arith.constant 0 : i32
          %cond3A_78 = arith.cmpi ne, %convert_element_type3A_76, %cond3A_77 : i32
          scf.if %cond3A_78 {
            %dma_start3A = arith.constant 0 : i32
            %dma_start3A_79 = tpu.memref_slice %arg17[%scan3A_28, %dma_start3A] : memref<16x1024xf32, #tpu.memory_space<vmem>> -> memref<1x1024xf32, #tpu.memory_space<vmem>>
            %dma_start3A_80 = tpu.memref_squeeze %dma_start3A_79 : memref<1x1024xf32, #tpu.memory_space<vmem>> -> memref<1024xf32, #tpu.memory_space<vmem>>
            %dma_start3A_81 = arith.constant 0 : i32
            %dma_start3A_82 = tpu.memref_slice %arg7[%add3A_42, %dma_start3A_81] : memref<4096x1024xf32, #tpu.memory_space<hbm>> -> memref<1x1024xf32, #tpu.memory_space<hbm>>
            %dma_start3A_83 = tpu.memref_squeeze %dma_start3A_82 : memref<1x1024xf32, #tpu.memory_space<hbm>> -> memref<1024xf32, #tpu.memory_space<hbm>>
            %dma_start3A_84 = arith.constant 0 : i32
            %dma_start3A_85 = tpu.memref_slice %arg17[%scan3A_28, %dma_start3A_84] : memref<16x1024xf32, #tpu.memory_space<vmem>> -> memref<1x1024xf32, #tpu.memory_space<vmem>>
            %dma_start3A_86 = tpu.memref_squeeze %dma_start3A_85 : memref<1x1024xf32, #tpu.memory_space<vmem>> -> memref<1024xf32, #tpu.memory_space<vmem>>
            %dma_start3A_87 = arith.constant 0 : i32
            %dma_start3A_88 = tpu.memref_slice %arg7[%add3A_42, %dma_start3A_87] : memref<4096x1024xf32, #tpu.memory_space<hbm>> -> memref<1x1024xf32, #tpu.memory_space<hbm>>
            %dma_start3A_89 = tpu.memref_squeeze %dma_start3A_88 : memref<1x1024xf32, #tpu.memory_space<hbm>> -> memref<1024xf32, #tpu.memory_space<hbm>>
            tpu.enqueue_dma source(%dma_start3A_89 : memref<1024xf32, #tpu.memory_space<hbm>>) target(%dma_start3A_86 : memref<1024xf32, #tpu.memory_space<vmem>>) target_semaphore(%arg22 : memref<!tpu.dma_semaphore, #tpu.memory_space<semaphore_mem>>)
          } else {
          }
        } else {
        }
        %ge3A_64 = arith.constant 6.000000e+00 : f32
        %ge3A_65 = arith.cmpf oge, %squeeze3A_39, %ge3A_64 : f32
        %convert_element_type3A_66 = arith.extui %ge3A_65 : i1 to i32
        %cond3A_67 = arith.constant 0 : i32
        %cond3A_68 = arith.cmpi ne, %convert_element_type3A_66, %cond3A_67 : i32
        scf.if %cond3A_68 {
          %lt3A_69 = arith.constant 7.000000e+00 : f32
          %lt3A_70 = arith.cmpf olt, %squeeze3A_39, %lt3A_69 : f32
          %convert_element_type3A_71 = arith.extui %lt3A_70 : i1 to i32
          %cond3A_72 = arith.constant 0 : i32
          %cond3A_73 = arith.cmpi ne, %convert_element_type3A_71, %cond3A_72 : i32
          scf.if %cond3A_73 {
            %dma_start3A = arith.constant 0 : i32
            %dma_start3A_79 = tpu.memref_slice %arg17[%scan3A_28, %dma_start3A] : memref<16x1024xf32, #tpu.memory_space<vmem>> -> memref<1x1024xf32, #tpu.memory_space<vmem>>
            %dma_start3A_80 = tpu.memref_squeeze %dma_start3A_79 : memref<1x1024xf32, #tpu.memory_space<vmem>> -> memref<1024xf32, #tpu.memory_space<vmem>>
            %dma_start3A_81 = arith.constant 0 : i32
            %dma_start3A_82 = tpu.memref_slice %arg8[%add3A_42, %dma_start3A_81] : memref<4096x1024xf32, #tpu.memory_space<hbm>> -> memref<1x1024xf32, #tpu.memory_space<hbm>>
            %dma_start3A_83 = tpu.memref_squeeze %dma_start3A_82 : memref<1x1024xf32, #tpu.memory_space<hbm>> -> memref<1024xf32, #tpu.memory_space<hbm>>
            %dma_start3A_84 = arith.constant 0 : i32
            %dma_start3A_85 = tpu.memref_slice %arg17[%scan3A_28, %dma_start3A_84] : memref<16x1024xf32, #tpu.memory_space<vmem>> -> memref<1x1024xf32, #tpu.memory_space<vmem>>
            %dma_start3A_86 = tpu.memref_squeeze %dma_start3A_85 : memref<1x1024xf32, #tpu.memory_space<vmem>> -> memref<1024xf32, #tpu.memory_space<vmem>>
            %dma_start3A_87 = arith.constant 0 : i32
            %dma_start3A_88 = tpu.memref_slice %arg8[%add3A_42, %dma_start3A_87] : memref<4096x1024xf32, #tpu.memory_space<hbm>> -> memref<1x1024xf32, #tpu.memory_space<hbm>>
            %dma_start3A_89 = tpu.memref_squeeze %dma_start3A_88 : memref<1x1024xf32, #tpu.memory_space<hbm>> -> memref<1024xf32, #tpu.memory_space<hbm>>
            tpu.enqueue_dma source(%dma_start3A_89 : memref<1024xf32, #tpu.memory_space<hbm>>) target(%dma_start3A_86 : memref<1024xf32, #tpu.memory_space<vmem>>) target_semaphore(%arg22 : memref<!tpu.dma_semaphore, #tpu.memory_space<semaphore_mem>>)
          } else {
          }
          %ge3A_74 = arith.constant 7.000000e+00 : f32
          %ge3A_75 = arith.cmpf oge, %squeeze3A_39, %ge3A_74 : f32
          %convert_element_type3A_76 = arith.extui %ge3A_75 : i1 to i32
          %cond3A_77 = arith.constant 0 : i32
          %cond3A_78 = arith.cmpi ne, %convert_element_type3A_76, %cond3A_77 : i32
          scf.if %cond3A_78 {
            %dma_start3A = arith.constant 0 : i32
            %dma_start3A_79 = tpu.memref_slice %arg17[%scan3A_28, %dma_start3A] : memref<16x1024xf32, #tpu.memory_space<vmem>> -> memref<1x1024xf32, #tpu.memory_space<vmem>>
            %dma_start3A_80 = tpu.memref_squeeze %dma_start3A_79 : memref<1x1024xf32, #tpu.memory_space<vmem>> -> memref<1024xf32, #tpu.memory_space<vmem>>
            %dma_start3A_81 = arith.constant 0 : i32
            %dma_start3A_82 = tpu.memref_slice %arg9[%add3A_42, %dma_start3A_81] : memref<4096x1024xf32, #tpu.memory_space<hbm>> -> memref<1x1024xf32, #tpu.memory_space<hbm>>
            %dma_start3A_83 = tpu.memref_squeeze %dma_start3A_82 : memref<1x1024xf32, #tpu.memory_space<hbm>> -> memref<1024xf32, #tpu.memory_space<hbm>>
            %dma_start3A_84 = arith.constant 0 : i32
            %dma_start3A_85 = tpu.memref_slice %arg17[%scan3A_28, %dma_start3A_84] : memref<16x1024xf32, #tpu.memory_space<vmem>> -> memref<1x1024xf32, #tpu.memory_space<vmem>>
            %dma_start3A_86 = tpu.memref_squeeze %dma_start3A_85 : memref<1x1024xf32, #tpu.memory_space<vmem>> -> memref<1024xf32, #tpu.memory_space<vmem>>
            %dma_start3A_87 = arith.constant 0 : i32
            %dma_start3A_88 = tpu.memref_slice %arg9[%add3A_42, %dma_start3A_87] : memref<4096x1024xf32, #tpu.memory_space<hbm>> -> memref<1x1024xf32, #tpu.memory_space<hbm>>
            %dma_start3A_89 = tpu.memref_squeeze %dma_start3A_88 : memref<1x1024xf32, #tpu.memory_space<hbm>> -> memref<1024xf32, #tpu.memory_space<hbm>>
            tpu.enqueue_dma source(%dma_start3A_89 : memref<1024xf32, #tpu.memory_space<hbm>>) target(%dma_start3A_86 : memref<1024xf32, #tpu.memory_space<vmem>>) target_semaphore(%arg22 : memref<!tpu.dma_semaphore, #tpu.memory_space<semaphore_mem>>)
          } else {
          }
        } else {
        }
      } else {
      }
    }
    %scan3A_10 = arith.constant 16 : i32
    %scan3A_11 = arith.constant 0 : i32
    %scan3A_12 = arith.constant 0 : i32
    %scan3A_13 = arith.constant 4 : i32
    %scan3A_14 = arith.addi %scan3A_12, %scan3A_13 : i32
    %scan3A_15 = arith.constant 1 : i32
    scf.for %scan3A_28 = %scan3A_12 to %scan3A_14 step %scan3A_15  : i32 {
      %mul3A_29 = arith.constant 2 : i32
      %mul3A_30 = arith.muli %mul3A_29, %scan3A_28 : i32
      %add3A_31 = arith.constant 1 : i32
      %add3A_32 = arith.addi %mul3A_30, %add3A_31 : i32
      %scan3A_33 = arith.constant 0 : i32
      %scan3A_34 = arith.constant 0 : i32
      %scan3A_35 = arith.constant 16 : i32
      %scan3A_36 = arith.addi %scan3A_34, %scan3A_35 : i32
      %scan3A_37 = arith.constant 1 : i32
      scf.for %scan3A_256 = %scan3A_34 to %scan3A_36 step %scan3A_37  : i32 {
        %mul3A_257 = arith.constant 16 : i32
        %mul3A_258 = arith.muli %add3A_32, %mul3A_257 : i32
        %add3A_259 = arith.addi %mul3A_258, %scan3A_256 : i32
        %get3A_260 = arith.index_cast %add3A_259 : i32 to index
        %get3A_261 = tpu.vector_load %arg12[%get3A_260] {strides = array<i32>} : memref<144xf32, #tpu.memory_space<vmem>>, vector<16xf32>,
        %get3A_262 = vector.shape_cast %get3A_261 : vector<16xf32> to vector<16xf32>
        %slice3A_263 = vector.extract_strided_slice %get3A_262 {offsets = [0], sizes = [1], strides = [1]} : vector<16xf32> to vector<1xf32>
        %squeeze3A_264 = vector.extract %slice3A_263[0] : f32 from vector<1xf32>
        %mul3A_265 = arith.constant 16 : i32
        %mul3A_266 = arith.muli %add3A_32, %mul3A_265 : i32
        %add3A_267 = arith.addi %mul3A_266, %scan3A_256 : i32
        %get3A_268 = arith.index_cast %add3A_267 : i32 to index
        %get3A_269 = tpu.vector_load %arg13[%get3A_268] {strides = array<i32>} : memref<144xf32, #tpu.memory_space<vmem>>, vector<16xf32>,
        %get3A_270 = vector.shape_cast %get3A_269 : vector<16xf32> to vector<16xf32>
        %slice3A_271 = vector.extract_strided_slice %get3A_270 {offsets = [0], sizes = [1], strides = [1]} : vector<16xf32> to vector<1xf32>
        %squeeze3A_272 = vector.extract %slice3A_271[0] : f32 from vector<1xf32>
        %mul3A_273 = arith.constant 16 : i32
        %mul3A_274 = arith.muli %add3A_32, %mul3A_273 : i32
        %add3A_275 = arith.addi %mul3A_2, %mul3A_274 : i32
        %add3A_276 = arith.addi %add3A_275, %scan3A_256 : i32
        %lt3A_277 = arith.constant 4.000000e+00 : f32
        %lt3A_278 = arith.cmpf olt, %squeeze3A_264, %lt3A_277 : f32
        %convert_element_type3A_279 = arith.extui %lt3A_278 : i1 to i32
        %cond3A_280 = arith.constant 0 : i32
        %cond3A_281 = arith.cmpi ne, %convert_element_type3A_279, %cond3A_280 : i32
        scf.if %cond3A_281 {
          %lt3A_296 = arith.constant 2.000000e+00 : f32
          %lt3A_297 = arith.cmpf olt, %squeeze3A_264, %lt3A_296 : f32
          %convert_element_type3A_298 = arith.extui %lt3A_297 : i1 to i32
          %cond3A_299 = arith.constant 0 : i32
          %cond3A_300 = arith.cmpi ne, %convert_element_type3A_298, %cond3A_299 : i32
          scf.if %cond3A_300 {
            %lt3A_306 = arith.constant 1.000000e+00 : f32
            %lt3A_307 = arith.cmpf olt, %squeeze3A_264, %lt3A_306 : f32
            %convert_element_type3A_308 = arith.extui %lt3A_307 : i1 to i32
            %cond3A_309 = arith.constant 0 : i32
            %cond3A_310 = arith.cmpi ne, %convert_element_type3A_308, %cond3A_309 : i32
            scf.if %cond3A_310 {
              %dma_start3A_316 = arith.constant 0 : i32
              %dma_start3A_317 = tpu.memref_slice %arg18[%scan3A_256, %dma_start3A_316] : memref<16x1024xf32, #tpu.memory_space<vmem>> -> memref<1x1024xf32, #tpu.memory_space<vmem>>
              %dma_start3A_318 = tpu.memref_squeeze %dma_start3A_317 : memref<1x1024xf32, #tpu.memory_space<vmem>> -> memref<1024xf32, #tpu.memory_space<vmem>>
              %dma_start3A_319 = arith.constant 0 : i32
              %dma_start3A_320 = tpu.memref_slice %arg2[%add3A_276, %dma_start3A_319] : memref<4096x1024xf32, #tpu.memory_space<hbm>> -> memref<1x1024xf32, #tpu.memory_space<hbm>>
              %dma_start3A_321 = tpu.memref_squeeze %dma_start3A_320 : memref<1x1024xf32, #tpu.memory_space<hbm>> -> memref<1024xf32, #tpu.memory_space<hbm>>
              %dma_start3A_322 = arith.constant 0 : i32
              %dma_start3A_323 = tpu.memref_slice %arg18[%scan3A_256, %dma_start3A_322] : memref<16x1024xf32, #tpu.memory_space<vmem>> -> memref<1x1024xf32, #tpu.memory_space<vmem>>
              %dma_start3A_324 = tpu.memref_squeeze %dma_start3A_323 : memref<1x1024xf32, #tpu.memory_space<vmem>> -> memref<1024xf32, #tpu.memory_space<vmem>>
              %dma_start3A_325 = arith.constant 0 : i32
              %dma_start3A_326 = tpu.memref_slice %arg2[%add3A_276, %dma_start3A_325] : memref<4096x1024xf32, #tpu.memory_space<hbm>> -> memref<1x1024xf32, #tpu.memory_space<hbm>>
              %dma_start3A_327 = tpu.memref_squeeze %dma_start3A_326 : memref<1x1024xf32, #tpu.memory_space<hbm>> -> memref<1024xf32, #tpu.memory_space<hbm>>
              tpu.enqueue_dma source(%dma_start3A_327 : memref<1024xf32, #tpu.memory_space<hbm>>) target(%dma_start3A_324 : memref<1024xf32, #tpu.memory_space<vmem>>) target_semaphore(%arg23 : memref<!tpu.dma_semaphore, #tpu.memory_space<semaphore_mem>>)
            } else {
            }
            %ge3A_311 = arith.constant 1.000000e+00 : f32
            %ge3A_312 = arith.cmpf oge, %squeeze3A_264, %ge3A_311 : f32
            %convert_element_type3A_313 = arith.extui %ge3A_312 : i1 to i32
            %cond3A_314 = arith.constant 0 : i32
            %cond3A_315 = arith.cmpi ne, %convert_element_type3A_313, %cond3A_314 : i32
            scf.if %cond3A_315 {
              %dma_start3A_316 = arith.constant 0 : i32
              %dma_start3A_317 = tpu.memref_slice %arg18[%scan3A_256, %dma_start3A_316] : memref<16x1024xf32, #tpu.memory_space<vmem>> -> memref<1x1024xf32, #tpu.memory_space<vmem>>
              %dma_start3A_318 = tpu.memref_squeeze %dma_start3A_317 : memref<1x1024xf32, #tpu.memory_space<vmem>> -> memref<1024xf32, #tpu.memory_space<vmem>>
              %dma_start3A_319 = arith.constant 0 : i32
              %dma_start3A_320 = tpu.memref_slice %arg3[%add3A_276, %dma_start3A_319] : memref<4096x1024xf32, #tpu.memory_space<hbm>> -> memref<1x1024xf32, #tpu.memory_space<hbm>>
              %dma_start3A_321 = tpu.memref_squeeze %dma_start3A_320 : memref<1x1024xf32, #tpu.memory_space<hbm>> -> memref<1024xf32, #tpu.memory_space<hbm>>
              %dma_start3A_322 = arith.constant 0 : i32
              %dma_start3A_323 = tpu.memref_slice %arg18[%scan3A_256, %dma_start3A_322] : memref<16x1024xf32, #tpu.memory_space<vmem>> -> memref<1x1024xf32, #tpu.memory_space<vmem>>
              %dma_start3A_324 = tpu.memref_squeeze %dma_start3A_323 : memref<1x1024xf32, #tpu.memory_space<vmem>> -> memref<1024xf32, #tpu.memory_space<vmem>>
              %dma_start3A_325 = arith.constant 0 : i32
              %dma_start3A_326 = tpu.memref_slice %arg3[%add3A_276, %dma_start3A_325] : memref<4096x1024xf32, #tpu.memory_space<hbm>> -> memref<1x1024xf32, #tpu.memory_space<hbm>>
              %dma_start3A_327 = tpu.memref_squeeze %dma_start3A_326 : memref<1x1024xf32, #tpu.memory_space<hbm>> -> memref<1024xf32, #tpu.memory_space<hbm>>
              tpu.enqueue_dma source(%dma_start3A_327 : memref<1024xf32, #tpu.memory_space<hbm>>) target(%dma_start3A_324 : memref<1024xf32, #tpu.memory_space<vmem>>) target_semaphore(%arg23 : memref<!tpu.dma_semaphore, #tpu.memory_space<semaphore_mem>>)
            } else {
            }
          } else {
          }
          %ge3A_301 = arith.constant 2.000000e+00 : f32
          %ge3A_302 = arith.cmpf oge, %squeeze3A_264, %ge3A_301 : f32
          %convert_element_type3A_303 = arith.extui %ge3A_302 : i1 to i32
          %cond3A_304 = arith.constant 0 : i32
          %cond3A_305 = arith.cmpi ne, %convert_element_type3A_303, %cond3A_304 : i32
          scf.if %cond3A_305 {
            %lt3A_306 = arith.constant 3.000000e+00 : f32
            %lt3A_307 = arith.cmpf olt, %squeeze3A_264, %lt3A_306 : f32
            %convert_element_type3A_308 = arith.extui %lt3A_307 : i1 to i32
            %cond3A_309 = arith.constant 0 : i32
            %cond3A_310 = arith.cmpi ne, %convert_element_type3A_308, %cond3A_309 : i32
            scf.if %cond3A_310 {
              %dma_start3A_316 = arith.constant 0 : i32
              %dma_start3A_317 = tpu.memref_slice %arg18[%scan3A_256, %dma_start3A_316] : memref<16x1024xf32, #tpu.memory_space<vmem>> -> memref<1x1024xf32, #tpu.memory_space<vmem>>
              %dma_start3A_318 = tpu.memref_squeeze %dma_start3A_317 : memref<1x1024xf32, #tpu.memory_space<vmem>> -> memref<1024xf32, #tpu.memory_space<vmem>>
              %dma_start3A_319 = arith.constant 0 : i32
              %dma_start3A_320 = tpu.memref_slice %arg4[%add3A_276, %dma_start3A_319] : memref<4096x1024xf32, #tpu.memory_space<hbm>> -> memref<1x1024xf32, #tpu.memory_space<hbm>>
              %dma_start3A_321 = tpu.memref_squeeze %dma_start3A_320 : memref<1x1024xf32, #tpu.memory_space<hbm>> -> memref<1024xf32, #tpu.memory_space<hbm>>
              %dma_start3A_322 = arith.constant 0 : i32
              %dma_start3A_323 = tpu.memref_slice %arg18[%scan3A_256, %dma_start3A_322] : memref<16x1024xf32, #tpu.memory_space<vmem>> -> memref<1x1024xf32, #tpu.memory_space<vmem>>
              %dma_start3A_324 = tpu.memref_squeeze %dma_start3A_323 : memref<1x1024xf32, #tpu.memory_space<vmem>> -> memref<1024xf32, #tpu.memory_space<vmem>>
              %dma_start3A_325 = arith.constant 0 : i32
              %dma_start3A_326 = tpu.memref_slice %arg4[%add3A_276, %dma_start3A_325] : memref<4096x1024xf32, #tpu.memory_space<hbm>> -> memref<1x1024xf32, #tpu.memory_space<hbm>>
              %dma_start3A_327 = tpu.memref_squeeze %dma_start3A_326 : memref<1x1024xf32, #tpu.memory_space<hbm>> -> memref<1024xf32, #tpu.memory_space<hbm>>
              tpu.enqueue_dma source(%dma_start3A_327 : memref<1024xf32, #tpu.memory_space<hbm>>) target(%dma_start3A_324 : memref<1024xf32, #tpu.memory_space<vmem>>) target_semaphore(%arg23 : memref<!tpu.dma_semaphore, #tpu.memory_space<semaphore_mem>>)
            } else {
            }
            %ge3A_311 = arith.constant 3.000000e+00 : f32
            %ge3A_312 = arith.cmpf oge, %squeeze3A_264, %ge3A_311 : f32
            %convert_element_type3A_313 = arith.extui %ge3A_312 : i1 to i32
            %cond3A_314 = arith.constant 0 : i32
            %cond3A_315 = arith.cmpi ne, %convert_element_type3A_313, %cond3A_314 : i32
            scf.if %cond3A_315 {
              %dma_start3A_316 = arith.constant 0 : i32
              %dma_start3A_317 = tpu.memref_slice %arg18[%scan3A_256, %dma_start3A_316] : memref<16x1024xf32, #tpu.memory_space<vmem>> -> memref<1x1024xf32, #tpu.memory_space<vmem>>
              %dma_start3A_318 = tpu.memref_squeeze %dma_start3A_317 : memref<1x1024xf32, #tpu.memory_space<vmem>> -> memref<1024xf32, #tpu.memory_space<vmem>>
              %dma_start3A_319 = arith.constant 0 : i32
              %dma_start3A_320 = tpu.memref_slice %arg5[%add3A_276, %dma_start3A_319] : memref<4096x1024xf32, #tpu.memory_space<hbm>> -> memref<1x1024xf32, #tpu.memory_space<hbm>>
              %dma_start3A_321 = tpu.memref_squeeze %dma_start3A_320 : memref<1x1024xf32, #tpu.memory_space<hbm>> -> memref<1024xf32, #tpu.memory_space<hbm>>
              %dma_start3A_322 = arith.constant 0 : i32
              %dma_start3A_323 = tpu.memref_slice %arg18[%scan3A_256, %dma_start3A_322] : memref<16x1024xf32, #tpu.memory_space<vmem>> -> memref<1x1024xf32, #tpu.memory_space<vmem>>
              %dma_start3A_324 = tpu.memref_squeeze %dma_start3A_323 : memref<1x1024xf32, #tpu.memory_space<vmem>> -> memref<1024xf32, #tpu.memory_space<vmem>>
              %dma_start3A_325 = arith.constant 0 : i32
              %dma_start3A_326 = tpu.memref_slice %arg5[%add3A_276, %dma_start3A_325] : memref<4096x1024xf32, #tpu.memory_space<hbm>> -> memref<1x1024xf32, #tpu.memory_space<hbm>>
              %dma_start3A_327 = tpu.memref_squeeze %dma_start3A_326 : memref<1x1024xf32, #tpu.memory_space<hbm>> -> memref<1024xf32, #tpu.memory_space<hbm>>
              tpu.enqueue_dma source(%dma_start3A_327 : memref<1024xf32, #tpu.memory_space<hbm>>) target(%dma_start3A_324 : memref<1024xf32, #tpu.memory_space<vmem>>) target_semaphore(%arg23 : memref<!tpu.dma_semaphore, #tpu.memory_space<semaphore_mem>>)
            } else {
            }
          } else {
          }
        } else {
        }
        %ge3A = arith.constant 4.000000e+00 : f32
        %ge3A_282 = arith.cmpf oge, %squeeze3A_264, %ge3A : f32
        %convert_element_type3A_283 = arith.extui %ge3A_282 : i1 to i32
        %cond3A_284 = arith.constant 0 : i32
        %cond3A_285 = arith.cmpi ne, %convert_element_type3A_283, %cond3A_284 : i32
        scf.if %cond3A_285 {
          %lt3A_296 = arith.constant 6.000000e+00 : f32
          %lt3A_297 = arith.cmpf olt, %squeeze3A_264, %lt3A_296 : f32
          %convert_element_type3A_298 = arith.extui %lt3A_297 : i1 to i32
          %cond3A_299 = arith.constant 0 : i32
          %cond3A_300 = arith.cmpi ne, %convert_element_type3A_298, %cond3A_299 : i32
          scf.if %cond3A_300 {
            %lt3A_306 = arith.constant 5.000000e+00 : f32
            %lt3A_307 = arith.cmpf olt, %squeeze3A_264, %lt3A_306 : f32
            %convert_element_type3A_308 = arith.extui %lt3A_307 : i1 to i32
            %cond3A_309 = arith.constant 0 : i32
            %cond3A_310 = arith.cmpi ne, %convert_element_type3A_308, %cond3A_309 : i32
            scf.if %cond3A_310 {
              %dma_start3A_316 = arith.constant 0 : i32
              %dma_start3A_317 = tpu.memref_slice %arg18[%scan3A_256, %dma_start3A_316] : memref<16x1024xf32, #tpu.memory_space<vmem>> -> memref<1x1024xf32, #tpu.memory_space<vmem>>
              %dma_start3A_318 = tpu.memref_squeeze %dma_start3A_317 : memref<1x1024xf32, #tpu.memory_space<vmem>> -> memref<1024xf32, #tpu.memory_space<vmem>>
              %dma_start3A_319 = arith.constant 0 : i32
              %dma_start3A_320 = tpu.memref_slice %arg6[%add3A_276, %dma_start3A_319] : memref<4096x1024xf32, #tpu.memory_space<hbm>> -> memref<1x1024xf32, #tpu.memory_space<hbm>>
              %dma_start3A_321 = tpu.memref_squeeze %dma_start3A_320 : memref<1x1024xf32, #tpu.memory_space<hbm>> -> memref<1024xf32, #tpu.memory_space<hbm>>
              %dma_start3A_322 = arith.constant 0 : i32
              %dma_start3A_323 = tpu.memref_slice %arg18[%scan3A_256, %dma_start3A_322] : memref<16x1024xf32, #tpu.memory_space<vmem>> -> memref<1x1024xf32, #tpu.memory_space<vmem>>
              %dma_start3A_324 = tpu.memref_squeeze %dma_start3A_323 : memref<1x1024xf32, #tpu.memory_space<vmem>> -> memref<1024xf32, #tpu.memory_space<vmem>>
              %dma_start3A_325 = arith.constant 0 : i32
              %dma_start3A_326 = tpu.memref_slice %arg6[%add3A_276, %dma_start3A_325] : memref<4096x1024xf32, #tpu.memory_space<hbm>> -> memref<1x1024xf32, #tpu.memory_space<hbm>>
              %dma_start3A_327 = tpu.memref_squeeze %dma_start3A_326 : memref<1x1024xf32, #tpu.memory_space<hbm>> -> memref<1024xf32, #tpu.memory_space<hbm>>
              tpu.enqueue_dma source(%dma_start3A_327 : memref<1024xf32, #tpu.memory_space<hbm>>) target(%dma_start3A_324 : memref<1024xf32, #tpu.memory_space<vmem>>) target_semaphore(%arg23 : memref<!tpu.dma_semaphore, #tpu.memory_space<semaphore_mem>>)
            } else {
            }
            %ge3A_311 = arith.constant 5.000000e+00 : f32
            %ge3A_312 = arith.cmpf oge, %squeeze3A_264, %ge3A_311 : f32
            %convert_element_type3A_313 = arith.extui %ge3A_312 : i1 to i32
            %cond3A_314 = arith.constant 0 : i32
            %cond3A_315 = arith.cmpi ne, %convert_element_type3A_313, %cond3A_314 : i32
            scf.if %cond3A_315 {
              %dma_start3A_316 = arith.constant 0 : i32
              %dma_start3A_317 = tpu.memref_slice %arg18[%scan3A_256, %dma_start3A_316] : memref<16x1024xf32, #tpu.memory_space<vmem>> -> memref<1x1024xf32, #tpu.memory_space<vmem>>
              %dma_start3A_318 = tpu.memref_squeeze %dma_start3A_317 : memref<1x1024xf32, #tpu.memory_space<vmem>> -> memref<1024xf32, #tpu.memory_space<vmem>>
              %dma_start3A_319 = arith.constant 0 : i32
              %dma_start3A_320 = tpu.memref_slice %arg7[%add3A_276, %dma_start3A_319] : memref<4096x1024xf32, #tpu.memory_space<hbm>> -> memref<1x1024xf32, #tpu.memory_space<hbm>>
              %dma_start3A_321 = tpu.memref_squeeze %dma_start3A_320 : memref<1x1024xf32, #tpu.memory_space<hbm>> -> memref<1024xf32, #tpu.memory_space<hbm>>
              %dma_start3A_322 = arith.constant 0 : i32
              %dma_start3A_323 = tpu.memref_slice %arg18[%scan3A_256, %dma_start3A_322] : memref<16x1024xf32, #tpu.memory_space<vmem>> -> memref<1x1024xf32, #tpu.memory_space<vmem>>
              %dma_start3A_324 = tpu.memref_squeeze %dma_start3A_323 : memref<1x1024xf32, #tpu.memory_space<vmem>> -> memref<1024xf32, #tpu.memory_space<vmem>>
              %dma_start3A_325 = arith.constant 0 : i32
              %dma_start3A_326 = tpu.memref_slice %arg7[%add3A_276, %dma_start3A_325] : memref<4096x1024xf32, #tpu.memory_space<hbm>> -> memref<1x1024xf32, #tpu.memory_space<hbm>>
              %dma_start3A_327 = tpu.memref_squeeze %dma_start3A_326 : memref<1x1024xf32, #tpu.memory_space<hbm>> -> memref<1024xf32, #tpu.memory_space<hbm>>
              tpu.enqueue_dma source(%dma_start3A_327 : memref<1024xf32, #tpu.memory_space<hbm>>) target(%dma_start3A_324 : memref<1024xf32, #tpu.memory_space<vmem>>) target_semaphore(%arg23 : memref<!tpu.dma_semaphore, #tpu.memory_space<semaphore_mem>>)
            } else {
            }
          } else {
          }
          %ge3A_301 = arith.constant 6.000000e+00 : f32
          %ge3A_302 = arith.cmpf oge, %squeeze3A_264, %ge3A_301 : f32
          %convert_element_type3A_303 = arith.extui %ge3A_302 : i1 to i32
          %cond3A_304 = arith.constant 0 : i32
          %cond3A_305 = arith.cmpi ne, %convert_element_type3A_303, %cond3A_304 : i32
          scf.if %cond3A_305 {
            %lt3A_306 = arith.constant 7.000000e+00 : f32
            %lt3A_307 = arith.cmpf olt, %squeeze3A_264, %lt3A_306 : f32
            %convert_element_type3A_308 = arith.extui %lt3A_307 : i1 to i32
            %cond3A_309 = arith.constant 0 : i32
            %cond3A_310 = arith.cmpi ne, %convert_element_type3A_308, %cond3A_309 : i32
            scf.if %cond3A_310 {
              %dma_start3A_316 = arith.constant 0 : i32
              %dma_start3A_317 = tpu.memref_slice %arg18[%scan3A_256, %dma_start3A_316] : memref<16x1024xf32, #tpu.memory_space<vmem>> -> memref<1x1024xf32, #tpu.memory_space<vmem>>
              %dma_start3A_318 = tpu.memref_squeeze %dma_start3A_317 : memref<1x1024xf32, #tpu.memory_space<vmem>> -> memref<1024xf32, #tpu.memory_space<vmem>>
              %dma_start3A_319 = arith.constant 0 : i32
              %dma_start3A_320 = tpu.memref_slice %arg8[%add3A_276, %dma_start3A_319] : memref<4096x1024xf32, #tpu.memory_space<hbm>> -> memref<1x1024xf32, #tpu.memory_space<hbm>>
              %dma_start3A_321 = tpu.memref_squeeze %dma_start3A_320 : memref<1x1024xf32, #tpu.memory_space<hbm>> -> memref<1024xf32, #tpu.memory_space<hbm>>
              %dma_start3A_322 = arith.constant 0 : i32
              %dma_start3A_323 = tpu.memref_slice %arg18[%scan3A_256, %dma_start3A_322] : memref<16x1024xf32, #tpu.memory_space<vmem>> -> memref<1x1024xf32, #tpu.memory_space<vmem>>
              %dma_start3A_324 = tpu.memref_squeeze %dma_start3A_323 : memref<1x1024xf32, #tpu.memory_space<vmem>> -> memref<1024xf32, #tpu.memory_space<vmem>>
              %dma_start3A_325 = arith.constant 0 : i32
              %dma_start3A_326 = tpu.memref_slice %arg8[%add3A_276, %dma_start3A_325] : memref<4096x1024xf32, #tpu.memory_space<hbm>> -> memref<1x1024xf32, #tpu.memory_space<hbm>>
              %dma_start3A_327 = tpu.memref_squeeze %dma_start3A_326 : memref<1x1024xf32, #tpu.memory_space<hbm>> -> memref<1024xf32, #tpu.memory_space<hbm>>
              tpu.enqueue_dma source(%dma_start3A_327 : memref<1024xf32, #tpu.memory_space<hbm>>) target(%dma_start3A_324 : memref<1024xf32, #tpu.memory_space<vmem>>) target_semaphore(%arg23 : memref<!tpu.dma_semaphore, #tpu.memory_space<semaphore_mem>>)
            } else {
            }
            %ge3A_311 = arith.constant 7.000000e+00 : f32
            %ge3A_312 = arith.cmpf oge, %squeeze3A_264, %ge3A_311 : f32
            %convert_element_type3A_313 = arith.extui %ge3A_312 : i1 to i32
            %cond3A_314 = arith.constant 0 : i32
            %cond3A_315 = arith.cmpi ne, %convert_element_type3A_313, %cond3A_314 : i32
            scf.if %cond3A_315 {
              %dma_start3A_316 = arith.constant 0 : i32
              %dma_start3A_317 = tpu.memref_slice %arg18[%scan3A_256, %dma_start3A_316] : memref<16x1024xf32, #tpu.memory_space<vmem>> -> memref<1x1024xf32, #tpu.memory_space<vmem>>
              %dma_start3A_318 = tpu.memref_squeeze %dma_start3A_317 : memref<1x1024xf32, #tpu.memory_space<vmem>> -> memref<1024xf32, #tpu.memory_space<vmem>>
              %dma_start3A_319 = arith.constant 0 : i32
              %dma_start3A_320 = tpu.memref_slice %arg9[%add3A_276, %dma_start3A_319] : memref<4096x1024xf32, #tpu.memory_space<hbm>> -> memref<1x1024xf32, #tpu.memory_space<hbm>>
              %dma_start3A_321 = tpu.memref_squeeze %dma_start3A_320 : memref<1x1024xf32, #tpu.memory_space<hbm>> -> memref<1024xf32, #tpu.memory_space<hbm>>
              %dma_start3A_322 = arith.constant 0 : i32
              %dma_start3A_323 = tpu.memref_slice %arg18[%scan3A_256, %dma_start3A_322] : memref<16x1024xf32, #tpu.memory_space<vmem>> -> memref<1x1024xf32, #tpu.memory_space<vmem>>
              %dma_start3A_324 = tpu.memref_squeeze %dma_start3A_323 : memref<1x1024xf32, #tpu.memory_space<vmem>> -> memref<1024xf32, #tpu.memory_space<vmem>>
              %dma_start3A_325 = arith.constant 0 : i32
              %dma_start3A_326 = tpu.memref_slice %arg9[%add3A_276, %dma_start3A_325] : memref<4096x1024xf32, #tpu.memory_space<hbm>> -> memref<1x1024xf32, #tpu.memory_space<hbm>>
              %dma_start3A_327 = tpu.memref_squeeze %dma_start3A_326 : memref<1x1024xf32, #tpu.memory_space<hbm>> -> memref<1024xf32, #tpu.memory_space<hbm>>
              tpu.enqueue_dma source(%dma_start3A_327 : memref<1024xf32, #tpu.memory_space<hbm>>) target(%dma_start3A_324 : memref<1024xf32, #tpu.memory_space<vmem>>) target_semaphore(%arg23 : memref<!tpu.dma_semaphore, #tpu.memory_space<semaphore_mem>>)
            } else {
            }
          } else {
          }
        } else {
        }
        %lt3A_286 = arith.constant 4.000000e+00 : f32
        %lt3A_287 = arith.cmpf olt, %squeeze3A_272, %lt3A_286 : f32
        %convert_element_type3A_288 = arith.extui %lt3A_287 : i1 to i32
        %cond3A_289 = arith.constant 0 : i32
        %cond3A_290 = arith.cmpi ne, %convert_element_type3A_288, %cond3A_289 : i32
        scf.if %cond3A_290 {
          %lt3A_296 = arith.constant 2.000000e+00 : f32
          %lt3A_297 = arith.cmpf olt, %squeeze3A_272, %lt3A_296 : f32
          %convert_element_type3A_298 = arith.extui %lt3A_297 : i1 to i32
          %cond3A_299 = arith.constant 0 : i32
          %cond3A_300 = arith.cmpi ne, %convert_element_type3A_298, %cond3A_299 : i32
          scf.if %cond3A_300 {
            %lt3A_306 = arith.constant 1.000000e+00 : f32
            %lt3A_307 = arith.cmpf olt, %squeeze3A_272, %lt3A_306 : f32
            %convert_element_type3A_308 = arith.extui %lt3A_307 : i1 to i32
            %cond3A_309 = arith.constant 0 : i32
            %cond3A_310 = arith.cmpi ne, %convert_element_type3A_308, %cond3A_309 : i32
            scf.if %cond3A_310 {
              %dma_start3A_316 = arith.constant 0 : i32
              %dma_start3A_317 = tpu.memref_slice %arg19[%scan3A_256, %dma_start3A_316] : memref<16x1024xf32, #tpu.memory_space<vmem>> -> memref<1x1024xf32, #tpu.memory_space<vmem>>
              %dma_start3A_318 = tpu.memref_squeeze %dma_start3A_317 : memref<1x1024xf32, #tpu.memory_space<vmem>> -> memref<1024xf32, #tpu.memory_space<vmem>>
              %dma_start3A_319 = arith.constant 0 : i32
              %dma_start3A_320 = tpu.memref_slice %arg2[%add3A_276, %dma_start3A_319] : memref<4096x1024xf32, #tpu.memory_space<hbm>> -> memref<1x1024xf32, #tpu.memory_space<hbm>>
              %dma_start3A_321 = tpu.memref_squeeze %dma_start3A_320 : memref<1x1024xf32, #tpu.memory_space<hbm>> -> memref<1024xf32, #tpu.memory_space<hbm>>
              %dma_start3A_322 = arith.constant 0 : i32
              %dma_start3A_323 = tpu.memref_slice %arg19[%scan3A_256, %dma_start3A_322] : memref<16x1024xf32, #tpu.memory_space<vmem>> -> memref<1x1024xf32, #tpu.memory_space<vmem>>
              %dma_start3A_324 = tpu.memref_squeeze %dma_start3A_323 : memref<1x1024xf32, #tpu.memory_space<vmem>> -> memref<1024xf32, #tpu.memory_space<vmem>>
              %dma_start3A_325 = arith.constant 0 : i32
              %dma_start3A_326 = tpu.memref_slice %arg2[%add3A_276, %dma_start3A_325] : memref<4096x1024xf32, #tpu.memory_space<hbm>> -> memref<1x1024xf32, #tpu.memory_space<hbm>>
              %dma_start3A_327 = tpu.memref_squeeze %dma_start3A_326 : memref<1x1024xf32, #tpu.memory_space<hbm>> -> memref<1024xf32, #tpu.memory_space<hbm>>
              tpu.enqueue_dma source(%dma_start3A_327 : memref<1024xf32, #tpu.memory_space<hbm>>) target(%dma_start3A_324 : memref<1024xf32, #tpu.memory_space<vmem>>) target_semaphore(%arg23 : memref<!tpu.dma_semaphore, #tpu.memory_space<semaphore_mem>>)
            } else {
            }
            %ge3A_311 = arith.constant 1.000000e+00 : f32
            %ge3A_312 = arith.cmpf oge, %squeeze3A_272, %ge3A_311 : f32
            %convert_element_type3A_313 = arith.extui %ge3A_312 : i1 to i32
            %cond3A_314 = arith.constant 0 : i32
            %cond3A_315 = arith.cmpi ne, %convert_element_type3A_313, %cond3A_314 : i32
            scf.if %cond3A_315 {
              %dma_start3A_316 = arith.constant 0 : i32
              %dma_start3A_317 = tpu.memref_slice %arg19[%scan3A_256, %dma_start3A_316] : memref<16x1024xf32, #tpu.memory_space<vmem>> -> memref<1x1024xf32, #tpu.memory_space<vmem>>
              %dma_start3A_318 = tpu.memref_squeeze %dma_start3A_317 : memref<1x1024xf32, #tpu.memory_space<vmem>> -> memref<1024xf32, #tpu.memory_space<vmem>>
              %dma_start3A_319 = arith.constant 0 : i32
              %dma_start3A_320 = tpu.memref_slice %arg3[%add3A_276, %dma_start3A_319] : memref<4096x1024xf32, #tpu.memory_space<hbm>> -> memref<1x1024xf32, #tpu.memory_space<hbm>>
              %dma_start3A_321 = tpu.memref_squeeze %dma_start3A_320 : memref<1x1024xf32, #tpu.memory_space<hbm>> -> memref<1024xf32, #tpu.memory_space<hbm>>
              %dma_start3A_322 = arith.constant 0 : i32
              %dma_start3A_323 = tpu.memref_slice %arg19[%scan3A_256, %dma_start3A_322] : memref<16x1024xf32, #tpu.memory_space<vmem>> -> memref<1x1024xf32, #tpu.memory_space<vmem>>
              %dma_start3A_324 = tpu.memref_squeeze %dma_start3A_323 : memref<1x1024xf32, #tpu.memory_space<vmem>> -> memref<1024xf32, #tpu.memory_space<vmem>>
              %dma_start3A_325 = arith.constant 0 : i32
              %dma_start3A_326 = tpu.memref_slice %arg3[%add3A_276, %dma_start3A_325] : memref<4096x1024xf32, #tpu.memory_space<hbm>> -> memref<1x1024xf32, #tpu.memory_space<hbm>>
              %dma_start3A_327 = tpu.memref_squeeze %dma_start3A_326 : memref<1x1024xf32, #tpu.memory_space<hbm>> -> memref<1024xf32, #tpu.memory_space<hbm>>
              tpu.enqueue_dma source(%dma_start3A_327 : memref<1024xf32, #tpu.memory_space<hbm>>) target(%dma_start3A_324 : memref<1024xf32, #tpu.memory_space<vmem>>) target_semaphore(%arg23 : memref<!tpu.dma_semaphore, #tpu.memory_space<semaphore_mem>>)
            } else {
            }
          } else {
          }
          %ge3A_301 = arith.constant 2.000000e+00 : f32
          %ge3A_302 = arith.cmpf oge, %squeeze3A_272, %ge3A_301 : f32
          %convert_element_type3A_303 = arith.extui %ge3A_302 : i1 to i32
          %cond3A_304 = arith.constant 0 : i32
          %cond3A_305 = arith.cmpi ne, %convert_element_type3A_303, %cond3A_304 : i32
          scf.if %cond3A_305 {
            %lt3A_306 = arith.constant 3.000000e+00 : f32
            %lt3A_307 = arith.cmpf olt, %squeeze3A_272, %lt3A_306 : f32
            %convert_element_type3A_308 = arith.extui %lt3A_307 : i1 to i32
            %cond3A_309 = arith.constant 0 : i32
            %cond3A_310 = arith.cmpi ne, %convert_element_type3A_308, %cond3A_309 : i32
            scf.if %cond3A_310 {
              %dma_start3A_316 = arith.constant 0 : i32
              %dma_start3A_317 = tpu.memref_slice %arg19[%scan3A_256, %dma_start3A_316] : memref<16x1024xf32, #tpu.memory_space<vmem>> -> memref<1x1024xf32, #tpu.memory_space<vmem>>
              %dma_start3A_318 = tpu.memref_squeeze %dma_start3A_317 : memref<1x1024xf32, #tpu.memory_space<vmem>> -> memref<1024xf32, #tpu.memory_space<vmem>>
              %dma_start3A_319 = arith.constant 0 : i32
              %dma_start3A_320 = tpu.memref_slice %arg4[%add3A_276, %dma_start3A_319] : memref<4096x1024xf32, #tpu.memory_space<hbm>> -> memref<1x1024xf32, #tpu.memory_space<hbm>>
              %dma_start3A_321 = tpu.memref_squeeze %dma_start3A_320 : memref<1x1024xf32, #tpu.memory_space<hbm>> -> memref<1024xf32, #tpu.memory_space<hbm>>
              %dma_start3A_322 = arith.constant 0 : i32
              %dma_start3A_323 = tpu.memref_slice %arg19[%scan3A_256, %dma_start3A_322] : memref<16x1024xf32, #tpu.memory_space<vmem>> -> memref<1x1024xf32, #tpu.memory_space<vmem>>
              %dma_start3A_324 = tpu.memref_squeeze %dma_start3A_323 : memref<1x1024xf32, #tpu.memory_space<vmem>> -> memref<1024xf32, #tpu.memory_space<vmem>>
              %dma_start3A_325 = arith.constant 0 : i32
              %dma_start3A_326 = tpu.memref_slice %arg4[%add3A_276, %dma_start3A_325] : memref<4096x1024xf32, #tpu.memory_space<hbm>> -> memref<1x1024xf32, #tpu.memory_space<hbm>>
              %dma_start3A_327 = tpu.memref_squeeze %dma_start3A_326 : memref<1x1024xf32, #tpu.memory_space<hbm>> -> memref<1024xf32, #tpu.memory_space<hbm>>
              tpu.enqueue_dma source(%dma_start3A_327 : memref<1024xf32, #tpu.memory_space<hbm>>) target(%dma_start3A_324 : memref<1024xf32, #tpu.memory_space<vmem>>) target_semaphore(%arg23 : memref<!tpu.dma_semaphore, #tpu.memory_space<semaphore_mem>>)
            } else {
            }
            %ge3A_311 = arith.constant 3.000000e+00 : f32
            %ge3A_312 = arith.cmpf oge, %squeeze3A_272, %ge3A_311 : f32
            %convert_element_type3A_313 = arith.extui %ge3A_312 : i1 to i32
            %cond3A_314 = arith.constant 0 : i32
            %cond3A_315 = arith.cmpi ne, %convert_element_type3A_313, %cond3A_314 : i32
            scf.if %cond3A_315 {
              %dma_start3A_316 = arith.constant 0 : i32
              %dma_start3A_317 = tpu.memref_slice %arg19[%scan3A_256, %dma_start3A_316] : memref<16x1024xf32, #tpu.memory_space<vmem>> -> memref<1x1024xf32, #tpu.memory_space<vmem>>
              %dma_start3A_318 = tpu.memref_squeeze %dma_start3A_317 : memref<1x1024xf32, #tpu.memory_space<vmem>> -> memref<1024xf32, #tpu.memory_space<vmem>>
              %dma_start3A_319 = arith.constant 0 : i32
              %dma_start3A_320 = tpu.memref_slice %arg5[%add3A_276, %dma_start3A_319] : memref<4096x1024xf32, #tpu.memory_space<hbm>> -> memref<1x1024xf32, #tpu.memory_space<hbm>>
              %dma_start3A_321 = tpu.memref_squeeze %dma_start3A_320 : memref<1x1024xf32, #tpu.memory_space<hbm>> -> memref<1024xf32, #tpu.memory_space<hbm>>
              %dma_start3A_322 = arith.constant 0 : i32
              %dma_start3A_323 = tpu.memref_slice %arg19[%scan3A_256, %dma_start3A_322] : memref<16x1024xf32, #tpu.memory_space<vmem>> -> memref<1x1024xf32, #tpu.memory_space<vmem>>
              %dma_start3A_324 = tpu.memref_squeeze %dma_start3A_323 : memref<1x1024xf32, #tpu.memory_space<vmem>> -> memref<1024xf32, #tpu.memory_space<vmem>>
              %dma_start3A_325 = arith.constant 0 : i32
              %dma_start3A_326 = tpu.memref_slice %arg5[%add3A_276, %dma_start3A_325] : memref<4096x1024xf32, #tpu.memory_space<hbm>> -> memref<1x1024xf32, #tpu.memory_space<hbm>>
              %dma_start3A_327 = tpu.memref_squeeze %dma_start3A_326 : memref<1x1024xf32, #tpu.memory_space<hbm>> -> memref<1024xf32, #tpu.memory_space<hbm>>
              tpu.enqueue_dma source(%dma_start3A_327 : memref<1024xf32, #tpu.memory_space<hbm>>) target(%dma_start3A_324 : memref<1024xf32, #tpu.memory_space<vmem>>) target_semaphore(%arg23 : memref<!tpu.dma_semaphore, #tpu.memory_space<semaphore_mem>>)
            } else {
            }
          } else {
          }
        } else {
        }
        %ge3A_291 = arith.constant 4.000000e+00 : f32
        %ge3A_292 = arith.cmpf oge, %squeeze3A_272, %ge3A_291 : f32
        %convert_element_type3A_293 = arith.extui %ge3A_292 : i1 to i32
        %cond3A_294 = arith.constant 0 : i32
        %cond3A_295 = arith.cmpi ne, %convert_element_type3A_293, %cond3A_294 : i32
        scf.if %cond3A_295 {
          %lt3A_296 = arith.constant 6.000000e+00 : f32
          %lt3A_297 = arith.cmpf olt, %squeeze3A_272, %lt3A_296 : f32
          %convert_element_type3A_298 = arith.extui %lt3A_297 : i1 to i32
          %cond3A_299 = arith.constant 0 : i32
          %cond3A_300 = arith.cmpi ne, %convert_element_type3A_298, %cond3A_299 : i32
          scf.if %cond3A_300 {
            %lt3A_306 = arith.constant 5.000000e+00 : f32
            %lt3A_307 = arith.cmpf olt, %squeeze3A_272, %lt3A_306 : f32
            %convert_element_type3A_308 = arith.extui %lt3A_307 : i1 to i32
            %cond3A_309 = arith.constant 0 : i32
            %cond3A_310 = arith.cmpi ne, %convert_element_type3A_308, %cond3A_309 : i32
            scf.if %cond3A_310 {
              %dma_start3A_316 = arith.constant 0 : i32
              %dma_start3A_317 = tpu.memref_slice %arg19[%scan3A_256, %dma_start3A_316] : memref<16x1024xf32, #tpu.memory_space<vmem>> -> memref<1x1024xf32, #tpu.memory_space<vmem>>
              %dma_start3A_318 = tpu.memref_squeeze %dma_start3A_317 : memref<1x1024xf32, #tpu.memory_space<vmem>> -> memref<1024xf32, #tpu.memory_space<vmem>>
              %dma_start3A_319 = arith.constant 0 : i32
              %dma_start3A_320 = tpu.memref_slice %arg6[%add3A_276, %dma_start3A_319] : memref<4096x1024xf32, #tpu.memory_space<hbm>> -> memref<1x1024xf32, #tpu.memory_space<hbm>>
              %dma_start3A_321 = tpu.memref_squeeze %dma_start3A_320 : memref<1x1024xf32, #tpu.memory_space<hbm>> -> memref<1024xf32, #tpu.memory_space<hbm>>
              %dma_start3A_322 = arith.constant 0 : i32
              %dma_start3A_323 = tpu.memref_slice %arg19[%scan3A_256, %dma_start3A_322] : memref<16x1024xf32, #tpu.memory_space<vmem>> -> memref<1x1024xf32, #tpu.memory_space<vmem>>
              %dma_start3A_324 = tpu.memref_squeeze %dma_start3A_323 : memref<1x1024xf32, #tpu.memory_space<vmem>> -> memref<1024xf32, #tpu.memory_space<vmem>>
              %dma_start3A_325 = arith.constant 0 : i32
              %dma_start3A_326 = tpu.memref_slice %arg6[%add3A_276, %dma_start3A_325] : memref<4096x1024xf32, #tpu.memory_space<hbm>> -> memref<1x1024xf32, #tpu.memory_space<hbm>>
              %dma_start3A_327 = tpu.memref_squeeze %dma_start3A_326 : memref<1x1024xf32, #tpu.memory_space<hbm>> -> memref<1024xf32, #tpu.memory_space<hbm>>
              tpu.enqueue_dma source(%dma_start3A_327 : memref<1024xf32, #tpu.memory_space<hbm>>) target(%dma_start3A_324 : memref<1024xf32, #tpu.memory_space<vmem>>) target_semaphore(%arg23 : memref<!tpu.dma_semaphore, #tpu.memory_space<semaphore_mem>>)
            } else {
            }
            %ge3A_311 = arith.constant 5.000000e+00 : f32
            %ge3A_312 = arith.cmpf oge, %squeeze3A_272, %ge3A_311 : f32
            %convert_element_type3A_313 = arith.extui %ge3A_312 : i1 to i32
            %cond3A_314 = arith.constant 0 : i32
            %cond3A_315 = arith.cmpi ne, %convert_element_type3A_313, %cond3A_314 : i32
            scf.if %cond3A_315 {
              %dma_start3A_316 = arith.constant 0 : i32
              %dma_start3A_317 = tpu.memref_slice %arg19[%scan3A_256, %dma_start3A_316] : memref<16x1024xf32, #tpu.memory_space<vmem>> -> memref<1x1024xf32, #tpu.memory_space<vmem>>
              %dma_start3A_318 = tpu.memref_squeeze %dma_start3A_317 : memref<1x1024xf32, #tpu.memory_space<vmem>> -> memref<1024xf32, #tpu.memory_space<vmem>>
              %dma_start3A_319 = arith.constant 0 : i32
              %dma_start3A_320 = tpu.memref_slice %arg7[%add3A_276, %dma_start3A_319] : memref<4096x1024xf32, #tpu.memory_space<hbm>> -> memref<1x1024xf32, #tpu.memory_space<hbm>>
              %dma_start3A_321 = tpu.memref_squeeze %dma_start3A_320 : memref<1x1024xf32, #tpu.memory_space<hbm>> -> memref<1024xf32, #tpu.memory_space<hbm>>
              %dma_start3A_322 = arith.constant 0 : i32
              %dma_start3A_323 = tpu.memref_slice %arg19[%scan3A_256, %dma_start3A_322] : memref<16x1024xf32, #tpu.memory_space<vmem>> -> memref<1x1024xf32, #tpu.memory_space<vmem>>
              %dma_start3A_324 = tpu.memref_squeeze %dma_start3A_323 : memref<1x1024xf32, #tpu.memory_space<vmem>> -> memref<1024xf32, #tpu.memory_space<vmem>>
              %dma_start3A_325 = arith.constant 0 : i32
              %dma_start3A_326 = tpu.memref_slice %arg7[%add3A_276, %dma_start3A_325] : memref<4096x1024xf32, #tpu.memory_space<hbm>> -> memref<1x1024xf32, #tpu.memory_space<hbm>>
              %dma_start3A_327 = tpu.memref_squeeze %dma_start3A_326 : memref<1x1024xf32, #tpu.memory_space<hbm>> -> memref<1024xf32, #tpu.memory_space<hbm>>
              tpu.enqueue_dma source(%dma_start3A_327 : memref<1024xf32, #tpu.memory_space<hbm>>) target(%dma_start3A_324 : memref<1024xf32, #tpu.memory_space<vmem>>) target_semaphore(%arg23 : memref<!tpu.dma_semaphore, #tpu.memory_space<semaphore_mem>>)
            } else {
            }
          } else {
          }
          %ge3A_301 = arith.constant 6.000000e+00 : f32
          %ge3A_302 = arith.cmpf oge, %squeeze3A_272, %ge3A_301 : f32
          %convert_element_type3A_303 = arith.extui %ge3A_302 : i1 to i32
          %cond3A_304 = arith.constant 0 : i32
          %cond3A_305 = arith.cmpi ne, %convert_element_type3A_303, %cond3A_304 : i32
          scf.if %cond3A_305 {
            %lt3A_306 = arith.constant 7.000000e+00 : f32
            %lt3A_307 = arith.cmpf olt, %squeeze3A_272, %lt3A_306 : f32
            %convert_element_type3A_308 = arith.extui %lt3A_307 : i1 to i32
            %cond3A_309 = arith.constant 0 : i32
            %cond3A_310 = arith.cmpi ne, %convert_element_type3A_308, %cond3A_309 : i32
            scf.if %cond3A_310 {
              %dma_start3A_316 = arith.constant 0 : i32
              %dma_start3A_317 = tpu.memref_slice %arg19[%scan3A_256, %dma_start3A_316] : memref<16x1024xf32, #tpu.memory_space<vmem>> -> memref<1x1024xf32, #tpu.memory_space<vmem>>
              %dma_start3A_318 = tpu.memref_squeeze %dma_start3A_317 : memref<1x1024xf32, #tpu.memory_space<vmem>> -> memref<1024xf32, #tpu.memory_space<vmem>>
              %dma_start3A_319 = arith.constant 0 : i32
              %dma_start3A_320 = tpu.memref_slice %arg8[%add3A_276, %dma_start3A_319] : memref<4096x1024xf32, #tpu.memory_space<hbm>> -> memref<1x1024xf32, #tpu.memory_space<hbm>>
              %dma_start3A_321 = tpu.memref_squeeze %dma_start3A_320 : memref<1x1024xf32, #tpu.memory_space<hbm>> -> memref<1024xf32, #tpu.memory_space<hbm>>
              %dma_start3A_322 = arith.constant 0 : i32
              %dma_start3A_323 = tpu.memref_slice %arg19[%scan3A_256, %dma_start3A_322] : memref<16x1024xf32, #tpu.memory_space<vmem>> -> memref<1x1024xf32, #tpu.memory_space<vmem>>
              %dma_start3A_324 = tpu.memref_squeeze %dma_start3A_323 : memref<1x1024xf32, #tpu.memory_space<vmem>> -> memref<1024xf32, #tpu.memory_space<vmem>>
              %dma_start3A_325 = arith.constant 0 : i32
              %dma_start3A_326 = tpu.memref_slice %arg8[%add3A_276, %dma_start3A_325] : memref<4096x1024xf32, #tpu.memory_space<hbm>> -> memref<1x1024xf32, #tpu.memory_space<hbm>>
              %dma_start3A_327 = tpu.memref_squeeze %dma_start3A_326 : memref<1x1024xf32, #tpu.memory_space<hbm>> -> memref<1024xf32, #tpu.memory_space<hbm>>
              tpu.enqueue_dma source(%dma_start3A_327 : memref<1024xf32, #tpu.memory_space<hbm>>) target(%dma_start3A_324 : memref<1024xf32, #tpu.memory_space<vmem>>) target_semaphore(%arg23 : memref<!tpu.dma_semaphore, #tpu.memory_space<semaphore_mem>>)
            } else {
            }
            %ge3A_311 = arith.constant 7.000000e+00 : f32
            %ge3A_312 = arith.cmpf oge, %squeeze3A_272, %ge3A_311 : f32
            %convert_element_type3A_313 = arith.extui %ge3A_312 : i1 to i32
            %cond3A_314 = arith.constant 0 : i32
            %cond3A_315 = arith.cmpi ne, %convert_element_type3A_313, %cond3A_314 : i32
            scf.if %cond3A_315 {
              %dma_start3A_316 = arith.constant 0 : i32
              %dma_start3A_317 = tpu.memref_slice %arg19[%scan3A_256, %dma_start3A_316] : memref<16x1024xf32, #tpu.memory_space<vmem>> -> memref<1x1024xf32, #tpu.memory_space<vmem>>
              %dma_start3A_318 = tpu.memref_squeeze %dma_start3A_317 : memref<1x1024xf32, #tpu.memory_space<vmem>> -> memref<1024xf32, #tpu.memory_space<vmem>>
              %dma_start3A_319 = arith.constant 0 : i32
              %dma_start3A_320 = tpu.memref_slice %arg9[%add3A_276, %dma_start3A_319] : memref<4096x1024xf32, #tpu.memory_space<hbm>> -> memref<1x1024xf32, #tpu.memory_space<hbm>>
              %dma_start3A_321 = tpu.memref_squeeze %dma_start3A_320 : memref<1x1024xf32, #tpu.memory_space<hbm>> -> memref<1024xf32, #tpu.memory_space<hbm>>
              %dma_start3A_322 = arith.constant 0 : i32
              %dma_start3A_323 = tpu.memref_slice %arg19[%scan3A_256, %dma_start3A_322] : memref<16x1024xf32, #tpu.memory_space<vmem>> -> memref<1x1024xf32, #tpu.memory_space<vmem>>
              %dma_start3A_324 = tpu.memref_squeeze %dma_start3A_323 : memref<1x1024xf32, #tpu.memory_space<vmem>> -> memref<1024xf32, #tpu.memory_space<vmem>>
              %dma_start3A_325 = arith.constant 0 : i32
              %dma_start3A_326 = tpu.memref_slice %arg9[%add3A_276, %dma_start3A_325] : memref<4096x1024xf32, #tpu.memory_space<hbm>> -> memref<1x1024xf32, #tpu.memory_space<hbm>>
              %dma_start3A_327 = tpu.memref_squeeze %dma_start3A_326 : memref<1x1024xf32, #tpu.memory_space<hbm>> -> memref<1024xf32, #tpu.memory_space<hbm>>
              tpu.enqueue_dma source(%dma_start3A_327 : memref<1024xf32, #tpu.memory_space<hbm>>) target(%dma_start3A_324 : memref<1024xf32, #tpu.memory_space<vmem>>) target_semaphore(%arg23 : memref<!tpu.dma_semaphore, #tpu.memory_space<semaphore_mem>>)
            } else {
            }
          } else {
          }
        } else {
        }
      }
      %scan3A_38 = arith.constant 16 : i32
      %dma_wait3A_39 = arith.constant 0 : i32
      %dma_wait3A_40 = arith.constant 0 : i32
      %dma_wait3A_41 = tpu.memref_slice %arg2[%dma_wait3A_39, %dma_wait3A_40] : memref<4096x1024xf32, #tpu.memory_space<hbm>> -> memref<16x1024xf32, #tpu.memory_space<hbm>>
      %dma_wait3A_42 = arith.constant 0 : i32
      %dma_wait3A_43 = arith.constant 0 : i32
      %dma_wait3A_44 = tpu.memref_slice %arg2[%dma_wait3A_42, %dma_wait3A_43] : memref<4096x1024xf32, #tpu.memory_space<hbm>> -> memref<16x1024xf32, #tpu.memory_space<hbm>>
      tpu.wait_dma2 semaphore(%arg22 : memref<!tpu.dma_semaphore, #tpu.memory_space<semaphore_mem>>) src(%dma_wait3A_44 : memref<16x1024xf32, #tpu.memory_space<hbm>>) dst(%arg16 : memref<16x1024xf32, #tpu.memory_space<vmem>>)
      %dma_wait3A_45 = arith.constant 0 : i32
      %dma_wait3A_46 = arith.constant 0 : i32
      %dma_wait3A_47 = tpu.memref_slice %arg2[%dma_wait3A_45, %dma_wait3A_46] : memref<4096x1024xf32, #tpu.memory_space<hbm>> -> memref<16x1024xf32, #tpu.memory_space<hbm>>
      %dma_wait3A_48 = arith.constant 0 : i32
      %dma_wait3A_49 = arith.constant 0 : i32
      %dma_wait3A_50 = tpu.memref_slice %arg2[%dma_wait3A_48, %dma_wait3A_49] : memref<4096x1024xf32, #tpu.memory_space<hbm>> -> memref<16x1024xf32, #tpu.memory_space<hbm>>
      tpu.wait_dma2 semaphore(%arg22 : memref<!tpu.dma_semaphore, #tpu.memory_space<semaphore_mem>>) src(%dma_wait3A_50 : memref<16x1024xf32, #tpu.memory_space<hbm>>) dst(%arg17 : memref<16x1024xf32, #tpu.memory_space<vmem>>)
      %gt3A = arith.constant 0 : i32
      %gt3A_51 = arith.cmpi sgt, %scan3A_28, %gt3A : i32
      %convert_element_type3A = arith.extui %gt3A_51 : i1 to i32
      %cond3A = arith.constant 0 : i32
      %cond3A_52 = arith.cmpi ne, %convert_element_type3A, %cond3A : i32
      scf.if %cond3A_52 {
        %dma_wait3A_256 = arith.constant 0 : i32
        %dma_wait3A_257 = arith.constant 0 : i32
        %dma_wait3A_258 = tpu.memref_slice %arg2[%dma_wait3A_256, %dma_wait3A_257] : memref<4096x1024xf32, #tpu.memory_space<hbm>> -> memref<16x1024xf32, #tpu.memory_space<hbm>>
        %dma_wait3A_259 = arith.constant 0 : i32
        %dma_wait3A_260 = arith.constant 0 : i32
        %dma_wait3A_261 = tpu.memref_slice %arg2[%dma_wait3A_259, %dma_wait3A_260] : memref<4096x1024xf32, #tpu.memory_space<hbm>> -> memref<16x1024xf32, #tpu.memory_space<hbm>>
        tpu.wait_dma2 semaphore(%arg24 : memref<!tpu.dma_semaphore, #tpu.memory_space<semaphore_mem>>) src(%dma_wait3A_261 : memref<16x1024xf32, #tpu.memory_space<hbm>>) dst(%arg20 : memref<16x1024xf32, #tpu.memory_space<vmem>>)
      } else {
      }
      %mul3A_53 = arith.constant 2 : i32
      %mul3A_54 = arith.muli %mul3A_53, %scan3A_28 : i32
      %mul3A_55 = arith.constant 16 : i32
      %mul3A_56 = arith.muli %mul3A_54, %mul3A_55 : i32
      %get3A = arith.index_cast %mul3A_56 : i32 to index
      %get3A_57 = tpu.vector_load %arg14[%get3A] {strides = array<i32>} : memref<128xf32, #tpu.memory_space<vmem>>, vector<16xf32>,
      %get3A_58 = vector.shape_cast %get3A_57 : vector<16xf32> to vector<16xf32>
      %mul3A_59 = arith.constant 16 : i32
      %mul3A_60 = arith.muli %mul3A_54, %mul3A_59 : i32
      %get3A_61 = arith.index_cast %mul3A_60 : i32 to index
      %get3A_62 = tpu.vector_load %arg15[%get3A_61] {strides = array<i32>} : memref<128xf32, #tpu.memory_space<vmem>>, vector<16xf32>,
      %get3A_63 = vector.shape_cast %get3A_62 : vector<16xf32> to vector<16xf32>
      %slice3A = vector.extract_strided_slice %get3A_58 {offsets = [0], sizes = [1], strides = [1]} : vector<16xf32> to vector<1xf32>
      %squeeze3A = vector.extract %slice3A[0] : f32 from vector<1xf32>
      %slice3A_64 = vector.extract_strided_slice %get3A_58 {offsets = [1], sizes = [1], strides = [1]} : vector<16xf32> to vector<1xf32>
      %squeeze3A_65 = vector.extract %slice3A_64[0] : f32 from vector<1xf32>
      %slice3A_66 = vector.extract_strided_slice %get3A_58 {offsets = [2], sizes = [1], strides = [1]} : vector<16xf32> to vector<1xf32>
      %squeeze3A_67 = vector.extract %slice3A_66[0] : f32 from vector<1xf32>
      %slice3A_68 = vector.extract_strided_slice %get3A_58 {offsets = [3], sizes = [1], strides = [1]} : vector<16xf32> to vector<1xf32>
      %squeeze3A_69 = vector.extract %slice3A_68[0] : f32 from vector<1xf32>
      %slice3A_70 = vector.extract_strided_slice %get3A_58 {offsets = [4], sizes = [1], strides = [1]} : vector<16xf32> to vector<1xf32>
      %squeeze3A_71 = vector.extract %slice3A_70[0] : f32 from vector<1xf32>
      %slice3A_72 = vector.extract_strided_slice %get3A_58 {offsets = [5], sizes = [1], strides = [1]} : vector<16xf32> to vector<1xf32>
      %squeeze3A_73 = vector.extract %slice3A_72[0] : f32 from vector<1xf32>
      %slice3A_74 = vector.extract_strided_slice %get3A_58 {offsets = [6], sizes = [1], strides = [1]} : vector<16xf32> to vector<1xf32>
      %squeeze3A_75 = vector.extract %slice3A_74[0] : f32 from vector<1xf32>
      %slice3A_76 = vector.extract_strided_slice %get3A_58 {offsets = [7], sizes = [1], strides = [1]} : vector<16xf32> to vector<1xf32>
      %squeeze3A_77 = vector.extract %slice3A_76[0] : f32 from vector<1xf32>
      %slice3A_78 = vector.extract_strided_slice %get3A_58 {offsets = [8], sizes = [1], strides = [1]} : vector<16xf32> to vector<1xf32>
      %squeeze3A_79 = vector.extract %slice3A_78[0] : f32 from vector<1xf32>
      %slice3A_80 = vector.extract_strided_slice %get3A_58 {offsets = [9], sizes = [1], strides = [1]} : vector<16xf32> to vector<1xf32>
      %squeeze3A_81 = vector.extract %slice3A_80[0] : f32 from vector<1xf32>
      %slice3A_82 = vector.extract_strided_slice %get3A_58 {offsets = [10], sizes = [1], strides = [1]} : vector<16xf32> to vector<1xf32>
      %squeeze3A_83 = vector.extract %slice3A_82[0] : f32 from vector<1xf32>
      %slice3A_84 = vector.extract_strided_slice %get3A_58 {offsets = [11], sizes = [1], strides = [1]} : vector<16xf32> to vector<1xf32>
      %squeeze3A_85 = vector.extract %slice3A_84[0] : f32 from vector<1xf32>
      %slice3A_86 = vector.extract_strided_slice %get3A_58 {offsets = [12], sizes = [1], strides = [1]} : vector<16xf32> to vector<1xf32>
      %squeeze3A_87 = vector.extract %slice3A_86[0] : f32 from vector<1xf32>
      %slice3A_88 = vector.extract_strided_slice %get3A_58 {offsets = [13], sizes = [1], strides = [1]} : vector<16xf32> to vector<1xf32>
      %squeeze3A_89 = vector.extract %slice3A_88[0] : f32 from vector<1xf32>
      %slice3A_90 = vector.extract_strided_slice %get3A_58 {offsets = [14], sizes = [1], strides = [1]} : vector<16xf32> to vector<1xf32>
      %squeeze3A_91 = vector.extract %slice3A_90[0] : f32 from vector<1xf32>
      %slice3A_92 = vector.extract_strided_slice %get3A_58 {offsets = [15], sizes = [1], strides = [1]} : vector<16xf32> to vector<1xf32>
      %squeeze3A_93 = vector.extract %slice3A_92[0] : f32 from vector<1xf32>
      %slice3A_94 = vector.extract_strided_slice %get3A_63 {offsets = [0], sizes = [1], strides = [1]} : vector<16xf32> to vector<1xf32>
      %squeeze3A_95 = vector.extract %slice3A_94[0] : f32 from vector<1xf32>
      %slice3A_96 = vector.extract_strided_slice %get3A_63 {offsets = [1], sizes = [1], strides = [1]} : vector<16xf32> to vector<1xf32>
      %squeeze3A_97 = vector.extract %slice3A_96[0] : f32 from vector<1xf32>
      %slice3A_98 = vector.extract_strided_slice %get3A_63 {offsets = [2], sizes = [1], strides = [1]} : vector<16xf32> to vector<1xf32>
      %squeeze3A_99 = vector.extract %slice3A_98[0] : f32 from vector<1xf32>
      %slice3A_100 = vector.extract_strided_slice %get3A_63 {offsets = [3], sizes = [1], strides = [1]} : vector<16xf32> to vector<1xf32>
      %squeeze3A_101 = vector.extract %slice3A_100[0] : f32 from vector<1xf32>
      %slice3A_102 = vector.extract_strided_slice %get3A_63 {offsets = [4], sizes = [1], strides = [1]} : vector<16xf32> to vector<1xf32>
      %squeeze3A_103 = vector.extract %slice3A_102[0] : f32 from vector<1xf32>
      %slice3A_104 = vector.extract_strided_slice %get3A_63 {offsets = [5], sizes = [1], strides = [1]} : vector<16xf32> to vector<1xf32>
      %squeeze3A_105 = vector.extract %slice3A_104[0] : f32 from vector<1xf32>
      %slice3A_106 = vector.extract_strided_slice %get3A_63 {offsets = [6], sizes = [1], strides = [1]} : vector<16xf32> to vector<1xf32>
      %squeeze3A_107 = vector.extract %slice3A_106[0] : f32 from vector<1xf32>
      %slice3A_108 = vector.extract_strided_slice %get3A_63 {offsets = [7], sizes = [1], strides = [1]} : vector<16xf32> to vector<1xf32>
      %squeeze3A_109 = vector.extract %slice3A_108[0] : f32 from vector<1xf32>
      %slice3A_110 = vector.extract_strided_slice %get3A_63 {offsets = [8], sizes = [1], strides = [1]} : vector<16xf32> to vector<1xf32>
      %squeeze3A_111 = vector.extract %slice3A_110[0] : f32 from vector<1xf32>
      %slice3A_112 = vector.extract_strided_slice %get3A_63 {offsets = [9], sizes = [1], strides = [1]} : vector<16xf32> to vector<1xf32>
      %squeeze3A_113 = vector.extract %slice3A_112[0] : f32 from vector<1xf32>
      %slice3A_114 = vector.extract_strided_slice %get3A_63 {offsets = [10], sizes = [1], strides = [1]} : vector<16xf32> to vector<1xf32>
      %squeeze3A_115 = vector.extract %slice3A_114[0] : f32 from vector<1xf32>
      %slice3A_116 = vector.extract_strided_slice %get3A_63 {offsets = [11], sizes = [1], strides = [1]} : vector<16xf32> to vector<1xf32>
      %squeeze3A_117 = vector.extract %slice3A_116[0] : f32 from vector<1xf32>
      %slice3A_118 = vector.extract_strided_slice %get3A_63 {offsets = [12], sizes = [1], strides = [1]} : vector<16xf32> to vector<1xf32>
      %squeeze3A_119 = vector.extract %slice3A_118[0] : f32 from vector<1xf32>
      %slice3A_120 = vector.extract_strided_slice %get3A_63 {offsets = [13], sizes = [1], strides = [1]} : vector<16xf32> to vector<1xf32>
      %squeeze3A_121 = vector.extract %slice3A_120[0] : f32 from vector<1xf32>
      %slice3A_122 = vector.extract_strided_slice %get3A_63 {offsets = [14], sizes = [1], strides = [1]} : vector<16xf32> to vector<1xf32>
      %squeeze3A_123 = vector.extract %slice3A_122[0] : f32 from vector<1xf32>
      %slice3A_124 = vector.extract_strided_slice %get3A_63 {offsets = [15], sizes = [1], strides = [1]} : vector<16xf32> to vector<1xf32>
      %squeeze3A_125 = vector.extract %slice3A_124[0] : f32 from vector<1xf32>
      %scan3A_126 = arith.constant 0 : i32
      %scan3A_127 = arith.constant 0 : i32
      %scan3A_128 = arith.constant 64 : i32
      %scan3A_129 = arith.addi %scan3A_127, %scan3A_128 : i32
      %scan3A_130 = arith.constant 1 : i32
      scf.for %scan3A_256 = %scan3A_127 to %scan3A_129 step %scan3A_130  : i32 {
        %mul3A_257 = arith.constant 16 : i32
        %mul3A_258 = arith.muli %scan3A_256, %mul3A_257 : i32
        %get3A_259 = arith.constant 0 : i32
        %get3A_260 = arith.index_cast %get3A_259 : i32 to index
        %get3A_261 = arith.index_cast %mul3A_258 : i32 to index
        %get3A_262 = tpu.vector_load %arg16[%get3A_260, %get3A_261] {strides = array<i32>} : memref<16x1024xf32, #tpu.memory_space<vmem>>, vector<1x16xf32>,
        %get3A_263 = vector.shape_cast %get3A_262 : vector<1x16xf32> to vector<16xf32>
        %mul3A_264 = vector.broadcast %squeeze3A : f32 to vector<16xf32>
        %mul3A_265 = arith.mulf %mul3A_264, %get3A_263 : vector<16xf32>
        %get3A_266 = arith.constant 0 : i32
        %get3A_267 = arith.index_cast %get3A_266 : i32 to index
        %get3A_268 = arith.index_cast %mul3A_258 : i32 to index
        %get3A_269 = tpu.vector_load %arg17[%get3A_267, %get3A_268] {strides = array<i32>} : memref<16x1024xf32, #tpu.memory_space<vmem>>, vector<1x16xf32>,
        %get3A_270 = vector.shape_cast %get3A_269 : vector<1x16xf32> to vector<16xf32>
        %mul3A_271 = vector.broadcast %squeeze3A_95 : f32 to vector<16xf32>
        %mul3A_272 = arith.mulf %mul3A_271, %get3A_270 : vector<16xf32>
        %add3A_273 = arith.addf %mul3A_265, %mul3A_272 : vector<16xf32>
        %swap3A = arith.constant 0 : i32
        %swap3A_274 = arith.index_cast %swap3A : i32 to index
        %swap3A_275 = arith.index_cast %mul3A_258 : i32 to index
        %swap3A_276 = tpu.vector_load %arg20[%swap3A_274, %swap3A_275] {strides = array<i32>} : memref<16x1024xf32, #tpu.memory_space<vmem>>, vector<1x16xf32>,
        %swap3A_277 = vector.shape_cast %swap3A_276 : vector<1x16xf32> to vector<16xf32>
        %swap3A_278 = vector.shape_cast %add3A_273 : vector<16xf32> to vector<1x16xf32>
        tpu.vector_store %arg20[%swap3A_274, %swap3A_275], %swap3A_278 {strides = array<i32>} : memref<16x1024xf32, #tpu.memory_space<vmem>>, vector<1x16xf32>,
        %mul3A_279 = arith.constant 16 : i32
        %mul3A_280 = arith.muli %scan3A_256, %mul3A_279 : i32
        %get3A_281 = arith.constant 1 : i32
        %get3A_282 = arith.index_cast %get3A_281 : i32 to index
        %get3A_283 = arith.index_cast %mul3A_280 : i32 to index
        %get3A_284 = tpu.vector_load %arg16[%get3A_282, %get3A_283] {strides = array<i32>} : memref<16x1024xf32, #tpu.memory_space<vmem>>, vector<1x16xf32>,
        %get3A_285 = vector.shape_cast %get3A_284 : vector<1x16xf32> to vector<16xf32>
        %mul3A_286 = vector.broadcast %squeeze3A_65 : f32 to vector<16xf32>
        %mul3A_287 = arith.mulf %mul3A_286, %get3A_285 : vector<16xf32>
        %get3A_288 = arith.constant 1 : i32
        %get3A_289 = arith.index_cast %get3A_288 : i32 to index
        %get3A_290 = arith.index_cast %mul3A_280 : i32 to index
        %get3A_291 = tpu.vector_load %arg17[%get3A_289, %get3A_290] {strides = array<i32>} : memref<16x1024xf32, #tpu.memory_space<vmem>>, vector<1x16xf32>,
        %get3A_292 = vector.shape_cast %get3A_291 : vector<1x16xf32> to vector<16xf32>
        %mul3A_293 = vector.broadcast %squeeze3A_97 : f32 to vector<16xf32>
        %mul3A_294 = arith.mulf %mul3A_293, %get3A_292 : vector<16xf32>
        %add3A_295 = arith.addf %mul3A_287, %mul3A_294 : vector<16xf32>
        %swap3A_296 = arith.constant 1 : i32
        %swap3A_297 = arith.index_cast %swap3A_296 : i32 to index
        %swap3A_298 = arith.index_cast %mul3A_280 : i32 to index
        %swap3A_299 = tpu.vector_load %arg20[%swap3A_297, %swap3A_298] {strides = array<i32>} : memref<16x1024xf32, #tpu.memory_space<vmem>>, vector<1x16xf32>,
        %swap3A_300 = vector.shape_cast %swap3A_299 : vector<1x16xf32> to vector<16xf32>
        %swap3A_301 = vector.shape_cast %add3A_295 : vector<16xf32> to vector<1x16xf32>
        tpu.vector_store %arg20[%swap3A_297, %swap3A_298], %swap3A_301 {strides = array<i32>} : memref<16x1024xf32, #tpu.memory_space<vmem>>, vector<1x16xf32>,
        %mul3A_302 = arith.constant 16 : i32
        %mul3A_303 = arith.muli %scan3A_256, %mul3A_302 : i32
        %get3A_304 = arith.constant 2 : i32
        %get3A_305 = arith.index_cast %get3A_304 : i32 to index
        %get3A_306 = arith.index_cast %mul3A_303 : i32 to index
        %get3A_307 = tpu.vector_load %arg16[%get3A_305, %get3A_306] {strides = array<i32>} : memref<16x1024xf32, #tpu.memory_space<vmem>>, vector<1x16xf32>,
        %get3A_308 = vector.shape_cast %get3A_307 : vector<1x16xf32> to vector<16xf32>
        %mul3A_309 = vector.broadcast %squeeze3A_67 : f32 to vector<16xf32>
        %mul3A_310 = arith.mulf %mul3A_309, %get3A_308 : vector<16xf32>
        %get3A_311 = arith.constant 2 : i32
        %get3A_312 = arith.index_cast %get3A_311 : i32 to index
        %get3A_313 = arith.index_cast %mul3A_303 : i32 to index
        %get3A_314 = tpu.vector_load %arg17[%get3A_312, %get3A_313] {strides = array<i32>} : memref<16x1024xf32, #tpu.memory_space<vmem>>, vector<1x16xf32>,
        %get3A_315 = vector.shape_cast %get3A_314 : vector<1x16xf32> to vector<16xf32>
        %mul3A_316 = vector.broadcast %squeeze3A_99 : f32 to vector<16xf32>
        %mul3A_317 = arith.mulf %mul3A_316, %get3A_315 : vector<16xf32>
        %add3A_318 = arith.addf %mul3A_310, %mul3A_317 : vector<16xf32>
        %swap3A_319 = arith.constant 2 : i32
        %swap3A_320 = arith.index_cast %swap3A_319 : i32 to index
        %swap3A_321 = arith.index_cast %mul3A_303 : i32 to index
        %swap3A_322 = tpu.vector_load %arg20[%swap3A_320, %swap3A_321] {strides = array<i32>} : memref<16x1024xf32, #tpu.memory_space<vmem>>, vector<1x16xf32>,
        %swap3A_323 = vector.shape_cast %swap3A_322 : vector<1x16xf32> to vector<16xf32>
        %swap3A_324 = vector.shape_cast %add3A_318 : vector<16xf32> to vector<1x16xf32>
        tpu.vector_store %arg20[%swap3A_320, %swap3A_321], %swap3A_324 {strides = array<i32>} : memref<16x1024xf32, #tpu.memory_space<vmem>>, vector<1x16xf32>,
        %mul3A_325 = arith.constant 16 : i32
        %mul3A_326 = arith.muli %scan3A_256, %mul3A_325 : i32
        %get3A_327 = arith.constant 3 : i32
        %get3A_328 = arith.index_cast %get3A_327 : i32 to index
        %get3A_329 = arith.index_cast %mul3A_326 : i32 to index
        %get3A_330 = tpu.vector_load %arg16[%get3A_328, %get3A_329] {strides = array<i32>} : memref<16x1024xf32, #tpu.memory_space<vmem>>, vector<1x16xf32>,
        %get3A_331 = vector.shape_cast %get3A_330 : vector<1x16xf32> to vector<16xf32>
        %mul3A_332 = vector.broadcast %squeeze3A_69 : f32 to vector<16xf32>
        %mul3A_333 = arith.mulf %mul3A_332, %get3A_331 : vector<16xf32>
        %get3A_334 = arith.constant 3 : i32
        %get3A_335 = arith.index_cast %get3A_334 : i32 to index
        %get3A_336 = arith.index_cast %mul3A_326 : i32 to index
        %get3A_337 = tpu.vector_load %arg17[%get3A_335, %get3A_336] {strides = array<i32>} : memref<16x1024xf32, #tpu.memory_space<vmem>>, vector<1x16xf32>,
        %get3A_338 = vector.shape_cast %get3A_337 : vector<1x16xf32> to vector<16xf32>
        %mul3A_339 = vector.broadcast %squeeze3A_101 : f32 to vector<16xf32>
        %mul3A_340 = arith.mulf %mul3A_339, %get3A_338 : vector<16xf32>
        %add3A_341 = arith.addf %mul3A_333, %mul3A_340 : vector<16xf32>
        %swap3A_342 = arith.constant 3 : i32
        %swap3A_343 = arith.index_cast %swap3A_342 : i32 to index
        %swap3A_344 = arith.index_cast %mul3A_326 : i32 to index
        %swap3A_345 = tpu.vector_load %arg20[%swap3A_343, %swap3A_344] {strides = array<i32>} : memref<16x1024xf32, #tpu.memory_space<vmem>>, vector<1x16xf32>,
        %swap3A_346 = vector.shape_cast %swap3A_345 : vector<1x16xf32> to vector<16xf32>
        %swap3A_347 = vector.shape_cast %add3A_341 : vector<16xf32> to vector<1x16xf32>
        tpu.vector_store %arg20[%swap3A_343, %swap3A_344], %swap3A_347 {strides = array<i32>} : memref<16x1024xf32, #tpu.memory_space<vmem>>, vector<1x16xf32>,
        %mul3A_348 = arith.constant 16 : i32
        %mul3A_349 = arith.muli %scan3A_256, %mul3A_348 : i32
        %get3A_350 = arith.constant 4 : i32
        %get3A_351 = arith.index_cast %get3A_350 : i32 to index
        %get3A_352 = arith.index_cast %mul3A_349 : i32 to index
        %get3A_353 = tpu.vector_load %arg16[%get3A_351, %get3A_352] {strides = array<i32>} : memref<16x1024xf32, #tpu.memory_space<vmem>>, vector<1x16xf32>,
        %get3A_354 = vector.shape_cast %get3A_353 : vector<1x16xf32> to vector<16xf32>
        %mul3A_355 = vector.broadcast %squeeze3A_71 : f32 to vector<16xf32>
        %mul3A_356 = arith.mulf %mul3A_355, %get3A_354 : vector<16xf32>
        %get3A_357 = arith.constant 4 : i32
        %get3A_358 = arith.index_cast %get3A_357 : i32 to index
        %get3A_359 = arith.index_cast %mul3A_349 : i32 to index
        %get3A_360 = tpu.vector_load %arg17[%get3A_358, %get3A_359] {strides = array<i32>} : memref<16x1024xf32, #tpu.memory_space<vmem>>, vector<1x16xf32>,
        %get3A_361 = vector.shape_cast %get3A_360 : vector<1x16xf32> to vector<16xf32>
        %mul3A_362 = vector.broadcast %squeeze3A_103 : f32 to vector<16xf32>
        %mul3A_363 = arith.mulf %mul3A_362, %get3A_361 : vector<16xf32>
        %add3A_364 = arith.addf %mul3A_356, %mul3A_363 : vector<16xf32>
        %swap3A_365 = arith.constant 4 : i32
        %swap3A_366 = arith.index_cast %swap3A_365 : i32 to index
        %swap3A_367 = arith.index_cast %mul3A_349 : i32 to index
        %swap3A_368 = tpu.vector_load %arg20[%swap3A_366, %swap3A_367] {strides = array<i32>} : memref<16x1024xf32, #tpu.memory_space<vmem>>, vector<1x16xf32>,
        %swap3A_369 = vector.shape_cast %swap3A_368 : vector<1x16xf32> to vector<16xf32>
        %swap3A_370 = vector.shape_cast %add3A_364 : vector<16xf32> to vector<1x16xf32>
        tpu.vector_store %arg20[%swap3A_366, %swap3A_367], %swap3A_370 {strides = array<i32>} : memref<16x1024xf32, #tpu.memory_space<vmem>>, vector<1x16xf32>,
        %mul3A_371 = arith.constant 16 : i32
        %mul3A_372 = arith.muli %scan3A_256, %mul3A_371 : i32
        %get3A_373 = arith.constant 5 : i32
        %get3A_374 = arith.index_cast %get3A_373 : i32 to index
        %get3A_375 = arith.index_cast %mul3A_372 : i32 to index
        %get3A_376 = tpu.vector_load %arg16[%get3A_374, %get3A_375] {strides = array<i32>} : memref<16x1024xf32, #tpu.memory_space<vmem>>, vector<1x16xf32>,
        %get3A_377 = vector.shape_cast %get3A_376 : vector<1x16xf32> to vector<16xf32>
        %mul3A_378 = vector.broadcast %squeeze3A_73 : f32 to vector<16xf32>
        %mul3A_379 = arith.mulf %mul3A_378, %get3A_377 : vector<16xf32>
        %get3A_380 = arith.constant 5 : i32
        %get3A_381 = arith.index_cast %get3A_380 : i32 to index
        %get3A_382 = arith.index_cast %mul3A_372 : i32 to index
        %get3A_383 = tpu.vector_load %arg17[%get3A_381, %get3A_382] {strides = array<i32>} : memref<16x1024xf32, #tpu.memory_space<vmem>>, vector<1x16xf32>,
        %get3A_384 = vector.shape_cast %get3A_383 : vector<1x16xf32> to vector<16xf32>
        %mul3A_385 = vector.broadcast %squeeze3A_105 : f32 to vector<16xf32>
        %mul3A_386 = arith.mulf %mul3A_385, %get3A_384 : vector<16xf32>
        %add3A_387 = arith.addf %mul3A_379, %mul3A_386 : vector<16xf32>
        %swap3A_388 = arith.constant 5 : i32
        %swap3A_389 = arith.index_cast %swap3A_388 : i32 to index
        %swap3A_390 = arith.index_cast %mul3A_372 : i32 to index
        %swap3A_391 = tpu.vector_load %arg20[%swap3A_389, %swap3A_390] {strides = array<i32>} : memref<16x1024xf32, #tpu.memory_space<vmem>>, vector<1x16xf32>,
        %swap3A_392 = vector.shape_cast %swap3A_391 : vector<1x16xf32> to vector<16xf32>
        %swap3A_393 = vector.shape_cast %add3A_387 : vector<16xf32> to vector<1x16xf32>
        tpu.vector_store %arg20[%swap3A_389, %swap3A_390], %swap3A_393 {strides = array<i32>} : memref<16x1024xf32, #tpu.memory_space<vmem>>, vector<1x16xf32>,
        %mul3A_394 = arith.constant 16 : i32
        %mul3A_395 = arith.muli %scan3A_256, %mul3A_394 : i32
        %get3A_396 = arith.constant 6 : i32
        %get3A_397 = arith.index_cast %get3A_396 : i32 to index
        %get3A_398 = arith.index_cast %mul3A_395 : i32 to index
        %get3A_399 = tpu.vector_load %arg16[%get3A_397, %get3A_398] {strides = array<i32>} : memref<16x1024xf32, #tpu.memory_space<vmem>>, vector<1x16xf32>,
        %get3A_400 = vector.shape_cast %get3A_399 : vector<1x16xf32> to vector<16xf32>
        %mul3A_401 = vector.broadcast %squeeze3A_75 : f32 to vector<16xf32>
        %mul3A_402 = arith.mulf %mul3A_401, %get3A_400 : vector<16xf32>
        %get3A_403 = arith.constant 6 : i32
        %get3A_404 = arith.index_cast %get3A_403 : i32 to index
        %get3A_405 = arith.index_cast %mul3A_395 : i32 to index
        %get3A_406 = tpu.vector_load %arg17[%get3A_404, %get3A_405] {strides = array<i32>} : memref<16x1024xf32, #tpu.memory_space<vmem>>, vector<1x16xf32>,
        %get3A_407 = vector.shape_cast %get3A_406 : vector<1x16xf32> to vector<16xf32>
        %mul3A_408 = vector.broadcast %squeeze3A_107 : f32 to vector<16xf32>
        %mul3A_409 = arith.mulf %mul3A_408, %get3A_407 : vector<16xf32>
        %add3A_410 = arith.addf %mul3A_402, %mul3A_409 : vector<16xf32>
        %swap3A_411 = arith.constant 6 : i32
        %swap3A_412 = arith.index_cast %swap3A_411 : i32 to index
        %swap3A_413 = arith.index_cast %mul3A_395 : i32 to index
        %swap3A_414 = tpu.vector_load %arg20[%swap3A_412, %swap3A_413] {strides = array<i32>} : memref<16x1024xf32, #tpu.memory_space<vmem>>, vector<1x16xf32>,
        %swap3A_415 = vector.shape_cast %swap3A_414 : vector<1x16xf32> to vector<16xf32>
        %swap3A_416 = vector.shape_cast %add3A_410 : vector<16xf32> to vector<1x16xf32>
        tpu.vector_store %arg20[%swap3A_412, %swap3A_413], %swap3A_416 {strides = array<i32>} : memref<16x1024xf32, #tpu.memory_space<vmem>>, vector<1x16xf32>,
        %mul3A_417 = arith.constant 16 : i32
        %mul3A_418 = arith.muli %scan3A_256, %mul3A_417 : i32
        %get3A_419 = arith.constant 7 : i32
        %get3A_420 = arith.index_cast %get3A_419 : i32 to index
        %get3A_421 = arith.index_cast %mul3A_418 : i32 to index
        %get3A_422 = tpu.vector_load %arg16[%get3A_420, %get3A_421] {strides = array<i32>} : memref<16x1024xf32, #tpu.memory_space<vmem>>, vector<1x16xf32>,
        %get3A_423 = vector.shape_cast %get3A_422 : vector<1x16xf32> to vector<16xf32>
        %mul3A_424 = vector.broadcast %squeeze3A_77 : f32 to vector<16xf32>
        %mul3A_425 = arith.mulf %mul3A_424, %get3A_423 : vector<16xf32>
        %get3A_426 = arith.constant 7 : i32
        %get3A_427 = arith.index_cast %get3A_426 : i32 to index
        %get3A_428 = arith.index_cast %mul3A_418 : i32 to index
        %get3A_429 = tpu.vector_load %arg17[%get3A_427, %get3A_428] {strides = array<i32>} : memref<16x1024xf32, #tpu.memory_space<vmem>>, vector<1x16xf32>,
        %get3A_430 = vector.shape_cast %get3A_429 : vector<1x16xf32> to vector<16xf32>
        %mul3A_431 = vector.broadcast %squeeze3A_109 : f32 to vector<16xf32>
        %mul3A_432 = arith.mulf %mul3A_431, %get3A_430 : vector<16xf32>
        %add3A_433 = arith.addf %mul3A_425, %mul3A_432 : vector<16xf32>
        %swap3A_434 = arith.constant 7 : i32
        %swap3A_435 = arith.index_cast %swap3A_434 : i32 to index
        %swap3A_436 = arith.index_cast %mul3A_418 : i32 to index
        %swap3A_437 = tpu.vector_load %arg20[%swap3A_435, %swap3A_436] {strides = array<i32>} : memref<16x1024xf32, #tpu.memory_space<vmem>>, vector<1x16xf32>,
        %swap3A_438 = vector.shape_cast %swap3A_437 : vector<1x16xf32> to vector<16xf32>
        %swap3A_439 = vector.shape_cast %add3A_433 : vector<16xf32> to vector<1x16xf32>
        tpu.vector_store %arg20[%swap3A_435, %swap3A_436], %swap3A_439 {strides = array<i32>} : memref<16x1024xf32, #tpu.memory_space<vmem>>, vector<1x16xf32>,
        %mul3A_440 = arith.constant 16 : i32
        %mul3A_441 = arith.muli %scan3A_256, %mul3A_440 : i32
        %get3A_442 = arith.constant 8 : i32
        %get3A_443 = arith.index_cast %get3A_442 : i32 to index
        %get3A_444 = arith.index_cast %mul3A_441 : i32 to index
        %get3A_445 = tpu.vector_load %arg16[%get3A_443, %get3A_444] {strides = array<i32>} : memref<16x1024xf32, #tpu.memory_space<vmem>>, vector<1x16xf32>,
        %get3A_446 = vector.shape_cast %get3A_445 : vector<1x16xf32> to vector<16xf32>
        %mul3A_447 = vector.broadcast %squeeze3A_79 : f32 to vector<16xf32>
        %mul3A_448 = arith.mulf %mul3A_447, %get3A_446 : vector<16xf32>
        %get3A_449 = arith.constant 8 : i32
        %get3A_450 = arith.index_cast %get3A_449 : i32 to index
        %get3A_451 = arith.index_cast %mul3A_441 : i32 to index
        %get3A_452 = tpu.vector_load %arg17[%get3A_450, %get3A_451] {strides = array<i32>} : memref<16x1024xf32, #tpu.memory_space<vmem>>, vector<1x16xf32>,
        %get3A_453 = vector.shape_cast %get3A_452 : vector<1x16xf32> to vector<16xf32>
        %mul3A_454 = vector.broadcast %squeeze3A_111 : f32 to vector<16xf32>
        %mul3A_455 = arith.mulf %mul3A_454, %get3A_453 : vector<16xf32>
        %add3A_456 = arith.addf %mul3A_448, %mul3A_455 : vector<16xf32>
        %swap3A_457 = arith.constant 8 : i32
        %swap3A_458 = arith.index_cast %swap3A_457 : i32 to index
        %swap3A_459 = arith.index_cast %mul3A_441 : i32 to index
        %swap3A_460 = tpu.vector_load %arg20[%swap3A_458, %swap3A_459] {strides = array<i32>} : memref<16x1024xf32, #tpu.memory_space<vmem>>, vector<1x16xf32>,
        %swap3A_461 = vector.shape_cast %swap3A_460 : vector<1x16xf32> to vector<16xf32>
        %swap3A_462 = vector.shape_cast %add3A_456 : vector<16xf32> to vector<1x16xf32>
        tpu.vector_store %arg20[%swap3A_458, %swap3A_459], %swap3A_462 {strides = array<i32>} : memref<16x1024xf32, #tpu.memory_space<vmem>>, vector<1x16xf32>,
        %mul3A_463 = arith.constant 16 : i32
        %mul3A_464 = arith.muli %scan3A_256, %mul3A_463 : i32
        %get3A_465 = arith.constant 9 : i32
        %get3A_466 = arith.index_cast %get3A_465 : i32 to index
        %get3A_467 = arith.index_cast %mul3A_464 : i32 to index
        %get3A_468 = tpu.vector_load %arg16[%get3A_466, %get3A_467] {strides = array<i32>} : memref<16x1024xf32, #tpu.memory_space<vmem>>, vector<1x16xf32>,
        %get3A_469 = vector.shape_cast %get3A_468 : vector<1x16xf32> to vector<16xf32>
        %mul3A_470 = vector.broadcast %squeeze3A_81 : f32 to vector<16xf32>
        %mul3A_471 = arith.mulf %mul3A_470, %get3A_469 : vector<16xf32>
        %get3A_472 = arith.constant 9 : i32
        %get3A_473 = arith.index_cast %get3A_472 : i32 to index
        %get3A_474 = arith.index_cast %mul3A_464 : i32 to index
        %get3A_475 = tpu.vector_load %arg17[%get3A_473, %get3A_474] {strides = array<i32>} : memref<16x1024xf32, #tpu.memory_space<vmem>>, vector<1x16xf32>,
        %get3A_476 = vector.shape_cast %get3A_475 : vector<1x16xf32> to vector<16xf32>
        %mul3A_477 = vector.broadcast %squeeze3A_113 : f32 to vector<16xf32>
        %mul3A_478 = arith.mulf %mul3A_477, %get3A_476 : vector<16xf32>
        %add3A_479 = arith.addf %mul3A_471, %mul3A_478 : vector<16xf32>
        %swap3A_480 = arith.constant 9 : i32
        %swap3A_481 = arith.index_cast %swap3A_480 : i32 to index
        %swap3A_482 = arith.index_cast %mul3A_464 : i32 to index
        %swap3A_483 = tpu.vector_load %arg20[%swap3A_481, %swap3A_482] {strides = array<i32>} : memref<16x1024xf32, #tpu.memory_space<vmem>>, vector<1x16xf32>,
        %swap3A_484 = vector.shape_cast %swap3A_483 : vector<1x16xf32> to vector<16xf32>
        %swap3A_485 = vector.shape_cast %add3A_479 : vector<16xf32> to vector<1x16xf32>
        tpu.vector_store %arg20[%swap3A_481, %swap3A_482], %swap3A_485 {strides = array<i32>} : memref<16x1024xf32, #tpu.memory_space<vmem>>, vector<1x16xf32>,
        %mul3A_486 = arith.constant 16 : i32
        %mul3A_487 = arith.muli %scan3A_256, %mul3A_486 : i32
        %get3A_488 = arith.constant 10 : i32
        %get3A_489 = arith.index_cast %get3A_488 : i32 to index
        %get3A_490 = arith.index_cast %mul3A_487 : i32 to index
        %get3A_491 = tpu.vector_load %arg16[%get3A_489, %get3A_490] {strides = array<i32>} : memref<16x1024xf32, #tpu.memory_space<vmem>>, vector<1x16xf32>,
        %get3A_492 = vector.shape_cast %get3A_491 : vector<1x16xf32> to vector<16xf32>
        %mul3A_493 = vector.broadcast %squeeze3A_83 : f32 to vector<16xf32>
        %mul3A_494 = arith.mulf %mul3A_493, %get3A_492 : vector<16xf32>
        %get3A_495 = arith.constant 10 : i32
        %get3A_496 = arith.index_cast %get3A_495 : i32 to index
        %get3A_497 = arith.index_cast %mul3A_487 : i32 to index
        %get3A_498 = tpu.vector_load %arg17[%get3A_496, %get3A_497] {strides = array<i32>} : memref<16x1024xf32, #tpu.memory_space<vmem>>, vector<1x16xf32>,
        %get3A_499 = vector.shape_cast %get3A_498 : vector<1x16xf32> to vector<16xf32>
        %mul3A_500 = vector.broadcast %squeeze3A_115 : f32 to vector<16xf32>
        %mul3A_501 = arith.mulf %mul3A_500, %get3A_499 : vector<16xf32>
        %add3A_502 = arith.addf %mul3A_494, %mul3A_501 : vector<16xf32>
        %swap3A_503 = arith.constant 10 : i32
        %swap3A_504 = arith.index_cast %swap3A_503 : i32 to index
        %swap3A_505 = arith.index_cast %mul3A_487 : i32 to index
        %swap3A_506 = tpu.vector_load %arg20[%swap3A_504, %swap3A_505] {strides = array<i32>} : memref<16x1024xf32, #tpu.memory_space<vmem>>, vector<1x16xf32>,
        %swap3A_507 = vector.shape_cast %swap3A_506 : vector<1x16xf32> to vector<16xf32>
        %swap3A_508 = vector.shape_cast %add3A_502 : vector<16xf32> to vector<1x16xf32>
        tpu.vector_store %arg20[%swap3A_504, %swap3A_505], %swap3A_508 {strides = array<i32>} : memref<16x1024xf32, #tpu.memory_space<vmem>>, vector<1x16xf32>,
        %mul3A_509 = arith.constant 16 : i32
        %mul3A_510 = arith.muli %scan3A_256, %mul3A_509 : i32
        %get3A_511 = arith.constant 11 : i32
        %get3A_512 = arith.index_cast %get3A_511 : i32 to index
        %get3A_513 = arith.index_cast %mul3A_510 : i32 to index
        %get3A_514 = tpu.vector_load %arg16[%get3A_512, %get3A_513] {strides = array<i32>} : memref<16x1024xf32, #tpu.memory_space<vmem>>, vector<1x16xf32>,
        %get3A_515 = vector.shape_cast %get3A_514 : vector<1x16xf32> to vector<16xf32>
        %mul3A_516 = vector.broadcast %squeeze3A_85 : f32 to vector<16xf32>
        %mul3A_517 = arith.mulf %mul3A_516, %get3A_515 : vector<16xf32>
        %get3A_518 = arith.constant 11 : i32
        %get3A_519 = arith.index_cast %get3A_518 : i32 to index
        %get3A_520 = arith.index_cast %mul3A_510 : i32 to index
        %get3A_521 = tpu.vector_load %arg17[%get3A_519, %get3A_520] {strides = array<i32>} : memref<16x1024xf32, #tpu.memory_space<vmem>>, vector<1x16xf32>,
        %get3A_522 = vector.shape_cast %get3A_521 : vector<1x16xf32> to vector<16xf32>
        %mul3A_523 = vector.broadcast %squeeze3A_117 : f32 to vector<16xf32>
        %mul3A_524 = arith.mulf %mul3A_523, %get3A_522 : vector<16xf32>
        %add3A_525 = arith.addf %mul3A_517, %mul3A_524 : vector<16xf32>
        %swap3A_526 = arith.constant 11 : i32
        %swap3A_527 = arith.index_cast %swap3A_526 : i32 to index
        %swap3A_528 = arith.index_cast %mul3A_510 : i32 to index
        %swap3A_529 = tpu.vector_load %arg20[%swap3A_527, %swap3A_528] {strides = array<i32>} : memref<16x1024xf32, #tpu.memory_space<vmem>>, vector<1x16xf32>,
        %swap3A_530 = vector.shape_cast %swap3A_529 : vector<1x16xf32> to vector<16xf32>
        %swap3A_531 = vector.shape_cast %add3A_525 : vector<16xf32> to vector<1x16xf32>
        tpu.vector_store %arg20[%swap3A_527, %swap3A_528], %swap3A_531 {strides = array<i32>} : memref<16x1024xf32, #tpu.memory_space<vmem>>, vector<1x16xf32>,
        %mul3A_532 = arith.constant 16 : i32
        %mul3A_533 = arith.muli %scan3A_256, %mul3A_532 : i32
        %get3A_534 = arith.constant 12 : i32
        %get3A_535 = arith.index_cast %get3A_534 : i32 to index
        %get3A_536 = arith.index_cast %mul3A_533 : i32 to index
        %get3A_537 = tpu.vector_load %arg16[%get3A_535, %get3A_536] {strides = array<i32>} : memref<16x1024xf32, #tpu.memory_space<vmem>>, vector<1x16xf32>,
        %get3A_538 = vector.shape_cast %get3A_537 : vector<1x16xf32> to vector<16xf32>
        %mul3A_539 = vector.broadcast %squeeze3A_87 : f32 to vector<16xf32>
        %mul3A_540 = arith.mulf %mul3A_539, %get3A_538 : vector<16xf32>
        %get3A_541 = arith.constant 12 : i32
        %get3A_542 = arith.index_cast %get3A_541 : i32 to index
        %get3A_543 = arith.index_cast %mul3A_533 : i32 to index
        %get3A_544 = tpu.vector_load %arg17[%get3A_542, %get3A_543] {strides = array<i32>} : memref<16x1024xf32, #tpu.memory_space<vmem>>, vector<1x16xf32>,
        %get3A_545 = vector.shape_cast %get3A_544 : vector<1x16xf32> to vector<16xf32>
        %mul3A_546 = vector.broadcast %squeeze3A_119 : f32 to vector<16xf32>
        %mul3A_547 = arith.mulf %mul3A_546, %get3A_545 : vector<16xf32>
        %add3A_548 = arith.addf %mul3A_540, %mul3A_547 : vector<16xf32>
        %swap3A_549 = arith.constant 12 : i32
        %swap3A_550 = arith.index_cast %swap3A_549 : i32 to index
        %swap3A_551 = arith.index_cast %mul3A_533 : i32 to index
        %swap3A_552 = tpu.vector_load %arg20[%swap3A_550, %swap3A_551] {strides = array<i32>} : memref<16x1024xf32, #tpu.memory_space<vmem>>, vector<1x16xf32>,
        %swap3A_553 = vector.shape_cast %swap3A_552 : vector<1x16xf32> to vector<16xf32>
        %swap3A_554 = vector.shape_cast %add3A_548 : vector<16xf32> to vector<1x16xf32>
        tpu.vector_store %arg20[%swap3A_550, %swap3A_551], %swap3A_554 {strides = array<i32>} : memref<16x1024xf32, #tpu.memory_space<vmem>>, vector<1x16xf32>,
        %mul3A_555 = arith.constant 16 : i32
        %mul3A_556 = arith.muli %scan3A_256, %mul3A_555 : i32
        %get3A_557 = arith.constant 13 : i32
        %get3A_558 = arith.index_cast %get3A_557 : i32 to index
        %get3A_559 = arith.index_cast %mul3A_556 : i32 to index
        %get3A_560 = tpu.vector_load %arg16[%get3A_558, %get3A_559] {strides = array<i32>} : memref<16x1024xf32, #tpu.memory_space<vmem>>, vector<1x16xf32>,
        %get3A_561 = vector.shape_cast %get3A_560 : vector<1x16xf32> to vector<16xf32>
        %mul3A_562 = vector.broadcast %squeeze3A_89 : f32 to vector<16xf32>
        %mul3A_563 = arith.mulf %mul3A_562, %get3A_561 : vector<16xf32>
        %get3A_564 = arith.constant 13 : i32
        %get3A_565 = arith.index_cast %get3A_564 : i32 to index
        %get3A_566 = arith.index_cast %mul3A_556 : i32 to index
        %get3A_567 = tpu.vector_load %arg17[%get3A_565, %get3A_566] {strides = array<i32>} : memref<16x1024xf32, #tpu.memory_space<vmem>>, vector<1x16xf32>,
        %get3A_568 = vector.shape_cast %get3A_567 : vector<1x16xf32> to vector<16xf32>
        %mul3A_569 = vector.broadcast %squeeze3A_121 : f32 to vector<16xf32>
        %mul3A_570 = arith.mulf %mul3A_569, %get3A_568 : vector<16xf32>
        %add3A_571 = arith.addf %mul3A_563, %mul3A_570 : vector<16xf32>
        %swap3A_572 = arith.constant 13 : i32
        %swap3A_573 = arith.index_cast %swap3A_572 : i32 to index
        %swap3A_574 = arith.index_cast %mul3A_556 : i32 to index
        %swap3A_575 = tpu.vector_load %arg20[%swap3A_573, %swap3A_574] {strides = array<i32>} : memref<16x1024xf32, #tpu.memory_space<vmem>>, vector<1x16xf32>,
        %swap3A_576 = vector.shape_cast %swap3A_575 : vector<1x16xf32> to vector<16xf32>
        %swap3A_577 = vector.shape_cast %add3A_571 : vector<16xf32> to vector<1x16xf32>
        tpu.vector_store %arg20[%swap3A_573, %swap3A_574], %swap3A_577 {strides = array<i32>} : memref<16x1024xf32, #tpu.memory_space<vmem>>, vector<1x16xf32>,
        %mul3A_578 = arith.constant 16 : i32
        %mul3A_579 = arith.muli %scan3A_256, %mul3A_578 : i32
        %get3A_580 = arith.constant 14 : i32
        %get3A_581 = arith.index_cast %get3A_580 : i32 to index
        %get3A_582 = arith.index_cast %mul3A_579 : i32 to index
        %get3A_583 = tpu.vector_load %arg16[%get3A_581, %get3A_582] {strides = array<i32>} : memref<16x1024xf32, #tpu.memory_space<vmem>>, vector<1x16xf32>,
        %get3A_584 = vector.shape_cast %get3A_583 : vector<1x16xf32> to vector<16xf32>
        %mul3A_585 = vector.broadcast %squeeze3A_91 : f32 to vector<16xf32>
        %mul3A_586 = arith.mulf %mul3A_585, %get3A_584 : vector<16xf32>
        %get3A_587 = arith.constant 14 : i32
        %get3A_588 = arith.index_cast %get3A_587 : i32 to index
        %get3A_589 = arith.index_cast %mul3A_579 : i32 to index
        %get3A_590 = tpu.vector_load %arg17[%get3A_588, %get3A_589] {strides = array<i32>} : memref<16x1024xf32, #tpu.memory_space<vmem>>, vector<1x16xf32>,
        %get3A_591 = vector.shape_cast %get3A_590 : vector<1x16xf32> to vector<16xf32>
        %mul3A_592 = vector.broadcast %squeeze3A_123 : f32 to vector<16xf32>
        %mul3A_593 = arith.mulf %mul3A_592, %get3A_591 : vector<16xf32>
        %add3A_594 = arith.addf %mul3A_586, %mul3A_593 : vector<16xf32>
        %swap3A_595 = arith.constant 14 : i32
        %swap3A_596 = arith.index_cast %swap3A_595 : i32 to index
        %swap3A_597 = arith.index_cast %mul3A_579 : i32 to index
        %swap3A_598 = tpu.vector_load %arg20[%swap3A_596, %swap3A_597] {strides = array<i32>} : memref<16x1024xf32, #tpu.memory_space<vmem>>, vector<1x16xf32>,
        %swap3A_599 = vector.shape_cast %swap3A_598 : vector<1x16xf32> to vector<16xf32>
        %swap3A_600 = vector.shape_cast %add3A_594 : vector<16xf32> to vector<1x16xf32>
        tpu.vector_store %arg20[%swap3A_596, %swap3A_597], %swap3A_600 {strides = array<i32>} : memref<16x1024xf32, #tpu.memory_space<vmem>>, vector<1x16xf32>,
        %mul3A_601 = arith.constant 16 : i32
        %mul3A_602 = arith.muli %scan3A_256, %mul3A_601 : i32
        %get3A_603 = arith.constant 15 : i32
        %get3A_604 = arith.index_cast %get3A_603 : i32 to index
        %get3A_605 = arith.index_cast %mul3A_602 : i32 to index
        %get3A_606 = tpu.vector_load %arg16[%get3A_604, %get3A_605] {strides = array<i32>} : memref<16x1024xf32, #tpu.memory_space<vmem>>, vector<1x16xf32>,
        %get3A_607 = vector.shape_cast %get3A_606 : vector<1x16xf32> to vector<16xf32>
        %mul3A_608 = vector.broadcast %squeeze3A_93 : f32 to vector<16xf32>
        %mul3A_609 = arith.mulf %mul3A_608, %get3A_607 : vector<16xf32>
        %get3A_610 = arith.constant 15 : i32
        %get3A_611 = arith.index_cast %get3A_610 : i32 to index
        %get3A_612 = arith.index_cast %mul3A_602 : i32 to index
        %get3A_613 = tpu.vector_load %arg17[%get3A_611, %get3A_612] {strides = array<i32>} : memref<16x1024xf32, #tpu.memory_space<vmem>>, vector<1x16xf32>,
        %get3A_614 = vector.shape_cast %get3A_613 : vector<1x16xf32> to vector<16xf32>
        %mul3A_615 = vector.broadcast %squeeze3A_125 : f32 to vector<16xf32>
        %mul3A_616 = arith.mulf %mul3A_615, %get3A_614 : vector<16xf32>
        %add3A_617 = arith.addf %mul3A_609, %mul3A_616 : vector<16xf32>
        %swap3A_618 = arith.constant 15 : i32
        %swap3A_619 = arith.index_cast %swap3A_618 : i32 to index
        %swap3A_620 = arith.index_cast %mul3A_602 : i32 to index
        %swap3A_621 = tpu.vector_load %arg20[%swap3A_619, %swap3A_620] {strides = array<i32>} : memref<16x1024xf32, #tpu.memory_space<vmem>>, vector<1x16xf32>,
        %swap3A_622 = vector.shape_cast %swap3A_621 : vector<1x16xf32> to vector<16xf32>
        %swap3A_623 = vector.shape_cast %add3A_617 : vector<16xf32> to vector<1x16xf32>
        tpu.vector_store %arg20[%swap3A_619, %swap3A_620], %swap3A_623 {strides = array<i32>} : memref<16x1024xf32, #tpu.memory_space<vmem>>, vector<1x16xf32>,
      }
      %scan3A_131 = arith.constant 64 : i32
      %mul3A_132 = arith.constant 2 : i32
      %mul3A_133 = arith.muli %mul3A_132, %scan3A_28 : i32
      %mul3A_134 = arith.constant 16 : i32
      %mul3A_135 = arith.muli %mul3A_133, %mul3A_134 : i32
      %add3A_136 = arith.addi %mul3A_2, %mul3A_135 : i32
      %dma_start3A = arith.constant 0 : i32
      %dma_start3A_137 = tpu.memref_slice %arg11[%add3A_136, %dma_start3A] : memref<4096x1024xf32, #tpu.memory_space<hbm>> -> memref<16x1024xf32, #tpu.memory_space<hbm>>
      %dma_start3A_138 = arith.constant 0 : i32
      %dma_start3A_139 = tpu.memref_slice %arg11[%add3A_136, %dma_start3A_138] : memref<4096x1024xf32, #tpu.memory_space<hbm>> -> memref<16x1024xf32, #tpu.memory_space<hbm>>
      tpu.enqueue_dma source(%arg20 : memref<16x1024xf32, #tpu.memory_space<vmem>>) target(%dma_start3A_139 : memref<16x1024xf32, #tpu.memory_space<hbm>>) target_semaphore(%arg24 : memref<!tpu.dma_semaphore, #tpu.memory_space<semaphore_mem>>)
      %lt3A = arith.constant 3 : i32
      %lt3A_140 = arith.cmpi slt, %scan3A_28, %lt3A : i32
      %convert_element_type3A_141 = arith.extui %lt3A_140 : i1 to i32
      %cond3A_142 = arith.constant 0 : i32
      %cond3A_143 = arith.cmpi ne, %convert_element_type3A_141, %cond3A_142 : i32
      scf.if %cond3A_143 {
        %mul3A_256 = arith.constant 2 : i32
        %mul3A_257 = arith.muli %mul3A_256, %scan3A_28 : i32
        %add3A_258 = arith.constant 2 : i32
        %add3A_259 = arith.addi %mul3A_257, %add3A_258 : i32
        %scan3A_260 = arith.constant 0 : i32
        %scan3A_261 = arith.constant 0 : i32
        %scan3A_262 = arith.constant 16 : i32
        %scan3A_263 = arith.addi %scan3A_261, %scan3A_262 : i32
        %scan3A_264 = arith.constant 1 : i32
        scf.for %scan3A_266 = %scan3A_261 to %scan3A_263 step %scan3A_264  : i32 {
          %mul3A_267 = arith.constant 16 : i32
          %mul3A_268 = arith.muli %add3A_259, %mul3A_267 : i32
          %add3A_269 = arith.addi %mul3A_268, %scan3A_266 : i32
          %get3A_270 = arith.index_cast %add3A_269 : i32 to index
          %get3A_271 = tpu.vector_load %arg12[%get3A_270] {strides = array<i32>} : memref<144xf32, #tpu.memory_space<vmem>>, vector<16xf32>,
          %get3A_272 = vector.shape_cast %get3A_271 : vector<16xf32> to vector<16xf32>
          %slice3A_273 = vector.extract_strided_slice %get3A_272 {offsets = [0], sizes = [1], strides = [1]} : vector<16xf32> to vector<1xf32>
          %squeeze3A_274 = vector.extract %slice3A_273[0] : f32 from vector<1xf32>
          %mul3A_275 = arith.constant 16 : i32
          %mul3A_276 = arith.muli %add3A_259, %mul3A_275 : i32
          %add3A_277 = arith.addi %mul3A_276, %scan3A_266 : i32
          %get3A_278 = arith.index_cast %add3A_277 : i32 to index
          %get3A_279 = tpu.vector_load %arg13[%get3A_278] {strides = array<i32>} : memref<144xf32, #tpu.memory_space<vmem>>, vector<16xf32>,
          %get3A_280 = vector.shape_cast %get3A_279 : vector<16xf32> to vector<16xf32>
          %slice3A_281 = vector.extract_strided_slice %get3A_280 {offsets = [0], sizes = [1], strides = [1]} : vector<16xf32> to vector<1xf32>
          %squeeze3A_282 = vector.extract %slice3A_281[0] : f32 from vector<1xf32>
          %mul3A_283 = arith.constant 16 : i32
          %mul3A_284 = arith.muli %add3A_259, %mul3A_283 : i32
          %add3A_285 = arith.addi %mul3A_2, %mul3A_284 : i32
          %add3A_286 = arith.addi %add3A_285, %scan3A_266 : i32
          %lt3A_287 = arith.constant 4.000000e+00 : f32
          %lt3A_288 = arith.cmpf olt, %squeeze3A_274, %lt3A_287 : f32
          %convert_element_type3A_289 = arith.extui %lt3A_288 : i1 to i32
          %cond3A_290 = arith.constant 0 : i32
          %cond3A_291 = arith.cmpi ne, %convert_element_type3A_289, %cond3A_290 : i32
          scf.if %cond3A_291 {
            %lt3A_306 = arith.constant 2.000000e+00 : f32
            %lt3A_307 = arith.cmpf olt, %squeeze3A_274, %lt3A_306 : f32
            %convert_element_type3A_308 = arith.extui %lt3A_307 : i1 to i32
            %cond3A_309 = arith.constant 0 : i32
            %cond3A_310 = arith.cmpi ne, %convert_element_type3A_308, %cond3A_309 : i32
            scf.if %cond3A_310 {
              %lt3A_316 = arith.constant 1.000000e+00 : f32
              %lt3A_317 = arith.cmpf olt, %squeeze3A_274, %lt3A_316 : f32
              %convert_element_type3A_318 = arith.extui %lt3A_317 : i1 to i32
              %cond3A_319 = arith.constant 0 : i32
              %cond3A_320 = arith.cmpi ne, %convert_element_type3A_318, %cond3A_319 : i32
              scf.if %cond3A_320 {
                %dma_start3A_326 = arith.constant 0 : i32
                %dma_start3A_327 = tpu.memref_slice %arg16[%scan3A_266, %dma_start3A_326] : memref<16x1024xf32, #tpu.memory_space<vmem>> -> memref<1x1024xf32, #tpu.memory_space<vmem>>
                %dma_start3A_328 = tpu.memref_squeeze %dma_start3A_327 : memref<1x1024xf32, #tpu.memory_space<vmem>> -> memref<1024xf32, #tpu.memory_space<vmem>>
                %dma_start3A_329 = arith.constant 0 : i32
                %dma_start3A_330 = tpu.memref_slice %arg2[%add3A_286, %dma_start3A_329] : memref<4096x1024xf32, #tpu.memory_space<hbm>> -> memref<1x1024xf32, #tpu.memory_space<hbm>>
                %dma_start3A_331 = tpu.memref_squeeze %dma_start3A_330 : memref<1x1024xf32, #tpu.memory_space<hbm>> -> memref<1024xf32, #tpu.memory_space<hbm>>
                %dma_start3A_332 = arith.constant 0 : i32
                %dma_start3A_333 = tpu.memref_slice %arg16[%scan3A_266, %dma_start3A_332] : memref<16x1024xf32, #tpu.memory_space<vmem>> -> memref<1x1024xf32, #tpu.memory_space<vmem>>
                %dma_start3A_334 = tpu.memref_squeeze %dma_start3A_333 : memref<1x1024xf32, #tpu.memory_space<vmem>> -> memref<1024xf32, #tpu.memory_space<vmem>>
                %dma_start3A_335 = arith.constant 0 : i32
                %dma_start3A_336 = tpu.memref_slice %arg2[%add3A_286, %dma_start3A_335] : memref<4096x1024xf32, #tpu.memory_space<hbm>> -> memref<1x1024xf32, #tpu.memory_space<hbm>>
                %dma_start3A_337 = tpu.memref_squeeze %dma_start3A_336 : memref<1x1024xf32, #tpu.memory_space<hbm>> -> memref<1024xf32, #tpu.memory_space<hbm>>
                tpu.enqueue_dma source(%dma_start3A_337 : memref<1024xf32, #tpu.memory_space<hbm>>) target(%dma_start3A_334 : memref<1024xf32, #tpu.memory_space<vmem>>) target_semaphore(%arg22 : memref<!tpu.dma_semaphore, #tpu.memory_space<semaphore_mem>>)
              } else {
              }
              %ge3A_321 = arith.constant 1.000000e+00 : f32
              %ge3A_322 = arith.cmpf oge, %squeeze3A_274, %ge3A_321 : f32
              %convert_element_type3A_323 = arith.extui %ge3A_322 : i1 to i32
              %cond3A_324 = arith.constant 0 : i32
              %cond3A_325 = arith.cmpi ne, %convert_element_type3A_323, %cond3A_324 : i32
              scf.if %cond3A_325 {
                %dma_start3A_326 = arith.constant 0 : i32
                %dma_start3A_327 = tpu.memref_slice %arg16[%scan3A_266, %dma_start3A_326] : memref<16x1024xf32, #tpu.memory_space<vmem>> -> memref<1x1024xf32, #tpu.memory_space<vmem>>
                %dma_start3A_328 = tpu.memref_squeeze %dma_start3A_327 : memref<1x1024xf32, #tpu.memory_space<vmem>> -> memref<1024xf32, #tpu.memory_space<vmem>>
                %dma_start3A_329 = arith.constant 0 : i32
                %dma_start3A_330 = tpu.memref_slice %arg3[%add3A_286, %dma_start3A_329] : memref<4096x1024xf32, #tpu.memory_space<hbm>> -> memref<1x1024xf32, #tpu.memory_space<hbm>>
                %dma_start3A_331 = tpu.memref_squeeze %dma_start3A_330 : memref<1x1024xf32, #tpu.memory_space<hbm>> -> memref<1024xf32, #tpu.memory_space<hbm>>
                %dma_start3A_332 = arith.constant 0 : i32
                %dma_start3A_333 = tpu.memref_slice %arg16[%scan3A_266, %dma_start3A_332] : memref<16x1024xf32, #tpu.memory_space<vmem>> -> memref<1x1024xf32, #tpu.memory_space<vmem>>
                %dma_start3A_334 = tpu.memref_squeeze %dma_start3A_333 : memref<1x1024xf32, #tpu.memory_space<vmem>> -> memref<1024xf32, #tpu.memory_space<vmem>>
                %dma_start3A_335 = arith.constant 0 : i32
                %dma_start3A_336 = tpu.memref_slice %arg3[%add3A_286, %dma_start3A_335] : memref<4096x1024xf32, #tpu.memory_space<hbm>> -> memref<1x1024xf32, #tpu.memory_space<hbm>>
                %dma_start3A_337 = tpu.memref_squeeze %dma_start3A_336 : memref<1x1024xf32, #tpu.memory_space<hbm>> -> memref<1024xf32, #tpu.memory_space<hbm>>
                tpu.enqueue_dma source(%dma_start3A_337 : memref<1024xf32, #tpu.memory_space<hbm>>) target(%dma_start3A_334 : memref<1024xf32, #tpu.memory_space<vmem>>) target_semaphore(%arg22 : memref<!tpu.dma_semaphore, #tpu.memory_space<semaphore_mem>>)
              } else {
              }
            } else {
            }
            %ge3A_311 = arith.constant 2.000000e+00 : f32
            %ge3A_312 = arith.cmpf oge, %squeeze3A_274, %ge3A_311 : f32
            %convert_element_type3A_313 = arith.extui %ge3A_312 : i1 to i32
            %cond3A_314 = arith.constant 0 : i32
            %cond3A_315 = arith.cmpi ne, %convert_element_type3A_313, %cond3A_314 : i32
            scf.if %cond3A_315 {
              %lt3A_316 = arith.constant 3.000000e+00 : f32
              %lt3A_317 = arith.cmpf olt, %squeeze3A_274, %lt3A_316 : f32
              %convert_element_type3A_318 = arith.extui %lt3A_317 : i1 to i32
              %cond3A_319 = arith.constant 0 : i32
              %cond3A_320 = arith.cmpi ne, %convert_element_type3A_318, %cond3A_319 : i32
              scf.if %cond3A_320 {
                %dma_start3A_326 = arith.constant 0 : i32
                %dma_start3A_327 = tpu.memref_slice %arg16[%scan3A_266, %dma_start3A_326] : memref<16x1024xf32, #tpu.memory_space<vmem>> -> memref<1x1024xf32, #tpu.memory_space<vmem>>
                %dma_start3A_328 = tpu.memref_squeeze %dma_start3A_327 : memref<1x1024xf32, #tpu.memory_space<vmem>> -> memref<1024xf32, #tpu.memory_space<vmem>>
                %dma_start3A_329 = arith.constant 0 : i32
                %dma_start3A_330 = tpu.memref_slice %arg4[%add3A_286, %dma_start3A_329] : memref<4096x1024xf32, #tpu.memory_space<hbm>> -> memref<1x1024xf32, #tpu.memory_space<hbm>>
                %dma_start3A_331 = tpu.memref_squeeze %dma_start3A_330 : memref<1x1024xf32, #tpu.memory_space<hbm>> -> memref<1024xf32, #tpu.memory_space<hbm>>
                %dma_start3A_332 = arith.constant 0 : i32
                %dma_start3A_333 = tpu.memref_slice %arg16[%scan3A_266, %dma_start3A_332] : memref<16x1024xf32, #tpu.memory_space<vmem>> -> memref<1x1024xf32, #tpu.memory_space<vmem>>
                %dma_start3A_334 = tpu.memref_squeeze %dma_start3A_333 : memref<1x1024xf32, #tpu.memory_space<vmem>> -> memref<1024xf32, #tpu.memory_space<vmem>>
                %dma_start3A_335 = arith.constant 0 : i32
                %dma_start3A_336 = tpu.memref_slice %arg4[%add3A_286, %dma_start3A_335] : memref<4096x1024xf32, #tpu.memory_space<hbm>> -> memref<1x1024xf32, #tpu.memory_space<hbm>>
                %dma_start3A_337 = tpu.memref_squeeze %dma_start3A_336 : memref<1x1024xf32, #tpu.memory_space<hbm>> -> memref<1024xf32, #tpu.memory_space<hbm>>
                tpu.enqueue_dma source(%dma_start3A_337 : memref<1024xf32, #tpu.memory_space<hbm>>) target(%dma_start3A_334 : memref<1024xf32, #tpu.memory_space<vmem>>) target_semaphore(%arg22 : memref<!tpu.dma_semaphore, #tpu.memory_space<semaphore_mem>>)
              } else {
              }
              %ge3A_321 = arith.constant 3.000000e+00 : f32
              %ge3A_322 = arith.cmpf oge, %squeeze3A_274, %ge3A_321 : f32
              %convert_element_type3A_323 = arith.extui %ge3A_322 : i1 to i32
              %cond3A_324 = arith.constant 0 : i32
              %cond3A_325 = arith.cmpi ne, %convert_element_type3A_323, %cond3A_324 : i32
              scf.if %cond3A_325 {
                %dma_start3A_326 = arith.constant 0 : i32
                %dma_start3A_327 = tpu.memref_slice %arg16[%scan3A_266, %dma_start3A_326] : memref<16x1024xf32, #tpu.memory_space<vmem>> -> memref<1x1024xf32, #tpu.memory_space<vmem>>
                %dma_start3A_328 = tpu.memref_squeeze %dma_start3A_327 : memref<1x1024xf32, #tpu.memory_space<vmem>> -> memref<1024xf32, #tpu.memory_space<vmem>>
                %dma_start3A_329 = arith.constant 0 : i32
                %dma_start3A_330 = tpu.memref_slice %arg5[%add3A_286, %dma_start3A_329] : memref<4096x1024xf32, #tpu.memory_space<hbm>> -> memref<1x1024xf32, #tpu.memory_space<hbm>>
                %dma_start3A_331 = tpu.memref_squeeze %dma_start3A_330 : memref<1x1024xf32, #tpu.memory_space<hbm>> -> memref<1024xf32, #tpu.memory_space<hbm>>
                %dma_start3A_332 = arith.constant 0 : i32
                %dma_start3A_333 = tpu.memref_slice %arg16[%scan3A_266, %dma_start3A_332] : memref<16x1024xf32, #tpu.memory_space<vmem>> -> memref<1x1024xf32, #tpu.memory_space<vmem>>
                %dma_start3A_334 = tpu.memref_squeeze %dma_start3A_333 : memref<1x1024xf32, #tpu.memory_space<vmem>> -> memref<1024xf32, #tpu.memory_space<vmem>>
                %dma_start3A_335 = arith.constant 0 : i32
                %dma_start3A_336 = tpu.memref_slice %arg5[%add3A_286, %dma_start3A_335] : memref<4096x1024xf32, #tpu.memory_space<hbm>> -> memref<1x1024xf32, #tpu.memory_space<hbm>>
                %dma_start3A_337 = tpu.memref_squeeze %dma_start3A_336 : memref<1x1024xf32, #tpu.memory_space<hbm>> -> memref<1024xf32, #tpu.memory_space<hbm>>
                tpu.enqueue_dma source(%dma_start3A_337 : memref<1024xf32, #tpu.memory_space<hbm>>) target(%dma_start3A_334 : memref<1024xf32, #tpu.memory_space<vmem>>) target_semaphore(%arg22 : memref<!tpu.dma_semaphore, #tpu.memory_space<semaphore_mem>>)
              } else {
              }
            } else {
            }
          } else {
          }
          %ge3A = arith.constant 4.000000e+00 : f32
          %ge3A_292 = arith.cmpf oge, %squeeze3A_274, %ge3A : f32
          %convert_element_type3A_293 = arith.extui %ge3A_292 : i1 to i32
          %cond3A_294 = arith.constant 0 : i32
          %cond3A_295 = arith.cmpi ne, %convert_element_type3A_293, %cond3A_294 : i32
          scf.if %cond3A_295 {
            %lt3A_306 = arith.constant 6.000000e+00 : f32
            %lt3A_307 = arith.cmpf olt, %squeeze3A_274, %lt3A_306 : f32
            %convert_element_type3A_308 = arith.extui %lt3A_307 : i1 to i32
            %cond3A_309 = arith.constant 0 : i32
            %cond3A_310 = arith.cmpi ne, %convert_element_type3A_308, %cond3A_309 : i32
            scf.if %cond3A_310 {
              %lt3A_316 = arith.constant 5.000000e+00 : f32
              %lt3A_317 = arith.cmpf olt, %squeeze3A_274, %lt3A_316 : f32
              %convert_element_type3A_318 = arith.extui %lt3A_317 : i1 to i32
              %cond3A_319 = arith.constant 0 : i32
              %cond3A_320 = arith.cmpi ne, %convert_element_type3A_318, %cond3A_319 : i32
              scf.if %cond3A_320 {
                %dma_start3A_326 = arith.constant 0 : i32
                %dma_start3A_327 = tpu.memref_slice %arg16[%scan3A_266, %dma_start3A_326] : memref<16x1024xf32, #tpu.memory_space<vmem>> -> memref<1x1024xf32, #tpu.memory_space<vmem>>
                %dma_start3A_328 = tpu.memref_squeeze %dma_start3A_327 : memref<1x1024xf32, #tpu.memory_space<vmem>> -> memref<1024xf32, #tpu.memory_space<vmem>>
                %dma_start3A_329 = arith.constant 0 : i32
                %dma_start3A_330 = tpu.memref_slice %arg6[%add3A_286, %dma_start3A_329] : memref<4096x1024xf32, #tpu.memory_space<hbm>> -> memref<1x1024xf32, #tpu.memory_space<hbm>>
                %dma_start3A_331 = tpu.memref_squeeze %dma_start3A_330 : memref<1x1024xf32, #tpu.memory_space<hbm>> -> memref<1024xf32, #tpu.memory_space<hbm>>
                %dma_start3A_332 = arith.constant 0 : i32
                %dma_start3A_333 = tpu.memref_slice %arg16[%scan3A_266, %dma_start3A_332] : memref<16x1024xf32, #tpu.memory_space<vmem>> -> memref<1x1024xf32, #tpu.memory_space<vmem>>
                %dma_start3A_334 = tpu.memref_squeeze %dma_start3A_333 : memref<1x1024xf32, #tpu.memory_space<vmem>> -> memref<1024xf32, #tpu.memory_space<vmem>>
                %dma_start3A_335 = arith.constant 0 : i32
                %dma_start3A_336 = tpu.memref_slice %arg6[%add3A_286, %dma_start3A_335] : memref<4096x1024xf32, #tpu.memory_space<hbm>> -> memref<1x1024xf32, #tpu.memory_space<hbm>>
                %dma_start3A_337 = tpu.memref_squeeze %dma_start3A_336 : memref<1x1024xf32, #tpu.memory_space<hbm>> -> memref<1024xf32, #tpu.memory_space<hbm>>
                tpu.enqueue_dma source(%dma_start3A_337 : memref<1024xf32, #tpu.memory_space<hbm>>) target(%dma_start3A_334 : memref<1024xf32, #tpu.memory_space<vmem>>) target_semaphore(%arg22 : memref<!tpu.dma_semaphore, #tpu.memory_space<semaphore_mem>>)
              } else {
              }
              %ge3A_321 = arith.constant 5.000000e+00 : f32
              %ge3A_322 = arith.cmpf oge, %squeeze3A_274, %ge3A_321 : f32
              %convert_element_type3A_323 = arith.extui %ge3A_322 : i1 to i32
              %cond3A_324 = arith.constant 0 : i32
              %cond3A_325 = arith.cmpi ne, %convert_element_type3A_323, %cond3A_324 : i32
              scf.if %cond3A_325 {
                %dma_start3A_326 = arith.constant 0 : i32
                %dma_start3A_327 = tpu.memref_slice %arg16[%scan3A_266, %dma_start3A_326] : memref<16x1024xf32, #tpu.memory_space<vmem>> -> memref<1x1024xf32, #tpu.memory_space<vmem>>
                %dma_start3A_328 = tpu.memref_squeeze %dma_start3A_327 : memref<1x1024xf32, #tpu.memory_space<vmem>> -> memref<1024xf32, #tpu.memory_space<vmem>>
                %dma_start3A_329 = arith.constant 0 : i32
                %dma_start3A_330 = tpu.memref_slice %arg7[%add3A_286, %dma_start3A_329] : memref<4096x1024xf32, #tpu.memory_space<hbm>> -> memref<1x1024xf32, #tpu.memory_space<hbm>>
                %dma_start3A_331 = tpu.memref_squeeze %dma_start3A_330 : memref<1x1024xf32, #tpu.memory_space<hbm>> -> memref<1024xf32, #tpu.memory_space<hbm>>
                %dma_start3A_332 = arith.constant 0 : i32
                %dma_start3A_333 = tpu.memref_slice %arg16[%scan3A_266, %dma_start3A_332] : memref<16x1024xf32, #tpu.memory_space<vmem>> -> memref<1x1024xf32, #tpu.memory_space<vmem>>
                %dma_start3A_334 = tpu.memref_squeeze %dma_start3A_333 : memref<1x1024xf32, #tpu.memory_space<vmem>> -> memref<1024xf32, #tpu.memory_space<vmem>>
                %dma_start3A_335 = arith.constant 0 : i32
                %dma_start3A_336 = tpu.memref_slice %arg7[%add3A_286, %dma_start3A_335] : memref<4096x1024xf32, #tpu.memory_space<hbm>> -> memref<1x1024xf32, #tpu.memory_space<hbm>>
                %dma_start3A_337 = tpu.memref_squeeze %dma_start3A_336 : memref<1x1024xf32, #tpu.memory_space<hbm>> -> memref<1024xf32, #tpu.memory_space<hbm>>
                tpu.enqueue_dma source(%dma_start3A_337 : memref<1024xf32, #tpu.memory_space<hbm>>) target(%dma_start3A_334 : memref<1024xf32, #tpu.memory_space<vmem>>) target_semaphore(%arg22 : memref<!tpu.dma_semaphore, #tpu.memory_space<semaphore_mem>>)
              } else {
              }
            } else {
            }
            %ge3A_311 = arith.constant 6.000000e+00 : f32
            %ge3A_312 = arith.cmpf oge, %squeeze3A_274, %ge3A_311 : f32
            %convert_element_type3A_313 = arith.extui %ge3A_312 : i1 to i32
            %cond3A_314 = arith.constant 0 : i32
            %cond3A_315 = arith.cmpi ne, %convert_element_type3A_313, %cond3A_314 : i32
            scf.if %cond3A_315 {
              %lt3A_316 = arith.constant 7.000000e+00 : f32
              %lt3A_317 = arith.cmpf olt, %squeeze3A_274, %lt3A_316 : f32
              %convert_element_type3A_318 = arith.extui %lt3A_317 : i1 to i32
              %cond3A_319 = arith.constant 0 : i32
              %cond3A_320 = arith.cmpi ne, %convert_element_type3A_318, %cond3A_319 : i32
              scf.if %cond3A_320 {
                %dma_start3A_326 = arith.constant 0 : i32
                %dma_start3A_327 = tpu.memref_slice %arg16[%scan3A_266, %dma_start3A_326] : memref<16x1024xf32, #tpu.memory_space<vmem>> -> memref<1x1024xf32, #tpu.memory_space<vmem>>
                %dma_start3A_328 = tpu.memref_squeeze %dma_start3A_327 : memref<1x1024xf32, #tpu.memory_space<vmem>> -> memref<1024xf32, #tpu.memory_space<vmem>>
                %dma_start3A_329 = arith.constant 0 : i32
                %dma_start3A_330 = tpu.memref_slice %arg8[%add3A_286, %dma_start3A_329] : memref<4096x1024xf32, #tpu.memory_space<hbm>> -> memref<1x1024xf32, #tpu.memory_space<hbm>>
                %dma_start3A_331 = tpu.memref_squeeze %dma_start3A_330 : memref<1x1024xf32, #tpu.memory_space<hbm>> -> memref<1024xf32, #tpu.memory_space<hbm>>
                %dma_start3A_332 = arith.constant 0 : i32
                %dma_start3A_333 = tpu.memref_slice %arg16[%scan3A_266, %dma_start3A_332] : memref<16x1024xf32, #tpu.memory_space<vmem>> -> memref<1x1024xf32, #tpu.memory_space<vmem>>
                %dma_start3A_334 = tpu.memref_squeeze %dma_start3A_333 : memref<1x1024xf32, #tpu.memory_space<vmem>> -> memref<1024xf32, #tpu.memory_space<vmem>>
                %dma_start3A_335 = arith.constant 0 : i32
                %dma_start3A_336 = tpu.memref_slice %arg8[%add3A_286, %dma_start3A_335] : memref<4096x1024xf32, #tpu.memory_space<hbm>> -> memref<1x1024xf32, #tpu.memory_space<hbm>>
                %dma_start3A_337 = tpu.memref_squeeze %dma_start3A_336 : memref<1x1024xf32, #tpu.memory_space<hbm>> -> memref<1024xf32, #tpu.memory_space<hbm>>
                tpu.enqueue_dma source(%dma_start3A_337 : memref<1024xf32, #tpu.memory_space<hbm>>) target(%dma_start3A_334 : memref<1024xf32, #tpu.memory_space<vmem>>) target_semaphore(%arg22 : memref<!tpu.dma_semaphore, #tpu.memory_space<semaphore_mem>>)
              } else {
              }
              %ge3A_321 = arith.constant 7.000000e+00 : f32
              %ge3A_322 = arith.cmpf oge, %squeeze3A_274, %ge3A_321 : f32
              %convert_element_type3A_323 = arith.extui %ge3A_322 : i1 to i32
              %cond3A_324 = arith.constant 0 : i32
              %cond3A_325 = arith.cmpi ne, %convert_element_type3A_323, %cond3A_324 : i32
              scf.if %cond3A_325 {
                %dma_start3A_326 = arith.constant 0 : i32
                %dma_start3A_327 = tpu.memref_slice %arg16[%scan3A_266, %dma_start3A_326] : memref<16x1024xf32, #tpu.memory_space<vmem>> -> memref<1x1024xf32, #tpu.memory_space<vmem>>
                %dma_start3A_328 = tpu.memref_squeeze %dma_start3A_327 : memref<1x1024xf32, #tpu.memory_space<vmem>> -> memref<1024xf32, #tpu.memory_space<vmem>>
                %dma_start3A_329 = arith.constant 0 : i32
                %dma_start3A_330 = tpu.memref_slice %arg9[%add3A_286, %dma_start3A_329] : memref<4096x1024xf32, #tpu.memory_space<hbm>> -> memref<1x1024xf32, #tpu.memory_space<hbm>>
                %dma_start3A_331 = tpu.memref_squeeze %dma_start3A_330 : memref<1x1024xf32, #tpu.memory_space<hbm>> -> memref<1024xf32, #tpu.memory_space<hbm>>
                %dma_start3A_332 = arith.constant 0 : i32
                %dma_start3A_333 = tpu.memref_slice %arg16[%scan3A_266, %dma_start3A_332] : memref<16x1024xf32, #tpu.memory_space<vmem>> -> memref<1x1024xf32, #tpu.memory_space<vmem>>
                %dma_start3A_334 = tpu.memref_squeeze %dma_start3A_333 : memref<1x1024xf32, #tpu.memory_space<vmem>> -> memref<1024xf32, #tpu.memory_space<vmem>>
                %dma_start3A_335 = arith.constant 0 : i32
                %dma_start3A_336 = tpu.memref_slice %arg9[%add3A_286, %dma_start3A_335] : memref<4096x1024xf32, #tpu.memory_space<hbm>> -> memref<1x1024xf32, #tpu.memory_space<hbm>>
                %dma_start3A_337 = tpu.memref_squeeze %dma_start3A_336 : memref<1x1024xf32, #tpu.memory_space<hbm>> -> memref<1024xf32, #tpu.memory_space<hbm>>
                tpu.enqueue_dma source(%dma_start3A_337 : memref<1024xf32, #tpu.memory_space<hbm>>) target(%dma_start3A_334 : memref<1024xf32, #tpu.memory_space<vmem>>) target_semaphore(%arg22 : memref<!tpu.dma_semaphore, #tpu.memory_space<semaphore_mem>>)
              } else {
              }
            } else {
            }
          } else {
          }
          %lt3A_296 = arith.constant 4.000000e+00 : f32
          %lt3A_297 = arith.cmpf olt, %squeeze3A_282, %lt3A_296 : f32
          %convert_element_type3A_298 = arith.extui %lt3A_297 : i1 to i32
          %cond3A_299 = arith.constant 0 : i32
          %cond3A_300 = arith.cmpi ne, %convert_element_type3A_298, %cond3A_299 : i32
          scf.if %cond3A_300 {
            %lt3A_306 = arith.constant 2.000000e+00 : f32
            %lt3A_307 = arith.cmpf olt, %squeeze3A_282, %lt3A_306 : f32
            %convert_element_type3A_308 = arith.extui %lt3A_307 : i1 to i32
            %cond3A_309 = arith.constant 0 : i32
            %cond3A_310 = arith.cmpi ne, %convert_element_type3A_308, %cond3A_309 : i32
            scf.if %cond3A_310 {
              %lt3A_316 = arith.constant 1.000000e+00 : f32
              %lt3A_317 = arith.cmpf olt, %squeeze3A_282, %lt3A_316 : f32
              %convert_element_type3A_318 = arith.extui %lt3A_317 : i1 to i32
              %cond3A_319 = arith.constant 0 : i32
              %cond3A_320 = arith.cmpi ne, %convert_element_type3A_318, %cond3A_319 : i32
              scf.if %cond3A_320 {
                %dma_start3A_326 = arith.constant 0 : i32
                %dma_start3A_327 = tpu.memref_slice %arg17[%scan3A_266, %dma_start3A_326] : memref<16x1024xf32, #tpu.memory_space<vmem>> -> memref<1x1024xf32, #tpu.memory_space<vmem>>
                %dma_start3A_328 = tpu.memref_squeeze %dma_start3A_327 : memref<1x1024xf32, #tpu.memory_space<vmem>> -> memref<1024xf32, #tpu.memory_space<vmem>>
                %dma_start3A_329 = arith.constant 0 : i32
                %dma_start3A_330 = tpu.memref_slice %arg2[%add3A_286, %dma_start3A_329] : memref<4096x1024xf32, #tpu.memory_space<hbm>> -> memref<1x1024xf32, #tpu.memory_space<hbm>>
                %dma_start3A_331 = tpu.memref_squeeze %dma_start3A_330 : memref<1x1024xf32, #tpu.memory_space<hbm>> -> memref<1024xf32, #tpu.memory_space<hbm>>
                %dma_start3A_332 = arith.constant 0 : i32
                %dma_start3A_333 = tpu.memref_slice %arg17[%scan3A_266, %dma_start3A_332] : memref<16x1024xf32, #tpu.memory_space<vmem>> -> memref<1x1024xf32, #tpu.memory_space<vmem>>
                %dma_start3A_334 = tpu.memref_squeeze %dma_start3A_333 : memref<1x1024xf32, #tpu.memory_space<vmem>> -> memref<1024xf32, #tpu.memory_space<vmem>>
                %dma_start3A_335 = arith.constant 0 : i32
                %dma_start3A_336 = tpu.memref_slice %arg2[%add3A_286, %dma_start3A_335] : memref<4096x1024xf32, #tpu.memory_space<hbm>> -> memref<1x1024xf32, #tpu.memory_space<hbm>>
                %dma_start3A_337 = tpu.memref_squeeze %dma_start3A_336 : memref<1x1024xf32, #tpu.memory_space<hbm>> -> memref<1024xf32, #tpu.memory_space<hbm>>
                tpu.enqueue_dma source(%dma_start3A_337 : memref<1024xf32, #tpu.memory_space<hbm>>) target(%dma_start3A_334 : memref<1024xf32, #tpu.memory_space<vmem>>) target_semaphore(%arg22 : memref<!tpu.dma_semaphore, #tpu.memory_space<semaphore_mem>>)
              } else {
              }
              %ge3A_321 = arith.constant 1.000000e+00 : f32
              %ge3A_322 = arith.cmpf oge, %squeeze3A_282, %ge3A_321 : f32
              %convert_element_type3A_323 = arith.extui %ge3A_322 : i1 to i32
              %cond3A_324 = arith.constant 0 : i32
              %cond3A_325 = arith.cmpi ne, %convert_element_type3A_323, %cond3A_324 : i32
              scf.if %cond3A_325 {
                %dma_start3A_326 = arith.constant 0 : i32
                %dma_start3A_327 = tpu.memref_slice %arg17[%scan3A_266, %dma_start3A_326] : memref<16x1024xf32, #tpu.memory_space<vmem>> -> memref<1x1024xf32, #tpu.memory_space<vmem>>
                %dma_start3A_328 = tpu.memref_squeeze %dma_start3A_327 : memref<1x1024xf32, #tpu.memory_space<vmem>> -> memref<1024xf32, #tpu.memory_space<vmem>>
                %dma_start3A_329 = arith.constant 0 : i32
                %dma_start3A_330 = tpu.memref_slice %arg3[%add3A_286, %dma_start3A_329] : memref<4096x1024xf32, #tpu.memory_space<hbm>> -> memref<1x1024xf32, #tpu.memory_space<hbm>>
                %dma_start3A_331 = tpu.memref_squeeze %dma_start3A_330 : memref<1x1024xf32, #tpu.memory_space<hbm>> -> memref<1024xf32, #tpu.memory_space<hbm>>
                %dma_start3A_332 = arith.constant 0 : i32
                %dma_start3A_333 = tpu.memref_slice %arg17[%scan3A_266, %dma_start3A_332] : memref<16x1024xf32, #tpu.memory_space<vmem>> -> memref<1x1024xf32, #tpu.memory_space<vmem>>
                %dma_start3A_334 = tpu.memref_squeeze %dma_start3A_333 : memref<1x1024xf32, #tpu.memory_space<vmem>> -> memref<1024xf32, #tpu.memory_space<vmem>>
                %dma_start3A_335 = arith.constant 0 : i32
                %dma_start3A_336 = tpu.memref_slice %arg3[%add3A_286, %dma_start3A_335] : memref<4096x1024xf32, #tpu.memory_space<hbm>> -> memref<1x1024xf32, #tpu.memory_space<hbm>>
                %dma_start3A_337 = tpu.memref_squeeze %dma_start3A_336 : memref<1x1024xf32, #tpu.memory_space<hbm>> -> memref<1024xf32, #tpu.memory_space<hbm>>
                tpu.enqueue_dma source(%dma_start3A_337 : memref<1024xf32, #tpu.memory_space<hbm>>) target(%dma_start3A_334 : memref<1024xf32, #tpu.memory_space<vmem>>) target_semaphore(%arg22 : memref<!tpu.dma_semaphore, #tpu.memory_space<semaphore_mem>>)
              } else {
              }
            } else {
            }
            %ge3A_311 = arith.constant 2.000000e+00 : f32
            %ge3A_312 = arith.cmpf oge, %squeeze3A_282, %ge3A_311 : f32
            %convert_element_type3A_313 = arith.extui %ge3A_312 : i1 to i32
            %cond3A_314 = arith.constant 0 : i32
            %cond3A_315 = arith.cmpi ne, %convert_element_type3A_313, %cond3A_314 : i32
            scf.if %cond3A_315 {
              %lt3A_316 = arith.constant 3.000000e+00 : f32
              %lt3A_317 = arith.cmpf olt, %squeeze3A_282, %lt3A_316 : f32
              %convert_element_type3A_318 = arith.extui %lt3A_317 : i1 to i32
              %cond3A_319 = arith.constant 0 : i32
              %cond3A_320 = arith.cmpi ne, %convert_element_type3A_318, %cond3A_319 : i32
              scf.if %cond3A_320 {
                %dma_start3A_326 = arith.constant 0 : i32
                %dma_start3A_327 = tpu.memref_slice %arg17[%scan3A_266, %dma_start3A_326] : memref<16x1024xf32, #tpu.memory_space<vmem>> -> memref<1x1024xf32, #tpu.memory_space<vmem>>
                %dma_start3A_328 = tpu.memref_squeeze %dma_start3A_327 : memref<1x1024xf32, #tpu.memory_space<vmem>> -> memref<1024xf32, #tpu.memory_space<vmem>>
                %dma_start3A_329 = arith.constant 0 : i32
                %dma_start3A_330 = tpu.memref_slice %arg4[%add3A_286, %dma_start3A_329] : memref<4096x1024xf32, #tpu.memory_space<hbm>> -> memref<1x1024xf32, #tpu.memory_space<hbm>>
                %dma_start3A_331 = tpu.memref_squeeze %dma_start3A_330 : memref<1x1024xf32, #tpu.memory_space<hbm>> -> memref<1024xf32, #tpu.memory_space<hbm>>
                %dma_start3A_332 = arith.constant 0 : i32
                %dma_start3A_333 = tpu.memref_slice %arg17[%scan3A_266, %dma_start3A_332] : memref<16x1024xf32, #tpu.memory_space<vmem>> -> memref<1x1024xf32, #tpu.memory_space<vmem>>
                %dma_start3A_334 = tpu.memref_squeeze %dma_start3A_333 : memref<1x1024xf32, #tpu.memory_space<vmem>> -> memref<1024xf32, #tpu.memory_space<vmem>>
                %dma_start3A_335 = arith.constant 0 : i32
                %dma_start3A_336 = tpu.memref_slice %arg4[%add3A_286, %dma_start3A_335] : memref<4096x1024xf32, #tpu.memory_space<hbm>> -> memref<1x1024xf32, #tpu.memory_space<hbm>>
                %dma_start3A_337 = tpu.memref_squeeze %dma_start3A_336 : memref<1x1024xf32, #tpu.memory_space<hbm>> -> memref<1024xf32, #tpu.memory_space<hbm>>
                tpu.enqueue_dma source(%dma_start3A_337 : memref<1024xf32, #tpu.memory_space<hbm>>) target(%dma_start3A_334 : memref<1024xf32, #tpu.memory_space<vmem>>) target_semaphore(%arg22 : memref<!tpu.dma_semaphore, #tpu.memory_space<semaphore_mem>>)
              } else {
              }
              %ge3A_321 = arith.constant 3.000000e+00 : f32
              %ge3A_322 = arith.cmpf oge, %squeeze3A_282, %ge3A_321 : f32
              %convert_element_type3A_323 = arith.extui %ge3A_322 : i1 to i32
              %cond3A_324 = arith.constant 0 : i32
              %cond3A_325 = arith.cmpi ne, %convert_element_type3A_323, %cond3A_324 : i32
              scf.if %cond3A_325 {
                %dma_start3A_326 = arith.constant 0 : i32
                %dma_start3A_327 = tpu.memref_slice %arg17[%scan3A_266, %dma_start3A_326] : memref<16x1024xf32, #tpu.memory_space<vmem>> -> memref<1x1024xf32, #tpu.memory_space<vmem>>
                %dma_start3A_328 = tpu.memref_squeeze %dma_start3A_327 : memref<1x1024xf32, #tpu.memory_space<vmem>> -> memref<1024xf32, #tpu.memory_space<vmem>>
                %dma_start3A_329 = arith.constant 0 : i32
                %dma_start3A_330 = tpu.memref_slice %arg5[%add3A_286, %dma_start3A_329] : memref<4096x1024xf32, #tpu.memory_space<hbm>> -> memref<1x1024xf32, #tpu.memory_space<hbm>>
                %dma_start3A_331 = tpu.memref_squeeze %dma_start3A_330 : memref<1x1024xf32, #tpu.memory_space<hbm>> -> memref<1024xf32, #tpu.memory_space<hbm>>
                %dma_start3A_332 = arith.constant 0 : i32
                %dma_start3A_333 = tpu.memref_slice %arg17[%scan3A_266, %dma_start3A_332] : memref<16x1024xf32, #tpu.memory_space<vmem>> -> memref<1x1024xf32, #tpu.memory_space<vmem>>
                %dma_start3A_334 = tpu.memref_squeeze %dma_start3A_333 : memref<1x1024xf32, #tpu.memory_space<vmem>> -> memref<1024xf32, #tpu.memory_space<vmem>>
                %dma_start3A_335 = arith.constant 0 : i32
                %dma_start3A_336 = tpu.memref_slice %arg5[%add3A_286, %dma_start3A_335] : memref<4096x1024xf32, #tpu.memory_space<hbm>> -> memref<1x1024xf32, #tpu.memory_space<hbm>>
                %dma_start3A_337 = tpu.memref_squeeze %dma_start3A_336 : memref<1x1024xf32, #tpu.memory_space<hbm>> -> memref<1024xf32, #tpu.memory_space<hbm>>
                tpu.enqueue_dma source(%dma_start3A_337 : memref<1024xf32, #tpu.memory_space<hbm>>) target(%dma_start3A_334 : memref<1024xf32, #tpu.memory_space<vmem>>) target_semaphore(%arg22 : memref<!tpu.dma_semaphore, #tpu.memory_space<semaphore_mem>>)
              } else {
              }
            } else {
            }
          } else {
          }
          %ge3A_301 = arith.constant 4.000000e+00 : f32
          %ge3A_302 = arith.cmpf oge, %squeeze3A_282, %ge3A_301 : f32
          %convert_element_type3A_303 = arith.extui %ge3A_302 : i1 to i32
          %cond3A_304 = arith.constant 0 : i32
          %cond3A_305 = arith.cmpi ne, %convert_element_type3A_303, %cond3A_304 : i32
          scf.if %cond3A_305 {
            %lt3A_306 = arith.constant 6.000000e+00 : f32
            %lt3A_307 = arith.cmpf olt, %squeeze3A_282, %lt3A_306 : f32
            %convert_element_type3A_308 = arith.extui %lt3A_307 : i1 to i32
            %cond3A_309 = arith.constant 0 : i32
            %cond3A_310 = arith.cmpi ne, %convert_element_type3A_308, %cond3A_309 : i32
            scf.if %cond3A_310 {
              %lt3A_316 = arith.constant 5.000000e+00 : f32
              %lt3A_317 = arith.cmpf olt, %squeeze3A_282, %lt3A_316 : f32
              %convert_element_type3A_318 = arith.extui %lt3A_317 : i1 to i32
              %cond3A_319 = arith.constant 0 : i32
              %cond3A_320 = arith.cmpi ne, %convert_element_type3A_318, %cond3A_319 : i32
              scf.if %cond3A_320 {
                %dma_start3A_326 = arith.constant 0 : i32
                %dma_start3A_327 = tpu.memref_slice %arg17[%scan3A_266, %dma_start3A_326] : memref<16x1024xf32, #tpu.memory_space<vmem>> -> memref<1x1024xf32, #tpu.memory_space<vmem>>
                %dma_start3A_328 = tpu.memref_squeeze %dma_start3A_327 : memref<1x1024xf32, #tpu.memory_space<vmem>> -> memref<1024xf32, #tpu.memory_space<vmem>>
                %dma_start3A_329 = arith.constant 0 : i32
                %dma_start3A_330 = tpu.memref_slice %arg6[%add3A_286, %dma_start3A_329] : memref<4096x1024xf32, #tpu.memory_space<hbm>> -> memref<1x1024xf32, #tpu.memory_space<hbm>>
                %dma_start3A_331 = tpu.memref_squeeze %dma_start3A_330 : memref<1x1024xf32, #tpu.memory_space<hbm>> -> memref<1024xf32, #tpu.memory_space<hbm>>
                %dma_start3A_332 = arith.constant 0 : i32
                %dma_start3A_333 = tpu.memref_slice %arg17[%scan3A_266, %dma_start3A_332] : memref<16x1024xf32, #tpu.memory_space<vmem>> -> memref<1x1024xf32, #tpu.memory_space<vmem>>
                %dma_start3A_334 = tpu.memref_squeeze %dma_start3A_333 : memref<1x1024xf32, #tpu.memory_space<vmem>> -> memref<1024xf32, #tpu.memory_space<vmem>>
                %dma_start3A_335 = arith.constant 0 : i32
                %dma_start3A_336 = tpu.memref_slice %arg6[%add3A_286, %dma_start3A_335] : memref<4096x1024xf32, #tpu.memory_space<hbm>> -> memref<1x1024xf32, #tpu.memory_space<hbm>>
                %dma_start3A_337 = tpu.memref_squeeze %dma_start3A_336 : memref<1x1024xf32, #tpu.memory_space<hbm>> -> memref<1024xf32, #tpu.memory_space<hbm>>
                tpu.enqueue_dma source(%dma_start3A_337 : memref<1024xf32, #tpu.memory_space<hbm>>) target(%dma_start3A_334 : memref<1024xf32, #tpu.memory_space<vmem>>) target_semaphore(%arg22 : memref<!tpu.dma_semaphore, #tpu.memory_space<semaphore_mem>>)
              } else {
              }
              %ge3A_321 = arith.constant 5.000000e+00 : f32
              %ge3A_322 = arith.cmpf oge, %squeeze3A_282, %ge3A_321 : f32
              %convert_element_type3A_323 = arith.extui %ge3A_322 : i1 to i32
              %cond3A_324 = arith.constant 0 : i32
              %cond3A_325 = arith.cmpi ne, %convert_element_type3A_323, %cond3A_324 : i32
              scf.if %cond3A_325 {
                %dma_start3A_326 = arith.constant 0 : i32
                %dma_start3A_327 = tpu.memref_slice %arg17[%scan3A_266, %dma_start3A_326] : memref<16x1024xf32, #tpu.memory_space<vmem>> -> memref<1x1024xf32, #tpu.memory_space<vmem>>
                %dma_start3A_328 = tpu.memref_squeeze %dma_start3A_327 : memref<1x1024xf32, #tpu.memory_space<vmem>> -> memref<1024xf32, #tpu.memory_space<vmem>>
                %dma_start3A_329 = arith.constant 0 : i32
                %dma_start3A_330 = tpu.memref_slice %arg7[%add3A_286, %dma_start3A_329] : memref<4096x1024xf32, #tpu.memory_space<hbm>> -> memref<1x1024xf32, #tpu.memory_space<hbm>>
                %dma_start3A_331 = tpu.memref_squeeze %dma_start3A_330 : memref<1x1024xf32, #tpu.memory_space<hbm>> -> memref<1024xf32, #tpu.memory_space<hbm>>
                %dma_start3A_332 = arith.constant 0 : i32
                %dma_start3A_333 = tpu.memref_slice %arg17[%scan3A_266, %dma_start3A_332] : memref<16x1024xf32, #tpu.memory_space<vmem>> -> memref<1x1024xf32, #tpu.memory_space<vmem>>
                %dma_start3A_334 = tpu.memref_squeeze %dma_start3A_333 : memref<1x1024xf32, #tpu.memory_space<vmem>> -> memref<1024xf32, #tpu.memory_space<vmem>>
                %dma_start3A_335 = arith.constant 0 : i32
                %dma_start3A_336 = tpu.memref_slice %arg7[%add3A_286, %dma_start3A_335] : memref<4096x1024xf32, #tpu.memory_space<hbm>> -> memref<1x1024xf32, #tpu.memory_space<hbm>>
                %dma_start3A_337 = tpu.memref_squeeze %dma_start3A_336 : memref<1x1024xf32, #tpu.memory_space<hbm>> -> memref<1024xf32, #tpu.memory_space<hbm>>
                tpu.enqueue_dma source(%dma_start3A_337 : memref<1024xf32, #tpu.memory_space<hbm>>) target(%dma_start3A_334 : memref<1024xf32, #tpu.memory_space<vmem>>) target_semaphore(%arg22 : memref<!tpu.dma_semaphore, #tpu.memory_space<semaphore_mem>>)
              } else {
              }
            } else {
            }
            %ge3A_311 = arith.constant 6.000000e+00 : f32
            %ge3A_312 = arith.cmpf oge, %squeeze3A_282, %ge3A_311 : f32
            %convert_element_type3A_313 = arith.extui %ge3A_312 : i1 to i32
            %cond3A_314 = arith.constant 0 : i32
            %cond3A_315 = arith.cmpi ne, %convert_element_type3A_313, %cond3A_314 : i32
            scf.if %cond3A_315 {
              %lt3A_316 = arith.constant 7.000000e+00 : f32
              %lt3A_317 = arith.cmpf olt, %squeeze3A_282, %lt3A_316 : f32
              %convert_element_type3A_318 = arith.extui %lt3A_317 : i1 to i32
              %cond3A_319 = arith.constant 0 : i32
              %cond3A_320 = arith.cmpi ne, %convert_element_type3A_318, %cond3A_319 : i32
              scf.if %cond3A_320 {
                %dma_start3A_326 = arith.constant 0 : i32
                %dma_start3A_327 = tpu.memref_slice %arg17[%scan3A_266, %dma_start3A_326] : memref<16x1024xf32, #tpu.memory_space<vmem>> -> memref<1x1024xf32, #tpu.memory_space<vmem>>
                %dma_start3A_328 = tpu.memref_squeeze %dma_start3A_327 : memref<1x1024xf32, #tpu.memory_space<vmem>> -> memref<1024xf32, #tpu.memory_space<vmem>>
                %dma_start3A_329 = arith.constant 0 : i32
                %dma_start3A_330 = tpu.memref_slice %arg8[%add3A_286, %dma_start3A_329] : memref<4096x1024xf32, #tpu.memory_space<hbm>> -> memref<1x1024xf32, #tpu.memory_space<hbm>>
                %dma_start3A_331 = tpu.memref_squeeze %dma_start3A_330 : memref<1x1024xf32, #tpu.memory_space<hbm>> -> memref<1024xf32, #tpu.memory_space<hbm>>
                %dma_start3A_332 = arith.constant 0 : i32
                %dma_start3A_333 = tpu.memref_slice %arg17[%scan3A_266, %dma_start3A_332] : memref<16x1024xf32, #tpu.memory_space<vmem>> -> memref<1x1024xf32, #tpu.memory_space<vmem>>
                %dma_start3A_334 = tpu.memref_squeeze %dma_start3A_333 : memref<1x1024xf32, #tpu.memory_space<vmem>> -> memref<1024xf32, #tpu.memory_space<vmem>>
                %dma_start3A_335 = arith.constant 0 : i32
                %dma_start3A_336 = tpu.memref_slice %arg8[%add3A_286, %dma_start3A_335] : memref<4096x1024xf32, #tpu.memory_space<hbm>> -> memref<1x1024xf32, #tpu.memory_space<hbm>>
                %dma_start3A_337 = tpu.memref_squeeze %dma_start3A_336 : memref<1x1024xf32, #tpu.memory_space<hbm>> -> memref<1024xf32, #tpu.memory_space<hbm>>
                tpu.enqueue_dma source(%dma_start3A_337 : memref<1024xf32, #tpu.memory_space<hbm>>) target(%dma_start3A_334 : memref<1024xf32, #tpu.memory_space<vmem>>) target_semaphore(%arg22 : memref<!tpu.dma_semaphore, #tpu.memory_space<semaphore_mem>>)
              } else {
              }
              %ge3A_321 = arith.constant 7.000000e+00 : f32
              %ge3A_322 = arith.cmpf oge, %squeeze3A_282, %ge3A_321 : f32
              %convert_element_type3A_323 = arith.extui %ge3A_322 : i1 to i32
              %cond3A_324 = arith.constant 0 : i32
              %cond3A_325 = arith.cmpi ne, %convert_element_type3A_323, %cond3A_324 : i32
              scf.if %cond3A_325 {
                %dma_start3A_326 = arith.constant 0 : i32
                %dma_start3A_327 = tpu.memref_slice %arg17[%scan3A_266, %dma_start3A_326] : memref<16x1024xf32, #tpu.memory_space<vmem>> -> memref<1x1024xf32, #tpu.memory_space<vmem>>
                %dma_start3A_328 = tpu.memref_squeeze %dma_start3A_327 : memref<1x1024xf32, #tpu.memory_space<vmem>> -> memref<1024xf32, #tpu.memory_space<vmem>>
                %dma_start3A_329 = arith.constant 0 : i32
                %dma_start3A_330 = tpu.memref_slice %arg9[%add3A_286, %dma_start3A_329] : memref<4096x1024xf32, #tpu.memory_space<hbm>> -> memref<1x1024xf32, #tpu.memory_space<hbm>>
                %dma_start3A_331 = tpu.memref_squeeze %dma_start3A_330 : memref<1x1024xf32, #tpu.memory_space<hbm>> -> memref<1024xf32, #tpu.memory_space<hbm>>
                %dma_start3A_332 = arith.constant 0 : i32
                %dma_start3A_333 = tpu.memref_slice %arg17[%scan3A_266, %dma_start3A_332] : memref<16x1024xf32, #tpu.memory_space<vmem>> -> memref<1x1024xf32, #tpu.memory_space<vmem>>
                %dma_start3A_334 = tpu.memref_squeeze %dma_start3A_333 : memref<1x1024xf32, #tpu.memory_space<vmem>> -> memref<1024xf32, #tpu.memory_space<vmem>>
                %dma_start3A_335 = arith.constant 0 : i32
                %dma_start3A_336 = tpu.memref_slice %arg9[%add3A_286, %dma_start3A_335] : memref<4096x1024xf32, #tpu.memory_space<hbm>> -> memref<1x1024xf32, #tpu.memory_space<hbm>>
                %dma_start3A_337 = tpu.memref_squeeze %dma_start3A_336 : memref<1x1024xf32, #tpu.memory_space<hbm>> -> memref<1024xf32, #tpu.memory_space<hbm>>
                tpu.enqueue_dma source(%dma_start3A_337 : memref<1024xf32, #tpu.memory_space<hbm>>) target(%dma_start3A_334 : memref<1024xf32, #tpu.memory_space<vmem>>) target_semaphore(%arg22 : memref<!tpu.dma_semaphore, #tpu.memory_space<semaphore_mem>>)
              } else {
              }
            } else {
            }
          } else {
          }
        }
        %scan3A_265 = arith.constant 16 : i32
      } else {
      }
      %dma_wait3A_144 = arith.constant 0 : i32
      %dma_wait3A_145 = arith.constant 0 : i32
      %dma_wait3A_146 = tpu.memref_slice %arg2[%dma_wait3A_144, %dma_wait3A_145] : memref<4096x1024xf32, #tpu.memory_space<hbm>> -> memref<16x1024xf32, #tpu.memory_space<hbm>>
      %dma_wait3A_147 = arith.constant 0 : i32
      %dma_wait3A_148 = arith.constant 0 : i32
      %dma_wait3A_149 = tpu.memref_slice %arg2[%dma_wait3A_147, %dma_wait3A_148] : memref<4096x1024xf32, #tpu.memory_space<hbm>> -> memref<16x1024xf32, #tpu.memory_space<hbm>>
      tpu.wait_dma2 semaphore(%arg23 : memref<!tpu.dma_semaphore, #tpu.memory_space<semaphore_mem>>) src(%dma_wait3A_149 : memref<16x1024xf32, #tpu.memory_space<hbm>>) dst(%arg18 : memref<16x1024xf32, #tpu.memory_space<vmem>>)
      %dma_wait3A_150 = arith.constant 0 : i32
      %dma_wait3A_151 = arith.constant 0 : i32
      %dma_wait3A_152 = tpu.memref_slice %arg2[%dma_wait3A_150, %dma_wait3A_151] : memref<4096x1024xf32, #tpu.memory_space<hbm>> -> memref<16x1024xf32, #tpu.memory_space<hbm>>
      %dma_wait3A_153 = arith.constant 0 : i32
      %dma_wait3A_154 = arith.constant 0 : i32
      %dma_wait3A_155 = tpu.memref_slice %arg2[%dma_wait3A_153, %dma_wait3A_154] : memref<4096x1024xf32, #tpu.memory_space<hbm>> -> memref<16x1024xf32, #tpu.memory_space<hbm>>
      tpu.wait_dma2 semaphore(%arg23 : memref<!tpu.dma_semaphore, #tpu.memory_space<semaphore_mem>>) src(%dma_wait3A_155 : memref<16x1024xf32, #tpu.memory_space<hbm>>) dst(%arg19 : memref<16x1024xf32, #tpu.memory_space<vmem>>)
      %gt3A_156 = arith.constant 0 : i32
      %gt3A_157 = arith.cmpi sgt, %scan3A_28, %gt3A_156 : i32
      %convert_element_type3A_158 = arith.extui %gt3A_157 : i1 to i32
      %cond3A_159 = arith.constant 0 : i32
      %cond3A_160 = arith.cmpi ne, %convert_element_type3A_158, %cond3A_159 : i32
      scf.if %cond3A_160 {
        %dma_wait3A_256 = arith.constant 0 : i32
        %dma_wait3A_257 = arith.constant 0 : i32
        %dma_wait3A_258 = tpu.memref_slice %arg2[%dma_wait3A_256, %dma_wait3A_257] : memref<4096x1024xf32, #tpu.memory_space<hbm>> -> memref<16x1024xf32, #tpu.memory_space<hbm>>
        %dma_wait3A_259 = arith.constant 0 : i32
        %dma_wait3A_260 = arith.constant 0 : i32
        %dma_wait3A_261 = tpu.memref_slice %arg2[%dma_wait3A_259, %dma_wait3A_260] : memref<4096x1024xf32, #tpu.memory_space<hbm>> -> memref<16x1024xf32, #tpu.memory_space<hbm>>
        tpu.wait_dma2 semaphore(%arg25 : memref<!tpu.dma_semaphore, #tpu.memory_space<semaphore_mem>>) src(%dma_wait3A_261 : memref<16x1024xf32, #tpu.memory_space<hbm>>) dst(%arg21 : memref<16x1024xf32, #tpu.memory_space<vmem>>)
      } else {
      }
      %mul3A_161 = arith.constant 2 : i32
      %mul3A_162 = arith.muli %mul3A_161, %scan3A_28 : i32
      %add3A_163 = arith.constant 1 : i32
      %add3A_164 = arith.addi %mul3A_162, %add3A_163 : i32
      %mul3A_165 = arith.constant 16 : i32
      %mul3A_166 = arith.muli %add3A_164, %mul3A_165 : i32
      %get3A_167 = arith.index_cast %mul3A_166 : i32 to index
      %get3A_168 = tpu.vector_load %arg14[%get3A_167] {strides = array<i32>} : memref<128xf32, #tpu.memory_space<vmem>>, vector<16xf32>,
      %get3A_169 = vector.shape_cast %get3A_168 : vector<16xf32> to vector<16xf32>
      %mul3A_170 = arith.constant 16 : i32
      %mul3A_171 = arith.muli %add3A_164, %mul3A_170 : i32
      %get3A_172 = arith.index_cast %mul3A_171 : i32 to index
      %get3A_173 = tpu.vector_load %arg15[%get3A_172] {strides = array<i32>} : memref<128xf32, #tpu.memory_space<vmem>>, vector<16xf32>,
      %get3A_174 = vector.shape_cast %get3A_173 : vector<16xf32> to vector<16xf32>
      %slice3A_175 = vector.extract_strided_slice %get3A_169 {offsets = [0], sizes = [1], strides = [1]} : vector<16xf32> to vector<1xf32>
      %squeeze3A_176 = vector.extract %slice3A_175[0] : f32 from vector<1xf32>
      %slice3A_177 = vector.extract_strided_slice %get3A_169 {offsets = [1], sizes = [1], strides = [1]} : vector<16xf32> to vector<1xf32>
      %squeeze3A_178 = vector.extract %slice3A_177[0] : f32 from vector<1xf32>
      %slice3A_179 = vector.extract_strided_slice %get3A_169 {offsets = [2], sizes = [1], strides = [1]} : vector<16xf32> to vector<1xf32>
      %squeeze3A_180 = vector.extract %slice3A_179[0] : f32 from vector<1xf32>
      %slice3A_181 = vector.extract_strided_slice %get3A_169 {offsets = [3], sizes = [1], strides = [1]} : vector<16xf32> to vector<1xf32>
      %squeeze3A_182 = vector.extract %slice3A_181[0] : f32 from vector<1xf32>
      %slice3A_183 = vector.extract_strided_slice %get3A_169 {offsets = [4], sizes = [1], strides = [1]} : vector<16xf32> to vector<1xf32>
      %squeeze3A_184 = vector.extract %slice3A_183[0] : f32 from vector<1xf32>
      %slice3A_185 = vector.extract_strided_slice %get3A_169 {offsets = [5], sizes = [1], strides = [1]} : vector<16xf32> to vector<1xf32>
      %squeeze3A_186 = vector.extract %slice3A_185[0] : f32 from vector<1xf32>
      %slice3A_187 = vector.extract_strided_slice %get3A_169 {offsets = [6], sizes = [1], strides = [1]} : vector<16xf32> to vector<1xf32>
      %squeeze3A_188 = vector.extract %slice3A_187[0] : f32 from vector<1xf32>
      %slice3A_189 = vector.extract_strided_slice %get3A_169 {offsets = [7], sizes = [1], strides = [1]} : vector<16xf32> to vector<1xf32>
      %squeeze3A_190 = vector.extract %slice3A_189[0] : f32 from vector<1xf32>
      %slice3A_191 = vector.extract_strided_slice %get3A_169 {offsets = [8], sizes = [1], strides = [1]} : vector<16xf32> to vector<1xf32>
      %squeeze3A_192 = vector.extract %slice3A_191[0] : f32 from vector<1xf32>
      %slice3A_193 = vector.extract_strided_slice %get3A_169 {offsets = [9], sizes = [1], strides = [1]} : vector<16xf32> to vector<1xf32>
      %squeeze3A_194 = vector.extract %slice3A_193[0] : f32 from vector<1xf32>
      %slice3A_195 = vector.extract_strided_slice %get3A_169 {offsets = [10], sizes = [1], strides = [1]} : vector<16xf32> to vector<1xf32>
      %squeeze3A_196 = vector.extract %slice3A_195[0] : f32 from vector<1xf32>
      %slice3A_197 = vector.extract_strided_slice %get3A_169 {offsets = [11], sizes = [1], strides = [1]} : vector<16xf32> to vector<1xf32>
      %squeeze3A_198 = vector.extract %slice3A_197[0] : f32 from vector<1xf32>
      %slice3A_199 = vector.extract_strided_slice %get3A_169 {offsets = [12], sizes = [1], strides = [1]} : vector<16xf32> to vector<1xf32>
      %squeeze3A_200 = vector.extract %slice3A_199[0] : f32 from vector<1xf32>
      %slice3A_201 = vector.extract_strided_slice %get3A_169 {offsets = [13], sizes = [1], strides = [1]} : vector<16xf32> to vector<1xf32>
      %squeeze3A_202 = vector.extract %slice3A_201[0] : f32 from vector<1xf32>
      %slice3A_203 = vector.extract_strided_slice %get3A_169 {offsets = [14], sizes = [1], strides = [1]} : vector<16xf32> to vector<1xf32>
      %squeeze3A_204 = vector.extract %slice3A_203[0] : f32 from vector<1xf32>
      %slice3A_205 = vector.extract_strided_slice %get3A_169 {offsets = [15], sizes = [1], strides = [1]} : vector<16xf32> to vector<1xf32>
      %squeeze3A_206 = vector.extract %slice3A_205[0] : f32 from vector<1xf32>
      %slice3A_207 = vector.extract_strided_slice %get3A_174 {offsets = [0], sizes = [1], strides = [1]} : vector<16xf32> to vector<1xf32>
      %squeeze3A_208 = vector.extract %slice3A_207[0] : f32 from vector<1xf32>
      %slice3A_209 = vector.extract_strided_slice %get3A_174 {offsets = [1], sizes = [1], strides = [1]} : vector<16xf32> to vector<1xf32>
      %squeeze3A_210 = vector.extract %slice3A_209[0] : f32 from vector<1xf32>
      %slice3A_211 = vector.extract_strided_slice %get3A_174 {offsets = [2], sizes = [1], strides = [1]} : vector<16xf32> to vector<1xf32>
      %squeeze3A_212 = vector.extract %slice3A_211[0] : f32 from vector<1xf32>
      %slice3A_213 = vector.extract_strided_slice %get3A_174 {offsets = [3], sizes = [1], strides = [1]} : vector<16xf32> to vector<1xf32>
      %squeeze3A_214 = vector.extract %slice3A_213[0] : f32 from vector<1xf32>
      %slice3A_215 = vector.extract_strided_slice %get3A_174 {offsets = [4], sizes = [1], strides = [1]} : vector<16xf32> to vector<1xf32>
      %squeeze3A_216 = vector.extract %slice3A_215[0] : f32 from vector<1xf32>
      %slice3A_217 = vector.extract_strided_slice %get3A_174 {offsets = [5], sizes = [1], strides = [1]} : vector<16xf32> to vector<1xf32>
      %squeeze3A_218 = vector.extract %slice3A_217[0] : f32 from vector<1xf32>
      %slice3A_219 = vector.extract_strided_slice %get3A_174 {offsets = [6], sizes = [1], strides = [1]} : vector<16xf32> to vector<1xf32>
      %squeeze3A_220 = vector.extract %slice3A_219[0] : f32 from vector<1xf32>
      %slice3A_221 = vector.extract_strided_slice %get3A_174 {offsets = [7], sizes = [1], strides = [1]} : vector<16xf32> to vector<1xf32>
      %squeeze3A_222 = vector.extract %slice3A_221[0] : f32 from vector<1xf32>
      %slice3A_223 = vector.extract_strided_slice %get3A_174 {offsets = [8], sizes = [1], strides = [1]} : vector<16xf32> to vector<1xf32>
      %squeeze3A_224 = vector.extract %slice3A_223[0] : f32 from vector<1xf32>
      %slice3A_225 = vector.extract_strided_slice %get3A_174 {offsets = [9], sizes = [1], strides = [1]} : vector<16xf32> to vector<1xf32>
      %squeeze3A_226 = vector.extract %slice3A_225[0] : f32 from vector<1xf32>
      %slice3A_227 = vector.extract_strided_slice %get3A_174 {offsets = [10], sizes = [1], strides = [1]} : vector<16xf32> to vector<1xf32>
      %squeeze3A_228 = vector.extract %slice3A_227[0] : f32 from vector<1xf32>
      %slice3A_229 = vector.extract_strided_slice %get3A_174 {offsets = [11], sizes = [1], strides = [1]} : vector<16xf32> to vector<1xf32>
      %squeeze3A_230 = vector.extract %slice3A_229[0] : f32 from vector<1xf32>
      %slice3A_231 = vector.extract_strided_slice %get3A_174 {offsets = [12], sizes = [1], strides = [1]} : vector<16xf32> to vector<1xf32>
      %squeeze3A_232 = vector.extract %slice3A_231[0] : f32 from vector<1xf32>
      %slice3A_233 = vector.extract_strided_slice %get3A_174 {offsets = [13], sizes = [1], strides = [1]} : vector<16xf32> to vector<1xf32>
      %squeeze3A_234 = vector.extract %slice3A_233[0] : f32 from vector<1xf32>
      %slice3A_235 = vector.extract_strided_slice %get3A_174 {offsets = [14], sizes = [1], strides = [1]} : vector<16xf32> to vector<1xf32>
      %squeeze3A_236 = vector.extract %slice3A_235[0] : f32 from vector<1xf32>
      %slice3A_237 = vector.extract_strided_slice %get3A_174 {offsets = [15], sizes = [1], strides = [1]} : vector<16xf32> to vector<1xf32>
      %squeeze3A_238 = vector.extract %slice3A_237[0] : f32 from vector<1xf32>
      %scan3A_239 = arith.constant 0 : i32
      %scan3A_240 = arith.constant 0 : i32
      %scan3A_241 = arith.constant 64 : i32
      %scan3A_242 = arith.addi %scan3A_240, %scan3A_241 : i32
      %scan3A_243 = arith.constant 1 : i32
      scf.for %scan3A_256 = %scan3A_240 to %scan3A_242 step %scan3A_243  : i32 {
        %mul3A_257 = arith.constant 16 : i32
        %mul3A_258 = arith.muli %scan3A_256, %mul3A_257 : i32
        %get3A_259 = arith.constant 0 : i32
        %get3A_260 = arith.index_cast %get3A_259 : i32 to index
        %get3A_261 = arith.index_cast %mul3A_258 : i32 to index
        %get3A_262 = tpu.vector_load %arg18[%get3A_260, %get3A_261] {strides = array<i32>} : memref<16x1024xf32, #tpu.memory_space<vmem>>, vector<1x16xf32>,
        %get3A_263 = vector.shape_cast %get3A_262 : vector<1x16xf32> to vector<16xf32>
        %mul3A_264 = vector.broadcast %squeeze3A_176 : f32 to vector<16xf32>
        %mul3A_265 = arith.mulf %mul3A_264, %get3A_263 : vector<16xf32>
        %get3A_266 = arith.constant 0 : i32
        %get3A_267 = arith.index_cast %get3A_266 : i32 to index
        %get3A_268 = arith.index_cast %mul3A_258 : i32 to index
        %get3A_269 = tpu.vector_load %arg19[%get3A_267, %get3A_268] {strides = array<i32>} : memref<16x1024xf32, #tpu.memory_space<vmem>>, vector<1x16xf32>,
        %get3A_270 = vector.shape_cast %get3A_269 : vector<1x16xf32> to vector<16xf32>
        %mul3A_271 = vector.broadcast %squeeze3A_208 : f32 to vector<16xf32>
        %mul3A_272 = arith.mulf %mul3A_271, %get3A_270 : vector<16xf32>
        %add3A_273 = arith.addf %mul3A_265, %mul3A_272 : vector<16xf32>
        %swap3A = arith.constant 0 : i32
        %swap3A_274 = arith.index_cast %swap3A : i32 to index
        %swap3A_275 = arith.index_cast %mul3A_258 : i32 to index
        %swap3A_276 = tpu.vector_load %arg21[%swap3A_274, %swap3A_275] {strides = array<i32>} : memref<16x1024xf32, #tpu.memory_space<vmem>>, vector<1x16xf32>,
        %swap3A_277 = vector.shape_cast %swap3A_276 : vector<1x16xf32> to vector<16xf32>
        %swap3A_278 = vector.shape_cast %add3A_273 : vector<16xf32> to vector<1x16xf32>
        tpu.vector_store %arg21[%swap3A_274, %swap3A_275], %swap3A_278 {strides = array<i32>} : memref<16x1024xf32, #tpu.memory_space<vmem>>, vector<1x16xf32>,
        %mul3A_279 = arith.constant 16 : i32
        %mul3A_280 = arith.muli %scan3A_256, %mul3A_279 : i32
        %get3A_281 = arith.constant 1 : i32
        %get3A_282 = arith.index_cast %get3A_281 : i32 to index
        %get3A_283 = arith.index_cast %mul3A_280 : i32 to index
        %get3A_284 = tpu.vector_load %arg18[%get3A_282, %get3A_283] {strides = array<i32>} : memref<16x1024xf32, #tpu.memory_space<vmem>>, vector<1x16xf32>,
        %get3A_285 = vector.shape_cast %get3A_284 : vector<1x16xf32> to vector<16xf32>
        %mul3A_286 = vector.broadcast %squeeze3A_178 : f32 to vector<16xf32>
        %mul3A_287 = arith.mulf %mul3A_286, %get3A_285 : vector<16xf32>
        %get3A_288 = arith.constant 1 : i32
        %get3A_289 = arith.index_cast %get3A_288 : i32 to index
        %get3A_290 = arith.index_cast %mul3A_280 : i32 to index
        %get3A_291 = tpu.vector_load %arg19[%get3A_289, %get3A_290] {strides = array<i32>} : memref<16x1024xf32, #tpu.memory_space<vmem>>, vector<1x16xf32>,
        %get3A_292 = vector.shape_cast %get3A_291 : vector<1x16xf32> to vector<16xf32>
        %mul3A_293 = vector.broadcast %squeeze3A_210 : f32 to vector<16xf32>
        %mul3A_294 = arith.mulf %mul3A_293, %get3A_292 : vector<16xf32>
        %add3A_295 = arith.addf %mul3A_287, %mul3A_294 : vector<16xf32>
        %swap3A_296 = arith.constant 1 : i32
        %swap3A_297 = arith.index_cast %swap3A_296 : i32 to index
        %swap3A_298 = arith.index_cast %mul3A_280 : i32 to index
        %swap3A_299 = tpu.vector_load %arg21[%swap3A_297, %swap3A_298] {strides = array<i32>} : memref<16x1024xf32, #tpu.memory_space<vmem>>, vector<1x16xf32>,
        %swap3A_300 = vector.shape_cast %swap3A_299 : vector<1x16xf32> to vector<16xf32>
        %swap3A_301 = vector.shape_cast %add3A_295 : vector<16xf32> to vector<1x16xf32>
        tpu.vector_store %arg21[%swap3A_297, %swap3A_298], %swap3A_301 {strides = array<i32>} : memref<16x1024xf32, #tpu.memory_space<vmem>>, vector<1x16xf32>,
        %mul3A_302 = arith.constant 16 : i32
        %mul3A_303 = arith.muli %scan3A_256, %mul3A_302 : i32
        %get3A_304 = arith.constant 2 : i32
        %get3A_305 = arith.index_cast %get3A_304 : i32 to index
        %get3A_306 = arith.index_cast %mul3A_303 : i32 to index
        %get3A_307 = tpu.vector_load %arg18[%get3A_305, %get3A_306] {strides = array<i32>} : memref<16x1024xf32, #tpu.memory_space<vmem>>, vector<1x16xf32>,
        %get3A_308 = vector.shape_cast %get3A_307 : vector<1x16xf32> to vector<16xf32>
        %mul3A_309 = vector.broadcast %squeeze3A_180 : f32 to vector<16xf32>
        %mul3A_310 = arith.mulf %mul3A_309, %get3A_308 : vector<16xf32>
        %get3A_311 = arith.constant 2 : i32
        %get3A_312 = arith.index_cast %get3A_311 : i32 to index
        %get3A_313 = arith.index_cast %mul3A_303 : i32 to index
        %get3A_314 = tpu.vector_load %arg19[%get3A_312, %get3A_313] {strides = array<i32>} : memref<16x1024xf32, #tpu.memory_space<vmem>>, vector<1x16xf32>,
        %get3A_315 = vector.shape_cast %get3A_314 : vector<1x16xf32> to vector<16xf32>
        %mul3A_316 = vector.broadcast %squeeze3A_212 : f32 to vector<16xf32>
        %mul3A_317 = arith.mulf %mul3A_316, %get3A_315 : vector<16xf32>
        %add3A_318 = arith.addf %mul3A_310, %mul3A_317 : vector<16xf32>
        %swap3A_319 = arith.constant 2 : i32
        %swap3A_320 = arith.index_cast %swap3A_319 : i32 to index
        %swap3A_321 = arith.index_cast %mul3A_303 : i32 to index
        %swap3A_322 = tpu.vector_load %arg21[%swap3A_320, %swap3A_321] {strides = array<i32>} : memref<16x1024xf32, #tpu.memory_space<vmem>>, vector<1x16xf32>,
        %swap3A_323 = vector.shape_cast %swap3A_322 : vector<1x16xf32> to vector<16xf32>
        %swap3A_324 = vector.shape_cast %add3A_318 : vector<16xf32> to vector<1x16xf32>
        tpu.vector_store %arg21[%swap3A_320, %swap3A_321], %swap3A_324 {strides = array<i32>} : memref<16x1024xf32, #tpu.memory_space<vmem>>, vector<1x16xf32>,
        %mul3A_325 = arith.constant 16 : i32
        %mul3A_326 = arith.muli %scan3A_256, %mul3A_325 : i32
        %get3A_327 = arith.constant 3 : i32
        %get3A_328 = arith.index_cast %get3A_327 : i32 to index
        %get3A_329 = arith.index_cast %mul3A_326 : i32 to index
        %get3A_330 = tpu.vector_load %arg18[%get3A_328, %get3A_329] {strides = array<i32>} : memref<16x1024xf32, #tpu.memory_space<vmem>>, vector<1x16xf32>,
        %get3A_331 = vector.shape_cast %get3A_330 : vector<1x16xf32> to vector<16xf32>
        %mul3A_332 = vector.broadcast %squeeze3A_182 : f32 to vector<16xf32>
        %mul3A_333 = arith.mulf %mul3A_332, %get3A_331 : vector<16xf32>
        %get3A_334 = arith.constant 3 : i32
        %get3A_335 = arith.index_cast %get3A_334 : i32 to index
        %get3A_336 = arith.index_cast %mul3A_326 : i32 to index
        %get3A_337 = tpu.vector_load %arg19[%get3A_335, %get3A_336] {strides = array<i32>} : memref<16x1024xf32, #tpu.memory_space<vmem>>, vector<1x16xf32>,
        %get3A_338 = vector.shape_cast %get3A_337 : vector<1x16xf32> to vector<16xf32>
        %mul3A_339 = vector.broadcast %squeeze3A_214 : f32 to vector<16xf32>
        %mul3A_340 = arith.mulf %mul3A_339, %get3A_338 : vector<16xf32>
        %add3A_341 = arith.addf %mul3A_333, %mul3A_340 : vector<16xf32>
        %swap3A_342 = arith.constant 3 : i32
        %swap3A_343 = arith.index_cast %swap3A_342 : i32 to index
        %swap3A_344 = arith.index_cast %mul3A_326 : i32 to index
        %swap3A_345 = tpu.vector_load %arg21[%swap3A_343, %swap3A_344] {strides = array<i32>} : memref<16x1024xf32, #tpu.memory_space<vmem>>, vector<1x16xf32>,
        %swap3A_346 = vector.shape_cast %swap3A_345 : vector<1x16xf32> to vector<16xf32>
        %swap3A_347 = vector.shape_cast %add3A_341 : vector<16xf32> to vector<1x16xf32>
        tpu.vector_store %arg21[%swap3A_343, %swap3A_344], %swap3A_347 {strides = array<i32>} : memref<16x1024xf32, #tpu.memory_space<vmem>>, vector<1x16xf32>,
        %mul3A_348 = arith.constant 16 : i32
        %mul3A_349 = arith.muli %scan3A_256, %mul3A_348 : i32
        %get3A_350 = arith.constant 4 : i32
        %get3A_351 = arith.index_cast %get3A_350 : i32 to index
        %get3A_352 = arith.index_cast %mul3A_349 : i32 to index
        %get3A_353 = tpu.vector_load %arg18[%get3A_351, %get3A_352] {strides = array<i32>} : memref<16x1024xf32, #tpu.memory_space<vmem>>, vector<1x16xf32>,
        %get3A_354 = vector.shape_cast %get3A_353 : vector<1x16xf32> to vector<16xf32>
        %mul3A_355 = vector.broadcast %squeeze3A_184 : f32 to vector<16xf32>
        %mul3A_356 = arith.mulf %mul3A_355, %get3A_354 : vector<16xf32>
        %get3A_357 = arith.constant 4 : i32
        %get3A_358 = arith.index_cast %get3A_357 : i32 to index
        %get3A_359 = arith.index_cast %mul3A_349 : i32 to index
        %get3A_360 = tpu.vector_load %arg19[%get3A_358, %get3A_359] {strides = array<i32>} : memref<16x1024xf32, #tpu.memory_space<vmem>>, vector<1x16xf32>,
        %get3A_361 = vector.shape_cast %get3A_360 : vector<1x16xf32> to vector<16xf32>
        %mul3A_362 = vector.broadcast %squeeze3A_216 : f32 to vector<16xf32>
        %mul3A_363 = arith.mulf %mul3A_362, %get3A_361 : vector<16xf32>
        %add3A_364 = arith.addf %mul3A_356, %mul3A_363 : vector<16xf32>
        %swap3A_365 = arith.constant 4 : i32
        %swap3A_366 = arith.index_cast %swap3A_365 : i32 to index
        %swap3A_367 = arith.index_cast %mul3A_349 : i32 to index
        %swap3A_368 = tpu.vector_load %arg21[%swap3A_366, %swap3A_367] {strides = array<i32>} : memref<16x1024xf32, #tpu.memory_space<vmem>>, vector<1x16xf32>,
        %swap3A_369 = vector.shape_cast %swap3A_368 : vector<1x16xf32> to vector<16xf32>
        %swap3A_370 = vector.shape_cast %add3A_364 : vector<16xf32> to vector<1x16xf32>
        tpu.vector_store %arg21[%swap3A_366, %swap3A_367], %swap3A_370 {strides = array<i32>} : memref<16x1024xf32, #tpu.memory_space<vmem>>, vector<1x16xf32>,
        %mul3A_371 = arith.constant 16 : i32
        %mul3A_372 = arith.muli %scan3A_256, %mul3A_371 : i32
        %get3A_373 = arith.constant 5 : i32
        %get3A_374 = arith.index_cast %get3A_373 : i32 to index
        %get3A_375 = arith.index_cast %mul3A_372 : i32 to index
        %get3A_376 = tpu.vector_load %arg18[%get3A_374, %get3A_375] {strides = array<i32>} : memref<16x1024xf32, #tpu.memory_space<vmem>>, vector<1x16xf32>,
        %get3A_377 = vector.shape_cast %get3A_376 : vector<1x16xf32> to vector<16xf32>
        %mul3A_378 = vector.broadcast %squeeze3A_186 : f32 to vector<16xf32>
        %mul3A_379 = arith.mulf %mul3A_378, %get3A_377 : vector<16xf32>
        %get3A_380 = arith.constant 5 : i32
        %get3A_381 = arith.index_cast %get3A_380 : i32 to index
        %get3A_382 = arith.index_cast %mul3A_372 : i32 to index
        %get3A_383 = tpu.vector_load %arg19[%get3A_381, %get3A_382] {strides = array<i32>} : memref<16x1024xf32, #tpu.memory_space<vmem>>, vector<1x16xf32>,
        %get3A_384 = vector.shape_cast %get3A_383 : vector<1x16xf32> to vector<16xf32>
        %mul3A_385 = vector.broadcast %squeeze3A_218 : f32 to vector<16xf32>
        %mul3A_386 = arith.mulf %mul3A_385, %get3A_384 : vector<16xf32>
        %add3A_387 = arith.addf %mul3A_379, %mul3A_386 : vector<16xf32>
        %swap3A_388 = arith.constant 5 : i32
        %swap3A_389 = arith.index_cast %swap3A_388 : i32 to index
        %swap3A_390 = arith.index_cast %mul3A_372 : i32 to index
        %swap3A_391 = tpu.vector_load %arg21[%swap3A_389, %swap3A_390] {strides = array<i32>} : memref<16x1024xf32, #tpu.memory_space<vmem>>, vector<1x16xf32>,
        %swap3A_392 = vector.shape_cast %swap3A_391 : vector<1x16xf32> to vector<16xf32>
        %swap3A_393 = vector.shape_cast %add3A_387 : vector<16xf32> to vector<1x16xf32>
        tpu.vector_store %arg21[%swap3A_389, %swap3A_390], %swap3A_393 {strides = array<i32>} : memref<16x1024xf32, #tpu.memory_space<vmem>>, vector<1x16xf32>,
        %mul3A_394 = arith.constant 16 : i32
        %mul3A_395 = arith.muli %scan3A_256, %mul3A_394 : i32
        %get3A_396 = arith.constant 6 : i32
        %get3A_397 = arith.index_cast %get3A_396 : i32 to index
        %get3A_398 = arith.index_cast %mul3A_395 : i32 to index
        %get3A_399 = tpu.vector_load %arg18[%get3A_397, %get3A_398] {strides = array<i32>} : memref<16x1024xf32, #tpu.memory_space<vmem>>, vector<1x16xf32>,
        %get3A_400 = vector.shape_cast %get3A_399 : vector<1x16xf32> to vector<16xf32>
        %mul3A_401 = vector.broadcast %squeeze3A_188 : f32 to vector<16xf32>
        %mul3A_402 = arith.mulf %mul3A_401, %get3A_400 : vector<16xf32>
        %get3A_403 = arith.constant 6 : i32
        %get3A_404 = arith.index_cast %get3A_403 : i32 to index
        %get3A_405 = arith.index_cast %mul3A_395 : i32 to index
        %get3A_406 = tpu.vector_load %arg19[%get3A_404, %get3A_405] {strides = array<i32>} : memref<16x1024xf32, #tpu.memory_space<vmem>>, vector<1x16xf32>,
        %get3A_407 = vector.shape_cast %get3A_406 : vector<1x16xf32> to vector<16xf32>
        %mul3A_408 = vector.broadcast %squeeze3A_220 : f32 to vector<16xf32>
        %mul3A_409 = arith.mulf %mul3A_408, %get3A_407 : vector<16xf32>
        %add3A_410 = arith.addf %mul3A_402, %mul3A_409 : vector<16xf32>
        %swap3A_411 = arith.constant 6 : i32
        %swap3A_412 = arith.index_cast %swap3A_411 : i32 to index
        %swap3A_413 = arith.index_cast %mul3A_395 : i32 to index
        %swap3A_414 = tpu.vector_load %arg21[%swap3A_412, %swap3A_413] {strides = array<i32>} : memref<16x1024xf32, #tpu.memory_space<vmem>>, vector<1x16xf32>,
        %swap3A_415 = vector.shape_cast %swap3A_414 : vector<1x16xf32> to vector<16xf32>
        %swap3A_416 = vector.shape_cast %add3A_410 : vector<16xf32> to vector<1x16xf32>
        tpu.vector_store %arg21[%swap3A_412, %swap3A_413], %swap3A_416 {strides = array<i32>} : memref<16x1024xf32, #tpu.memory_space<vmem>>, vector<1x16xf32>,
        %mul3A_417 = arith.constant 16 : i32
        %mul3A_418 = arith.muli %scan3A_256, %mul3A_417 : i32
        %get3A_419 = arith.constant 7 : i32
        %get3A_420 = arith.index_cast %get3A_419 : i32 to index
        %get3A_421 = arith.index_cast %mul3A_418 : i32 to index
        %get3A_422 = tpu.vector_load %arg18[%get3A_420, %get3A_421] {strides = array<i32>} : memref<16x1024xf32, #tpu.memory_space<vmem>>, vector<1x16xf32>,
        %get3A_423 = vector.shape_cast %get3A_422 : vector<1x16xf32> to vector<16xf32>
        %mul3A_424 = vector.broadcast %squeeze3A_190 : f32 to vector<16xf32>
        %mul3A_425 = arith.mulf %mul3A_424, %get3A_423 : vector<16xf32>
        %get3A_426 = arith.constant 7 : i32
        %get3A_427 = arith.index_cast %get3A_426 : i32 to index
        %get3A_428 = arith.index_cast %mul3A_418 : i32 to index
        %get3A_429 = tpu.vector_load %arg19[%get3A_427, %get3A_428] {strides = array<i32>} : memref<16x1024xf32, #tpu.memory_space<vmem>>, vector<1x16xf32>,
        %get3A_430 = vector.shape_cast %get3A_429 : vector<1x16xf32> to vector<16xf32>
        %mul3A_431 = vector.broadcast %squeeze3A_222 : f32 to vector<16xf32>
        %mul3A_432 = arith.mulf %mul3A_431, %get3A_430 : vector<16xf32>
        %add3A_433 = arith.addf %mul3A_425, %mul3A_432 : vector<16xf32>
        %swap3A_434 = arith.constant 7 : i32
        %swap3A_435 = arith.index_cast %swap3A_434 : i32 to index
        %swap3A_436 = arith.index_cast %mul3A_418 : i32 to index
        %swap3A_437 = tpu.vector_load %arg21[%swap3A_435, %swap3A_436] {strides = array<i32>} : memref<16x1024xf32, #tpu.memory_space<vmem>>, vector<1x16xf32>,
        %swap3A_438 = vector.shape_cast %swap3A_437 : vector<1x16xf32> to vector<16xf32>
        %swap3A_439 = vector.shape_cast %add3A_433 : vector<16xf32> to vector<1x16xf32>
        tpu.vector_store %arg21[%swap3A_435, %swap3A_436], %swap3A_439 {strides = array<i32>} : memref<16x1024xf32, #tpu.memory_space<vmem>>, vector<1x16xf32>,
        %mul3A_440 = arith.constant 16 : i32
        %mul3A_441 = arith.muli %scan3A_256, %mul3A_440 : i32
        %get3A_442 = arith.constant 8 : i32
        %get3A_443 = arith.index_cast %get3A_442 : i32 to index
        %get3A_444 = arith.index_cast %mul3A_441 : i32 to index
        %get3A_445 = tpu.vector_load %arg18[%get3A_443, %get3A_444] {strides = array<i32>} : memref<16x1024xf32, #tpu.memory_space<vmem>>, vector<1x16xf32>,
        %get3A_446 = vector.shape_cast %get3A_445 : vector<1x16xf32> to vector<16xf32>
        %mul3A_447 = vector.broadcast %squeeze3A_192 : f32 to vector<16xf32>
        %mul3A_448 = arith.mulf %mul3A_447, %get3A_446 : vector<16xf32>
        %get3A_449 = arith.constant 8 : i32
        %get3A_450 = arith.index_cast %get3A_449 : i32 to index
        %get3A_451 = arith.index_cast %mul3A_441 : i32 to index
        %get3A_452 = tpu.vector_load %arg19[%get3A_450, %get3A_451] {strides = array<i32>} : memref<16x1024xf32, #tpu.memory_space<vmem>>, vector<1x16xf32>,
        %get3A_453 = vector.shape_cast %get3A_452 : vector<1x16xf32> to vector<16xf32>
        %mul3A_454 = vector.broadcast %squeeze3A_224 : f32 to vector<16xf32>
        %mul3A_455 = arith.mulf %mul3A_454, %get3A_453 : vector<16xf32>
        %add3A_456 = arith.addf %mul3A_448, %mul3A_455 : vector<16xf32>
        %swap3A_457 = arith.constant 8 : i32
        %swap3A_458 = arith.index_cast %swap3A_457 : i32 to index
        %swap3A_459 = arith.index_cast %mul3A_441 : i32 to index
        %swap3A_460 = tpu.vector_load %arg21[%swap3A_458, %swap3A_459] {strides = array<i32>} : memref<16x1024xf32, #tpu.memory_space<vmem>>, vector<1x16xf32>,
        %swap3A_461 = vector.shape_cast %swap3A_460 : vector<1x16xf32> to vector<16xf32>
        %swap3A_462 = vector.shape_cast %add3A_456 : vector<16xf32> to vector<1x16xf32>
        tpu.vector_store %arg21[%swap3A_458, %swap3A_459], %swap3A_462 {strides = array<i32>} : memref<16x1024xf32, #tpu.memory_space<vmem>>, vector<1x16xf32>,
        %mul3A_463 = arith.constant 16 : i32
        %mul3A_464 = arith.muli %scan3A_256, %mul3A_463 : i32
        %get3A_465 = arith.constant 9 : i32
        %get3A_466 = arith.index_cast %get3A_465 : i32 to index
        %get3A_467 = arith.index_cast %mul3A_464 : i32 to index
        %get3A_468 = tpu.vector_load %arg18[%get3A_466, %get3A_467] {strides = array<i32>} : memref<16x1024xf32, #tpu.memory_space<vmem>>, vector<1x16xf32>,
        %get3A_469 = vector.shape_cast %get3A_468 : vector<1x16xf32> to vector<16xf32>
        %mul3A_470 = vector.broadcast %squeeze3A_194 : f32 to vector<16xf32>
        %mul3A_471 = arith.mulf %mul3A_470, %get3A_469 : vector<16xf32>
        %get3A_472 = arith.constant 9 : i32
        %get3A_473 = arith.index_cast %get3A_472 : i32 to index
        %get3A_474 = arith.index_cast %mul3A_464 : i32 to index
        %get3A_475 = tpu.vector_load %arg19[%get3A_473, %get3A_474] {strides = array<i32>} : memref<16x1024xf32, #tpu.memory_space<vmem>>, vector<1x16xf32>,
        %get3A_476 = vector.shape_cast %get3A_475 : vector<1x16xf32> to vector<16xf32>
        %mul3A_477 = vector.broadcast %squeeze3A_226 : f32 to vector<16xf32>
        %mul3A_478 = arith.mulf %mul3A_477, %get3A_476 : vector<16xf32>
        %add3A_479 = arith.addf %mul3A_471, %mul3A_478 : vector<16xf32>
        %swap3A_480 = arith.constant 9 : i32
        %swap3A_481 = arith.index_cast %swap3A_480 : i32 to index
        %swap3A_482 = arith.index_cast %mul3A_464 : i32 to index
        %swap3A_483 = tpu.vector_load %arg21[%swap3A_481, %swap3A_482] {strides = array<i32>} : memref<16x1024xf32, #tpu.memory_space<vmem>>, vector<1x16xf32>,
        %swap3A_484 = vector.shape_cast %swap3A_483 : vector<1x16xf32> to vector<16xf32>
        %swap3A_485 = vector.shape_cast %add3A_479 : vector<16xf32> to vector<1x16xf32>
        tpu.vector_store %arg21[%swap3A_481, %swap3A_482], %swap3A_485 {strides = array<i32>} : memref<16x1024xf32, #tpu.memory_space<vmem>>, vector<1x16xf32>,
        %mul3A_486 = arith.constant 16 : i32
        %mul3A_487 = arith.muli %scan3A_256, %mul3A_486 : i32
        %get3A_488 = arith.constant 10 : i32
        %get3A_489 = arith.index_cast %get3A_488 : i32 to index
        %get3A_490 = arith.index_cast %mul3A_487 : i32 to index
        %get3A_491 = tpu.vector_load %arg18[%get3A_489, %get3A_490] {strides = array<i32>} : memref<16x1024xf32, #tpu.memory_space<vmem>>, vector<1x16xf32>,
        %get3A_492 = vector.shape_cast %get3A_491 : vector<1x16xf32> to vector<16xf32>
        %mul3A_493 = vector.broadcast %squeeze3A_196 : f32 to vector<16xf32>
        %mul3A_494 = arith.mulf %mul3A_493, %get3A_492 : vector<16xf32>
        %get3A_495 = arith.constant 10 : i32
        %get3A_496 = arith.index_cast %get3A_495 : i32 to index
        %get3A_497 = arith.index_cast %mul3A_487 : i32 to index
        %get3A_498 = tpu.vector_load %arg19[%get3A_496, %get3A_497] {strides = array<i32>} : memref<16x1024xf32, #tpu.memory_space<vmem>>, vector<1x16xf32>,
        %get3A_499 = vector.shape_cast %get3A_498 : vector<1x16xf32> to vector<16xf32>
        %mul3A_500 = vector.broadcast %squeeze3A_228 : f32 to vector<16xf32>
        %mul3A_501 = arith.mulf %mul3A_500, %get3A_499 : vector<16xf32>
        %add3A_502 = arith.addf %mul3A_494, %mul3A_501 : vector<16xf32>
        %swap3A_503 = arith.constant 10 : i32
        %swap3A_504 = arith.index_cast %swap3A_503 : i32 to index
        %swap3A_505 = arith.index_cast %mul3A_487 : i32 to index
        %swap3A_506 = tpu.vector_load %arg21[%swap3A_504, %swap3A_505] {strides = array<i32>} : memref<16x1024xf32, #tpu.memory_space<vmem>>, vector<1x16xf32>,
        %swap3A_507 = vector.shape_cast %swap3A_506 : vector<1x16xf32> to vector<16xf32>
        %swap3A_508 = vector.shape_cast %add3A_502 : vector<16xf32> to vector<1x16xf32>
        tpu.vector_store %arg21[%swap3A_504, %swap3A_505], %swap3A_508 {strides = array<i32>} : memref<16x1024xf32, #tpu.memory_space<vmem>>, vector<1x16xf32>,
        %mul3A_509 = arith.constant 16 : i32
        %mul3A_510 = arith.muli %scan3A_256, %mul3A_509 : i32
        %get3A_511 = arith.constant 11 : i32
        %get3A_512 = arith.index_cast %get3A_511 : i32 to index
        %get3A_513 = arith.index_cast %mul3A_510 : i32 to index
        %get3A_514 = tpu.vector_load %arg18[%get3A_512, %get3A_513] {strides = array<i32>} : memref<16x1024xf32, #tpu.memory_space<vmem>>, vector<1x16xf32>,
        %get3A_515 = vector.shape_cast %get3A_514 : vector<1x16xf32> to vector<16xf32>
        %mul3A_516 = vector.broadcast %squeeze3A_198 : f32 to vector<16xf32>
        %mul3A_517 = arith.mulf %mul3A_516, %get3A_515 : vector<16xf32>
        %get3A_518 = arith.constant 11 : i32
        %get3A_519 = arith.index_cast %get3A_518 : i32 to index
        %get3A_520 = arith.index_cast %mul3A_510 : i32 to index
        %get3A_521 = tpu.vector_load %arg19[%get3A_519, %get3A_520] {strides = array<i32>} : memref<16x1024xf32, #tpu.memory_space<vmem>>, vector<1x16xf32>,
        %get3A_522 = vector.shape_cast %get3A_521 : vector<1x16xf32> to vector<16xf32>
        %mul3A_523 = vector.broadcast %squeeze3A_230 : f32 to vector<16xf32>
        %mul3A_524 = arith.mulf %mul3A_523, %get3A_522 : vector<16xf32>
        %add3A_525 = arith.addf %mul3A_517, %mul3A_524 : vector<16xf32>
        %swap3A_526 = arith.constant 11 : i32
        %swap3A_527 = arith.index_cast %swap3A_526 : i32 to index
        %swap3A_528 = arith.index_cast %mul3A_510 : i32 to index
        %swap3A_529 = tpu.vector_load %arg21[%swap3A_527, %swap3A_528] {strides = array<i32>} : memref<16x1024xf32, #tpu.memory_space<vmem>>, vector<1x16xf32>,
        %swap3A_530 = vector.shape_cast %swap3A_529 : vector<1x16xf32> to vector<16xf32>
        %swap3A_531 = vector.shape_cast %add3A_525 : vector<16xf32> to vector<1x16xf32>
        tpu.vector_store %arg21[%swap3A_527, %swap3A_528], %swap3A_531 {strides = array<i32>} : memref<16x1024xf32, #tpu.memory_space<vmem>>, vector<1x16xf32>,
        %mul3A_532 = arith.constant 16 : i32
        %mul3A_533 = arith.muli %scan3A_256, %mul3A_532 : i32
        %get3A_534 = arith.constant 12 : i32
        %get3A_535 = arith.index_cast %get3A_534 : i32 to index
        %get3A_536 = arith.index_cast %mul3A_533 : i32 to index
        %get3A_537 = tpu.vector_load %arg18[%get3A_535, %get3A_536] {strides = array<i32>} : memref<16x1024xf32, #tpu.memory_space<vmem>>, vector<1x16xf32>,
        %get3A_538 = vector.shape_cast %get3A_537 : vector<1x16xf32> to vector<16xf32>
        %mul3A_539 = vector.broadcast %squeeze3A_200 : f32 to vector<16xf32>
        %mul3A_540 = arith.mulf %mul3A_539, %get3A_538 : vector<16xf32>
        %get3A_541 = arith.constant 12 : i32
        %get3A_542 = arith.index_cast %get3A_541 : i32 to index
        %get3A_543 = arith.index_cast %mul3A_533 : i32 to index
        %get3A_544 = tpu.vector_load %arg19[%get3A_542, %get3A_543] {strides = array<i32>} : memref<16x1024xf32, #tpu.memory_space<vmem>>, vector<1x16xf32>,
        %get3A_545 = vector.shape_cast %get3A_544 : vector<1x16xf32> to vector<16xf32>
        %mul3A_546 = vector.broadcast %squeeze3A_232 : f32 to vector<16xf32>
        %mul3A_547 = arith.mulf %mul3A_546, %get3A_545 : vector<16xf32>
        %add3A_548 = arith.addf %mul3A_540, %mul3A_547 : vector<16xf32>
        %swap3A_549 = arith.constant 12 : i32
        %swap3A_550 = arith.index_cast %swap3A_549 : i32 to index
        %swap3A_551 = arith.index_cast %mul3A_533 : i32 to index
        %swap3A_552 = tpu.vector_load %arg21[%swap3A_550, %swap3A_551] {strides = array<i32>} : memref<16x1024xf32, #tpu.memory_space<vmem>>, vector<1x16xf32>,
        %swap3A_553 = vector.shape_cast %swap3A_552 : vector<1x16xf32> to vector<16xf32>
        %swap3A_554 = vector.shape_cast %add3A_548 : vector<16xf32> to vector<1x16xf32>
        tpu.vector_store %arg21[%swap3A_550, %swap3A_551], %swap3A_554 {strides = array<i32>} : memref<16x1024xf32, #tpu.memory_space<vmem>>, vector<1x16xf32>,
        %mul3A_555 = arith.constant 16 : i32
        %mul3A_556 = arith.muli %scan3A_256, %mul3A_555 : i32
        %get3A_557 = arith.constant 13 : i32
        %get3A_558 = arith.index_cast %get3A_557 : i32 to index
        %get3A_559 = arith.index_cast %mul3A_556 : i32 to index
        %get3A_560 = tpu.vector_load %arg18[%get3A_558, %get3A_559] {strides = array<i32>} : memref<16x1024xf32, #tpu.memory_space<vmem>>, vector<1x16xf32>,
        %get3A_561 = vector.shape_cast %get3A_560 : vector<1x16xf32> to vector<16xf32>
        %mul3A_562 = vector.broadcast %squeeze3A_202 : f32 to vector<16xf32>
        %mul3A_563 = arith.mulf %mul3A_562, %get3A_561 : vector<16xf32>
        %get3A_564 = arith.constant 13 : i32
        %get3A_565 = arith.index_cast %get3A_564 : i32 to index
        %get3A_566 = arith.index_cast %mul3A_556 : i32 to index
        %get3A_567 = tpu.vector_load %arg19[%get3A_565, %get3A_566] {strides = array<i32>} : memref<16x1024xf32, #tpu.memory_space<vmem>>, vector<1x16xf32>,
        %get3A_568 = vector.shape_cast %get3A_567 : vector<1x16xf32> to vector<16xf32>
        %mul3A_569 = vector.broadcast %squeeze3A_234 : f32 to vector<16xf32>
        %mul3A_570 = arith.mulf %mul3A_569, %get3A_568 : vector<16xf32>
        %add3A_571 = arith.addf %mul3A_563, %mul3A_570 : vector<16xf32>
        %swap3A_572 = arith.constant 13 : i32
        %swap3A_573 = arith.index_cast %swap3A_572 : i32 to index
        %swap3A_574 = arith.index_cast %mul3A_556 : i32 to index
        %swap3A_575 = tpu.vector_load %arg21[%swap3A_573, %swap3A_574] {strides = array<i32>} : memref<16x1024xf32, #tpu.memory_space<vmem>>, vector<1x16xf32>,
        %swap3A_576 = vector.shape_cast %swap3A_575 : vector<1x16xf32> to vector<16xf32>
        %swap3A_577 = vector.shape_cast %add3A_571 : vector<16xf32> to vector<1x16xf32>
        tpu.vector_store %arg21[%swap3A_573, %swap3A_574], %swap3A_577 {strides = array<i32>} : memref<16x1024xf32, #tpu.memory_space<vmem>>, vector<1x16xf32>,
        %mul3A_578 = arith.constant 16 : i32
        %mul3A_579 = arith.muli %scan3A_256, %mul3A_578 : i32
        %get3A_580 = arith.constant 14 : i32
        %get3A_581 = arith.index_cast %get3A_580 : i32 to index
        %get3A_582 = arith.index_cast %mul3A_579 : i32 to index
        %get3A_583 = tpu.vector_load %arg18[%get3A_581, %get3A_582] {strides = array<i32>} : memref<16x1024xf32, #tpu.memory_space<vmem>>, vector<1x16xf32>,
        %get3A_584 = vector.shape_cast %get3A_583 : vector<1x16xf32> to vector<16xf32>
        %mul3A_585 = vector.broadcast %squeeze3A_204 : f32 to vector<16xf32>
        %mul3A_586 = arith.mulf %mul3A_585, %get3A_584 : vector<16xf32>
        %get3A_587 = arith.constant 14 : i32
        %get3A_588 = arith.index_cast %get3A_587 : i32 to index
        %get3A_589 = arith.index_cast %mul3A_579 : i32 to index
        %get3A_590 = tpu.vector_load %arg19[%get3A_588, %get3A_589] {strides = array<i32>} : memref<16x1024xf32, #tpu.memory_space<vmem>>, vector<1x16xf32>,
        %get3A_591 = vector.shape_cast %get3A_590 : vector<1x16xf32> to vector<16xf32>
        %mul3A_592 = vector.broadcast %squeeze3A_236 : f32 to vector<16xf32>
        %mul3A_593 = arith.mulf %mul3A_592, %get3A_591 : vector<16xf32>
        %add3A_594 = arith.addf %mul3A_586, %mul3A_593 : vector<16xf32>
        %swap3A_595 = arith.constant 14 : i32
        %swap3A_596 = arith.index_cast %swap3A_595 : i32 to index
        %swap3A_597 = arith.index_cast %mul3A_579 : i32 to index
        %swap3A_598 = tpu.vector_load %arg21[%swap3A_596, %swap3A_597] {strides = array<i32>} : memref<16x1024xf32, #tpu.memory_space<vmem>>, vector<1x16xf32>,
        %swap3A_599 = vector.shape_cast %swap3A_598 : vector<1x16xf32> to vector<16xf32>
        %swap3A_600 = vector.shape_cast %add3A_594 : vector<16xf32> to vector<1x16xf32>
        tpu.vector_store %arg21[%swap3A_596, %swap3A_597], %swap3A_600 {strides = array<i32>} : memref<16x1024xf32, #tpu.memory_space<vmem>>, vector<1x16xf32>,
        %mul3A_601 = arith.constant 16 : i32
        %mul3A_602 = arith.muli %scan3A_256, %mul3A_601 : i32
        %get3A_603 = arith.constant 15 : i32
        %get3A_604 = arith.index_cast %get3A_603 : i32 to index
        %get3A_605 = arith.index_cast %mul3A_602 : i32 to index
        %get3A_606 = tpu.vector_load %arg18[%get3A_604, %get3A_605] {strides = array<i32>} : memref<16x1024xf32, #tpu.memory_space<vmem>>, vector<1x16xf32>,
        %get3A_607 = vector.shape_cast %get3A_606 : vector<1x16xf32> to vector<16xf32>
        %mul3A_608 = vector.broadcast %squeeze3A_206 : f32 to vector<16xf32>
        %mul3A_609 = arith.mulf %mul3A_608, %get3A_607 : vector<16xf32>
        %get3A_610 = arith.constant 15 : i32
        %get3A_611 = arith.index_cast %get3A_610 : i32 to index
        %get3A_612 = arith.index_cast %mul3A_602 : i32 to index
        %get3A_613 = tpu.vector_load %arg19[%get3A_611, %get3A_612] {strides = array<i32>} : memref<16x1024xf32, #tpu.memory_space<vmem>>, vector<1x16xf32>,
        %get3A_614 = vector.shape_cast %get3A_613 : vector<1x16xf32> to vector<16xf32>
        %mul3A_615 = vector.broadcast %squeeze3A_238 : f32 to vector<16xf32>
        %mul3A_616 = arith.mulf %mul3A_615, %get3A_614 : vector<16xf32>
        %add3A_617 = arith.addf %mul3A_609, %mul3A_616 : vector<16xf32>
        %swap3A_618 = arith.constant 15 : i32
        %swap3A_619 = arith.index_cast %swap3A_618 : i32 to index
        %swap3A_620 = arith.index_cast %mul3A_602 : i32 to index
        %swap3A_621 = tpu.vector_load %arg21[%swap3A_619, %swap3A_620] {strides = array<i32>} : memref<16x1024xf32, #tpu.memory_space<vmem>>, vector<1x16xf32>,
        %swap3A_622 = vector.shape_cast %swap3A_621 : vector<1x16xf32> to vector<16xf32>
        %swap3A_623 = vector.shape_cast %add3A_617 : vector<16xf32> to vector<1x16xf32>
        tpu.vector_store %arg21[%swap3A_619, %swap3A_620], %swap3A_623 {strides = array<i32>} : memref<16x1024xf32, #tpu.memory_space<vmem>>, vector<1x16xf32>,
      }
      %scan3A_244 = arith.constant 64 : i32
      %mul3A_245 = arith.constant 2 : i32
      %mul3A_246 = arith.muli %mul3A_245, %scan3A_28 : i32
      %add3A_247 = arith.constant 1 : i32
      %add3A_248 = arith.addi %mul3A_246, %add3A_247 : i32
      %mul3A_249 = arith.constant 16 : i32
      %mul3A_250 = arith.muli %add3A_248, %mul3A_249 : i32
      %add3A_251 = arith.addi %mul3A_2, %mul3A_250 : i32
      %dma_start3A_252 = arith.constant 0 : i32
      %dma_start3A_253 = tpu.memref_slice %arg11[%add3A_251, %dma_start3A_252] : memref<4096x1024xf32, #tpu.memory_space<hbm>> -> memref<16x1024xf32, #tpu.memory_space<hbm>>
      %dma_start3A_254 = arith.constant 0 : i32
      %dma_start3A_255 = tpu.memref_slice %arg11[%add3A_251, %dma_start3A_254] : memref<4096x1024xf32, #tpu.memory_space<hbm>> -> memref<16x1024xf32, #tpu.memory_space<hbm>>
      tpu.enqueue_dma source(%arg21 : memref<16x1024xf32, #tpu.memory_space<vmem>>) target(%dma_start3A_255 : memref<16x1024xf32, #tpu.memory_space<hbm>>) target_semaphore(%arg25 : memref<!tpu.dma_semaphore, #tpu.memory_space<semaphore_mem>>)
    }
    %scan3A_16 = arith.constant 4 : i32
    %dma_wait3A = arith.constant 0 : i32
    %dma_wait3A_17 = arith.constant 0 : i32
    %dma_wait3A_18 = tpu.memref_slice %arg2[%dma_wait3A, %dma_wait3A_17] : memref<4096x1024xf32, #tpu.memory_space<hbm>> -> memref<16x1024xf32, #tpu.memory_space<hbm>>
    %dma_wait3A_19 = arith.constant 0 : i32
    %dma_wait3A_20 = arith.constant 0 : i32
    %dma_wait3A_21 = tpu.memref_slice %arg2[%dma_wait3A_19, %dma_wait3A_20] : memref<4096x1024xf32, #tpu.memory_space<hbm>> -> memref<16x1024xf32, #tpu.memory_space<hbm>>
    tpu.wait_dma2 semaphore(%arg24 : memref<!tpu.dma_semaphore, #tpu.memory_space<semaphore_mem>>) src(%dma_wait3A_21 : memref<16x1024xf32, #tpu.memory_space<hbm>>) dst(%arg20 : memref<16x1024xf32, #tpu.memory_space<vmem>>)
    %dma_wait3A_22 = arith.constant 0 : i32
    %dma_wait3A_23 = arith.constant 0 : i32
    %dma_wait3A_24 = tpu.memref_slice %arg2[%dma_wait3A_22, %dma_wait3A_23] : memref<4096x1024xf32, #tpu.memory_space<hbm>> -> memref<16x1024xf32, #tpu.memory_space<hbm>>
    %dma_wait3A_25 = arith.constant 0 : i32
    %dma_wait3A_26 = arith.constant 0 : i32
    %dma_wait3A_27 = tpu.memref_slice %arg2[%dma_wait3A_25, %dma_wait3A_26] : memref<4096x1024xf32, #tpu.memory_space<hbm>> -> memref<16x1024xf32, #tpu.memory_space<hbm>>
    tpu.wait_dma2 semaphore(%arg25 : memref<!tpu.dma_semaphore, #tpu.memory_space<semaphore_mem>>) src(%dma_wait3A_27 : memref<16x1024xf32, #tpu.memory_space<hbm>>) dst(%arg21 : memref<16x1024xf32, #tpu.memory_space<vmem>>)
    return
  }
}

module attributes {stable_mosaic.version = 14 : i64} {
  func.func @_router_body(%arg0: i32, %arg1: memref<2048x1024xf32, #tpu.memory_space<vmem>>, %arg2: memref<8x1024xf32, #tpu.memory_space<vmem>>, %arg3: memref<2048x8xf32, #tpu.memory_space<vmem>>, %arg4: memref<4x2048xf32, #tpu.memory_space<vmem>>) attributes {dimension_semantics = [#tpu.dimension_semantics<arbitrary>], iteration_bounds = array<i64: 2>, scalar_prefetch = 0 : i64, scratch_operands = 0 : i64, tpu.core_type = #tpu.core_type<tc>, window_params = [{transform_indices = @transform_0, window_bounds = array<i64: 2048, 1024>}, {pipeline_mode = #tpu.pipeline_mode<synchronous>, transform_indices = @transform_1, window_bounds = array<i64: 8, 1024>}, {transform_indices = @transform_2, window_bounds = array<i64: 2048, 8>}, {transform_indices = @transform_3, window_bounds = array<i64: 4, 2048>}]} {
    %get3A = arith.constant 0 : index
    %get3A_0 = arith.constant 0 : index
    %get3A_1 = vector.load %arg1[%get3A, %get3A_0] : memref<2048x1024xf32, #tpu.memory_space<vmem>>, vector<2048x1024xf32>
    %get3A_2 = arith.constant 0 : index
    %get3A_3 = arith.constant 0 : index
    %get3A_4 = vector.load %arg2[%get3A_2, %get3A_3] : memref<8x1024xf32, #tpu.memory_space<vmem>>, vector<8x1024xf32>
    %dot_general3A = arith.constant dense<0.000000e+00> : vector<8x2048xf32>
    %dot_general3A_5 = tpu.matmul %get3A_4, %get3A_1, %dot_general3A {dimension_numbers = #tpu.dot_dimension_numbers<[1], [1], [0], [0], [0, 0, 1, 0], [], []>, transpose_lhs_hint = false} : vector<8x1024xf32>, vector<2048x1024xf32>, vector<8x2048xf32> -> vector<8x2048xf32>
    %iota3A = tpu.iota {dimensions = array<i32: 0>} : vector<8x2048xi32>
    %reduce_max3A = arith.constant dense<0xFF800000> : vector<2048xf32>
    %reduce_max3A_6 = vector.multi_reduction <maximumf>, %dot_general3A_5, %reduce_max3A [0] : vector<8x2048xf32> to vector<2048xf32>
    %broadcast_in_dim3A = vector.shape_cast %reduce_max3A_6 : vector<2048xf32> to vector<1x2048xf32>
    %eq3A = vector.broadcast %broadcast_in_dim3A : vector<1x2048xf32> to vector<8x2048xf32>
    %eq3A_7 = arith.cmpf oeq, %dot_general3A_5, %eq3A : vector<8x2048xf32>
    %jit3A = arith.constant 8 : i32
    %broadcast_in_dim3A_8 = vector.broadcast %jit3A : i32 to vector<8x2048xi32>
    %select_n3A = arith.select %eq3A_7, %iota3A, %broadcast_in_dim3A_8 : vector<8x2048xi1>, vector<8x2048xi32>
    %reduce_min3A = arith.constant dense<2147483647> : vector<2048xi32>
    %reduce_min3A_9 = vector.multi_reduction <minsi>, %select_n3A, %reduce_min3A [0] : vector<8x2048xi32> to vector<2048xi32>
    %broadcast_in_dim3A_10 = vector.shape_cast %reduce_min3A_9 : vector<2048xi32> to vector<1x2048xi32>
    %eq3A_11 = vector.broadcast %broadcast_in_dim3A_10 : vector<1x2048xi32> to vector<8x2048xi32>
    %eq3A_12 = arith.cmpi eq, %iota3A, %eq3A_11 : vector<8x2048xi32>
    %jit3A_13 = arith.constant 0xFF800000 : f32
    %broadcast_in_dim3A_14 = vector.broadcast %jit3A_13 : f32 to vector<8x2048xf32>
    %select_n3A_15 = arith.select %eq3A_12, %broadcast_in_dim3A_14, %dot_general3A_5 : vector<8x2048xi1>, vector<8x2048xf32>
    %reduce_max3A_16 = arith.constant dense<0xFF800000> : vector<2048xf32>
    %reduce_max3A_17 = vector.multi_reduction <maximumf>, %select_n3A_15, %reduce_max3A_16 [0] : vector<8x2048xf32> to vector<2048xf32>
    %broadcast_in_dim3A_18 = vector.shape_cast %reduce_max3A_17 : vector<2048xf32> to vector<1x2048xf32>
    %eq3A_19 = vector.broadcast %broadcast_in_dim3A_18 : vector<1x2048xf32> to vector<8x2048xf32>
    %eq3A_20 = arith.cmpf oeq, %select_n3A_15, %eq3A_19 : vector<8x2048xf32>
    %jit3A_21 = arith.constant 8 : i32
    %broadcast_in_dim3A_22 = vector.broadcast %jit3A_21 : i32 to vector<8x2048xi32>
    %select_n3A_23 = arith.select %eq3A_20, %iota3A, %broadcast_in_dim3A_22 : vector<8x2048xi1>, vector<8x2048xi32>
    %reduce_min3A_24 = arith.constant dense<2147483647> : vector<2048xi32>
    %reduce_min3A_25 = vector.multi_reduction <minsi>, %select_n3A_23, %reduce_min3A_24 [0] : vector<8x2048xi32> to vector<2048xi32>
    %broadcast_in_dim3A_26 = vector.shape_cast %reduce_min3A_25 : vector<2048xi32> to vector<1x2048xi32>
    %sub3A = arith.subf %broadcast_in_dim3A_18, %broadcast_in_dim3A : vector<1x2048xf32>
    %exp3A = math.exp %sub3A : vector<1x2048xf32>
    %add3A = arith.constant 1.000000e+00 : f32
    %add3A_27 = vector.broadcast %add3A : f32 to vector<1x2048xf32>
    %add3A_28 = arith.addf %add3A_27, %exp3A : vector<1x2048xf32>
    %div3A = arith.constant 1.000000e+00 : f32
    %div3A_29 = vector.broadcast %div3A : f32 to vector<1x2048xf32>
    %div3A_30 = arith.divf %div3A_29, %add3A_28 : vector<1x2048xf32>
    %mul3A = arith.mulf %exp3A, %div3A_30 : vector<1x2048xf32>
    %eq3A_31 = vector.broadcast %broadcast_in_dim3A_10 : vector<1x2048xi32> to vector<8x2048xi32>
    %eq3A_32 = arith.cmpi eq, %iota3A, %eq3A_31 : vector<8x2048xi32>
    %jit3A_33 = arith.constant 0.000000e+00 : f32
    %broadcast_in_dim3A_34 = vector.shape_cast %div3A_30 : vector<1x2048xf32> to vector<1x2048xf32>
    %broadcast_in_dim3A_35 = vector.broadcast %broadcast_in_dim3A_34 : vector<1x2048xf32> to vector<8x2048xf32>
    %broadcast_in_dim3A_36 = vector.broadcast %jit3A_33 : f32 to vector<8x2048xf32>
    %select_n3A_37 = arith.select %eq3A_32, %broadcast_in_dim3A_35, %broadcast_in_dim3A_36 : vector<8x2048xi1>, vector<8x2048xf32>
    %eq3A_38 = vector.broadcast %broadcast_in_dim3A_26 : vector<1x2048xi32> to vector<8x2048xi32>
    %eq3A_39 = arith.cmpi eq, %iota3A, %eq3A_38 : vector<8x2048xi32>
    %jit3A_40 = arith.constant 0.000000e+00 : f32
    %broadcast_in_dim3A_41 = vector.shape_cast %mul3A : vector<1x2048xf32> to vector<1x2048xf32>
    %broadcast_in_dim3A_42 = vector.broadcast %broadcast_in_dim3A_41 : vector<1x2048xf32> to vector<8x2048xf32>
    %broadcast_in_dim3A_43 = vector.broadcast %jit3A_40 : f32 to vector<8x2048xf32>
    %select_n3A_44 = arith.select %eq3A_39, %broadcast_in_dim3A_42, %broadcast_in_dim3A_43 : vector<8x2048xi1>, vector<8x2048xf32>
    %add3A_45 = arith.addf %select_n3A_37, %select_n3A_44 : vector<8x2048xf32>
    %transpose3A = tpu.transpose %add3A_45, [1, 0] : vector<8x2048xf32> -> vector<2048x8xf32>
    %swap3A = arith.constant 0 : index
    %swap3A_46 = arith.constant 0 : index
    %swap3A_47 = vector.load %arg3[%swap3A, %swap3A_46] : memref<2048x8xf32, #tpu.memory_space<vmem>>, vector<2048x8xf32>
    tpu.vector_store %arg3[%swap3A, %swap3A_46], %transpose3A {strides = array<i32>} : memref<2048x8xf32, #tpu.memory_space<vmem>>, vector<2048x8xf32>,
    %convert_element_type3A = arith.sitofp %broadcast_in_dim3A_10 : vector<1x2048xi32> to vector<1x2048xf32>
    %swap3A_48 = arith.constant 0 : index
    %swap3A_49 = arith.constant 0 : index
    %swap3A_50 = vector.load %arg4[%swap3A_48, %swap3A_49] : memref<4x2048xf32, #tpu.memory_space<vmem>>, vector<1x2048xf32>
    tpu.vector_store %arg4[%swap3A_48, %swap3A_49], %convert_element_type3A {strides = array<i32>} : memref<4x2048xf32, #tpu.memory_space<vmem>>, vector<1x2048xf32>,
    %convert_element_type3A_51 = arith.sitofp %broadcast_in_dim3A_26 : vector<1x2048xi32> to vector<1x2048xf32>
    %swap3A_52 = arith.constant 1 : index
    %swap3A_53 = arith.constant 0 : index
    %swap3A_54 = vector.load %arg4[%swap3A_52, %swap3A_53] : memref<4x2048xf32, #tpu.memory_space<vmem>>, vector<1x2048xf32>
    tpu.vector_store %arg4[%swap3A_52, %swap3A_53], %convert_element_type3A_51 {strides = array<i32>} : memref<4x2048xf32, #tpu.memory_space<vmem>>, vector<1x2048xf32>,
    %swap3A_55 = arith.constant 2 : index
    %swap3A_56 = arith.constant 0 : index
    %swap3A_57 = vector.load %arg4[%swap3A_55, %swap3A_56] : memref<4x2048xf32, #tpu.memory_space<vmem>>, vector<1x2048xf32>
    tpu.vector_store %arg4[%swap3A_55, %swap3A_56], %div3A_30 {strides = array<i32>} : memref<4x2048xf32, #tpu.memory_space<vmem>>, vector<1x2048xf32>,
    %swap3A_58 = arith.constant 3 : index
    %swap3A_59 = arith.constant 0 : index
    %swap3A_60 = vector.load %arg4[%swap3A_58, %swap3A_59] : memref<4x2048xf32, #tpu.memory_space<vmem>>, vector<1x2048xf32>
    tpu.vector_store %arg4[%swap3A_58, %swap3A_59], %mul3A {strides = array<i32>} : memref<4x2048xf32, #tpu.memory_space<vmem>>, vector<1x2048xf32>,
    return
  }
  func.func @transform_0(%arg0: i32) -> (i32, i32) {
    %c0_i32 = arith.constant 0 : i32
    %c0_i32_0 = arith.constant 0 : i32
    return %arg0, %c0_i32 : i32, i32
  }
  func.func @transform_1(%arg0: i32) -> (i32, i32) {
    %c0_i32 = arith.constant 0 : i32
    %c0_i32_0 = arith.constant 0 : i32
    %c0_i32_1 = arith.constant 0 : i32
    return %c0_i32, %c0_i32_0 : i32, i32
  }
  func.func @transform_2(%arg0: i32) -> (i32, i32) {
    %c0_i32 = arith.constant 0 : i32
    %c0_i32_0 = arith.constant 0 : i32
    return %arg0, %c0_i32 : i32, i32
  }
  func.func @transform_3(%arg0: i32) -> (i32, i32) {
    %c0_i32 = arith.constant 0 : i32
    %c0_i32_0 = arith.constant 0 : i32
    return %c0_i32, %arg0 : i32, i32
  }
}

</mosaic_0001>

<sc_bundles>
// kernel: _run.4.cloned.1.call-start
scs
__scs_entry_jumppad:
0x0: {  	(pc) =	sbr.rel $0x88, $3  }
0x1: {  	(tag) =	ssettag $0x0;
	lr =	simm.s32 $0x1  }
0x2: {  	[smem:$0x3F97] =	sst lr;
	_ =	strace $0xD0000000  }
0x3: {  	_ = 	snop  }
0x4: {  	_ = 	snop  }
0x5: {  	_ = 	snop  }
0x6: {  	_ = 	snop  }
0x7: {  	_ = 	snop  }
__scs_overlays_trampoline_lowered:
0x8: {  	[smem:$0x3FA6] =	sst s0  }
0x9: {  	[smem:$0x3FA7] =	sst s1  }
0xa: {  	[smem:$0x3FA8] =	sst s2  }
0xb: {  	[smem:$0x3FA9] =	sst s3  }
0xc: {  	[smem:$0x3FAA] =	sst s4  }
0xd: {  	[smem:$0x3FAB] =	sst s5  }
0xe: {  	[smem:$0x3FAC] =	sst s6  }
0xf: {  	[smem:$0x3FAD] =	sst s7  }
0x10: {  	[smem:$0x3FAE] =	sst s8  }
0x11: {  	[smem:$0x3FAF] =	sst s9;
	s0 =	simm.s32 @!p0 $0x0  }
0x12: {  	s1 =	sld [smem:$0x3F95];
	s0 =	simm.s32 @p0 $0x1  }
0x13: {  	[smem:$0x3FB0] =	sst s0;
	s0 =	simm.s32 @!p1 $0x0  }
0x14: {  	s2 =	sld [smem:$0x3F94];
	s0 =	simm.s32 @p1 $0x1  }
0x15: {  	[smem:$0x3FB1] =	sst s0;
	s0 =	simm.s32 @!p2 $0x0  }
0x16: {  	s3 =	sld [smem:$0x3FDB];
	s0 =	simm.s32 @p2 $0x1  }
0x17: {  	s4 =	simm.s32 $0x1BF5;
	[smem:$0x3FB3] =	sst s0  }
0x18: {  	s0 =	sld [smem:$0x3F96];
	_ =	swait.ge [sflag:s4], $0x0  }
0x19: {  	s7 =	sld [smem:$0x3F97]  }
0x1a: {  	s8 =	sadd.s32 $0xFFFFE003, lr  }
0x1b: {  	s9 =	sadd.s32 $0xFFFFFEF7, lr;
	s5 =	simm.s32 $0xFFFFFFFF;
	p2 =	slt.u32 s8, $0xFFFFF086  }
0x1c: {  	p1 =	slt.u32 s9, $0xF7A;
	s5 =	simm.s32 @!p2 $0x0  }
0x1d: {  	s5 =	simm.s32 @p1 $0x1;
	p0 =	seq.s32 s7, s2  }
0x1e: {  	s7 =	smul.u32 @!p0 $0xF7A, s2;
	p2 =	seq.s32 @!p0 s5, $0x0  }
0x1f: {  	s9 =	smul.u32 $0xF7A, s1;
	s8 =	simm.s32 @!p0 $0x1BF5;
	p2 =	por !p2, p0  }
0x20: {  	[sflag:s8] =	ssyncset.s32 @!p0 $0xFFFFF086;
	s6 =	sadd.s32 @!p0 s3, s7;
	s7 =	simm.s32 @!p0 $0x108  }
0x21: {  	s3 =	sadd.s32 s3, s9;
	s6 =	sadd.s32 @!p0 $0x88, s6;
	s7 =	simm.s32 @p2 $0x1082  }
0x22: {  	[simem:s7], [sflag:s8] =	dma.local @!p0 [hbm:s6], $0xF7A  }
0x23: {  	s9 =	sor.u32 $0xD0000000, s2;
	s6 =	simm.s32 $0x108;
	_ =	swait.ge @!p0 [sflag:s8], $0x0  }
0x24: {  	s3 =	sadd.s32 $0x88, s3;
	s6 =	simm.s32 @!p1 $0x1082;
	[sflag:s4] =	ssyncset.s32 $0xFFFFF086  }
0x25: {  	[simem:s6], [sflag:s4] =	dma.local [hbm:s3], $0xF7A  }
0x26: {  	[smem:$0x3F97] =	sst s1;
	(tag) =	ssettag s2;
	_ =	strace s9  }
0x27: {  	s1 =	sld [smem:$0x3FA7]  }
0x28: {  	s2 =	sld [smem:$0x3FA8]  }
0x29: {  	s4 =	sld [smem:$0x3FAA]  }
0x2a: {  	p0 =	seq.s32 s5, $0x0;
	s5 =	sld [smem:$0x3FAB]  }
0x2b: {  	s6 =	sld [smem:$0x3FAC]  }
0x2c: {  	s7 =	sld [smem:$0x3FAD]  }
0x2d: {  	s3 =	simm.s32 $0x108;
	s8 =	sld [smem:$0x3FAE]  }
0x2e: {  	s3 =	simm.s32 @!p0 $0x1082;
	s9 =	sld [smem:$0x3FAF]  }
0x2f: {  	lr =	sadd.s32 s0, s3;
	s0 =	sld [smem:$0x3FA6]  }
0x30: {  	s3 =	sld [smem:$0x3FA9]  }
0x31: {  	[smem:$0x3FB2] =	sst s10  }
0x32: {  	s10 =	sld [smem:$0x3FB0];
	_ =	sdelay $0x3  }
0x33: {  	p0 =	seq.s32 s10, $0x1;
	s10 =	sld [smem:$0x3FB2];
	_ =	sdelay $0x3  }
0x34: {  	[smem:$0x3FB2] =	sst s10  }
0x35: {  	s10 =	sld [smem:$0x3FB1];
	_ =	sdelay $0x3  }
0x36: {  	p1 =	seq.s32 s10, $0x1;
	s10 =	sld [smem:$0x3FB2];
	_ =	sdelay $0x3  }
0x37: {  	[smem:$0x3FB2] =	sst s10  }
0x38: {  	s10 =	sld [smem:$0x3FB3]  }
0x39: {  	_ = 	snop;
	(pc) =	sbr.ind lr, $3  }
0x3a: {  	_ = 	snop  }
0x3b: {  	_ = 	snop  }
0x3c: {  	p2 =	seq.s32 s10, $0x1;
	s10 =	sld [smem:$0x3FB2]  }
0x3d: {  	_ =	shalt  }
0x3e: {  	_ =	shalt  }
0x3f: {  	_ =	shalt  }
0x40: {  	_ =	shalt  }
0x41: {  	_ =	shalt  }
0x42: {  	_ =	shalt  }
0x43: {  	_ =	shalt  }
0x44: {  	_ =	shalt  }
0x45: {  	_ =	shalt  }
0x46: {  	_ =	shalt  }
0x47: {  	_ =	shalt  }
0x48: {  	_ =	shalt  }
0x49: {  	_ =	shalt  }
0x4a: {  	_ =	shalt  }
0x4b: {  	_ =	shalt  }
0x4c: {  	_ =	shalt  }
0x4d: {  	_ =	shalt  }
0x4e: {  	_ =	shalt  }
0x4f: {  	_ =	shalt  }
0x50: {  	_ =	shalt  }
0x51: {  	_ =	shalt  }
0x52: {  	_ =	shalt  }
0x53: {  	_ =	shalt  }
0x54: {  	_ =	shalt  }
0x55: {  	_ =	shalt  }
0x56: {  	_ =	shalt  }
0x57: {  	_ =	shalt  }
0x58: {  	_ =	shalt  }
0x59: {  	_ =	shalt  }
0x5a: {  	_ =	shalt  }
0x5b: {  	_ =	shalt  }
0x5c: {  	_ =	shalt  }
0x5d: {  	_ =	shalt  }
0x5e: {  	_ =	shalt  }
0x5f: {  	_ =	shalt  }
0x60: {  	_ =	shalt  }
0x61: {  	_ =	shalt  }
0x62: {  	_ =	shalt  }
0x63: {  	_ =	shalt  }
0x64: {  	_ =	shalt  }
0x65: {  	_ =	shalt  }
0x66: {  	_ =	shalt  }
0x67: {  	_ =	shalt  }
0x68: {  	_ =	shalt  }
0x69: {  	_ =	shalt  }
0x6a: {  	_ =	shalt  }
0x6b: {  	_ =	shalt  }
0x6c: {  	_ =	shalt  }
0x6d: {  	_ =	shalt  }
0x6e: {  	_ =	shalt  }
0x6f: {  	_ =	shalt  }
0x70: {  	_ =	shalt  }
0x71: {  	_ =	shalt  }
0x72: {  	_ =	shalt  }
0x73: {  	_ =	shalt  }
0x74: {  	_ =	shalt  }
0x75: {  	_ =	shalt  }
0x76: {  	_ =	shalt  }
0x77: {  	_ =	shalt  }
0x78: {  	_ =	shalt  }
0x79: {  	_ =	shalt  }
0x7a: {  	_ =	shalt  }
0x7b: {  	_ =	shalt  }
0x7c: {  	_ =	shalt  }
0x7d: {  	_ =	shalt  }
0x7e: {  	_ =	shalt  }
0x7f: {  	_ =	shalt  }
0x80: {  	_ =	shalt  }
0x81: {  	_ =	shalt  }
0x82: {  	_ =	shalt  }
0x83: {  	_ =	shalt  }
0x84: {  	_ =	shalt  }
0x85: {  	_ =	shalt  }
0x86: {  	_ =	shalt  }
0x87: {  	_ =	shalt  }
.Lfunc_end0:
.L_simem_size_0:
called_computation_lowered:
.L_overlay_start_0:
0x88: {  	s2 =	sld [smem:$0x3FD9]  }
0x89: {  	s3 =	sld [smem:$0x3FFE];
	_ =	sdelay $0x1  }
0x8a: {  	s1 =	srdreg.scid  }
0x8b: {  	s0 =	sand.u32 $0x1, s1  }
0x8c: {  	s30 =	sshll.u32 s0, $0xA;
	s2 =	sadd.s32 s3, s2  }
0x8d: {  	s2 =	sadd.s32 s2, s30  }
0x8e: {  	[smem:$0x3FBE] =	sst s2  }
0x8f: {  	_ = 	snop  }
0x90: {  	s2 =	sld [smem:$0x3FC9]  }
0x91: {  	s31 =	sld [smem:$0x3FC8]  }
0x92: {  	s4 =	sld [smem:$0x3FC7]  }
0x93: {  	s5 =	sld [smem:$0x3FC6]  }
0x94: {  	s6 =	sld [smem:$0x3FC5]  }
0x95: {  	s7 =	sld [smem:$0x3FD0]  }
0x96: {  	s8 =	sld [smem:$0x3FC4]  }
0x97: {  	s9 =	sld [smem:$0x3FC3]  }
0x98: {  	s11 =	simm.s32 $0xA;
	s12 =	simm.s32 $0x10;
	s10 =	sld [smem:$0x3FC2]  }
0x99: {  	[smem:s12], [sflag:s11] =	dma.local [hbm:s7], $0x1  }
0x9a: {  	_ =	swait.eq [sflag:s11], $0x1  }
0x9b: {  	[sflag:s11] =	ssyncset.done $0x0  }
0x9c: {  	[sflag:s11] =	ssyncadd.s32 $0xFFFFFFFF  }
0x9d: {  	s16 =	sld [smem:$0x10];
	(tm) =	ssettm $0x1  }
0x9e: {  	s17 =	sld [smem:$0x3FFB];
	_ =	sdelay $0x3  }
0x9f: {  	_ =	strace s17  }
0xa0: {  	s11 =	sld [smem:$0x3FFC];
	_ =	sdelay $0x3  }
0xa1: {  	_ =	strace s11  }
0xa2: {  	s11 =	sld [smem:$0x3FFD];
	_ =	sdelay $0x3  }
0xa3: {  	_ =	strace s11  }
0xa4: {  	_ =	strace $0x8FFFFFFF  }
0xa5: {  	s18 =	sld [smem:$0x3FDB];
	_ =	sdelay $0x1  }
0xa6: {  	s19 =	simm.s32 $_scs_section_size  }
0xa7: {  	s13 =	simm.s32 $_size__tile_overlayer_lowered;
	s14 =	simm.s32 $_tile_overlayer_lowered  }
0xa8: {  	s22 =	simm.s32 $0x1BFF;
	s21 =	sshll.u32 s14, $0x1;
	s11 =	sadd.s32 s19, s18  }
0xa9: {  	s15 =	simm.s32 $0x0;
	s20 =	sshll.u32 s13, $0x1;
	s13 =	sadd.s32 s21, s11  }
0xaa: {  	[timem:s15], [sflag:s22] =	dma.local [hbm:s13], s20  }
0xab: {  	_ =	swait.ge [sflag:s22], s20  }
0xac: {  	s12 =	ssub.s32 $0x0, s20;
	[sflag:s22] =	ssyncset.done $0x0  }
0xad: {  	[sflag:s22] =	ssyncadd.s32 s12;
	_ =	sdelay $0x1  }
0xae: {  	s23 =	simm.s32 $0x1B8B  }
0xaf: {  	_ =	swait.ge [sflag:s23], $0x1  }
0xb0: {  	[sflag:s23] =	ssyncset.done $0x0  }
0xb1: {  	s25 =	simm.s32 $0x1B8E;
	s24 =	sld [smem:$0x3FFE];
	[sflag:s23] =	ssyncadd.s32 $0xFFFFFFFF  }
0xb2: {  	s26 =	simm.s32 $execute0_lowered;
	[smem:$0x3FD2] =	sst s25  }
0xb3: {  	s13 =	sshll.u32 s26, $0x1;
	_ =	strace $0x80000046;
	[dreg:$0x1] =	wrdreg $0xFFFFFFFF  }
0xb4: {  	s28 =	simm.s32 $_size_execute0_lowered;
	s11 =	sadd.s32 s11, s13;
	[dreg:$0x0] =	wrdreg $0x0  }
0xb5: {  	s13 =	sshll.u32 s28, $0x1;
	[dreg:$0x2] =	wrdreg s11  }
0xb6: {  	[dreg:$0x3] =	wrdreg s13  }
0xb7: {  	[dreg:$0x4] =	wrdreg $0xC0  }
0xb8: {  	_ =	task [dreg:s15], $0x5FFFF  }
0xb9: {  	[dreg:$0x1] =	wrdreg $0xFFFFFFFF  }
0xba: {  	[dreg:$0x0] =	wrdreg $0x60  }
0xbb: {  	[dreg:$0x2] =	wrdreg s2  }
0xbc: {  	[dreg:$0x3] =	wrdreg s31  }
0xbd: {  	[dreg:$0x4] =	wrdreg s4  }
0xbe: {  	[dreg:$0x5] =	wrdreg s5  }
0xbf: {  	[dreg:$0x6] =	wrdreg s6  }
0xc0: {  	[dreg:$0x7] =	wrdreg s8  }
0xc1: {  	[dreg:$0x8] =	wrdreg s9  }
0xc2: {  	[dreg:$0x9] =	wrdreg s10  }
0xc3: {  	[dreg:$0xa] =	wrdreg s24  }
0xc4: {  	[dreg:$0xb] =	wrdreg s16  }
0xc5: {  	[dreg:$0xc] =	wrdreg $0x9  }
0xc6: {  	_ =	task.clear_ibuf [dreg:s15], $0xDFFFF;
	_ =	strace $0x90000046  }
0xc7: {  	s29 =	simm.s32 $0x9;
	_ =	strace $0x80000048  }
0xc8: {  	_ =	swait.ge [sflag:s29], $0x1  }
0xc9: {  	[sflag:s29] =	ssyncadd.s32 $0xFFFFFFFF  }
0xca: {  	_ =	strace $0x90000048  }
0xcb: {  	_ =	sfence  }
0xcc: {  	s30 =	sld [smem:$0x0];
	_ =	sdelay $0x2  }
0xcd: {  	s31 =	sshll.u32 s1, $0xD;
	s1 =	sshrl.u32 s1, $0x2  }
0xce: {  	s3 =	sand.u32 $0x4000, s31;
	s1 =	sadd.s32 s1, s30  }
0xcf: {  	s0 =	sor.u32 s3, s0;
	s1 =	sshll.u32 s1, $0x11  }
0xd0: {  	s0 =	sor.u32 s1, s0  }
0xd1: {  	s0 =	sadd.s32 $0x8F2B, s0  }
0xd2: {  	[sflag:s0] =	ssyncadd.remote.s32 $0x1  }
0xd3: {  	_ =	sfence.sel $0xFFFF  }
0xd4: {  	[dreg:$0x0] =	wrdreg $0xFFFFFFFF;
	(pc) =	sbr.abs _section_cstart, $3  }
0xd5: {  	[dreg:$0x1] =	wrdreg $0xFFFFFFFF  }
0xd6: {  	_ =	task.clear_ibuf [dreg:s15], $0x2FFFF;
	_ =	strace $0x9FFFFFFF  }
0xd7: {  	(tm) =	ssettm $0x7FFFFFFF  }
tec
execute0_lowered:
.L_overlay_start_1:
0x0: {  	(tag) =	ssettag $0x1  }
0x1: {  	s0 =	rddreg [dreg:$0x0]  }
0x2: {  	s1 =	rddreg [dreg:$0x1]  }
0x3: {  	s2 =	rddreg [dreg:$0x2]  }
0x4: {  	s3 =	rddreg [dreg:$0x3]  }
0x5: {  	s4 =	rddreg [dreg:$0x4]  }
0x6: {  	s5 =	rddreg [dreg:$0x5]  }
0x7: {  	s7 =	rddreg [dreg:$0x6]  }
0x8: {  	s8 =	rddreg [dreg:$0x7]  }
0x9: {  	s6 =	srdreg.scid;
	s9 =	rddreg [dreg:$0x8]  }
0xa: {  	s10 =	stileid.u32;
	s26 =	rddreg [dreg:$0x9]  }
0xb: {  	s11 =	simm.s32 $0x0;
	s6 =	sand.u32 $0x1, s6;
	s12 =	sshll.u32 s10, $0x8  }
0xc: {  	[smem:$0x7FF] =	sst s11;
	s29 =	sshll.u32 s10, $0xF;
	s13 =	sshll.u32 s6, $0x7  }
0xd: {  	s14 =	ssub.s32 $0x2, s6;
	s6 =	sshll.u32 s6, $0xE;
	s12 =	sor.u32 s13, s12  }
0xe: {  	s18 =	sor.u32 s6, s29;
	[dreg:$0xb] =	wrdreg s12  }
0xf: {  	s13 =	sshrl.u32 s12, $0x1;
	s6 =	sor.u32 $0x800, s18;
	s31 =	sor.u32 $0x1000, s18  }
0x10: {  	_ =	strace $0x80000047;
	s9 =	sadd.s32 s13, s9;
	[dreg:$0x11] =	wrdreg s6  }
0x11: {  	[dreg:$0x12] =	wrdreg s31;
	s24 =	sadd.s32 $0xC00, s9  }
.Ltmp0:
0x12: {  	s25 =	sadd.s32 $0xC10, s9;
	[dreg:$0xc] =	wrdreg s24;
	(pc) =	sbr.rel .LBB2_1-.Ltmp0, $4  }
0x13: {  	s23 =	sshrl.u32 s14, $0x1;
	s28 =	sadd.s32 $0xC20, s9;
	[dreg:$0xd] =	wrdreg s25  }
0x14: {  	s13 =	ssub.s32 s14, s23;
	s9 =	sadd.s32 $0xC30, s9;
	[dreg:$0xe] =	wrdreg s28  }
0x15: {  	s30 =	smax.u32 s13, $0x1;
	[dreg:$0xf] =	wrdreg s9  }
0x16: {  	s10 =	simm.s32 $0x0;
	[dreg:$0x10] =	wrdreg s30  }
.LBB2_73:
0x17: {  	s6 =	simm.s32 $0x3  }
0x18: {  	_ =	swait.ge [sflag:s6], $0x4000  }
0x19: {  	[sflag:s6] =	ssyncset.done $0x0  }
0x1a: {  	s9 =	simm.s32 $0x4;
	[sflag:s6] =	ssyncadd.s32 $0xFFFFC000  }
0x1b: {  	_ =	swait.ge [sflag:s9], $0x4000  }
0x1c: {  	s10 =	rddreg [dreg:$0x13]  }
0x1d: {  	s31 =	rddreg [dreg:$0x10];
	s10 =	sadd.s32 $0x1, s10  }
0x1e: {  	p0 =	sne.s32 s10, s31  }
.Ltmp1:
0x1f: {  	_ = 	snop;
	(pc) =	sbr.rel @!p0 .LBB2_74-.Ltmp1, $3  }
0x20: {  	_ =	sdelay $0x1  }
0x21: {  	[sflag:s9] =	ssyncset.done $0x0  }
0x22: {  	[sflag:s9] =	ssyncadd.s32 $0xFFFFC000  }
.LBB2_1:
0x23: {  	[dreg:$0x13] =	wrdreg s10  }
0x24: {  	s9 =	simm.s32 $0x0;
	s6 =	rddreg [dreg:$0xc];
	s11 =	simm.s32 $0x5  }
0x25: {  	[tilespmem:s9], [sflag:$0x5] =	stream.linear.gather [hbm4b:s6+s9], $0x80, $0x38;
	[tilespmem:$0x18300] =	vst v63  }
0x26: {  	_ =	swait.ge [sflag:s11], $0x80  }
0x27: {  	[sflag:s11] =	ssyncset.done $0x0  }
0x28: {  	s6 =	simm.s32 $0x100;
	s28 =	rddreg [dreg:$0xd];
	[sflag:s11] =	ssyncadd.s32 $0xFFFFFF80  }
0x29: {  	[tilespmem:s6], [sflag:$0x5] =	stream.linear.gather [hbm4b:s28+s9], $0x80, $0x38;
	[tilespmem:$0x18300] =	vst v63  }
0x2a: {  	_ =	swait.ge [sflag:s11], $0x80  }
0x2b: {  	[sflag:s11] =	ssyncset.done $0x0  }
0x2c: {  	s12 =	simm.s32 $0x200;
	s29 =	rddreg [dreg:$0xe];
	[sflag:s11] =	ssyncadd.s32 $0xFFFFFF80  }
0x2d: {  	[tilespmem:s12], [sflag:$0x5] =	stream.linear.gather [hbm4b:s29+s9], $0x80, $0x38;
	[tilespmem:$0x18300] =	vst v63  }
0x2e: {  	_ =	swait.ge [sflag:s11], $0x80  }
0x2f: {  	s31 =	simm.s32 $0x280;
	[sflag:s11] =	ssyncset.done $0x0  }
.Ltmp2:
0x30: {  	s30 =	rddreg [dreg:$0xf];
	[sflag:s11] =	ssyncadd.s32 $0xFFFFFF80;
	(pc) =	sbr.rel .LBB2_2-.Ltmp2, $4  }
0x31: {  	[tilespmem:s31], [sflag:$0x5] =	stream.linear.gather [hbm4b:s30+s9], $0x80, $0x38;
	[tilespmem:$0x18300] =	vst v63  }
0x32: {  	_ =	swait.ge [sflag:s11], $0x80  }
0x33: {  	s13 =	simm.s32 $0x0;
	s14 =	simm.s32 $0x0;
	[sflag:s11] =	ssyncset.done $0x0  }
0x34: {  	s15 =	simm.s32 $0x0;
	s9 =	simm.s32 $0x0;
	[sflag:s11] =	ssyncadd.s32 $0xFFFFFF80  }
.LBB2_22:
0x35: {  	s15 =	sadd.s32 $0x10, s15  }
0x36: {  	p0 =	sne.s32 s15, $0x100  }
.Ltmp3:
0x37: {  	_ = 	snop;
	(pc) =	sbr.rel @!p0 .LBB2_23-.Ltmp3, $3  }
0x38: {  	_ =	sdelay $0x1  }
0x39: {  	s14 =	sadd.s32 $0x80, s14  }
0x3a: {  	s13 =	sadd.s32 $0x400, s13;
	s6 =	sadd.s32 $0x1, s6;
	s9 =	sadd.s32 $0x1, s9  }
.LBB2_2:
0x3b: {  	v0 =	vld [tilespmem:s9+$0x0];
	_ =	sdelay $0x4  }
0x3c: {  	(v2sf) =	vpush v0, $0x0  }
0x3d: {  	v1 =	vld [tilespmem:s6+$0x0];
	_ =	sdelay $0x4  }
0x3e: {  	(v2sf) =	vpush v1, $0x0;
	_ =	sdelay $0x8  }
0x3f: {  	s17 =	spop (v2sf)  }
0x40: {  	p0 =	slt.f32 s17, $4.000000000e+00  }
.Ltmp4:
0x41: {  	_ = 	snop;
	(pc) =	sbr.rel @!p0 .LBB2_7-.Ltmp4, $2  }
0x42: {  	_ =	sdelay $0x2  }
0x43: {  	s16 =	spop (v2sf)  }
0x44: {  	p0 =	slt.f32 s17, $2.000000000e+00  }
.Ltmp5:
0x45: {  	_ = 	snop;
	(pc) =	sbr.rel @!p0 .LBB2_5-.Ltmp5, $1  }
0x46: {  	_ =	sdelay $0x3  }
0x47: {  	p0 =	slt.f32 s17, $1.000000000e+00;
	_ =	sdelay $0x1  }
0x48: {  	s19 =	sand.u32 @p0 $0x2000, s13  }
0x49: {  	s20 =	sand.u32 @p0 $0x380, s14;
	s21 =	sadd.s32 @p0 s14, s18;
	s22 =	sand.u32 @p0 $0x70, s15  }
0x4a: {  	s19 =	sor.u32 @p0 s20, s19;
	s20 =	sand.u32 @p0 $0x7C400, s21;
	s21 =	sadd.s32 @p0 s0, s22  }
0x4b: {  	s22 =	sadd.s32 @p0 $0x300, s19;
	s20 =	sadd.s32 @p0 s20, s21;
	s21 =	simm.s32 @p0 $0x0  }
0x4c: {  	[tilespmem:s22], [sflag:$0x1] =	stream.linear.gather @p0 [hbm4b:s20+s21], $0x80, $0x38;
	[tilespmem:$0x18300] =	vst v63  }
0x4d: {  	s23 =	sadd.s32 @p0 $0x700, s19;
	s22 =	sadd.s32 @p0 $0x80, s20  }
0x4e: {  	[tilespmem:s23], [sflag:$0x1] =	stream.linear.gather @p0 [hbm4b:s22+s21], $0x80, $0x38;
	[tilespmem:$0x18300] =	vst v63  }
0x4f: {  	s22 =	sadd.s32 @p0 $0x100, s20;
	s23 =	sadd.s32 @p0 $0xB00, s19  }
0x50: {  	[tilespmem:s23], [sflag:$0x1] =	stream.linear.gather @p0 [hbm4b:s22+s21], $0x80, $0x38;
	[tilespmem:$0x18300] =	vst v63  }
0x51: {  	s22 =	sadd.s32 @p0 $0x180, s20;
	s23 =	sadd.s32 @p0 $0xF00, s19  }
0x52: {  	[tilespmem:s23], [sflag:$0x1] =	stream.linear.gather @p0 [hbm4b:s22+s21], $0x80, $0x38;
	[tilespmem:$0x18300] =	vst v63  }
0x53: {  	s22 =	sadd.s32 @p0 $0x200, s20;
	s23 =	sadd.s32 @p0 $0x1300, s19  }
0x54: {  	[tilespmem:s23], [sflag:$0x1] =	stream.linear.gather @p0 [hbm4b:s22+s21], $0x80, $0x38;
	[tilespmem:$0x18300] =	vst v63  }
0x55: {  	s22 =	sadd.s32 @p0 $0x280, s20;
	s23 =	sadd.s32 @p0 $0x1700, s19  }
0x56: {  	[tilespmem:s23], [sflag:$0x1] =	stream.linear.gather @p0 [hbm4b:s22+s21], $0x80, $0x38;
	[tilespmem:$0x18300] =	vst v63  }
0x57: {  	p1 =	sge.f32 s17, $1.000000000e+00;
	s22 =	sadd.s32 @p0 $0x300, s20;
	s23 =	sadd.s32 @p0 $0x1B00, s19  }
0x58: {  	[tilespmem:s23], [sflag:$0x1] =	stream.linear.gather @p0 [hbm4b:s22+s21], $0x80, $0x38;
	[tilespmem:$0x18300] =	vst v63  }
0x59: {  	s20 =	sadd.s32 @p0 $0x380, s20;
	s19 =	sadd.s32 @p0 $0x1F00, s19;
	s22 =	sand.u32 @p1 $0x70, s15  }
0x5a: {  	[tilespmem:s19], [sflag:$0x1] =	stream.linear.gather @p0 [hbm4b:s20+s21], $0x80, $0x38;
	[tilespmem:$0x18300] =	vst v63  }
0x5b: {  	s19 =	sand.u32 @p1 $0x2000, s13;
	s20 =	sand.u32 @p1 $0x380, s14;
	s21 =	sadd.s32 @p1 s14, s18  }
0x5c: {  	s19 =	sor.u32 @p1 s20, s19;
	s20 =	sand.u32 @p1 $0x7C400, s21;
	s21 =	sadd.s32 @p1 s1, s22  }
0x5d: {  	s22 =	sadd.s32 @p1 $0x300, s19;
	s20 =	sadd.s32 @p1 s20, s21;
	s21 =	simm.s32 @p1 $0x0  }
0x5e: {  	[tilespmem:s22], [sflag:$0x1] =	stream.linear.gather @p1 [hbm4b:s20+s21], $0x80, $0x38;
	[tilespmem:$0x18300] =	vst v63  }
0x5f: {  	s23 =	sadd.s32 @p1 $0x700, s19;
	s22 =	sadd.s32 @p1 $0x80, s20  }
0x60: {  	[tilespmem:s23], [sflag:$0x1] =	stream.linear.gather @p1 [hbm4b:s22+s21], $0x80, $0x38;
	[tilespmem:$0x18300] =	vst v63  }
0x61: {  	s22 =	sadd.s32 @p1 $0x100, s20;
	s23 =	sadd.s32 @p1 $0xB00, s19  }
0x62: {  	[tilespmem:s23], [sflag:$0x1] =	stream.linear.gather @p1 [hbm4b:s22+s21], $0x80, $0x38;
	[tilespmem:$0x18300] =	vst v63  }
0x63: {  	s22 =	sadd.s32 @p1 $0x180, s20;
	s23 =	sadd.s32 @p1 $0xF00, s19  }
0x64: {  	[tilespmem:s23], [sflag:$0x1] =	stream.linear.gather @p1 [hbm4b:s22+s21], $0x80, $0x38;
	[tilespmem:$0x18300] =	vst v63  }
0x65: {  	s22 =	sadd.s32 @p1 $0x200, s20;
	s23 =	sadd.s32 @p1 $0x1300, s19  }
0x66: {  	[tilespmem:s23], [sflag:$0x1] =	stream.linear.gather @p1 [hbm4b:s22+s21], $0x80, $0x38;
	[tilespmem:$0x18300] =	vst v63  }
0x67: {  	s22 =	sadd.s32 @p1 $0x280, s20;
	s23 =	sadd.s32 @p1 $0x1700, s19  }
0x68: {  	[tilespmem:s23], [sflag:$0x1] =	stream.linear.gather @p1 [hbm4b:s22+s21], $0x80, $0x38;
	[tilespmem:$0x18300] =	vst v63  }
0x69: {  	s22 =	sadd.s32 @p1 $0x300, s20;
	s23 =	sadd.s32 @p1 $0x1B00, s19  }
0x6a: {  	[tilespmem:s23], [sflag:$0x1] =	stream.linear.gather @p1 [hbm4b:s22+s21], $0x80, $0x38;
	[tilespmem:$0x18300] =	vst v63  }
0x6b: {  	s20 =	sadd.s32 @p1 $0x380, s20;
	s19 =	sadd.s32 @p1 $0x1F00, s19  }
0x6c: {  	[tilespmem:s19], [sflag:$0x1] =	stream.linear.gather @p1 [hbm4b:s20+s21], $0x80, $0x38;
	[tilespmem:$0x18300] =	vst v63  }
.LBB2_5:
0x6d: {  	p0 =	sge.f32 s17, $2.000000000e+00  }
.Ltmp6:
0x6e: {  	_ = 	snop;
	(pc) =	sbr.rel @!p0 .LBB2_7-.Ltmp6, $1  }
0x6f: {  	_ =	sdelay $0x3  }
0x70: {  	p0 =	slt.f32 s17, $3.000000000e+00;
	_ =	sdelay $0x1  }
0x71: {  	s19 =	sand.u32 @p0 $0x2000, s13  }
0x72: {  	s20 =	sand.u32 @p0 $0x380, s14;
	s21 =	sadd.s32 @p0 s14, s18;
	s22 =	sand.u32 @p0 $0x70, s15  }
0x73: {  	s19 =	sor.u32 @p0 s20, s19;
	s20 =	sand.u32 @p0 $0x7C400, s21;
	s21 =	sadd.s32 @p0 s2, s22  }
0x74: {  	s22 =	sadd.s32 @p0 $0x300, s19;
	s20 =	sadd.s32 @p0 s20, s21;
	s21 =	simm.s32 @p0 $0x0  }
0x75: {  	[tilespmem:s22], [sflag:$0x1] =	stream.linear.gather @p0 [hbm4b:s20+s21], $0x80, $0x38;
	[tilespmem:$0x18300] =	vst v63  }
0x76: {  	s23 =	sadd.s32 @p0 $0x700, s19;
	s22 =	sadd.s32 @p0 $0x80, s20  }
0x77: {  	[tilespmem:s23], [sflag:$0x1] =	stream.linear.gather @p0 [hbm4b:s22+s21], $0x80, $0x38;
	[tilespmem:$0x18300] =	vst v63  }
0x78: {  	s22 =	sadd.s32 @p0 $0x100, s20;
	s23 =	sadd.s32 @p0 $0xB00, s19  }
0x79: {  	[tilespmem:s23], [sflag:$0x1] =	stream.linear.gather @p0 [hbm4b:s22+s21], $0x80, $0x38;
	[tilespmem:$0x18300] =	vst v63  }
0x7a: {  	s22 =	sadd.s32 @p0 $0x180, s20;
	s23 =	sadd.s32 @p0 $0xF00, s19  }
0x7b: {  	[tilespmem:s23], [sflag:$0x1] =	stream.linear.gather @p0 [hbm4b:s22+s21], $0x80, $0x38;
	[tilespmem:$0x18300] =	vst v63  }
0x7c: {  	s22 =	sadd.s32 @p0 $0x200, s20;
	s23 =	sadd.s32 @p0 $0x1300, s19  }
0x7d: {  	[tilespmem:s23], [sflag:$0x1] =	stream.linear.gather @p0 [hbm4b:s22+s21], $0x80, $0x38;
	[tilespmem:$0x18300] =	vst v63  }
0x7e: {  	s22 =	sadd.s32 @p0 $0x280, s20;
	s23 =	sadd.s32 @p0 $0x1700, s19  }
0x7f: {  	[tilespmem:s23], [sflag:$0x1] =	stream.linear.gather @p0 [hbm4b:s22+s21], $0x80, $0x38;
	[tilespmem:$0x18300] =	vst v63  }
0x80: {  	p1 =	sge.f32 s17, $3.000000000e+00;
	s22 =	sadd.s32 @p0 $0x300, s20;
	s23 =	sadd.s32 @p0 $0x1B00, s19  }
0x81: {  	[tilespmem:s23], [sflag:$0x1] =	stream.linear.gather @p0 [hbm4b:s22+s21], $0x80, $0x38;
	[tilespmem:$0x18300] =	vst v63  }
0x82: {  	s20 =	sadd.s32 @p0 $0x380, s20;
	s19 =	sadd.s32 @p0 $0x1F00, s19;
	s22 =	sand.u32 @p1 $0x70, s15  }
0x83: {  	[tilespmem:s19], [sflag:$0x1] =	stream.linear.gather @p0 [hbm4b:s20+s21], $0x80, $0x38;
	[tilespmem:$0x18300] =	vst v63  }
0x84: {  	s19 =	sand.u32 @p1 $0x2000, s13;
	s20 =	sand.u32 @p1 $0x380, s14;
	s21 =	sadd.s32 @p1 s14, s18  }
0x85: {  	s19 =	sor.u32 @p1 s20, s19;
	s20 =	sand.u32 @p1 $0x7C400, s21;
	s21 =	sadd.s32 @p1 s3, s22  }
0x86: {  	s22 =	sadd.s32 @p1 $0x300, s19;
	s20 =	sadd.s32 @p1 s20, s21;
	s21 =	simm.s32 @p1 $0x0  }
0x87: {  	[tilespmem:s22], [sflag:$0x1] =	stream.linear.gather @p1 [hbm4b:s20+s21], $0x80, $0x38;
	[tilespmem:$0x18300] =	vst v63  }
0x88: {  	s23 =	sadd.s32 @p1 $0x700, s19;
	s22 =	sadd.s32 @p1 $0x80, s20  }
0x89: {  	[tilespmem:s23], [sflag:$0x1] =	stream.linear.gather @p1 [hbm4b:s22+s21], $0x80, $0x38;
	[tilespmem:$0x18300] =	vst v63  }
0x8a: {  	s22 =	sadd.s32 @p1 $0x100, s20;
	s23 =	sadd.s32 @p1 $0xB00, s19  }
0x8b: {  	[tilespmem:s23], [sflag:$0x1] =	stream.linear.gather @p1 [hbm4b:s22+s21], $0x80, $0x38;
	[tilespmem:$0x18300] =	vst v63  }
0x8c: {  	s22 =	sadd.s32 @p1 $0x180, s20;
	s23 =	sadd.s32 @p1 $0xF00, s19  }
0x8d: {  	[tilespmem:s23], [sflag:$0x1] =	stream.linear.gather @p1 [hbm4b:s22+s21], $0x80, $0x38;
	[tilespmem:$0x18300] =	vst v63  }
0x8e: {  	s22 =	sadd.s32 @p1 $0x200, s20;
	s23 =	sadd.s32 @p1 $0x1300, s19  }
0x8f: {  	[tilespmem:s23], [sflag:$0x1] =	stream.linear.gather @p1 [hbm4b:s22+s21], $0x80, $0x38;
	[tilespmem:$0x18300] =	vst v63  }
0x90: {  	s22 =	sadd.s32 @p1 $0x280, s20;
	s23 =	sadd.s32 @p1 $0x1700, s19  }
0x91: {  	[tilespmem:s23], [sflag:$0x1] =	stream.linear.gather @p1 [hbm4b:s22+s21], $0x80, $0x38;
	[tilespmem:$0x18300] =	vst v63  }
0x92: {  	s22 =	sadd.s32 @p1 $0x300, s20;
	s23 =	sadd.s32 @p1 $0x1B00, s19  }
0x93: {  	[tilespmem:s23], [sflag:$0x1] =	stream.linear.gather @p1 [hbm4b:s22+s21], $0x80, $0x38;
	[tilespmem:$0x18300] =	vst v63  }
0x94: {  	s20 =	sadd.s32 @p1 $0x380, s20;
	s19 =	sadd.s32 @p1 $0x1F00, s19  }
0x95: {  	[tilespmem:s19], [sflag:$0x1] =	stream.linear.gather @p1 [hbm4b:s20+s21], $0x80, $0x38;
	[tilespmem:$0x18300] =	vst v63  }
.LBB2_7:
0x96: {  	p0 =	sge.f32 s17, $4.000000000e+00  }
.Ltmp7:
0x97: {  	_ = 	snop;
	(pc) =	sbr.rel @!p0 .LBB2_12-.Ltmp7, $1  }
0x98: {  	_ =	sdelay $0x3  }
0x99: {  	p0 =	slt.f32 s17, $6.000000000e+00  }
.Ltmp8:
0x9a: {  	_ = 	snop;
	(pc) =	sbr.rel @!p0 .LBB2_10-.Ltmp8, $1  }
0x9b: {  	_ =	sdelay $0x3  }
0x9c: {  	p0 =	slt.f32 s17, $5.000000000e+00;
	_ =	sdelay $0x1  }
0x9d: {  	s19 =	sand.u32 @p0 $0x2000, s13  }
0x9e: {  	s20 =	sand.u32 @p0 $0x380, s14;
	s21 =	sadd.s32 @p0 s14, s18;
	s22 =	sand.u32 @p0 $0x70, s15  }
0x9f: {  	s19 =	sor.u32 @p0 s20, s19;
	s20 =	sand.u32 @p0 $0x7C400, s21;
	s21 =	sadd.s32 @p0 s4, s22  }
0xa0: {  	s22 =	sadd.s32 @p0 $0x300, s19;
	s20 =	sadd.s32 @p0 s20, s21;
	s21 =	simm.s32 @p0 $0x0  }
0xa1: {  	[tilespmem:s22], [sflag:$0x1] =	stream.linear.gather @p0 [hbm4b:s20+s21], $0x80, $0x38;
	[tilespmem:$0x18300] =	vst v63  }
0xa2: {  	s23 =	sadd.s32 @p0 $0x700, s19;
	s22 =	sadd.s32 @p0 $0x80, s20  }
0xa3: {  	[tilespmem:s23], [sflag:$0x1] =	stream.linear.gather @p0 [hbm4b:s22+s21], $0x80, $0x38;
	[tilespmem:$0x18300] =	vst v63  }
0xa4: {  	s22 =	sadd.s32 @p0 $0x100, s20;
	s23 =	sadd.s32 @p0 $0xB00, s19  }
0xa5: {  	[tilespmem:s23], [sflag:$0x1] =	stream.linear.gather @p0 [hbm4b:s22+s21], $0x80, $0x38;
	[tilespmem:$0x18300] =	vst v63  }
0xa6: {  	s22 =	sadd.s32 @p0 $0x180, s20;
	s23 =	sadd.s32 @p0 $0xF00, s19  }
0xa7: {  	[tilespmem:s23], [sflag:$0x1] =	stream.linear.gather @p0 [hbm4b:s22+s21], $0x80, $0x38;
	[tilespmem:$0x18300] =	vst v63  }
0xa8: {  	s22 =	sadd.s32 @p0 $0x200, s20;
	s23 =	sadd.s32 @p0 $0x1300, s19  }
0xa9: {  	[tilespmem:s23], [sflag:$0x1] =	stream.linear.gather @p0 [hbm4b:s22+s21], $0x80, $0x38;
	[tilespmem:$0x18300] =	vst v63  }
0xaa: {  	s22 =	sadd.s32 @p0 $0x280, s20;
	s23 =	sadd.s32 @p0 $0x1700, s19  }
0xab: {  	[tilespmem:s23], [sflag:$0x1] =	stream.linear.gather @p0 [hbm4b:s22+s21], $0x80, $0x38;
	[tilespmem:$0x18300] =	vst v63  }
0xac: {  	p1 =	sge.f32 s17, $5.000000000e+00;
	s22 =	sadd.s32 @p0 $0x300, s20;
	s23 =	sadd.s32 @p0 $0x1B00, s19  }
0xad: {  	[tilespmem:s23], [sflag:$0x1] =	stream.linear.gather @p0 [hbm4b:s22+s21], $0x80, $0x38;
	[tilespmem:$0x18300] =	vst v63  }
0xae: {  	s20 =	sadd.s32 @p0 $0x380, s20;
	s19 =	sadd.s32 @p0 $0x1F00, s19;
	s22 =	sand.u32 @p1 $0x70, s15  }
0xaf: {  	[tilespmem:s19], [sflag:$0x1] =	stream.linear.gather @p0 [hbm4b:s20+s21], $0x80, $0x38;
	[tilespmem:$0x18300] =	vst v63  }
0xb0: {  	s19 =	sand.u32 @p1 $0x2000, s13;
	s20 =	sand.u32 @p1 $0x380, s14;
	s21 =	sadd.s32 @p1 s14, s18  }
0xb1: {  	s19 =	sor.u32 @p1 s20, s19;
	s20 =	sand.u32 @p1 $0x7C400, s21;
	s21 =	sadd.s32 @p1 s5, s22  }
0xb2: {  	s22 =	sadd.s32 @p1 $0x300, s19;
	s20 =	sadd.s32 @p1 s20, s21;
	s21 =	simm.s32 @p1 $0x0  }
0xb3: {  	[tilespmem:s22], [sflag:$0x1] =	stream.linear.gather @p1 [hbm4b:s20+s21], $0x80, $0x38;
	[tilespmem:$0x18300] =	vst v63  }
0xb4: {  	s23 =	sadd.s32 @p1 $0x700, s19;
	s22 =	sadd.s32 @p1 $0x80, s20  }
0xb5: {  	[tilespmem:s23], [sflag:$0x1] =	stream.linear.gather @p1 [hbm4b:s22+s21], $0x80, $0x38;
	[tilespmem:$0x18300] =	vst v63  }
0xb6: {  	s22 =	sadd.s32 @p1 $0x100, s20;
	s23 =	sadd.s32 @p1 $0xB00, s19  }
0xb7: {  	[tilespmem:s23], [sflag:$0x1] =	stream.linear.gather @p1 [hbm4b:s22+s21], $0x80, $0x38;
	[tilespmem:$0x18300] =	vst v63  }
0xb8: {  	s22 =	sadd.s32 @p1 $0x180, s20;
	s23 =	sadd.s32 @p1 $0xF00, s19  }
0xb9: {  	[tilespmem:s23], [sflag:$0x1] =	stream.linear.gather @p1 [hbm4b:s22+s21], $0x80, $0x38;
	[tilespmem:$0x18300] =	vst v63  }
0xba: {  	s22 =	sadd.s32 @p1 $0x200, s20;
	s23 =	sadd.s32 @p1 $0x1300, s19  }
0xbb: {  	[tilespmem:s23], [sflag:$0x1] =	stream.linear.gather @p1 [hbm4b:s22+s21], $0x80, $0x38;
	[tilespmem:$0x18300] =	vst v63  }
0xbc: {  	s22 =	sadd.s32 @p1 $0x280, s20;
	s23 =	sadd.s32 @p1 $0x1700, s19  }
0xbd: {  	[tilespmem:s23], [sflag:$0x1] =	stream.linear.gather @p1 [hbm4b:s22+s21], $0x80, $0x38;
	[tilespmem:$0x18300] =	vst v63  }
0xbe: {  	s22 =	sadd.s32 @p1 $0x300, s20;
	s23 =	sadd.s32 @p1 $0x1B00, s19  }
0xbf: {  	[tilespmem:s23], [sflag:$0x1] =	stream.linear.gather @p1 [hbm4b:s22+s21], $0x80, $0x38;
	[tilespmem:$0x18300] =	vst v63  }
0xc0: {  	s20 =	sadd.s32 @p1 $0x380, s20;
	s19 =	sadd.s32 @p1 $0x1F00, s19  }
0xc1: {  	[tilespmem:s19], [sflag:$0x1] =	stream.linear.gather @p1 [hbm4b:s20+s21], $0x80, $0x38;
	[tilespmem:$0x18300] =	vst v63  }
.LBB2_10:
0xc2: {  	p0 =	sge.f32 s17, $6.000000000e+00  }
.Ltmp9:
0xc3: {  	_ = 	snop;
	(pc) =	sbr.rel @!p0 .LBB2_12-.Ltmp9, $1  }
0xc4: {  	_ =	sdelay $0x3  }
0xc5: {  	p0 =	slt.f32 s17, $7.000000000e+00;
	_ =	sdelay $0x1  }
0xc6: {  	s19 =	sand.u32 @p0 $0x2000, s13  }
0xc7: {  	s20 =	sand.u32 @p0 $0x380, s14;
	s21 =	sadd.s32 @p0 s14, s18;
	s22 =	sand.u32 @p0 $0x70, s15  }
0xc8: {  	s19 =	sor.u32 @p0 s20, s19;
	s20 =	sand.u32 @p0 $0x7C400, s21;
	s21 =	sadd.s32 @p0 s7, s22  }
0xc9: {  	s22 =	sadd.s32 @p0 $0x300, s19;
	s20 =	sadd.s32 @p0 s20, s21;
	s21 =	simm.s32 @p0 $0x0  }
0xca: {  	[tilespmem:s22], [sflag:$0x1] =	stream.linear.gather @p0 [hbm4b:s20+s21], $0x80, $0x38;
	[tilespmem:$0x18300] =	vst v63  }
0xcb: {  	s23 =	sadd.s32 @p0 $0x700, s19;
	s22 =	sadd.s32 @p0 $0x80, s20  }
0xcc: {  	[tilespmem:s23], [sflag:$0x1] =	stream.linear.gather @p0 [hbm4b:s22+s21], $0x80, $0x38;
	[tilespmem:$0x18300] =	vst v63  }
0xcd: {  	s22 =	sadd.s32 @p0 $0x100, s20;
	s23 =	sadd.s32 @p0 $0xB00, s19  }
0xce: {  	[tilespmem:s23], [sflag:$0x1] =	stream.linear.gather @p0 [hbm4b:s22+s21], $0x80, $0x38;
	[tilespmem:$0x18300] =	vst v63  }
0xcf: {  	s22 =	sadd.s32 @p0 $0x180, s20;
	s23 =	sadd.s32 @p0 $0xF00, s19  }
0xd0: {  	[tilespmem:s23], [sflag:$0x1] =	stream.linear.gather @p0 [hbm4b:s22+s21], $0x80, $0x38;
	[tilespmem:$0x18300] =	vst v63  }
0xd1: {  	s22 =	sadd.s32 @p0 $0x200, s20;
	s23 =	sadd.s32 @p0 $0x1300, s19  }
0xd2: {  	[tilespmem:s23], [sflag:$0x1] =	stream.linear.gather @p0 [hbm4b:s22+s21], $0x80, $0x38;
	[tilespmem:$0x18300] =	vst v63  }
0xd3: {  	s22 =	sadd.s32 @p0 $0x280, s20;
	s23 =	sadd.s32 @p0 $0x1700, s19  }
0xd4: {  	[tilespmem:s23], [sflag:$0x1] =	stream.linear.gather @p0 [hbm4b:s22+s21], $0x80, $0x38;
	[tilespmem:$0x18300] =	vst v63  }
0xd5: {  	p1 =	sge.f32 s17, $7.000000000e+00;
	s22 =	sadd.s32 @p0 $0x300, s20;
	s23 =	sadd.s32 @p0 $0x1B00, s19  }
0xd6: {  	[tilespmem:s23], [sflag:$0x1] =	stream.linear.gather @p0 [hbm4b:s22+s21], $0x80, $0x38;
	[tilespmem:$0x18300] =	vst v63  }
0xd7: {  	s17 =	sand.u32 @p1 $0x2000, s13;
	s20 =	sadd.s32 @p0 $0x380, s20;
	s19 =	sadd.s32 @p0 $0x1F00, s19  }
0xd8: {  	[tilespmem:s19], [sflag:$0x1] =	stream.linear.gather @p0 [hbm4b:s20+s21], $0x80, $0x38;
	[tilespmem:$0x18300] =	vst v63  }
0xd9: {  	s19 =	sand.u32 @p1 $0x380, s14;
	s20 =	sadd.s32 @p1 s14, s18;
	s21 =	sand.u32 @p1 $0x70, s15  }
0xda: {  	s17 =	sor.u32 @p1 s19, s17;
	s19 =	sand.u32 @p1 $0x7C400, s20;
	s20 =	sadd.s32 @p1 s8, s21  }
0xdb: {  	s21 =	sadd.s32 @p1 $0x300, s17;
	s19 =	sadd.s32 @p1 s19, s20;
	s20 =	simm.s32 @p1 $0x0  }
0xdc: {  	[tilespmem:s21], [sflag:$0x1] =	stream.linear.gather @p1 [hbm4b:s19+s20], $0x80, $0x38;
	[tilespmem:$0x18300] =	vst v63  }
0xdd: {  	s22 =	sadd.s32 @p1 $0x700, s17;
	s21 =	sadd.s32 @p1 $0x80, s19  }
0xde: {  	[tilespmem:s22], [sflag:$0x1] =	stream.linear.gather @p1 [hbm4b:s21+s20], $0x80, $0x38;
	[tilespmem:$0x18300] =	vst v63  }
0xdf: {  	s21 =	sadd.s32 @p1 $0x100, s19;
	s22 =	sadd.s32 @p1 $0xB00, s17  }
0xe0: {  	[tilespmem:s22], [sflag:$0x1] =	stream.linear.gather @p1 [hbm4b:s21+s20], $0x80, $0x38;
	[tilespmem:$0x18300] =	vst v63  }
0xe1: {  	s21 =	sadd.s32 @p1 $0x180, s19;
	s22 =	sadd.s32 @p1 $0xF00, s17  }
0xe2: {  	[tilespmem:s22], [sflag:$0x1] =	stream.linear.gather @p1 [hbm4b:s21+s20], $0x80, $0x38;
	[tilespmem:$0x18300] =	vst v63  }
0xe3: {  	s21 =	sadd.s32 @p1 $0x200, s19;
	s22 =	sadd.s32 @p1 $0x1300, s17  }
0xe4: {  	[tilespmem:s22], [sflag:$0x1] =	stream.linear.gather @p1 [hbm4b:s21+s20], $0x80, $0x38;
	[tilespmem:$0x18300] =	vst v63  }
0xe5: {  	s21 =	sadd.s32 @p1 $0x280, s19;
	s22 =	sadd.s32 @p1 $0x1700, s17  }
0xe6: {  	[tilespmem:s22], [sflag:$0x1] =	stream.linear.gather @p1 [hbm4b:s21+s20], $0x80, $0x38;
	[tilespmem:$0x18300] =	vst v63  }
0xe7: {  	s21 =	sadd.s32 @p1 $0x300, s19;
	s22 =	sadd.s32 @p1 $0x1B00, s17  }
0xe8: {  	[tilespmem:s22], [sflag:$0x1] =	stream.linear.gather @p1 [hbm4b:s21+s20], $0x80, $0x38;
	[tilespmem:$0x18300] =	vst v63  }
0xe9: {  	s19 =	sadd.s32 @p1 $0x380, s19;
	s17 =	sadd.s32 @p1 $0x1F00, s17  }
0xea: {  	[tilespmem:s17], [sflag:$0x1] =	stream.linear.gather @p1 [hbm4b:s19+s20], $0x80, $0x38;
	[tilespmem:$0x18300] =	vst v63  }
.LBB2_12:
0xeb: {  	p0 =	slt.f32 s16, $4.000000000e+00  }
.Ltmp10:
0xec: {  	_ = 	snop;
	(pc) =	sbr.rel @!p0 .LBB2_17-.Ltmp10, $1  }
0xed: {  	_ =	sdelay $0x3  }
0xee: {  	p0 =	slt.f32 s16, $2.000000000e+00  }
.Ltmp11:
0xef: {  	_ = 	snop;
	(pc) =	sbr.rel @!p0 .LBB2_15-.Ltmp11, $1  }
0xf0: {  	_ =	sdelay $0x3  }
0xf1: {  	p0 =	slt.f32 s16, $1.000000000e+00;
	_ =	sdelay $0x1  }
0xf2: {  	s17 =	sand.u32 @p0 $0x2000, s13  }
0xf3: {  	s19 =	sand.u32 @p0 $0x380, s14;
	s20 =	sadd.s32 @p0 s14, s18;
	s21 =	sand.u32 @p0 $0x70, s15  }
0xf4: {  	s17 =	sor.u32 @p0 s19, s17;
	s19 =	sand.u32 @p0 $0x7C400, s20;
	s20 =	sadd.s32 @p0 s0, s21  }
0xf5: {  	s21 =	sadd.s32 @p0 $0x4300, s17;
	s19 =	sadd.s32 @p0 s19, s20;
	s20 =	simm.s32 @p0 $0x0  }
0xf6: {  	[tilespmem:s21], [sflag:$0x1] =	stream.linear.gather @p0 [hbm4b:s19+s20], $0x80, $0x38;
	[tilespmem:$0x18300] =	vst v63  }
0xf7: {  	s22 =	sadd.s32 @p0 $0x4700, s17;
	s21 =	sadd.s32 @p0 $0x80, s19  }
0xf8: {  	[tilespmem:s22], [sflag:$0x1] =	stream.linear.gather @p0 [hbm4b:s21+s20], $0x80, $0x38;
	[tilespmem:$0x18300] =	vst v63  }
0xf9: {  	s21 =	sadd.s32 @p0 $0x100, s19;
	s22 =	sadd.s32 @p0 $0x4B00, s17  }
0xfa: {  	[tilespmem:s22], [sflag:$0x1] =	stream.linear.gather @p0 [hbm4b:s21+s20], $0x80, $0x38;
	[tilespmem:$0x18300] =	vst v63  }
0xfb: {  	s21 =	sadd.s32 @p0 $0x180, s19;
	s22 =	sadd.s32 @p0 $0x4F00, s17  }
0xfc: {  	[tilespmem:s22], [sflag:$0x1] =	stream.linear.gather @p0 [hbm4b:s21+s20], $0x80, $0x38;
	[tilespmem:$0x18300] =	vst v63  }
0xfd: {  	s21 =	sadd.s32 @p0 $0x200, s19;
	s22 =	sadd.s32 @p0 $0x5300, s17  }
0xfe: {  	[tilespmem:s22], [sflag:$0x1] =	stream.linear.gather @p0 [hbm4b:s21+s20], $0x80, $0x38;
	[tilespmem:$0x18300] =	vst v63  }
0xff: {  	s21 =	sadd.s32 @p0 $0x280, s19;
	s22 =	sadd.s32 @p0 $0x5700, s17  }
0x100: {  	[tilespmem:s22], [sflag:$0x1] =	stream.linear.gather @p0 [hbm4b:s21+s20], $0x80, $0x38;
	[tilespmem:$0x18300] =	vst v63  }
0x101: {  	p1 =	sge.f32 s16, $1.000000000e+00;
	s21 =	sadd.s32 @p0 $0x300, s19;
	s22 =	sadd.s32 @p0 $0x5B00, s17  }
0x102: {  	[tilespmem:s22], [sflag:$0x1] =	stream.linear.gather @p0 [hbm4b:s21+s20], $0x80, $0x38;
	[tilespmem:$0x18300] =	vst v63  }
0x103: {  	s19 =	sadd.s32 @p0 $0x380, s19;
	s17 =	sadd.s32 @p0 $0x5F00, s17;
	s21 =	sand.u32 @p1 $0x70, s15  }
0x104: {  	[tilespmem:s17], [sflag:$0x1] =	stream.linear.gather @p0 [hbm4b:s19+s20], $0x80, $0x38;
	[tilespmem:$0x18300] =	vst v63  }
0x105: {  	s17 =	sand.u32 @p1 $0x2000, s13;
	s19 =	sand.u32 @p1 $0x380, s14;
	s20 =	sadd.s32 @p1 s14, s18  }
0x106: {  	s17 =	sor.u32 @p1 s19, s17;
	s19 =	sand.u32 @p1 $0x7C400, s20;
	s20 =	sadd.s32 @p1 s1, s21  }
0x107: {  	s21 =	sadd.s32 @p1 $0x4300, s17;
	s19 =	sadd.s32 @p1 s19, s20;
	s20 =	simm.s32 @p1 $0x0  }
0x108: {  	[tilespmem:s21], [sflag:$0x1] =	stream.linear.gather @p1 [hbm4b:s19+s20], $0x80, $0x38;
	[tilespmem:$0x18300] =	vst v63  }
0x109: {  	s22 =	sadd.s32 @p1 $0x4700, s17;
	s21 =	sadd.s32 @p1 $0x80, s19  }
0x10a: {  	[tilespmem:s22], [sflag:$0x1] =	stream.linear.gather @p1 [hbm4b:s21+s20], $0x80, $0x38;
	[tilespmem:$0x18300] =	vst v63  }
0x10b: {  	s21 =	sadd.s32 @p1 $0x100, s19;
	s22 =	sadd.s32 @p1 $0x4B00, s17  }
0x10c: {  	[tilespmem:s22], [sflag:$0x1] =	stream.linear.gather @p1 [hbm4b:s21+s20], $0x80, $0x38;
	[tilespmem:$0x18300] =	vst v63  }
0x10d: {  	s21 =	sadd.s32 @p1 $0x180, s19;
	s22 =	sadd.s32 @p1 $0x4F00, s17  }
0x10e: {  	[tilespmem:s22], [sflag:$0x1] =	stream.linear.gather @p1 [hbm4b:s21+s20], $0x80, $0x38;
	[tilespmem:$0x18300] =	vst v63  }
0x10f: {  	s21 =	sadd.s32 @p1 $0x200, s19;
	s22 =	sadd.s32 @p1 $0x5300, s17  }
0x110: {  	[tilespmem:s22], [sflag:$0x1] =	stream.linear.gather @p1 [hbm4b:s21+s20], $0x80, $0x38;
	[tilespmem:$0x18300] =	vst v63  }
0x111: {  	s21 =	sadd.s32 @p1 $0x280, s19;
	s22 =	sadd.s32 @p1 $0x5700, s17  }
0x112: {  	[tilespmem:s22], [sflag:$0x1] =	stream.linear.gather @p1 [hbm4b:s21+s20], $0x80, $0x38;
	[tilespmem:$0x18300] =	vst v63  }
0x113: {  	s21 =	sadd.s32 @p1 $0x300, s19;
	s22 =	sadd.s32 @p1 $0x5B00, s17  }
0x114: {  	[tilespmem:s22], [sflag:$0x1] =	stream.linear.gather @p1 [hbm4b:s21+s20], $0x80, $0x38;
	[tilespmem:$0x18300] =	vst v63  }
0x115: {  	s19 =	sadd.s32 @p1 $0x380, s19;
	s17 =	sadd.s32 @p1 $0x5F00, s17  }
0x116: {  	[tilespmem:s17], [sflag:$0x1] =	stream.linear.gather @p1 [hbm4b:s19+s20], $0x80, $0x38;
	[tilespmem:$0x18300] =	vst v63  }
.LBB2_15:
0x117: {  	p0 =	sge.f32 s16, $2.000000000e+00  }
.Ltmp12:
0x118: {  	_ = 	snop;
	(pc) =	sbr.rel @!p0 .LBB2_17-.Ltmp12, $1  }
0x119: {  	_ =	sdelay $0x3  }
0x11a: {  	p0 =	slt.f32 s16, $3.000000000e+00;
	_ =	sdelay $0x1  }
0x11b: {  	s17 =	sand.u32 @p0 $0x2000, s13  }
0x11c: {  	s19 =	sand.u32 @p0 $0x380, s14;
	s20 =	sadd.s32 @p0 s14, s18;
	s21 =	sand.u32 @p0 $0x70, s15  }
0x11d: {  	s17 =	sor.u32 @p0 s19, s17;
	s19 =	sand.u32 @p0 $0x7C400, s20;
	s20 =	sadd.s32 @p0 s2, s21  }
0x11e: {  	s21 =	sadd.s32 @p0 $0x4300, s17;
	s19 =	sadd.s32 @p0 s19, s20;
	s20 =	simm.s32 @p0 $0x0  }
0x11f: {  	[tilespmem:s21], [sflag:$0x1] =	stream.linear.gather @p0 [hbm4b:s19+s20], $0x80, $0x38;
	[tilespmem:$0x18300] =	vst v63  }
0x120: {  	s22 =	sadd.s32 @p0 $0x4700, s17;
	s21 =	sadd.s32 @p0 $0x80, s19  }
0x121: {  	[tilespmem:s22], [sflag:$0x1] =	stream.linear.gather @p0 [hbm4b:s21+s20], $0x80, $0x38;
	[tilespmem:$0x18300] =	vst v63  }
0x122: {  	s21 =	sadd.s32 @p0 $0x100, s19;
	s22 =	sadd.s32 @p0 $0x4B00, s17  }
0x123: {  	[tilespmem:s22], [sflag:$0x1] =	stream.linear.gather @p0 [hbm4b:s21+s20], $0x80, $0x38;
	[tilespmem:$0x18300] =	vst v63  }
0x124: {  	s21 =	sadd.s32 @p0 $0x180, s19;
	s22 =	sadd.s32 @p0 $0x4F00, s17  }
0x125: {  	[tilespmem:s22], [sflag:$0x1] =	stream.linear.gather @p0 [hbm4b:s21+s20], $0x80, $0x38;
	[tilespmem:$0x18300] =	vst v63  }
0x126: {  	s21 =	sadd.s32 @p0 $0x200, s19;
	s22 =	sadd.s32 @p0 $0x5300, s17  }
0x127: {  	[tilespmem:s22], [sflag:$0x1] =	stream.linear.gather @p0 [hbm4b:s21+s20], $0x80, $0x38;
	[tilespmem:$0x18300] =	vst v63  }
0x128: {  	s21 =	sadd.s32 @p0 $0x280, s19;
	s22 =	sadd.s32 @p0 $0x5700, s17  }
0x129: {  	[tilespmem:s22], [sflag:$0x1] =	stream.linear.gather @p0 [hbm4b:s21+s20], $0x80, $0x38;
	[tilespmem:$0x18300] =	vst v63  }
0x12a: {  	p1 =	sge.f32 s16, $3.000000000e+00;
	s21 =	sadd.s32 @p0 $0x300, s19;
	s22 =	sadd.s32 @p0 $0x5B00, s17  }
0x12b: {  	[tilespmem:s22], [sflag:$0x1] =	stream.linear.gather @p0 [hbm4b:s21+s20], $0x80, $0x38;
	[tilespmem:$0x18300] =	vst v63  }
0x12c: {  	s19 =	sadd.s32 @p0 $0x380, s19;
	s17 =	sadd.s32 @p0 $0x5F00, s17;
	s21 =	sand.u32 @p1 $0x70, s15  }
0x12d: {  	[tilespmem:s17], [sflag:$0x1] =	stream.linear.gather @p0 [hbm4b:s19+s20], $0x80, $0x38;
	[tilespmem:$0x18300] =	vst v63  }
0x12e: {  	s17 =	sand.u32 @p1 $0x2000, s13;
	s19 =	sand.u32 @p1 $0x380, s14;
	s20 =	sadd.s32 @p1 s14, s18  }
0x12f: {  	s17 =	sor.u32 @p1 s19, s17;
	s19 =	sand.u32 @p1 $0x7C400, s20;
	s20 =	sadd.s32 @p1 s3, s21  }
0x130: {  	s21 =	sadd.s32 @p1 $0x4300, s17;
	s19 =	sadd.s32 @p1 s19, s20;
	s20 =	simm.s32 @p1 $0x0  }
0x131: {  	[tilespmem:s21], [sflag:$0x1] =	stream.linear.gather @p1 [hbm4b:s19+s20], $0x80, $0x38;
	[tilespmem:$0x18300] =	vst v63  }
0x132: {  	s22 =	sadd.s32 @p1 $0x4700, s17;
	s21 =	sadd.s32 @p1 $0x80, s19  }
0x133: {  	[tilespmem:s22], [sflag:$0x1] =	stream.linear.gather @p1 [hbm4b:s21+s20], $0x80, $0x38;
	[tilespmem:$0x18300] =	vst v63  }
0x134: {  	s21 =	sadd.s32 @p1 $0x100, s19;
	s22 =	sadd.s32 @p1 $0x4B00, s17  }
0x135: {  	[tilespmem:s22], [sflag:$0x1] =	stream.linear.gather @p1 [hbm4b:s21+s20], $0x80, $0x38;
	[tilespmem:$0x18300] =	vst v63  }
0x136: {  	s21 =	sadd.s32 @p1 $0x180, s19;
	s22 =	sadd.s32 @p1 $0x4F00, s17  }
0x137: {  	[tilespmem:s22], [sflag:$0x1] =	stream.linear.gather @p1 [hbm4b:s21+s20], $0x80, $0x38;
	[tilespmem:$0x18300] =	vst v63  }
0x138: {  	s21 =	sadd.s32 @p1 $0x200, s19;
	s22 =	sadd.s32 @p1 $0x5300, s17  }
0x139: {  	[tilespmem:s22], [sflag:$0x1] =	stream.linear.gather @p1 [hbm4b:s21+s20], $0x80, $0x38;
	[tilespmem:$0x18300] =	vst v63  }
0x13a: {  	s21 =	sadd.s32 @p1 $0x280, s19;
	s22 =	sadd.s32 @p1 $0x5700, s17  }
0x13b: {  	[tilespmem:s22], [sflag:$0x1] =	stream.linear.gather @p1 [hbm4b:s21+s20], $0x80, $0x38;
	[tilespmem:$0x18300] =	vst v63  }
0x13c: {  	s21 =	sadd.s32 @p1 $0x300, s19;
	s22 =	sadd.s32 @p1 $0x5B00, s17  }
0x13d: {  	[tilespmem:s22], [sflag:$0x1] =	stream.linear.gather @p1 [hbm4b:s21+s20], $0x80, $0x38;
	[tilespmem:$0x18300] =	vst v63  }
0x13e: {  	s19 =	sadd.s32 @p1 $0x380, s19;
	s17 =	sadd.s32 @p1 $0x5F00, s17  }
0x13f: {  	[tilespmem:s17], [sflag:$0x1] =	stream.linear.gather @p1 [hbm4b:s19+s20], $0x80, $0x38;
	[tilespmem:$0x18300] =	vst v63  }
.LBB2_17:
0x140: {  	p0 =	sge.f32 s16, $4.000000000e+00  }
.Ltmp13:
0x141: {  	_ = 	snop;
	(pc) =	sbr.rel @!p0 .LBB2_22-.Ltmp13, $1  }
0x142: {  	_ =	sdelay $0x3  }
0x143: {  	p0 =	slt.f32 s16, $6.000000000e+00  }
.Ltmp14:
0x144: {  	_ = 	snop;
	(pc) =	sbr.rel @!p0 .LBB2_20-.Ltmp14, $1  }
0x145: {  	_ =	sdelay $0x3  }
0x146: {  	p0 =	slt.f32 s16, $5.000000000e+00;
	_ =	sdelay $0x1  }
0x147: {  	s17 =	sand.u32 @p0 $0x2000, s13  }
0x148: {  	s19 =	sand.u32 @p0 $0x380, s14;
	s20 =	sadd.s32 @p0 s14, s18;
	s21 =	sand.u32 @p0 $0x70, s15  }
0x149: {  	s17 =	sor.u32 @p0 s19, s17;
	s19 =	sand.u32 @p0 $0x7C400, s20;
	s20 =	sadd.s32 @p0 s4, s21  }
0x14a: {  	s21 =	sadd.s32 @p0 $0x4300, s17;
	s19 =	sadd.s32 @p0 s19, s20;
	s20 =	simm.s32 @p0 $0x0  }
0x14b: {  	[tilespmem:s21], [sflag:$0x1] =	stream.linear.gather @p0 [hbm4b:s19+s20], $0x80, $0x38;
	[tilespmem:$0x18300] =	vst v63  }
0x14c: {  	s22 =	sadd.s32 @p0 $0x4700, s17;
	s21 =	sadd.s32 @p0 $0x80, s19  }
0x14d: {  	[tilespmem:s22], [sflag:$0x1] =	stream.linear.gather @p0 [hbm4b:s21+s20], $0x80, $0x38;
	[tilespmem:$0x18300] =	vst v63  }
0x14e: {  	s21 =	sadd.s32 @p0 $0x100, s19;
	s22 =	sadd.s32 @p0 $0x4B00, s17  }
0x14f: {  	[tilespmem:s22], [sflag:$0x1] =	stream.linear.gather @p0 [hbm4b:s21+s20], $0x80, $0x38;
	[tilespmem:$0x18300] =	vst v63  }
0x150: {  	s21 =	sadd.s32 @p0 $0x180, s19;
	s22 =	sadd.s32 @p0 $0x4F00, s17  }
0x151: {  	[tilespmem:s22], [sflag:$0x1] =	stream.linear.gather @p0 [hbm4b:s21+s20], $0x80, $0x38;
	[tilespmem:$0x18300] =	vst v63  }
0x152: {  	s21 =	sadd.s32 @p0 $0x200, s19;
	s22 =	sadd.s32 @p0 $0x5300, s17  }
0x153: {  	[tilespmem:s22], [sflag:$0x1] =	stream.linear.gather @p0 [hbm4b:s21+s20], $0x80, $0x38;
	[tilespmem:$0x18300] =	vst v63  }
0x154: {  	s21 =	sadd.s32 @p0 $0x280, s19;
	s22 =	sadd.s32 @p0 $0x5700, s17  }
0x155: {  	[tilespmem:s22], [sflag:$0x1] =	stream.linear.gather @p0 [hbm4b:s21+s20], $0x80, $0x38;
	[tilespmem:$0x18300] =	vst v63  }
0x156: {  	p1 =	sge.f32 s16, $5.000000000e+00;
	s21 =	sadd.s32 @p0 $0x300, s19;
	s22 =	sadd.s32 @p0 $0x5B00, s17  }
0x157: {  	[tilespmem:s22], [sflag:$0x1] =	stream.linear.gather @p0 [hbm4b:s21+s20], $0x80, $0x38;
	[tilespmem:$0x18300] =	vst v63  }
0x158: {  	s19 =	sadd.s32 @p0 $0x380, s19;
	s17 =	sadd.s32 @p0 $0x5F00, s17;
	s21 =	sand.u32 @p1 $0x70, s15  }
0x159: {  	[tilespmem:s17], [sflag:$0x1] =	stream.linear.gather @p0 [hbm4b:s19+s20], $0x80, $0x38;
	[tilespmem:$0x18300] =	vst v63  }
0x15a: {  	s17 =	sand.u32 @p1 $0x2000, s13;
	s19 =	sand.u32 @p1 $0x380, s14;
	s20 =	sadd.s32 @p1 s14, s18  }
0x15b: {  	s17 =	sor.u32 @p1 s19, s17;
	s19 =	sand.u32 @p1 $0x7C400, s20;
	s20 =	sadd.s32 @p1 s5, s21  }
0x15c: {  	s21 =	sadd.s32 @p1 $0x4300, s17;
	s19 =	sadd.s32 @p1 s19, s20;
	s20 =	simm.s32 @p1 $0x0  }
0x15d: {  	[tilespmem:s21], [sflag:$0x1] =	stream.linear.gather @p1 [hbm4b:s19+s20], $0x80, $0x38;
	[tilespmem:$0x18300] =	vst v63  }
0x15e: {  	s22 =	sadd.s32 @p1 $0x4700, s17;
	s21 =	sadd.s32 @p1 $0x80, s19  }
0x15f: {  	[tilespmem:s22], [sflag:$0x1] =	stream.linear.gather @p1 [hbm4b:s21+s20], $0x80, $0x38;
	[tilespmem:$0x18300] =	vst v63  }
0x160: {  	s21 =	sadd.s32 @p1 $0x100, s19;
	s22 =	sadd.s32 @p1 $0x4B00, s17  }
0x161: {  	[tilespmem:s22], [sflag:$0x1] =	stream.linear.gather @p1 [hbm4b:s21+s20], $0x80, $0x38;
	[tilespmem:$0x18300] =	vst v63  }
0x162: {  	s21 =	sadd.s32 @p1 $0x180, s19;
	s22 =	sadd.s32 @p1 $0x4F00, s17  }
0x163: {  	[tilespmem:s22], [sflag:$0x1] =	stream.linear.gather @p1 [hbm4b:s21+s20], $0x80, $0x38;
	[tilespmem:$0x18300] =	vst v63  }
0x164: {  	s21 =	sadd.s32 @p1 $0x200, s19;
	s22 =	sadd.s32 @p1 $0x5300, s17  }
0x165: {  	[tilespmem:s22], [sflag:$0x1] =	stream.linear.gather @p1 [hbm4b:s21+s20], $0x80, $0x38;
	[tilespmem:$0x18300] =	vst v63  }
0x166: {  	s21 =	sadd.s32 @p1 $0x280, s19;
	s22 =	sadd.s32 @p1 $0x5700, s17  }
0x167: {  	[tilespmem:s22], [sflag:$0x1] =	stream.linear.gather @p1 [hbm4b:s21+s20], $0x80, $0x38;
	[tilespmem:$0x18300] =	vst v63  }
0x168: {  	s21 =	sadd.s32 @p1 $0x300, s19;
	s22 =	sadd.s32 @p1 $0x5B00, s17  }
0x169: {  	[tilespmem:s22], [sflag:$0x1] =	stream.linear.gather @p1 [hbm4b:s21+s20], $0x80, $0x38;
	[tilespmem:$0x18300] =	vst v63  }
0x16a: {  	s19 =	sadd.s32 @p1 $0x380, s19;
	s17 =	sadd.s32 @p1 $0x5F00, s17  }
0x16b: {  	[tilespmem:s17], [sflag:$0x1] =	stream.linear.gather @p1 [hbm4b:s19+s20], $0x80, $0x38;
	[tilespmem:$0x18300] =	vst v63  }
.LBB2_20:
0x16c: {  	p0 =	sge.f32 s16, $6.000000000e+00  }
.Ltmp15:
0x16d: {  	_ = 	snop;
	(pc) =	sbr.rel @!p0 .LBB2_22-.Ltmp15, $1  }
0x16e: {  	_ =	sdelay $0x3  }
0x16f: {  	p0 =	slt.f32 s16, $7.000000000e+00;
	_ =	sdelay $0x1  }
0x170: {  	s17 =	sand.u32 @p0 $0x2000, s13  }
0x171: {  	s19 =	sand.u32 @p0 $0x380, s14;
	s20 =	sadd.s32 @p0 s14, s18;
	s21 =	sand.u32 @p0 $0x70, s15  }
0x172: {  	s17 =	sor.u32 @p0 s19, s17;
	s19 =	sand.u32 @p0 $0x7C400, s20;
	s20 =	sadd.s32 @p0 s7, s21  }
0x173: {  	s21 =	sadd.s32 @p0 $0x4300, s17;
	s19 =	sadd.s32 @p0 s19, s20;
	s20 =	simm.s32 @p0 $0x0  }
0x174: {  	[tilespmem:s21], [sflag:$0x1] =	stream.linear.gather @p0 [hbm4b:s19+s20], $0x80, $0x38;
	[tilespmem:$0x18300] =	vst v63  }
0x175: {  	s22 =	sadd.s32 @p0 $0x4700, s17;
	s21 =	sadd.s32 @p0 $0x80, s19  }
0x176: {  	[tilespmem:s22], [sflag:$0x1] =	stream.linear.gather @p0 [hbm4b:s21+s20], $0x80, $0x38;
	[tilespmem:$0x18300] =	vst v63  }
0x177: {  	s21 =	sadd.s32 @p0 $0x100, s19;
	s22 =	sadd.s32 @p0 $0x4B00, s17  }
0x178: {  	[tilespmem:s22], [sflag:$0x1] =	stream.linear.gather @p0 [hbm4b:s21+s20], $0x80, $0x38;
	[tilespmem:$0x18300] =	vst v63  }
0x179: {  	s21 =	sadd.s32 @p0 $0x180, s19;
	s22 =	sadd.s32 @p0 $0x4F00, s17  }
0x17a: {  	[tilespmem:s22], [sflag:$0x1] =	stream.linear.gather @p0 [hbm4b:s21+s20], $0x80, $0x38;
	[tilespmem:$0x18300] =	vst v63  }
0x17b: {  	s21 =	sadd.s32 @p0 $0x200, s19;
	s22 =	sadd.s32 @p0 $0x5300, s17  }
0x17c: {  	[tilespmem:s22], [sflag:$0x1] =	stream.linear.gather @p0 [hbm4b:s21+s20], $0x80, $0x38;
	[tilespmem:$0x18300] =	vst v63  }
0x17d: {  	s21 =	sadd.s32 @p0 $0x280, s19;
	s22 =	sadd.s32 @p0 $0x5700, s17  }
0x17e: {  	[tilespmem:s22], [sflag:$0x1] =	stream.linear.gather @p0 [hbm4b:s21+s20], $0x80, $0x38;
	[tilespmem:$0x18300] =	vst v63  }
0x17f: {  	p1 =	sge.f32 s16, $7.000000000e+00;
	s21 =	sadd.s32 @p0 $0x300, s19;
	s22 =	sadd.s32 @p0 $0x5B00, s17  }
0x180: {  	[tilespmem:s22], [sflag:$0x1] =	stream.linear.gather @p0 [hbm4b:s21+s20], $0x80, $0x38;
	[tilespmem:$0x18300] =	vst v63  }
0x181: {  	s16 =	sand.u32 @p1 $0x2000, s13;
	s19 =	sadd.s32 @p0 $0x380, s19;
	s17 =	sadd.s32 @p0 $0x5F00, s17  }
0x182: {  	[tilespmem:s17], [sflag:$0x1] =	stream.linear.gather @p0 [hbm4b:s19+s20], $0x80, $0x38;
	[tilespmem:$0x18300] =	vst v63  }
0x183: {  	s17 =	sand.u32 @p1 $0x380, s14;
	s19 =	sadd.s32 @p1 s14, s18;
	s20 =	sand.u32 @p1 $0x70, s15  }
0x184: {  	s16 =	sor.u32 @p1 s17, s16;
	s17 =	sand.u32 @p1 $0x7C400, s19;
	s19 =	sadd.s32 @p1 s8, s20  }
0x185: {  	s20 =	sadd.s32 @p1 $0x4300, s16;
	s17 =	sadd.s32 @p1 s17, s19;
	s19 =	simm.s32 @p1 $0x0  }
0x186: {  	[tilespmem:s20], [sflag:$0x1] =	stream.linear.gather @p1 [hbm4b:s17+s19], $0x80, $0x38;
	[tilespmem:$0x18300] =	vst v63  }
0x187: {  	s21 =	sadd.s32 @p1 $0x4700, s16;
	s20 =	sadd.s32 @p1 $0x80, s17  }
0x188: {  	[tilespmem:s21], [sflag:$0x1] =	stream.linear.gather @p1 [hbm4b:s20+s19], $0x80, $0x38;
	[tilespmem:$0x18300] =	vst v63  }
0x189: {  	s20 =	sadd.s32 @p1 $0x100, s17;
	s21 =	sadd.s32 @p1 $0x4B00, s16  }
0x18a: {  	[tilespmem:s21], [sflag:$0x1] =	stream.linear.gather @p1 [hbm4b:s20+s19], $0x80, $0x38;
	[tilespmem:$0x18300] =	vst v63  }
0x18b: {  	s20 =	sadd.s32 @p1 $0x180, s17;
	s21 =	sadd.s32 @p1 $0x4F00, s16  }
0x18c: {  	[tilespmem:s21], [sflag:$0x1] =	stream.linear.gather @p1 [hbm4b:s20+s19], $0x80, $0x38;
	[tilespmem:$0x18300] =	vst v63  }
0x18d: {  	s20 =	sadd.s32 @p1 $0x200, s17;
	s21 =	sadd.s32 @p1 $0x5300, s16  }
0x18e: {  	[tilespmem:s21], [sflag:$0x1] =	stream.linear.gather @p1 [hbm4b:s20+s19], $0x80, $0x38;
	[tilespmem:$0x18300] =	vst v63  }
0x18f: {  	s20 =	sadd.s32 @p1 $0x280, s17;
	s21 =	sadd.s32 @p1 $0x5700, s16  }
0x190: {  	[tilespmem:s21], [sflag:$0x1] =	stream.linear.gather @p1 [hbm4b:s20+s19], $0x80, $0x38;
	[tilespmem:$0x18300] =	vst v63  }
.Ltmp16:
0x191: {  	_ = 	snop;
	(pc) =	sbr.rel .LBB2_22-.Ltmp16, $4  }
0x192: {  	s20 =	sadd.s32 @p1 $0x300, s17;
	s21 =	sadd.s32 @p1 $0x5B00, s16  }
0x193: {  	[tilespmem:s21], [sflag:$0x1] =	stream.linear.gather @p1 [hbm4b:s20+s19], $0x80, $0x38;
	[tilespmem:$0x18300] =	vst v63  }
0x194: {  	s17 =	sadd.s32 @p1 $0x380, s17;
	s16 =	sadd.s32 @p1 $0x5F00, s16  }
0x195: {  	[tilespmem:s16], [sflag:$0x1] =	stream.linear.gather @p1 [hbm4b:s17+s19], $0x80, $0x38;
	[tilespmem:$0x18300] =	vst v63  }
.LBB2_23:
0x196: {  	s9 =	simm.s32 $0x0  }
0x197: {  	s6 =	simm.s32 $0x110;
	s22 =	simm.s32 $0x10;
	s20 =	rddreg [dreg:$0x12]  }
0x198: {  	s14 =	simm.s32 $0x120;
	s15 =	simm.s32 $0x20;
	s19 =	rddreg [dreg:$0x11]  }
.LBB2_24:
.Ltmp17:
0x199: {  	(pc) =	sbr.rel .LBB2_25-.Ltmp17, $4  }
0x19a: {  	_ = 	snop  }
0x19b: {  	s17 =	sshll.u32 s9, $0x5  }
0x19c: {  	s13 =	smov.u32 s22;
	s23 =	smov.u32 s6;
	s29 =	simm.s32 $0x0  }
0x19d: {  	s30 =	simm.s32 $0x0;
	s21 =	simm.s32 $0x0;
	s16 =	sor.u32 $0x10, s17  }
.LBB2_45:
0x19e: {  	s21 =	sadd.s32 $0x10, s21  }
0x19f: {  	p0 =	sne.s32 s21, $0x100  }
.Ltmp18:
0x1a0: {  	_ = 	snop;
	(pc) =	sbr.rel @!p0 .LBB2_46-.Ltmp18, $3  }
0x1a1: {  	_ =	sdelay $0x1  }
0x1a2: {  	s30 =	sadd.s32 $0x80, s30  }
0x1a3: {  	s29 =	sadd.s32 $0x400, s29;
	s23 =	sadd.s32 $0x1, s23;
	s13 =	sadd.s32 $0x1, s13  }
.LBB2_25:
0x1a4: {  	v0 =	vld [tilespmem:s13+$0x0];
	_ =	sdelay $0x4  }
0x1a5: {  	(v2sf) =	vpush v0, $0x0  }
0x1a6: {  	v1 =	vld [tilespmem:s23+$0x0];
	_ =	sdelay $0x4  }
0x1a7: {  	(v2sf) =	vpush v1, $0x0;
	_ =	sdelay $0x8  }
0x1a8: {  	s25 =	spop (v2sf)  }
0x1a9: {  	p0 =	slt.f32 s25, $4.000000000e+00  }
.Ltmp19:
0x1aa: {  	_ = 	snop;
	(pc) =	sbr.rel @!p0 .LBB2_30-.Ltmp19, $2  }
0x1ab: {  	_ =	sdelay $0x2  }
0x1ac: {  	s31 =	spop (v2sf)  }
0x1ad: {  	p0 =	slt.f32 s25, $2.000000000e+00  }
.Ltmp20:
0x1ae: {  	_ = 	snop;
	(pc) =	sbr.rel @!p0 .LBB2_28-.Ltmp20, $1  }
0x1af: {  	_ =	sdelay $0x3  }
0x1b0: {  	p0 =	slt.f32 s25, $1.000000000e+00;
	_ =	sdelay $0x1  }
0x1b1: {  	s28 =	sand.u32 @p0 $0x2000, s29  }
0x1b2: {  	s11 =	sand.u32 @p0 $0x380, s30;
	s10 =	sadd.s32 @p0 s30, s19;
	s12 =	sand.u32 @p0 $0x70, s21  }
0x1b3: {  	s11 =	sor.u32 @p0 s11, s28;
	s10 =	sand.u32 @p0 $0xFFFFC00, s10;
	s12 =	sadd.s32 @p0 s0, s12  }
0x1b4: {  	s28 =	sadd.s32 @p0 $0x8300, s11;
	s10 =	sadd.s32 @p0 s10, s12;
	s12 =	simm.s32 @p0 $0x0  }
0x1b5: {  	[tilespmem:s28], [sflag:$0x2] =	stream.linear.gather @p0 [hbm4b:s10+s12], $0x80, $0x38;
	[tilespmem:$0x18300] =	vst v63  }
0x1b6: {  	s24 =	sadd.s32 @p0 $0x8700, s11;
	s28 =	sadd.s32 @p0 $0x80, s10  }
0x1b7: {  	[tilespmem:s24], [sflag:$0x2] =	stream.linear.gather @p0 [hbm4b:s28+s12], $0x80, $0x38;
	[tilespmem:$0x18300] =	vst v63  }
0x1b8: {  	s24 =	sadd.s32 @p0 $0x100, s10;
	s28 =	sadd.s32 @p0 $0x8B00, s11  }
0x1b9: {  	[tilespmem:s28], [sflag:$0x2] =	stream.linear.gather @p0 [hbm4b:s24+s12], $0x80, $0x38;
	[tilespmem:$0x18300] =	vst v63  }
0x1ba: {  	s24 =	sadd.s32 @p0 $0x180, s10;
	s28 =	sadd.s32 @p0 $0x8F00, s11  }
0x1bb: {  	[tilespmem:s28], [sflag:$0x2] =	stream.linear.gather @p0 [hbm4b:s24+s12], $0x80, $0x38;
	[tilespmem:$0x18300] =	vst v63  }
0x1bc: {  	s24 =	sadd.s32 @p0 $0x200, s10;
	s28 =	sadd.s32 @p0 $0x9300, s11  }
0x1bd: {  	[tilespmem:s28], [sflag:$0x2] =	stream.linear.gather @p0 [hbm4b:s24+s12], $0x80, $0x38;
	[tilespmem:$0x18300] =	vst v63  }
0x1be: {  	s24 =	sadd.s32 @p0 $0x280, s10;
	s28 =	sadd.s32 @p0 $0x9700, s11  }
0x1bf: {  	[tilespmem:s28], [sflag:$0x2] =	stream.linear.gather @p0 [hbm4b:s24+s12], $0x80, $0x38;
	[tilespmem:$0x18300] =	vst v63  }
0x1c0: {  	p1 =	sge.f32 s25, $1.000000000e+00;
	s24 =	sadd.s32 @p0 $0x300, s10;
	s28 =	sadd.s32 @p0 $0x9B00, s11  }
0x1c1: {  	[tilespmem:s28], [sflag:$0x2] =	stream.linear.gather @p0 [hbm4b:s24+s12], $0x80, $0x38;
	[tilespmem:$0x18300] =	vst v63  }
0x1c2: {  	s10 =	sadd.s32 @p0 $0x380, s10;
	s11 =	sadd.s32 @p0 $0x9F00, s11;
	s24 =	sand.u32 @p1 $0x70, s21  }
0x1c3: {  	[tilespmem:s11], [sflag:$0x2] =	stream.linear.gather @p0 [hbm4b:s10+s12], $0x80, $0x38;
	[tilespmem:$0x18300] =	vst v63  }
0x1c4: {  	s10 =	sand.u32 @p1 $0x2000, s29;
	s11 =	sand.u32 @p1 $0x380, s30;
	s12 =	sadd.s32 @p1 s30, s19  }
0x1c5: {  	s10 =	sor.u32 @p1 s11, s10;
	s11 =	sand.u32 @p1 $0xFFFFC00, s12;
	s12 =	sadd.s32 @p1 s1, s24  }
0x1c6: {  	s24 =	sadd.s32 @p1 $0x8300, s10;
	s11 =	sadd.s32 @p1 s11, s12;
	s12 =	simm.s32 @p1 $0x0  }
0x1c7: {  	[tilespmem:s24], [sflag:$0x2] =	stream.linear.gather @p1 [hbm4b:s11+s12], $0x80, $0x38;
	[tilespmem:$0x18300] =	vst v63  }
0x1c8: {  	s28 =	sadd.s32 @p1 $0x8700, s10;
	s24 =	sadd.s32 @p1 $0x80, s11  }
0x1c9: {  	[tilespmem:s28], [sflag:$0x2] =	stream.linear.gather @p1 [hbm4b:s24+s12], $0x80, $0x38;
	[tilespmem:$0x18300] =	vst v63  }
0x1ca: {  	s24 =	sadd.s32 @p1 $0x100, s11;
	s28 =	sadd.s32 @p1 $0x8B00, s10  }
0x1cb: {  	[tilespmem:s28], [sflag:$0x2] =	stream.linear.gather @p1 [hbm4b:s24+s12], $0x80, $0x38;
	[tilespmem:$0x18300] =	vst v63  }
0x1cc: {  	s24 =	sadd.s32 @p1 $0x180, s11;
	s28 =	sadd.s32 @p1 $0x8F00, s10  }
0x1cd: {  	[tilespmem:s28], [sflag:$0x2] =	stream.linear.gather @p1 [hbm4b:s24+s12], $0x80, $0x38;
	[tilespmem:$0x18300] =	vst v63  }
0x1ce: {  	s24 =	sadd.s32 @p1 $0x200, s11;
	s28 =	sadd.s32 @p1 $0x9300, s10  }
0x1cf: {  	[tilespmem:s28], [sflag:$0x2] =	stream.linear.gather @p1 [hbm4b:s24+s12], $0x80, $0x38;
	[tilespmem:$0x18300] =	vst v63  }
0x1d0: {  	s24 =	sadd.s32 @p1 $0x280, s11;
	s28 =	sadd.s32 @p1 $0x9700, s10  }
0x1d1: {  	[tilespmem:s28], [sflag:$0x2] =	stream.linear.gather @p1 [hbm4b:s24+s12], $0x80, $0x38;
	[tilespmem:$0x18300] =	vst v63  }
0x1d2: {  	s24 =	sadd.s32 @p1 $0x300, s11;
	s28 =	sadd.s32 @p1 $0x9B00, s10  }
0x1d3: {  	[tilespmem:s28], [sflag:$0x2] =	stream.linear.gather @p1 [hbm4b:s24+s12], $0x80, $0x38;
	[tilespmem:$0x18300] =	vst v63  }
0x1d4: {  	s11 =	sadd.s32 @p1 $0x380, s11;
	s10 =	sadd.s32 @p1 $0x9F00, s10  }
0x1d5: {  	[tilespmem:s10], [sflag:$0x2] =	stream.linear.gather @p1 [hbm4b:s11+s12], $0x80, $0x38;
	[tilespmem:$0x18300] =	vst v63  }
.LBB2_28:
0x1d6: {  	p0 =	sge.f32 s25, $2.000000000e+00  }
.Ltmp21:
0x1d7: {  	_ = 	snop;
	(pc) =	sbr.rel @!p0 .LBB2_30-.Ltmp21, $1  }
0x1d8: {  	_ =	sdelay $0x3  }
0x1d9: {  	p0 =	slt.f32 s25, $3.000000000e+00;
	_ =	sdelay $0x1  }
0x1da: {  	s10 =	sand.u32 @p0 $0x2000, s29  }
0x1db: {  	s11 =	sand.u32 @p0 $0x380, s30;
	s12 =	sadd.s32 @p0 s30, s19;
	s24 =	sand.u32 @p0 $0x70, s21  }
0x1dc: {  	s10 =	sor.u32 @p0 s11, s10;
	s11 =	sand.u32 @p0 $0xFFFFC00, s12;
	s12 =	sadd.s32 @p0 s2, s24  }
0x1dd: {  	s24 =	sadd.s32 @p0 $0x8300, s10;
	s11 =	sadd.s32 @p0 s11, s12;
	s12 =	simm.s32 @p0 $0x0  }
0x1de: {  	[tilespmem:s24], [sflag:$0x2] =	stream.linear.gather @p0 [hbm4b:s11+s12], $0x80, $0x38;
	[tilespmem:$0x18300] =	vst v63  }
0x1df: {  	s28 =	sadd.s32 @p0 $0x8700, s10;
	s24 =	sadd.s32 @p0 $0x80, s11  }
0x1e0: {  	[tilespmem:s28], [sflag:$0x2] =	stream.linear.gather @p0 [hbm4b:s24+s12], $0x80, $0x38;
	[tilespmem:$0x18300] =	vst v63  }
0x1e1: {  	s24 =	sadd.s32 @p0 $0x100, s11;
	s28 =	sadd.s32 @p0 $0x8B00, s10  }
0x1e2: {  	[tilespmem:s28], [sflag:$0x2] =	stream.linear.gather @p0 [hbm4b:s24+s12], $0x80, $0x38;
	[tilespmem:$0x18300] =	vst v63  }
0x1e3: {  	s24 =	sadd.s32 @p0 $0x180, s11;
	s28 =	sadd.s32 @p0 $0x8F00, s10  }
0x1e4: {  	[tilespmem:s28], [sflag:$0x2] =	stream.linear.gather @p0 [hbm4b:s24+s12], $0x80, $0x38;
	[tilespmem:$0x18300] =	vst v63  }
0x1e5: {  	s24 =	sadd.s32 @p0 $0x200, s11;
	s28 =	sadd.s32 @p0 $0x9300, s10  }
0x1e6: {  	[tilespmem:s28], [sflag:$0x2] =	stream.linear.gather @p0 [hbm4b:s24+s12], $0x80, $0x38;
	[tilespmem:$0x18300] =	vst v63  }
0x1e7: {  	s24 =	sadd.s32 @p0 $0x280, s11;
	s28 =	sadd.s32 @p0 $0x9700, s10  }
0x1e8: {  	[tilespmem:s28], [sflag:$0x2] =	stream.linear.gather @p0 [hbm4b:s24+s12], $0x80, $0x38;
	[tilespmem:$0x18300] =	vst v63  }
0x1e9: {  	p1 =	sge.f32 s25, $3.000000000e+00;
	s24 =	sadd.s32 @p0 $0x300, s11;
	s28 =	sadd.s32 @p0 $0x9B00, s10  }
0x1ea: {  	[tilespmem:s28], [sflag:$0x2] =	stream.linear.gather @p0 [hbm4b:s24+s12], $0x80, $0x38;
	[tilespmem:$0x18300] =	vst v63  }
0x1eb: {  	s11 =	sadd.s32 @p0 $0x380, s11;
	s10 =	sadd.s32 @p0 $0x9F00, s10;
	s24 =	sand.u32 @p1 $0x70, s21  }
0x1ec: {  	[tilespmem:s10], [sflag:$0x2] =	stream.linear.gather @p0 [hbm4b:s11+s12], $0x80, $0x38;
	[tilespmem:$0x18300] =	vst v63  }
0x1ed: {  	s10 =	sand.u32 @p1 $0x2000, s29;
	s11 =	sand.u32 @p1 $0x380, s30;
	s12 =	sadd.s32 @p1 s30, s19  }
0x1ee: {  	s10 =	sor.u32 @p1 s11, s10;
	s11 =	sand.u32 @p1 $0xFFFFC00, s12;
	s12 =	sadd.s32 @p1 s3, s24  }
0x1ef: {  	s24 =	sadd.s32 @p1 $0x8300, s10;
	s11 =	sadd.s32 @p1 s11, s12;
	s12 =	simm.s32 @p1 $0x0  }
0x1f0: {  	[tilespmem:s24], [sflag:$0x2] =	stream.linear.gather @p1 [hbm4b:s11+s12], $0x80, $0x38;
	[tilespmem:$0x18300] =	vst v63  }
0x1f1: {  	s28 =	sadd.s32 @p1 $0x8700, s10;
	s24 =	sadd.s32 @p1 $0x80, s11  }
0x1f2: {  	[tilespmem:s28], [sflag:$0x2] =	stream.linear.gather @p1 [hbm4b:s24+s12], $0x80, $0x38;
	[tilespmem:$0x18300] =	vst v63  }
0x1f3: {  	s24 =	sadd.s32 @p1 $0x100, s11;
	s28 =	sadd.s32 @p1 $0x8B00, s10  }
0x1f4: {  	[tilespmem:s28], [sflag:$0x2] =	stream.linear.gather @p1 [hbm4b:s24+s12], $0x80, $0x38;
	[tilespmem:$0x18300] =	vst v63  }
0x1f5: {  	s24 =	sadd.s32 @p1 $0x180, s11;
	s28 =	sadd.s32 @p1 $0x8F00, s10  }
0x1f6: {  	[tilespmem:s28], [sflag:$0x2] =	stream.linear.gather @p1 [hbm4b:s24+s12], $0x80, $0x38;
	[tilespmem:$0x18300] =	vst v63  }
0x1f7: {  	s24 =	sadd.s32 @p1 $0x200, s11;
	s28 =	sadd.s32 @p1 $0x9300, s10  }
0x1f8: {  	[tilespmem:s28], [sflag:$0x2] =	stream.linear.gather @p1 [hbm4b:s24+s12], $0x80, $0x38;
	[tilespmem:$0x18300] =	vst v63  }
0x1f9: {  	s24 =	sadd.s32 @p1 $0x280, s11;
	s28 =	sadd.s32 @p1 $0x9700, s10  }
0x1fa: {  	[tilespmem:s28], [sflag:$0x2] =	stream.linear.gather @p1 [hbm4b:s24+s12], $0x80, $0x38;
	[tilespmem:$0x18300] =	vst v63  }
0x1fb: {  	s24 =	sadd.s32 @p1 $0x300, s11;
	s28 =	sadd.s32 @p1 $0x9B00, s10  }
0x1fc: {  	[tilespmem:s28], [sflag:$0x2] =	stream.linear.gather @p1 [hbm4b:s24+s12], $0x80, $0x38;
	[tilespmem:$0x18300] =	vst v63  }
0x1fd: {  	s11 =	sadd.s32 @p1 $0x380, s11;
	s10 =	sadd.s32 @p1 $0x9F00, s10  }
0x1fe: {  	[tilespmem:s10], [sflag:$0x2] =	stream.linear.gather @p1 [hbm4b:s11+s12], $0x80, $0x38;
	[tilespmem:$0x18300] =	vst v63  }
.LBB2_30:
0x1ff: {  	p0 =	sge.f32 s25, $4.000000000e+00  }
.Ltmp22:
0x200: {  	_ = 	snop;
	(pc) =	sbr.rel @!p0 .LBB2_35-.Ltmp22, $1  }
0x201: {  	_ =	sdelay $0x3  }
0x202: {  	p0 =	slt.f32 s25, $6.000000000e+00  }
.Ltmp23:
0x203: {  	_ = 	snop;
	(pc) =	sbr.rel @!p0 .LBB2_33-.Ltmp23, $1  }
0x204: {  	_ =	sdelay $0x3  }
0x205: {  	p0 =	slt.f32 s25, $5.000000000e+00;
	_ =	sdelay $0x1  }
0x206: {  	s10 =	sand.u32 @p0 $0x2000, s29  }
0x207: {  	s11 =	sand.u32 @p0 $0x380, s30;
	s12 =	sadd.s32 @p0 s30, s19;
	s24 =	sand.u32 @p0 $0x70, s21  }
0x208: {  	s10 =	sor.u32 @p0 s11, s10;
	s11 =	sand.u32 @p0 $0xFFFFC00, s12;
	s12 =	sadd.s32 @p0 s4, s24  }
0x209: {  	s24 =	sadd.s32 @p0 $0x8300, s10;
	s11 =	sadd.s32 @p0 s11, s12;
	s12 =	simm.s32 @p0 $0x0  }
0x20a: {  	[tilespmem:s24], [sflag:$0x2] =	stream.linear.gather @p0 [hbm4b:s11+s12], $0x80, $0x38;
	[tilespmem:$0x18300] =	vst v63  }
0x20b: {  	s28 =	sadd.s32 @p0 $0x8700, s10;
	s24 =	sadd.s32 @p0 $0x80, s11  }
0x20c: {  	[tilespmem:s28], [sflag:$0x2] =	stream.linear.gather @p0 [hbm4b:s24+s12], $0x80, $0x38;
	[tilespmem:$0x18300] =	vst v63  }
0x20d: {  	s24 =	sadd.s32 @p0 $0x100, s11;
	s28 =	sadd.s32 @p0 $0x8B00, s10  }
0x20e: {  	[tilespmem:s28], [sflag:$0x2] =	stream.linear.gather @p0 [hbm4b:s24+s12], $0x80, $0x38;
	[tilespmem:$0x18300] =	vst v63  }
0x20f: {  	s24 =	sadd.s32 @p0 $0x180, s11;
	s28 =	sadd.s32 @p0 $0x8F00, s10  }
0x210: {  	[tilespmem:s28], [sflag:$0x2] =	stream.linear.gather @p0 [hbm4b:s24+s12], $0x80, $0x38;
	[tilespmem:$0x18300] =	vst v63  }
0x211: {  	s24 =	sadd.s32 @p0 $0x200, s11;
	s28 =	sadd.s32 @p0 $0x9300, s10  }
0x212: {  	[tilespmem:s28], [sflag:$0x2] =	stream.linear.gather @p0 [hbm4b:s24+s12], $0x80, $0x38;
	[tilespmem:$0x18300] =	vst v63  }
0x213: {  	s24 =	sadd.s32 @p0 $0x280, s11;
	s28 =	sadd.s32 @p0 $0x9700, s10  }
0x214: {  	[tilespmem:s28], [sflag:$0x2] =	stream.linear.gather @p0 [hbm4b:s24+s12], $0x80, $0x38;
	[tilespmem:$0x18300] =	vst v63  }
0x215: {  	p1 =	sge.f32 s25, $5.000000000e+00;
	s24 =	sadd.s32 @p0 $0x300, s11;
	s28 =	sadd.s32 @p0 $0x9B00, s10  }
0x216: {  	[tilespmem:s28], [sflag:$0x2] =	stream.linear.gather @p0 [hbm4b:s24+s12], $0x80, $0x38;
	[tilespmem:$0x18300] =	vst v63  }
0x217: {  	s11 =	sadd.s32 @p0 $0x380, s11;
	s10 =	sadd.s32 @p0 $0x9F00, s10;
	s24 =	sand.u32 @p1 $0x70, s21  }
0x218: {  	[tilespmem:s10], [sflag:$0x2] =	stream.linear.gather @p0 [hbm4b:s11+s12], $0x80, $0x38;
	[tilespmem:$0x18300] =	vst v63  }
0x219: {  	s10 =	sand.u32 @p1 $0x2000, s29;
	s11 =	sand.u32 @p1 $0x380, s30;
	s12 =	sadd.s32 @p1 s30, s19  }
0x21a: {  	s10 =	sor.u32 @p1 s11, s10;
	s11 =	sand.u32 @p1 $0xFFFFC00, s12;
	s12 =	sadd.s32 @p1 s5, s24  }
0x21b: {  	s24 =	sadd.s32 @p1 $0x8300, s10;
	s11 =	sadd.s32 @p1 s11, s12;
	s12 =	simm.s32 @p1 $0x0  }
0x21c: {  	[tilespmem:s24], [sflag:$0x2] =	stream.linear.gather @p1 [hbm4b:s11+s12], $0x80, $0x38;
	[tilespmem:$0x18300] =	vst v63  }
0x21d: {  	s28 =	sadd.s32 @p1 $0x8700, s10;
	s24 =	sadd.s32 @p1 $0x80, s11  }
0x21e: {  	[tilespmem:s28], [sflag:$0x2] =	stream.linear.gather @p1 [hbm4b:s24+s12], $0x80, $0x38;
	[tilespmem:$0x18300] =	vst v63  }
0x21f: {  	s24 =	sadd.s32 @p1 $0x100, s11;
	s28 =	sadd.s32 @p1 $0x8B00, s10  }
0x220: {  	[tilespmem:s28], [sflag:$0x2] =	stream.linear.gather @p1 [hbm4b:s24+s12], $0x80, $0x38;
	[tilespmem:$0x18300] =	vst v63  }
0x221: {  	s24 =	sadd.s32 @p1 $0x180, s11;
	s28 =	sadd.s32 @p1 $0x8F00, s10  }
0x222: {  	[tilespmem:s28], [sflag:$0x2] =	stream.linear.gather @p1 [hbm4b:s24+s12], $0x80, $0x38;
	[tilespmem:$0x18300] =	vst v63  }
0x223: {  	s24 =	sadd.s32 @p1 $0x200, s11;
	s28 =	sadd.s32 @p1 $0x9300, s10  }
0x224: {  	[tilespmem:s28], [sflag:$0x2] =	stream.linear.gather @p1 [hbm4b:s24+s12], $0x80, $0x38;
	[tilespmem:$0x18300] =	vst v63  }
0x225: {  	s24 =	sadd.s32 @p1 $0x280, s11;
	s28 =	sadd.s32 @p1 $0x9700, s10  }
0x226: {  	[tilespmem:s28], [sflag:$0x2] =	stream.linear.gather @p1 [hbm4b:s24+s12], $0x80, $0x38;
	[tilespmem:$0x18300] =	vst v63  }
0x227: {  	s24 =	sadd.s32 @p1 $0x300, s11;
	s28 =	sadd.s32 @p1 $0x9B00, s10  }
0x228: {  	[tilespmem:s28], [sflag:$0x2] =	stream.linear.gather @p1 [hbm4b:s24+s12], $0x80, $0x38;
	[tilespmem:$0x18300] =	vst v63  }
0x229: {  	s11 =	sadd.s32 @p1 $0x380, s11;
	s10 =	sadd.s32 @p1 $0x9F00, s10  }
0x22a: {  	[tilespmem:s10], [sflag:$0x2] =	stream.linear.gather @p1 [hbm4b:s11+s12], $0x80, $0x38;
	[tilespmem:$0x18300] =	vst v63  }
.LBB2_33:
0x22b: {  	p0 =	sge.f32 s25, $6.000000000e+00  }
.Ltmp24:
0x22c: {  	_ = 	snop;
	(pc) =	sbr.rel @!p0 .LBB2_35-.Ltmp24, $1  }
0x22d: {  	_ =	sdelay $0x3  }
0x22e: {  	p0 =	slt.f32 s25, $7.000000000e+00;
	_ =	sdelay $0x1  }
0x22f: {  	s10 =	sand.u32 @p0 $0x2000, s29  }
0x230: {  	s11 =	sand.u32 @p0 $0x380, s30;
	s12 =	sadd.s32 @p0 s30, s19;
	s24 =	sand.u32 @p0 $0x70, s21  }
0x231: {  	s10 =	sor.u32 @p0 s11, s10;
	s11 =	sand.u32 @p0 $0xFFFFC00, s12;
	s12 =	sadd.s32 @p0 s7, s24  }
0x232: {  	s24 =	sadd.s32 @p0 $0x8300, s10;
	s11 =	sadd.s32 @p0 s11, s12;
	s12 =	simm.s32 @p0 $0x0  }
0x233: {  	[tilespmem:s24], [sflag:$0x2] =	stream.linear.gather @p0 [hbm4b:s11+s12], $0x80, $0x38;
	[tilespmem:$0x18300] =	vst v63  }
0x234: {  	s28 =	sadd.s32 @p0 $0x8700, s10;
	s24 =	sadd.s32 @p0 $0x80, s11  }
0x235: {  	[tilespmem:s28], [sflag:$0x2] =	stream.linear.gather @p0 [hbm4b:s24+s12], $0x80, $0x38;
	[tilespmem:$0x18300] =	vst v63  }
0x236: {  	s24 =	sadd.s32 @p0 $0x100, s11;
	s28 =	sadd.s32 @p0 $0x8B00, s10  }
0x237: {  	[tilespmem:s28], [sflag:$0x2] =	stream.linear.gather @p0 [hbm4b:s24+s12], $0x80, $0x38;
	[tilespmem:$0x18300] =	vst v63  }
0x238: {  	s24 =	sadd.s32 @p0 $0x180, s11;
	s28 =	sadd.s32 @p0 $0x8F00, s10  }
0x239: {  	[tilespmem:s28], [sflag:$0x2] =	stream.linear.gather @p0 [hbm4b:s24+s12], $0x80, $0x38;
	[tilespmem:$0x18300] =	vst v63  }
0x23a: {  	s24 =	sadd.s32 @p0 $0x200, s11;
	s28 =	sadd.s32 @p0 $0x9300, s10  }
0x23b: {  	[tilespmem:s28], [sflag:$0x2] =	stream.linear.gather @p0 [hbm4b:s24+s12], $0x80, $0x38;
	[tilespmem:$0x18300] =	vst v63  }
0x23c: {  	s24 =	sadd.s32 @p0 $0x280, s11;
	s28 =	sadd.s32 @p0 $0x9700, s10  }
0x23d: {  	[tilespmem:s28], [sflag:$0x2] =	stream.linear.gather @p0 [hbm4b:s24+s12], $0x80, $0x38;
	[tilespmem:$0x18300] =	vst v63  }
0x23e: {  	p1 =	sge.f32 s25, $7.000000000e+00;
	s24 =	sadd.s32 @p0 $0x300, s11;
	s28 =	sadd.s32 @p0 $0x9B00, s10  }
0x23f: {  	[tilespmem:s28], [sflag:$0x2] =	stream.linear.gather @p0 [hbm4b:s24+s12], $0x80, $0x38;
	[tilespmem:$0x18300] =	vst v63  }
0x240: {  	s11 =	sadd.s32 @p0 $0x380, s11;
	s10 =	sadd.s32 @p0 $0x9F00, s10;
	s24 =	sand.u32 @p1 $0x70, s21  }
0x241: {  	[tilespmem:s10], [sflag:$0x2] =	stream.linear.gather @p0 [hbm4b:s11+s12], $0x80, $0x38;
	[tilespmem:$0x18300] =	vst v63  }
0x242: {  	s10 =	sand.u32 @p1 $0x2000, s29;
	s11 =	sand.u32 @p1 $0x380, s30;
	s12 =	sadd.s32 @p1 s30, s19  }
0x243: {  	s10 =	sor.u32 @p1 s11, s10;
	s11 =	sand.u32 @p1 $0xFFFFC00, s12;
	s12 =	sadd.s32 @p1 s8, s24  }
0x244: {  	s24 =	sadd.s32 @p1 $0x8300, s10;
	s11 =	sadd.s32 @p1 s11, s12;
	s12 =	simm.s32 @p1 $0x0  }
0x245: {  	[tilespmem:s24], [sflag:$0x2] =	stream.linear.gather @p1 [hbm4b:s11+s12], $0x80, $0x38;
	[tilespmem:$0x18300] =	vst v63  }
0x246: {  	s25 =	sadd.s32 @p1 $0x8700, s10;
	s24 =	sadd.s32 @p1 $0x80, s11  }
0x247: {  	[tilespmem:s25], [sflag:$0x2] =	stream.linear.gather @p1 [hbm4b:s24+s12], $0x80, $0x38;
	[tilespmem:$0x18300] =	vst v63  }
0x248: {  	s24 =	sadd.s32 @p1 $0x100, s11;
	s25 =	sadd.s32 @p1 $0x8B00, s10  }
0x249: {  	[tilespmem:s25], [sflag:$0x2] =	stream.linear.gather @p1 [hbm4b:s24+s12], $0x80, $0x38;
	[tilespmem:$0x18300] =	vst v63  }
0x24a: {  	s24 =	sadd.s32 @p1 $0x180, s11;
	s25 =	sadd.s32 @p1 $0x8F00, s10  }
0x24b: {  	[tilespmem:s25], [sflag:$0x2] =	stream.linear.gather @p1 [hbm4b:s24+s12], $0x80, $0x38;
	[tilespmem:$0x18300] =	vst v63  }
0x24c: {  	s24 =	sadd.s32 @p1 $0x200, s11;
	s25 =	sadd.s32 @p1 $0x9300, s10  }
0x24d: {  	[tilespmem:s25], [sflag:$0x2] =	stream.linear.gather @p1 [hbm4b:s24+s12], $0x80, $0x38;
	[tilespmem:$0x18300] =	vst v63  }
0x24e: {  	s24 =	sadd.s32 @p1 $0x280, s11;
	s25 =	sadd.s32 @p1 $0x9700, s10  }
0x24f: {  	[tilespmem:s25], [sflag:$0x2] =	stream.linear.gather @p1 [hbm4b:s24+s12], $0x80, $0x38;
	[tilespmem:$0x18300] =	vst v63  }
0x250: {  	s24 =	sadd.s32 @p1 $0x300, s11;
	s25 =	sadd.s32 @p1 $0x9B00, s10  }
0x251: {  	[tilespmem:s25], [sflag:$0x2] =	stream.linear.gather @p1 [hbm4b:s24+s12], $0x80, $0x38;
	[tilespmem:$0x18300] =	vst v63  }
0x252: {  	s11 =	sadd.s32 @p1 $0x380, s11;
	s10 =	sadd.s32 @p1 $0x9F00, s10  }
0x253: {  	[tilespmem:s10], [sflag:$0x2] =	stream.linear.gather @p1 [hbm4b:s11+s12], $0x80, $0x38;
	[tilespmem:$0x18300] =	vst v63  }
.LBB2_35:
0x254: {  	p0 =	slt.f32 s31, $4.000000000e+00  }
.Ltmp25:
0x255: {  	_ = 	snop;
	(pc) =	sbr.rel @!p0 .LBB2_40-.Ltmp25, $1  }
0x256: {  	_ =	sdelay $0x3  }
0x257: {  	p0 =	slt.f32 s31, $2.000000000e+00  }
.Ltmp26:
0x258: {  	_ = 	snop;
	(pc) =	sbr.rel @!p0 .LBB2_38-.Ltmp26, $1  }
0x259: {  	_ =	sdelay $0x3  }
0x25a: {  	p0 =	slt.f32 s31, $1.000000000e+00;
	_ =	sdelay $0x1  }
0x25b: {  	s10 =	sand.u32 @p0 $0x2000, s29  }
0x25c: {  	s11 =	sand.u32 @p0 $0x380, s30;
	s12 =	sadd.s32 @p0 s30, s19;
	s24 =	sand.u32 @p0 $0x70, s21  }
0x25d: {  	s10 =	sor.u32 @p0 s11, s10;
	s11 =	sand.u32 @p0 $0xFFFFC00, s12;
	s12 =	sadd.s32 @p0 s0, s24  }
0x25e: {  	s24 =	sadd.s32 @p0 $0xC300, s10;
	s11 =	sadd.s32 @p0 s11, s12;
	s12 =	simm.s32 @p0 $0x0  }
0x25f: {  	[tilespmem:s24], [sflag:$0x2] =	stream.linear.gather @p0 [hbm4b:s11+s12], $0x80, $0x38;
	[tilespmem:$0x18300] =	vst v63  }
0x260: {  	s25 =	sadd.s32 @p0 $0xC700, s10;
	s24 =	sadd.s32 @p0 $0x80, s11  }
0x261: {  	[tilespmem:s25], [sflag:$0x2] =	stream.linear.gather @p0 [hbm4b:s24+s12], $0x80, $0x38;
	[tilespmem:$0x18300] =	vst v63  }
0x262: {  	s24 =	sadd.s32 @p0 $0x100, s11;
	s25 =	sadd.s32 @p0 $0xCB00, s10  }
0x263: {  	[tilespmem:s25], [sflag:$0x2] =	stream.linear.gather @p0 [hbm4b:s24+s12], $0x80, $0x38;
	[tilespmem:$0x18300] =	vst v63  }
0x264: {  	s24 =	sadd.s32 @p0 $0x180, s11;
	s25 =	sadd.s32 @p0 $0xCF00, s10  }
0x265: {  	[tilespmem:s25], [sflag:$0x2] =	stream.linear.gather @p0 [hbm4b:s24+s12], $0x80, $0x38;
	[tilespmem:$0x18300] =	vst v63  }
0x266: {  	s24 =	sadd.s32 @p0 $0x200, s11;
	s25 =	sadd.s32 @p0 $0xD300, s10  }
0x267: {  	[tilespmem:s25], [sflag:$0x2] =	stream.linear.gather @p0 [hbm4b:s24+s12], $0x80, $0x38;
	[tilespmem:$0x18300] =	vst v63  }
0x268: {  	s24 =	sadd.s32 @p0 $0x280, s11;
	s25 =	sadd.s32 @p0 $0xD700, s10  }
0x269: {  	[tilespmem:s25], [sflag:$0x2] =	stream.linear.gather @p0 [hbm4b:s24+s12], $0x80, $0x38;
	[tilespmem:$0x18300] =	vst v63  }
0x26a: {  	p1 =	sge.f32 s31, $1.000000000e+00;
	s24 =	sadd.s32 @p0 $0x300, s11;
	s25 =	sadd.s32 @p0 $0xDB00, s10  }
0x26b: {  	[tilespmem:s25], [sflag:$0x2] =	stream.linear.gather @p0 [hbm4b:s24+s12], $0x80, $0x38;
	[tilespmem:$0x18300] =	vst v63  }
0x26c: {  	s11 =	sadd.s32 @p0 $0x380, s11;
	s10 =	sadd.s32 @p0 $0xDF00, s10;
	s24 =	sand.u32 @p1 $0x70, s21  }
0x26d: {  	[tilespmem:s10], [sflag:$0x2] =	stream.linear.gather @p0 [hbm4b:s11+s12], $0x80, $0x38;
	[tilespmem:$0x18300] =	vst v63  }
0x26e: {  	s10 =	sand.u32 @p1 $0x2000, s29;
	s11 =	sand.u32 @p1 $0x380, s30;
	s12 =	sadd.s32 @p1 s30, s19  }
0x26f: {  	s10 =	sor.u32 @p1 s11, s10;
	s11 =	sand.u32 @p1 $0xFFFFC00, s12;
	s12 =	sadd.s32 @p1 s1, s24  }
0x270: {  	s24 =	sadd.s32 @p1 $0xC300, s10;
	s11 =	sadd.s32 @p1 s11, s12;
	s12 =	simm.s32 @p1 $0x0  }
0x271: {  	[tilespmem:s24], [sflag:$0x2] =	stream.linear.gather @p1 [hbm4b:s11+s12], $0x80, $0x38;
	[tilespmem:$0x18300] =	vst v63  }
0x272: {  	s25 =	sadd.s32 @p1 $0xC700, s10;
	s24 =	sadd.s32 @p1 $0x80, s11  }
0x273: {  	[tilespmem:s25], [sflag:$0x2] =	stream.linear.gather @p1 [hbm4b:s24+s12], $0x80, $0x38;
	[tilespmem:$0x18300] =	vst v63  }
0x274: {  	s24 =	sadd.s32 @p1 $0x100, s11;
	s25 =	sadd.s32 @p1 $0xCB00, s10  }
0x275: {  	[tilespmem:s25], [sflag:$0x2] =	stream.linear.gather @p1 [hbm4b:s24+s12], $0x80, $0x38;
	[tilespmem:$0x18300] =	vst v63  }
0x276: {  	s24 =	sadd.s32 @p1 $0x180, s11;
	s25 =	sadd.s32 @p1 $0xCF00, s10  }
0x277: {  	[tilespmem:s25], [sflag:$0x2] =	stream.linear.gather @p1 [hbm4b:s24+s12], $0x80, $0x38;
	[tilespmem:$0x18300] =	vst v63  }
0x278: {  	s24 =	sadd.s32 @p1 $0x200, s11;
	s25 =	sadd.s32 @p1 $0xD300, s10  }
0x279: {  	[tilespmem:s25], [sflag:$0x2] =	stream.linear.gather @p1 [hbm4b:s24+s12], $0x80, $0x38;
	[tilespmem:$0x18300] =	vst v63  }
0x27a: {  	s24 =	sadd.s32 @p1 $0x280, s11;
	s25 =	sadd.s32 @p1 $0xD700, s10  }
0x27b: {  	[tilespmem:s25], [sflag:$0x2] =	stream.linear.gather @p1 [hbm4b:s24+s12], $0x80, $0x38;
	[tilespmem:$0x18300] =	vst v63  }
0x27c: {  	s24 =	sadd.s32 @p1 $0x300, s11;
	s25 =	sadd.s32 @p1 $0xDB00, s10  }
0x27d: {  	[tilespmem:s25], [sflag:$0x2] =	stream.linear.gather @p1 [hbm4b:s24+s12], $0x80, $0x38;
	[tilespmem:$0x18300] =	vst v63  }
0x27e: {  	s11 =	sadd.s32 @p1 $0x380, s11;
	s10 =	sadd.s32 @p1 $0xDF00, s10  }
0x27f: {  	[tilespmem:s10], [sflag:$0x2] =	stream.linear.gather @p1 [hbm4b:s11+s12], $0x80, $0x38;
	[tilespmem:$0x18300] =	vst v63  }
.LBB2_38:
0x280: {  	p0 =	sge.f32 s31, $2.000000000e+00  }
.Ltmp27:
0x281: {  	_ = 	snop;
	(pc) =	sbr.rel @!p0 .LBB2_40-.Ltmp27, $1  }
0x282: {  	_ =	sdelay $0x3  }
0x283: {  	p0 =	slt.f32 s31, $3.000000000e+00;
	_ =	sdelay $0x1  }
0x284: {  	s10 =	sand.u32 @p0 $0x2000, s29  }
0x285: {  	s11 =	sand.u32 @p0 $0x380, s30;
	s12 =	sadd.s32 @p0 s30, s19;
	s24 =	sand.u32 @p0 $0x70, s21  }
0x286: {  	s10 =	sor.u32 @p0 s11, s10;
	s11 =	sand.u32 @p0 $0xFFFFC00, s12;
	s12 =	sadd.s32 @p0 s2, s24  }
0x287: {  	s24 =	sadd.s32 @p0 $0xC300, s10;
	s11 =	sadd.s32 @p0 s11, s12;
	s12 =	simm.s32 @p0 $0x0  }
0x288: {  	[tilespmem:s24], [sflag:$0x2] =	stream.linear.gather @p0 [hbm4b:s11+s12], $0x80, $0x38;
	[tilespmem:$0x18300] =	vst v63  }
0x289: {  	s25 =	sadd.s32 @p0 $0xC700, s10;
	s24 =	sadd.s32 @p0 $0x80, s11  }
0x28a: {  	[tilespmem:s25], [sflag:$0x2] =	stream.linear.gather @p0 [hbm4b:s24+s12], $0x80, $0x38;
	[tilespmem:$0x18300] =	vst v63  }
0x28b: {  	s24 =	sadd.s32 @p0 $0x100, s11;
	s25 =	sadd.s32 @p0 $0xCB00, s10  }
0x28c: {  	[tilespmem:s25], [sflag:$0x2] =	stream.linear.gather @p0 [hbm4b:s24+s12], $0x80, $0x38;
	[tilespmem:$0x18300] =	vst v63  }
0x28d: {  	s24 =	sadd.s32 @p0 $0x180, s11;
	s25 =	sadd.s32 @p0 $0xCF00, s10  }
0x28e: {  	[tilespmem:s25], [sflag:$0x2] =	stream.linear.gather @p0 [hbm4b:s24+s12], $0x80, $0x38;
	[tilespmem:$0x18300] =	vst v63  }
0x28f: {  	s24 =	sadd.s32 @p0 $0x200, s11;
	s25 =	sadd.s32 @p0 $0xD300, s10  }
0x290: {  	[tilespmem:s25], [sflag:$0x2] =	stream.linear.gather @p0 [hbm4b:s24+s12], $0x80, $0x38;
	[tilespmem:$0x18300] =	vst v63  }
0x291: {  	s24 =	sadd.s32 @p0 $0x280, s11;
	s25 =	sadd.s32 @p0 $0xD700, s10  }
0x292: {  	[tilespmem:s25], [sflag:$0x2] =	stream.linear.gather @p0 [hbm4b:s24+s12], $0x80, $0x38;
	[tilespmem:$0x18300] =	vst v63  }
0x293: {  	p1 =	sge.f32 s31, $3.000000000e+00;
	s24 =	sadd.s32 @p0 $0x300, s11;
	s25 =	sadd.s32 @p0 $0xDB00, s10  }
0x294: {  	[tilespmem:s25], [sflag:$0x2] =	stream.linear.gather @p0 [hbm4b:s24+s12], $0x80, $0x38;
	[tilespmem:$0x18300] =	vst v63  }
0x295: {  	s11 =	sadd.s32 @p0 $0x380, s11;
	s10 =	sadd.s32 @p0 $0xDF00, s10;
	s24 =	sand.u32 @p1 $0x70, s21  }
0x296: {  	[tilespmem:s10], [sflag:$0x2] =	stream.linear.gather @p0 [hbm4b:s11+s12], $0x80, $0x38;
	[tilespmem:$0x18300] =	vst v63  }
0x297: {  	s10 =	sand.u32 @p1 $0x2000, s29;
	s11 =	sand.u32 @p1 $0x380, s30;
	s12 =	sadd.s32 @p1 s30, s19  }
0x298: {  	s10 =	sor.u32 @p1 s11, s10;
	s11 =	sand.u32 @p1 $0xFFFFC00, s12;
	s12 =	sadd.s32 @p1 s3, s24  }
0x299: {  	s24 =	sadd.s32 @p1 $0xC300, s10;
	s11 =	sadd.s32 @p1 s11, s12;
	s12 =	simm.s32 @p1 $0x0  }
0x29a: {  	[tilespmem:s24], [sflag:$0x2] =	stream.linear.gather @p1 [hbm4b:s11+s12], $0x80, $0x38;
	[tilespmem:$0x18300] =	vst v63  }
0x29b: {  	s25 =	sadd.s32 @p1 $0xC700, s10;
	s24 =	sadd.s32 @p1 $0x80, s11  }
0x29c: {  	[tilespmem:s25], [sflag:$0x2] =	stream.linear.gather @p1 [hbm4b:s24+s12], $0x80, $0x38;
	[tilespmem:$0x18300] =	vst v63  }
0x29d: {  	s24 =	sadd.s32 @p1 $0x100, s11;
	s25 =	sadd.s32 @p1 $0xCB00, s10  }
0x29e: {  	[tilespmem:s25], [sflag:$0x2] =	stream.linear.gather @p1 [hbm4b:s24+s12], $0x80, $0x38;
	[tilespmem:$0x18300] =	vst v63  }
0x29f: {  	s24 =	sadd.s32 @p1 $0x180, s11;
	s25 =	sadd.s32 @p1 $0xCF00, s10  }
0x2a0: {  	[tilespmem:s25], [sflag:$0x2] =	stream.linear.gather @p1 [hbm4b:s24+s12], $0x80, $0x38;
	[tilespmem:$0x18300] =	vst v63  }
0x2a1: {  	s24 =	sadd.s32 @p1 $0x200, s11;
	s25 =	sadd.s32 @p1 $0xD300, s10  }
0x2a2: {  	[tilespmem:s25], [sflag:$0x2] =	stream.linear.gather @p1 [hbm4b:s24+s12], $0x80, $0x38;
	[tilespmem:$0x18300] =	vst v63  }
0x2a3: {  	s24 =	sadd.s32 @p1 $0x280, s11;
	s25 =	sadd.s32 @p1 $0xD700, s10  }
0x2a4: {  	[tilespmem:s25], [sflag:$0x2] =	stream.linear.gather @p1 [hbm4b:s24+s12], $0x80, $0x38;
	[tilespmem:$0x18300] =	vst v63  }
0x2a5: {  	s24 =	sadd.s32 @p1 $0x300, s11;
	s25 =	sadd.s32 @p1 $0xDB00, s10  }
0x2a6: {  	[tilespmem:s25], [sflag:$0x2] =	stream.linear.gather @p1 [hbm4b:s24+s12], $0x80, $0x38;
	[tilespmem:$0x18300] =	vst v63  }
0x2a7: {  	s11 =	sadd.s32 @p1 $0x380, s11;
	s10 =	sadd.s32 @p1 $0xDF00, s10  }
0x2a8: {  	[tilespmem:s10], [sflag:$0x2] =	stream.linear.gather @p1 [hbm4b:s11+s12], $0x80, $0x38;
	[tilespmem:$0x18300] =	vst v63  }
.LBB2_40:
0x2a9: {  	p0 =	sge.f32 s31, $4.000000000e+00  }
.Ltmp28:
0x2aa: {  	_ = 	snop;
	(pc) =	sbr.rel @!p0 .LBB2_45-.Ltmp28, $1  }
0x2ab: {  	_ =	sdelay $0x3  }
0x2ac: {  	p0 =	slt.f32 s31, $6.000000000e+00  }
.Ltmp29:
0x2ad: {  	_ = 	snop;
	(pc) =	sbr.rel @!p0 .LBB2_43-.Ltmp29, $1  }
0x2ae: {  	_ =	sdelay $0x3  }
0x2af: {  	p0 =	slt.f32 s31, $5.000000000e+00;
	_ =	sdelay $0x1  }
0x2b0: {  	s10 =	sand.u32 @p0 $0x2000, s29  }
0x2b1: {  	s11 =	sand.u32 @p0 $0x380, s30;
	s12 =	sadd.s32 @p0 s30, s19;
	s24 =	sand.u32 @p0 $0x70, s21  }
0x2b2: {  	s10 =	sor.u32 @p0 s11, s10;
	s11 =	sand.u32 @p0 $0xFFFFC00, s12;
	s12 =	sadd.s32 @p0 s4, s24  }
0x2b3: {  	s24 =	sadd.s32 @p0 $0xC300, s10;
	s11 =	sadd.s32 @p0 s11, s12;
	s12 =	simm.s32 @p0 $0x0  }
0x2b4: {  	[tilespmem:s24], [sflag:$0x2] =	stream.linear.gather @p0 [hbm4b:s11+s12], $0x80, $0x38;
	[tilespmem:$0x18300] =	vst v63  }
0x2b5: {  	s25 =	sadd.s32 @p0 $0xC700, s10;
	s24 =	sadd.s32 @p0 $0x80, s11  }
0x2b6: {  	[tilespmem:s25], [sflag:$0x2] =	stream.linear.gather @p0 [hbm4b:s24+s12], $0x80, $0x38;
	[tilespmem:$0x18300] =	vst v63  }
0x2b7: {  	s24 =	sadd.s32 @p0 $0x100, s11;
	s25 =	sadd.s32 @p0 $0xCB00, s10  }
0x2b8: {  	[tilespmem:s25], [sflag:$0x2] =	stream.linear.gather @p0 [hbm4b:s24+s12], $0x80, $0x38;
	[tilespmem:$0x18300] =	vst v63  }
0x2b9: {  	s24 =	sadd.s32 @p0 $0x180, s11;
	s25 =	sadd.s32 @p0 $0xCF00, s10  }
0x2ba: {  	[tilespmem:s25], [sflag:$0x2] =	stream.linear.gather @p0 [hbm4b:s24+s12], $0x80, $0x38;
	[tilespmem:$0x18300] =	vst v63  }
0x2bb: {  	s24 =	sadd.s32 @p0 $0x200, s11;
	s25 =	sadd.s32 @p0 $0xD300, s10  }
0x2bc: {  	[tilespmem:s25], [sflag:$0x2] =	stream.linear.gather @p0 [hbm4b:s24+s12], $0x80, $0x38;
	[tilespmem:$0x18300] =	vst v63  }
0x2bd: {  	s24 =	sadd.s32 @p0 $0x280, s11;
	s25 =	sadd.s32 @p0 $0xD700, s10  }
0x2be: {  	[tilespmem:s25], [sflag:$0x2] =	stream.linear.gather @p0 [hbm4b:s24+s12], $0x80, $0x38;
	[tilespmem:$0x18300] =	vst v63  }
0x2bf: {  	p1 =	sge.f32 s31, $5.000000000e+00;
	s24 =	sadd.s32 @p0 $0x300, s11;
	s25 =	sadd.s32 @p0 $0xDB00, s10  }
0x2c0: {  	[tilespmem:s25], [sflag:$0x2] =	stream.linear.gather @p0 [hbm4b:s24+s12], $0x80, $0x38;
	[tilespmem:$0x18300] =	vst v63  }
0x2c1: {  	s11 =	sadd.s32 @p0 $0x380, s11;
	s10 =	sadd.s32 @p0 $0xDF00, s10;
	s24 =	sand.u32 @p1 $0x70, s21  }
0x2c2: {  	[tilespmem:s10], [sflag:$0x2] =	stream.linear.gather @p0 [hbm4b:s11+s12], $0x80, $0x38;
	[tilespmem:$0x18300] =	vst v63  }
0x2c3: {  	s10 =	sand.u32 @p1 $0x2000, s29;
	s11 =	sand.u32 @p1 $0x380, s30;
	s12 =	sadd.s32 @p1 s30, s19  }
0x2c4: {  	s10 =	sor.u32 @p1 s11, s10;
	s11 =	sand.u32 @p1 $0xFFFFC00, s12;
	s12 =	sadd.s32 @p1 s5, s24  }
0x2c5: {  	s24 =	sadd.s32 @p1 $0xC300, s10;
	s11 =	sadd.s32 @p1 s11, s12;
	s12 =	simm.s32 @p1 $0x0  }
0x2c6: {  	[tilespmem:s24], [sflag:$0x2] =	stream.linear.gather @p1 [hbm4b:s11+s12], $0x80, $0x38;
	[tilespmem:$0x18300] =	vst v63  }
0x2c7: {  	s25 =	sadd.s32 @p1 $0xC700, s10;
	s24 =	sadd.s32 @p1 $0x80, s11  }
0x2c8: {  	[tilespmem:s25], [sflag:$0x2] =	stream.linear.gather @p1 [hbm4b:s24+s12], $0x80, $0x38;
	[tilespmem:$0x18300] =	vst v63  }
0x2c9: {  	s24 =	sadd.s32 @p1 $0x100, s11;
	s25 =	sadd.s32 @p1 $0xCB00, s10  }
0x2ca: {  	[tilespmem:s25], [sflag:$0x2] =	stream.linear.gather @p1 [hbm4b:s24+s12], $0x80, $0x38;
	[tilespmem:$0x18300] =	vst v63  }
0x2cb: {  	s24 =	sadd.s32 @p1 $0x180, s11;
	s25 =	sadd.s32 @p1 $0xCF00, s10  }
0x2cc: {  	[tilespmem:s25], [sflag:$0x2] =	stream.linear.gather @p1 [hbm4b:s24+s12], $0x80, $0x38;
	[tilespmem:$0x18300] =	vst v63  }
0x2cd: {  	s24 =	sadd.s32 @p1 $0x200, s11;
	s25 =	sadd.s32 @p1 $0xD300, s10  }
0x2ce: {  	[tilespmem:s25], [sflag:$0x2] =	stream.linear.gather @p1 [hbm4b:s24+s12], $0x80, $0x38;
	[tilespmem:$0x18300] =	vst v63  }
0x2cf: {  	s24 =	sadd.s32 @p1 $0x280, s11;
	s25 =	sadd.s32 @p1 $0xD700, s10  }
0x2d0: {  	[tilespmem:s25], [sflag:$0x2] =	stream.linear.gather @p1 [hbm4b:s24+s12], $0x80, $0x38;
	[tilespmem:$0x18300] =	vst v63  }
0x2d1: {  	s24 =	sadd.s32 @p1 $0x300, s11;
	s25 =	sadd.s32 @p1 $0xDB00, s10  }
0x2d2: {  	[tilespmem:s25], [sflag:$0x2] =	stream.linear.gather @p1 [hbm4b:s24+s12], $0x80, $0x38;
	[tilespmem:$0x18300] =	vst v63  }
0x2d3: {  	s11 =	sadd.s32 @p1 $0x380, s11;
	s10 =	sadd.s32 @p1 $0xDF00, s10  }
0x2d4: {  	[tilespmem:s10], [sflag:$0x2] =	stream.linear.gather @p1 [hbm4b:s11+s12], $0x80, $0x38;
	[tilespmem:$0x18300] =	vst v63  }
.LBB2_43:
0x2d5: {  	p0 =	sge.f32 s31, $6.000000000e+00  }
.Ltmp30:
0x2d6: {  	_ = 	snop;
	(pc) =	sbr.rel @!p0 .LBB2_45-.Ltmp30, $1  }
0x2d7: {  	_ =	sdelay $0x3  }
0x2d8: {  	p0 =	slt.f32 s31, $7.000000000e+00;
	_ =	sdelay $0x1  }
0x2d9: {  	s10 =	sand.u32 @p0 $0x2000, s29  }
0x2da: {  	s11 =	sand.u32 @p0 $0x380, s30;
	s12 =	sadd.s32 @p0 s30, s19;
	s24 =	sand.u32 @p0 $0x70, s21  }
0x2db: {  	s10 =	sor.u32 @p0 s11, s10;
	s11 =	sand.u32 @p0 $0xFFFFC00, s12;
	s12 =	sadd.s32 @p0 s7, s24  }
0x2dc: {  	s24 =	sadd.s32 @p0 $0xC300, s10;
	s11 =	sadd.s32 @p0 s11, s12;
	s12 =	simm.s32 @p0 $0x0  }
0x2dd: {  	[tilespmem:s24], [sflag:$0x2] =	stream.linear.gather @p0 [hbm4b:s11+s12], $0x80, $0x38;
	[tilespmem:$0x18300] =	vst v63  }
0x2de: {  	s25 =	sadd.s32 @p0 $0xC700, s10;
	s24 =	sadd.s32 @p0 $0x80, s11  }
0x2df: {  	[tilespmem:s25], [sflag:$0x2] =	stream.linear.gather @p0 [hbm4b:s24+s12], $0x80, $0x38;
	[tilespmem:$0x18300] =	vst v63  }
0x2e0: {  	s24 =	sadd.s32 @p0 $0x100, s11;
	s25 =	sadd.s32 @p0 $0xCB00, s10  }
0x2e1: {  	[tilespmem:s25], [sflag:$0x2] =	stream.linear.gather @p0 [hbm4b:s24+s12], $0x80, $0x38;
	[tilespmem:$0x18300] =	vst v63  }
0x2e2: {  	s24 =	sadd.s32 @p0 $0x180, s11;
	s25 =	sadd.s32 @p0 $0xCF00, s10  }
0x2e3: {  	[tilespmem:s25], [sflag:$0x2] =	stream.linear.gather @p0 [hbm4b:s24+s12], $0x80, $0x38;
	[tilespmem:$0x18300] =	vst v63  }
0x2e4: {  	s24 =	sadd.s32 @p0 $0x200, s11;
	s25 =	sadd.s32 @p0 $0xD300, s10  }
0x2e5: {  	[tilespmem:s25], [sflag:$0x2] =	stream.linear.gather @p0 [hbm4b:s24+s12], $0x80, $0x38;
	[tilespmem:$0x18300] =	vst v63  }
0x2e6: {  	s24 =	sadd.s32 @p0 $0x280, s11;
	s25 =	sadd.s32 @p0 $0xD700, s10  }
0x2e7: {  	[tilespmem:s25], [sflag:$0x2] =	stream.linear.gather @p0 [hbm4b:s24+s12], $0x80, $0x38;
	[tilespmem:$0x18300] =	vst v63  }
0x2e8: {  	p1 =	sge.f32 s31, $7.000000000e+00;
	s24 =	sadd.s32 @p0 $0x300, s11;
	s25 =	sadd.s32 @p0 $0xDB00, s10  }
0x2e9: {  	[tilespmem:s25], [sflag:$0x2] =	stream.linear.gather @p0 [hbm4b:s24+s12], $0x80, $0x38;
	[tilespmem:$0x18300] =	vst v63  }
0x2ea: {  	s11 =	sadd.s32 @p0 $0x380, s11;
	s10 =	sadd.s32 @p0 $0xDF00, s10;
	s24 =	sand.u32 @p1 $0x70, s21  }
0x2eb: {  	[tilespmem:s10], [sflag:$0x2] =	stream.linear.gather @p0 [hbm4b:s11+s12], $0x80, $0x38;
	[tilespmem:$0x18300] =	vst v63  }
0x2ec: {  	s10 =	sand.u32 @p1 $0x2000, s29;
	s11 =	sand.u32 @p1 $0x380, s30;
	s12 =	sadd.s32 @p1 s30, s19  }
0x2ed: {  	s10 =	sor.u32 @p1 s11, s10;
	s11 =	sand.u32 @p1 $0xFFFFC00, s12;
	s12 =	sadd.s32 @p1 s8, s24  }
0x2ee: {  	s24 =	sadd.s32 @p1 $0xC300, s10;
	s11 =	sadd.s32 @p1 s11, s12;
	s12 =	simm.s32 @p1 $0x0  }
0x2ef: {  	[tilespmem:s24], [sflag:$0x2] =	stream.linear.gather @p1 [hbm4b:s11+s12], $0x80, $0x38;
	[tilespmem:$0x18300] =	vst v63  }
0x2f0: {  	s25 =	sadd.s32 @p1 $0xC700, s10;
	s24 =	sadd.s32 @p1 $0x80, s11  }
0x2f1: {  	[tilespmem:s25], [sflag:$0x2] =	stream.linear.gather @p1 [hbm4b:s24+s12], $0x80, $0x38;
	[tilespmem:$0x18300] =	vst v63  }
0x2f2: {  	s24 =	sadd.s32 @p1 $0x100, s11;
	s25 =	sadd.s32 @p1 $0xCB00, s10  }
0x2f3: {  	[tilespmem:s25], [sflag:$0x2] =	stream.linear.gather @p1 [hbm4b:s24+s12], $0x80, $0x38;
	[tilespmem:$0x18300] =	vst v63  }
0x2f4: {  	s24 =	sadd.s32 @p1 $0x180, s11;
	s25 =	sadd.s32 @p1 $0xCF00, s10  }
0x2f5: {  	[tilespmem:s25], [sflag:$0x2] =	stream.linear.gather @p1 [hbm4b:s24+s12], $0x80, $0x38;
	[tilespmem:$0x18300] =	vst v63  }
0x2f6: {  	s24 =	sadd.s32 @p1 $0x200, s11;
	s25 =	sadd.s32 @p1 $0xD300, s10  }
0x2f7: {  	[tilespmem:s25], [sflag:$0x2] =	stream.linear.gather @p1 [hbm4b:s24+s12], $0x80, $0x38;
	[tilespmem:$0x18300] =	vst v63  }
0x2f8: {  	s24 =	sadd.s32 @p1 $0x280, s11;
	s25 =	sadd.s32 @p1 $0xD700, s10  }
0x2f9: {  	[tilespmem:s25], [sflag:$0x2] =	stream.linear.gather @p1 [hbm4b:s24+s12], $0x80, $0x38;
	[tilespmem:$0x18300] =	vst v63  }
.Ltmp31:
0x2fa: {  	_ = 	snop;
	(pc) =	sbr.rel .LBB2_45-.Ltmp31, $4  }
0x2fb: {  	s24 =	sadd.s32 @p1 $0x300, s11;
	s25 =	sadd.s32 @p1 $0xDB00, s10  }
0x2fc: {  	[tilespmem:s25], [sflag:$0x2] =	stream.linear.gather @p1 [hbm4b:s24+s12], $0x80, $0x38;
	[tilespmem:$0x18300] =	vst v63  }
0x2fd: {  	s11 =	sadd.s32 @p1 $0x380, s11;
	s10 =	sadd.s32 @p1 $0xDF00, s10  }
0x2fe: {  	[tilespmem:s10], [sflag:$0x2] =	stream.linear.gather @p1 [hbm4b:s11+s12], $0x80, $0x38;
	[tilespmem:$0x18300] =	vst v63  }
.LBB2_46:
0x2ff: {  	s10 =	simm.s32 $0x1  }
0x300: {  	_ =	swait.ge [sflag:s10], $0x4000  }
0x301: {  	[sflag:s10] =	ssyncset.done $0x0  }
0x302: {  	[sflag:s10] =	ssyncadd.s32 $0xFFFFC000  }
0x303: {  	_ =	swait.ge [sflag:s10], $0x4000  }
0x304: {  	p0 =	seq.s32 s9, $0x0;
	[sflag:s10] =	ssyncset.done $0x0  }
0x305: {  	[sflag:s10] =	ssyncadd.s32 $0xFFFFC000;
	s10 =	simm.s32 @!p0 $0x3  }
0x306: {  	_ =	swait.ge @!p0 [sflag:s10], $0x4000  }
0x307: {  	[sflag:s10] =	ssyncset.done @!p0 $0x0  }
0x308: {  	s21 =	simm.s32 $0x0;
	[sflag:s10] =	ssyncadd.s32 @!p0 $0xFFFFC000  }
0x309: {  	s30 =	sand.u32 $0x70, s21;
	s11 =	sand.u32 $0x1C00, s21;
	v18 =	vld [tilespmem:s17+$0x200]  }
0x30a: {  	s13 =	sor.u32 s30, s11;
	v19 =	vld [tilespmem:s17+$0x280]  }
0x30b: {  	v14 =	vld [tilespmem:s13+$0x500]  }
0x30c: {  	v15 =	vld [tilespmem:s13+$0x4400]  }
0x30d: {  	v16 =	vld [tilespmem:s13+$0x4600]  }
0x30e: {  	v17 =	vld [tilespmem:s13+$0x4500]  }
0x30f: {  	v20 =	vld [tilespmem:s13+$0x380]  }
0x310: {  	v21 =	vld [tilespmem:s13+$0x600];
	v0 =	vbroadcast v18, $0x0;
	v1 =	vbroadcast v19, $0x0  }
0x311: {  	v22 =	vld [tilespmem:s13+$0x400];
	v2 =	vbroadcast v18, $0x1;
	v3 =	vbroadcast v19, $0x1  }
0x312: {  	v23 =	vld [tilespmem:s13+$0x4300];
	v4 =	vbroadcast v18, $0x2;
	v5 =	vbroadcast v19, $0x2  }
0x313: {  	v24 =	vld [tilespmem:s13+$0x4380];
	v6 =	vbroadcast v18, $0x3;
	v7 =	vbroadcast v19, $0x3  }
0x314: {  	v25 =	vld [tilespmem:s13+$0x480];
	v8 =	vbroadcast v18, $0x4;
	v9 =	vbroadcast v19, $0x4  }
0x315: {  	v26 =	vld [tilespmem:s13+$0x300];
	v10 =	vbroadcast v18, $0x6;
	v11 =	vbroadcast v19, $0x6  }
0x316: {  	v27 =	vld [tilespmem:s13+$0x4580];
	v12 =	vbroadcast v18, $0x5;
	v13 =	vbroadcast v19, $0x5  }
0x317: {  	v28 =	vld [tilespmem:s13+$0x580];
	v16 =	vmul.f32 v16, v11;
	v21 =	vmul.f32 v21, v10  }
0x318: {  	v29 =	vld [tilespmem:s13+$0x4480];
	v15 =	vmul.f32 v15, v5;
	v22 =	vmul.f32 v22, v4  }
0x319: {  	v17 =	vmul.f32 v17, v9;
	v14 =	vmul.f32 v14, v8;
	v16 =	vadd.f32 v16, v21  }
0x31a: {  	v20 =	vmul.f32 v20, v2;
	v21 =	vmul.f32 v24, v3;
	v15 =	vadd.f32 v15, v22  }
0x31b: {  	v22 =	vmul.f32 v23, v1;
	v23 =	vmul.f32 v26, v0;
	v14 =	vadd.f32 v17, v14;
	[tilespmem:s13+$0x10600] =	vst v16  }
0x31c: {  	v17 =	vmul.f32 v27, v13;
	v16 =	vadd.f32 v21, v20;
	[tilespmem:s13+$0x10400] =	vst v15;
	v15 =	vmul.f32 v28, v12  }
0x31d: {  	v20 =	vmul.f32 v25, v6;
	v21 =	vadd.f32 v22, v23;
	v22 =	vmul.f32 v29, v7;
	[tilespmem:s13+$0x10500] =	vst v14  }
0x31e: {  	[tilespmem:s13+$0x10380] =	vst v16;
	v14 =	vadd.f32 v17, v15  }
0x31f: {  	v15 =	vadd.f32 v22, v20;
	[tilespmem:s13+$0x10300] =	vst v21  }
0x320: {  	s25 =	sor.u32 s21, s21;
	[tilespmem:s13+$0x10580] =	vst v14  }
0x321: {  	s31 =	sor.u32 $0x380, s25;
	[tilespmem:s13+$0x10480] =	vst v15  }
0x322: {  	v14 =	vld [tilespmem:s31+$0x300]  }
0x323: {  	v15 =	vld [tilespmem:s31+$0x4300];
	_ =	sdelay $0x2  }
0x324: {  	v26 =	vbroadcast v18, $0x7;
	v29 =	vbroadcast v19, $0x7;
	_ =	sdelay $0x1  }
0x325: {  	v14 =	vmul.f32 v14, v26;
	v15 =	vmul.f32 v15, v29  }
0x326: {  	v30 =	vbroadcast v18, $0xE;
	v31 =	vbroadcast v19, $0xE  }
0x327: {  	v27 =	vbroadcast v18, $0x8;
	v24 =	vbroadcast v18, $0xD;
	v22 =	vadd.f32 v15, v14  }
0x328: {  	v28 =	vbroadcast v19, $0x8;
	v23 =	vbroadcast v19, $0xC  }
0x329: {  	v25 =	vbroadcast v19, $0xD;
	v17 =	vbroadcast v18, $0x9;
	[tilespmem:s31+$0x10300] =	vst v22  }
0x32a: {  	v16 =	vbroadcast v19, $0x9;
	v20 =	vbroadcast v18, $0xB;
	v34 =	vld [tilespmem:s13+$0x2300]  }
0x32b: {  	v21 =	vbroadcast v19, $0xB;
	v14 =	vbroadcast v18, $0xA;
	v35 =	vld [tilespmem:s13+$0x6300]  }
0x32c: {  	v15 =	vbroadcast v19, $0xA;
	v19 =	vbroadcast v19, $0xF;
	v32 =	vld [tilespmem:s13+$0x2580]  }
0x32d: {  	s23 =	simm.s32 $0x10;
	v22 =	vbroadcast v18, $0xC;
	v18 =	vbroadcast v18, $0xF;
	v33 =	vld [tilespmem:s13+$0x6500]  }
.LBB2_47:
0x32e: {  	p1 =	sne.s32 s23, $0x3F0  }
0x32f: {  	v36 =	vld [tilespmem:s13+$0x6600];
	s21 =	sadd.s32 $0x80, s21;
	s29 =	smov.u32 s23;
	s23 =	sadd.s32 $0x10, s23  }
0x330: {  	v37 =	vld [tilespmem:s13+$0x2600]  }
0x331: {  	v34 =	vmul.f32 v34, v27;
	v35 =	vmul.f32 v35, v28;
	v38 =	vld [tilespmem:s13+$0x6580]  }
0x332: {  	v39 =	vld [tilespmem:s13+$0x2500]  }
0x333: {  	v34 =	vadd.f32 v35, v34;
	v35 =	vld [tilespmem:s13+$0x6400]  }
0x334: {  	v40 =	vld [tilespmem:s13+$0x6480];
	v36 =	vmul.f32 v36, v31  }
0x335: {  	[tilespmem:s13+$0x12300] =	vst v34;
	v34 =	vld [tilespmem:s13+$0x2480];
	v37 =	vmul.f32 v37, v30  }
0x336: {  	v41 =	vld [tilespmem:s13+$0x2380]  }
0x337: {  	v42 =	vld [tilespmem:s13+$0x6380];
	v36 =	vadd.f32 v36, v37  }
0x338: {  	v33 =	vmul.f32 v33, v23;
	v39 =	vmul.f32 v39, v22;
	v37 =	vld [tilespmem:s13+$0x2400]  }
0x339: {  	v32 =	vmul.f32 v32, v24;
	v38 =	vmul.f32 v38, v25;
	[tilespmem:s13+$0x12600] =	vst v36  }
0x33a: {  	v36 =	vmul.f32 v40, v21;
	v33 =	vadd.f32 v33, v39;
	v34 =	vmul.f32 v34, v20  }
0x33b: {  	v32 =	vadd.f32 v38, v32;
	v39 =	vmul.f32 v41, v17  }
0x33c: {  	v38 =	vmul.f32 v42, v16;
	v34 =	vadd.f32 v36, v34;
	[tilespmem:s13+$0x12500] =	vst v33  }
0x33d: {  	v35 =	vmul.f32 v35, v15;
	v33 =	vmul.f32 v37, v14;
	[tilespmem:s13+$0x12580] =	vst v32  }
0x33e: {  	v32 =	vadd.f32 v38, v39;
	[tilespmem:s13+$0x12480] =	vst v34  }
0x33f: {  	v33 =	vadd.f32 v35, v33  }
0x340: {  	[tilespmem:s13+$0x12380] =	vst v32  }
0x341: {  	s10 =	sor.u32 $0x2380, s25;
	[tilespmem:s13+$0x12400] =	vst v33  }
0x342: {  	v32 =	vld [tilespmem:s10+$0x300]  }
0x343: {  	v33 =	vld [tilespmem:s10+$0x4300];
	_ =	sdelay $0x3  }
0x344: {  	v32 =	vmul.f32 v32, v18  }
0x345: {  	v33 =	vmul.f32 v33, v19;
	_ =	sdelay $0x1  }
0x346: {  	v32 =	vadd.f32 v33, v32  }
0x347: {  	s11 =	sand.u32 $0x70, s29;
	s12 =	sand.u32 $0x1C00, s21  }
0x348: {  	s13 =	sor.u32 s11, s12;
	[tilespmem:s10+$0x10300] =	vst v32  }
0x349: {  	v32 =	vld [tilespmem:s13+$0x500]  }
0x34a: {  	v33 =	vld [tilespmem:s13+$0x4400]  }
0x34b: {  	v34 =	vld [tilespmem:s13+$0x4600]  }
0x34c: {  	v35 =	vld [tilespmem:s13+$0x4500]  }
0x34d: {  	v36 =	vld [tilespmem:s13+$0x380]  }
0x34e: {  	v37 =	vld [tilespmem:s13+$0x600]  }
0x34f: {  	v38 =	vld [tilespmem:s13+$0x400]  }
0x350: {  	v39 =	vld [tilespmem:s13+$0x4300]  }
0x351: {  	v34 =	vmul.f32 v34, v11;
	v40 =	vld [tilespmem:s13+$0x4380]  }
0x352: {  	v33 =	vmul.f32 v33, v5;
	v41 =	vld [tilespmem:s13+$0x480]  }
0x353: {  	v36 =	vmul.f32 v36, v2;
	v42 =	vld [tilespmem:s13+$0x300];
	v37 =	vmul.f32 v37, v10  }
0x354: {  	v38 =	vmul.f32 v38, v4;
	v43 =	vld [tilespmem:s13+$0x4580]  }
0x355: {  	v35 =	vmul.f32 v35, v9;
	v39 =	vmul.f32 v39, v1;
	v44 =	vld [tilespmem:s13+$0x4480];
	v34 =	vadd.f32 v34, v37  }
0x356: {  	v32 =	vmul.f32 v32, v8;
	v37 =	vmul.f32 v40, v3;
	v33 =	vadd.f32 v33, v38;
	v38 =	vld [tilespmem:s13+$0x580]  }
0x357: {  	v40 =	vmul.f32 v41, v6  }
0x358: {  	v32 =	vadd.f32 v35, v32;
	v41 =	vmul.f32 v42, v0;
	v36 =	vadd.f32 v37, v36;
	_ =	sdelay $0x1  }
0x359: {  	v35 =	vadd.f32 v39, v41;
	v37 =	vmul.f32 v44, v7;
	[tilespmem:s13+$0x10600] =	vst v34  }
0x35a: {  	v34 =	vmul.f32 v43, v13;
	[tilespmem:s13+$0x10400] =	vst v33;
	v33 =	vmul.f32 v38, v12  }
0x35b: {  	v37 =	vadd.f32 v37, v40;
	[tilespmem:s13+$0x10500] =	vst v32  }
0x35c: {  	[tilespmem:s13+$0x10380] =	vst v36;
	v32 =	vadd.f32 v34, v33  }
0x35d: {  	[tilespmem:s13+$0x10300] =	vst v35  }
0x35e: {  	s25 =	sor.u32 s29, s21;
	[tilespmem:s13+$0x10580] =	vst v32  }
0x35f: {  	s10 =	sor.u32 $0x380, s25;
	[tilespmem:s13+$0x10480] =	vst v37  }
0x360: {  	v32 =	vld [tilespmem:s10+$0x300]  }
0x361: {  	v33 =	vld [tilespmem:s10+$0x4300];
	_ =	sdelay $0x4  }
0x362: {  	v32 =	vmul.f32 v32, v26;
	v33 =	vmul.f32 v33, v29;
	_ =	sdelay $0x1  }
0x363: {  	v32 =	vadd.f32 v33, v32;
	_ =	sdelay $0x1  }
.Ltmp32:
0x364: {  	[tilespmem:s10+$0x10300] =	vst v32;
	(pc) =	sbr.rel @p1 .LBB2_47-.Ltmp32, $4  }
0x365: {  	v34 =	vld [tilespmem:s13+$0x2300]  }
0x366: {  	v35 =	vld [tilespmem:s13+$0x6300]  }
0x367: {  	v32 =	vld [tilespmem:s13+$0x2580]  }
0x368: {  	v33 =	vld [tilespmem:s13+$0x6500]  }
0x369: {  	v0 =	vld [tilespmem:s13+$0x6600]  }
0x36a: {  	v1 =	vld [tilespmem:s13+$0x2600]  }
0x36b: {  	v4 =	vld [tilespmem:s13+$0x6580]  }
0x36c: {  	v5 =	vld [tilespmem:s13+$0x2500]  }
0x36d: {  	v57 =	vld [tilespmem:s13+$0x6400]  }
0x36e: {  	v6 =	vld [tilespmem:s13+$0x6480]  }
0x36f: {  	v58 =	vld [tilespmem:s13+$0x2480]  }
0x370: {  	v9 =	vld [tilespmem:s13+$0x2400]  }
0x371: {  	v7 =	vld [tilespmem:s13+$0x2380];
	v2 =	vmul.f32 v34, v27;
	v3 =	vmul.f32 v35, v28  }
0x372: {  	v8 =	vld [tilespmem:s13+$0x6380];
	v0 =	vmul.f32 v0, v31;
	v1 =	vmul.f32 v1, v30  }
0x373: {  	v2 =	vadd.f32 v3, v2;
	v10 =	vmul.f32 v33, v23;
	v5 =	vmul.f32 v5, v22  }
0x374: {  	v59 =	vmul.f32 v32, v24;
	v4 =	vmul.f32 v4, v25;
	v0 =	vadd.f32 v0, v1  }
0x375: {  	v62 =	vmul.f32 v9, v14;
	v3 =	vmul.f32 v57, v15;
	[tilespmem:s13+$0x12300] =	vst v2;
	v5 =	vadd.f32 v10, v5  }
0x376: {  	v6 =	vmul.f32 v6, v21;
	v2 =	vmul.f32 v58, v20;
	v1 =	vadd.f32 v4, v59;
	[tilespmem:s13+$0x12600] =	vst v0  }
0x377: {  	v60 =	vmul.f32 v7, v17;
	v61 =	vmul.f32 v8, v16;
	v63 =	vadd.f32 v3, v62;
	[tilespmem:s13+$0x12500] =	vst v5  }
0x378: {  	v2 =	vadd.f32 v6, v2;
	[tilespmem:s13+$0x12580] =	vst v1  }
0x379: {  	v0 =	vadd.f32 v61, v60;
	[tilespmem:s13+$0x12400] =	vst v63  }
0x37a: {  	[tilespmem:s13+$0x12480] =	vst v2  }
0x37b: {  	s10 =	sor.u32 $0x2380, s25;
	[tilespmem:s13+$0x12380] =	vst v0  }
0x37c: {  	v0 =	vld [tilespmem:s10+$0x300]  }
0x37d: {  	v1 =	vld [tilespmem:s10+$0x4300];
	_ =	sdelay $0x4  }
0x37e: {  	p1 =	seq.s32 s9, $0x3;
	v0 =	vmul.f32 v0, v18;
	v1 =	vmul.f32 v1, v19  }
.Ltmp33:
0x37f: {  	s11 =	rddreg [dreg:$0xb];
	(pc) =	sbr.rel @!p1 .LBB2_49-.Ltmp33, $4  }
0x380: {  	s31 =	simm.s32 $0x10300;
	s23 =	smov.u32 s14;
	s11 =	sadd.s32 s11, s17;
	v0 =	vadd.f32 v1, v0  }
0x381: {  	s29 =	simm.s32 $0x0;
	s30 =	simm.s32 $0x0;
	s11 =	sshll.u32 s11, $0x7  }
0x382: {  	s17 =	simm.s32 $0x0;
	s28 =	sadd.s32 s26, s11;
	s13 =	smov.u32 s15;
	[tilespmem:s10+$0x10300] =	vst v0  }
0x383: {  	[hbm4b:s28+s17] =	stream.linear.scatter [tilespmem:s31], [sflag:$0x3], $0x4000, $0x38;
	[tilespmem:$0x18300] =	vst v63  }
.LBB2_70:
0x384: {  	s10 =	simm.s32 $0x2  }
0x385: {  	_ =	swait.ge [sflag:s10], $0x4000  }
0x386: {  	[sflag:s10] =	ssyncset.done $0x0  }
0x387: {  	[sflag:s10] =	ssyncadd.s32 $0xFFFFC000  }
0x388: {  	_ =	swait.ge [sflag:s10], $0x4000  }
0x389: {  	[sflag:s10] =	ssyncset.done $0x0  }
0x38a: {  	[sflag:s10] =	ssyncadd.s32 $0xFFFFC000;
	s10 =	simm.s32 @!p0 $0x4  }
0x38b: {  	_ =	swait.ge @!p0 [sflag:s10], $0x4000  }
0x38c: {  	[sflag:s10] =	ssyncset.done @!p0 $0x0  }
0x38d: {  	s17 =	simm.s32 $0x0;
	[sflag:s10] =	ssyncadd.s32 @!p0 $0xFFFFC000  }
0x38e: {  	s30 =	sand.u32 $0x70, s17;
	s11 =	sand.u32 $0x1C00, s17;
	v18 =	vld [tilespmem:s16+$0x200]  }
0x38f: {  	s13 =	sor.u32 s30, s11;
	v19 =	vld [tilespmem:s16+$0x280]  }
0x390: {  	v14 =	vld [tilespmem:s13+$0x8500]  }
0x391: {  	v15 =	vld [tilespmem:s13+$0xC400]  }
0x392: {  	v16 =	vld [tilespmem:s13+$0xC600]  }
0x393: {  	v17 =	vld [tilespmem:s13+$0xC500]  }
0x394: {  	v20 =	vld [tilespmem:s13+$0x8380]  }
0x395: {  	v21 =	vld [tilespmem:s13+$0x8600];
	v0 =	vbroadcast v18, $0x0;
	v1 =	vbroadcast v19, $0x0  }
0x396: {  	v22 =	vld [tilespmem:s13+$0x8400];
	v2 =	vbroadcast v18, $0x1;
	v3 =	vbroadcast v19, $0x1  }
0x397: {  	v23 =	vld [tilespmem:s13+$0xC300];
	v4 =	vbroadcast v18, $0x2;
	v5 =	vbroadcast v19, $0x2  }
0x398: {  	v24 =	vld [tilespmem:s13+$0xC380];
	v6 =	vbroadcast v18, $0x3;
	v7 =	vbroadcast v19, $0x3  }
0x399: {  	v25 =	vld [tilespmem:s13+$0x8480];
	v8 =	vbroadcast v18, $0x4;
	v9 =	vbroadcast v19, $0x4  }
0x39a: {  	v26 =	vld [tilespmem:s13+$0x8300];
	v10 =	vbroadcast v18, $0x6;
	v11 =	vbroadcast v19, $0x6  }
0x39b: {  	v27 =	vld [tilespmem:s13+$0xC580];
	v12 =	vbroadcast v18, $0x5;
	v13 =	vbroadcast v19, $0x5  }
0x39c: {  	v28 =	vld [tilespmem:s13+$0x8580];
	v16 =	vmul.f32 v16, v11;
	v21 =	vmul.f32 v21, v10  }
0x39d: {  	v29 =	vld [tilespmem:s13+$0xC480];
	v15 =	vmul.f32 v15, v5;
	v22 =	vmul.f32 v22, v4  }
0x39e: {  	v17 =	vmul.f32 v17, v9;
	v14 =	vmul.f32 v14, v8;
	v16 =	vadd.f32 v16, v21  }
0x39f: {  	v20 =	vmul.f32 v20, v2;
	v21 =	vmul.f32 v24, v3;
	v15 =	vadd.f32 v15, v22  }
0x3a0: {  	v22 =	vmul.f32 v23, v1;
	v23 =	vmul.f32 v26, v0;
	v14 =	vadd.f32 v17, v14;
	[tilespmem:s13+$0x14600] =	vst v16  }
0x3a1: {  	v17 =	vmul.f32 v27, v13;
	v16 =	vadd.f32 v21, v20;
	[tilespmem:s13+$0x14400] =	vst v15;
	v15 =	vmul.f32 v28, v12  }
0x3a2: {  	v20 =	vmul.f32 v25, v6;
	v21 =	vadd.f32 v22, v23;
	v22 =	vmul.f32 v29, v7;
	[tilespmem:s13+$0x14500] =	vst v14  }
0x3a3: {  	[tilespmem:s13+$0x14380] =	vst v16;
	v14 =	vadd.f32 v17, v15  }
0x3a4: {  	v15 =	vadd.f32 v22, v20;
	[tilespmem:s13+$0x14300] =	vst v21  }
0x3a5: {  	s23 =	sor.u32 s17, s17;
	[tilespmem:s13+$0x14580] =	vst v14  }
0x3a6: {  	s31 =	sor.u32 $0x380, s23;
	[tilespmem:s13+$0x14480] =	vst v15  }
0x3a7: {  	v14 =	vld [tilespmem:s31+$0x8300]  }
0x3a8: {  	v15 =	vld [tilespmem:s31+$0xC300];
	_ =	sdelay $0x2  }
0x3a9: {  	v26 =	vbroadcast v18, $0x7;
	v29 =	vbroadcast v19, $0x7;
	_ =	sdelay $0x1  }
0x3aa: {  	v14 =	vmul.f32 v14, v26;
	v15 =	vmul.f32 v15, v29  }
0x3ab: {  	v30 =	vbroadcast v18, $0xE;
	v31 =	vbroadcast v19, $0xE  }
0x3ac: {  	v27 =	vbroadcast v18, $0x8;
	v24 =	vbroadcast v18, $0xD;
	v22 =	vadd.f32 v15, v14  }
0x3ad: {  	v28 =	vbroadcast v19, $0x8;
	v23 =	vbroadcast v19, $0xC  }
0x3ae: {  	v25 =	vbroadcast v19, $0xD;
	v17 =	vbroadcast v18, $0x9;
	[tilespmem:s31+$0x14300] =	vst v22  }
0x3af: {  	v16 =	vbroadcast v19, $0x9;
	v20 =	vbroadcast v18, $0xB;
	v34 =	vld [tilespmem:s13+$0xA300]  }
0x3b0: {  	v21 =	vbroadcast v19, $0xB;
	v14 =	vbroadcast v18, $0xA;
	v35 =	vld [tilespmem:s13+$0xE300]  }
0x3b1: {  	v15 =	vbroadcast v19, $0xA;
	v19 =	vbroadcast v19, $0xF;
	v32 =	vld [tilespmem:s13+$0xA580]  }
0x3b2: {  	s21 =	simm.s32 $0x10;
	v22 =	vbroadcast v18, $0xC;
	v18 =	vbroadcast v18, $0xF;
	v33 =	vld [tilespmem:s13+$0xE500]  }
.LBB2_71:
0x3b3: {  	p0 =	sne.s32 s21, $0x3F0  }
0x3b4: {  	v36 =	vld [tilespmem:s13+$0xE600];
	s17 =	sadd.s32 $0x80, s17;
	s25 =	smov.u32 s21;
	s21 =	sadd.s32 $0x10, s21  }
0x3b5: {  	v37 =	vld [tilespmem:s13+$0xA600]  }
0x3b6: {  	v34 =	vmul.f32 v34, v27;
	v35 =	vmul.f32 v35, v28;
	v38 =	vld [tilespmem:s13+$0xE580]  }
0x3b7: {  	v39 =	vld [tilespmem:s13+$0xA500]  }
0x3b8: {  	v34 =	vadd.f32 v35, v34;
	v35 =	vld [tilespmem:s13+$0xE400]  }
0x3b9: {  	v40 =	vld [tilespmem:s13+$0xE480];
	v36 =	vmul.f32 v36, v31  }
0x3ba: {  	[tilespmem:s13+$0x16300] =	vst v34;
	v34 =	vld [tilespmem:s13+$0xA480];
	v37 =	vmul.f32 v37, v30  }
0x3bb: {  	v41 =	vld [tilespmem:s13+$0xA380]  }
0x3bc: {  	v42 =	vld [tilespmem:s13+$0xE380];
	v36 =	vadd.f32 v36, v37  }
0x3bd: {  	v33 =	vmul.f32 v33, v23;
	v39 =	vmul.f32 v39, v22;
	v37 =	vld [tilespmem:s13+$0xA400]  }
0x3be: {  	v32 =	vmul.f32 v32, v24;
	v38 =	vmul.f32 v38, v25;
	[tilespmem:s13+$0x16600] =	vst v36  }
0x3bf: {  	v36 =	vmul.f32 v40, v21;
	v33 =	vadd.f32 v33, v39;
	v34 =	vmul.f32 v34, v20  }
0x3c0: {  	v32 =	vadd.f32 v38, v32;
	v39 =	vmul.f32 v41, v17  }
0x3c1: {  	v38 =	vmul.f32 v42, v16;
	v34 =	vadd.f32 v36, v34;
	[tilespmem:s13+$0x16500] =	vst v33  }
0x3c2: {  	v35 =	vmul.f32 v35, v15;
	v33 =	vmul.f32 v37, v14;
	[tilespmem:s13+$0x16580] =	vst v32  }
0x3c3: {  	v32 =	vadd.f32 v38, v39;
	[tilespmem:s13+$0x16480] =	vst v34  }
0x3c4: {  	v33 =	vadd.f32 v35, v33  }
0x3c5: {  	[tilespmem:s13+$0x16380] =	vst v32  }
0x3c6: {  	s10 =	sor.u32 $0x2380, s23;
	[tilespmem:s13+$0x16400] =	vst v33  }
0x3c7: {  	v32 =	vld [tilespmem:s10+$0x8300]  }
0x3c8: {  	v33 =	vld [tilespmem:s10+$0xC300];
	_ =	sdelay $0x3  }
0x3c9: {  	v32 =	vmul.f32 v32, v18  }
0x3ca: {  	v33 =	vmul.f32 v33, v19;
	_ =	sdelay $0x1  }
0x3cb: {  	v32 =	vadd.f32 v33, v32  }
0x3cc: {  	s11 =	sand.u32 $0x70, s25;
	s12 =	sand.u32 $0x1C00, s17  }
0x3cd: {  	s13 =	sor.u32 s11, s12;
	[tilespmem:s10+$0x14300] =	vst v32  }
0x3ce: {  	v32 =	vld [tilespmem:s13+$0x8500]  }
0x3cf: {  	v33 =	vld [tilespmem:s13+$0xC400]  }
0x3d0: {  	v34 =	vld [tilespmem:s13+$0xC600]  }
0x3d1: {  	v35 =	vld [tilespmem:s13+$0xC500]  }
0x3d2: {  	v36 =	vld [tilespmem:s13+$0x8380]  }
0x3d3: {  	v37 =	vld [tilespmem:s13+$0x8600]  }
0x3d4: {  	v38 =	vld [tilespmem:s13+$0x8400]  }
0x3d5: {  	v39 =	vld [tilespmem:s13+$0xC300]  }
0x3d6: {  	v34 =	vmul.f32 v34, v11;
	v40 =	vld [tilespmem:s13+$0xC380]  }
0x3d7: {  	v33 =	vmul.f32 v33, v5;
	v41 =	vld [tilespmem:s13+$0x8480]  }
0x3d8: {  	v36 =	vmul.f32 v36, v2;
	v42 =	vld [tilespmem:s13+$0x8300];
	v37 =	vmul.f32 v37, v10  }
0x3d9: {  	v38 =	vmul.f32 v38, v4;
	v43 =	vld [tilespmem:s13+$0xC580]  }
0x3da: {  	v35 =	vmul.f32 v35, v9;
	v39 =	vmul.f32 v39, v1;
	v44 =	vld [tilespmem:s13+$0xC480];
	v34 =	vadd.f32 v34, v37  }
0x3db: {  	v32 =	vmul.f32 v32, v8;
	v37 =	vmul.f32 v40, v3;
	v33 =	vadd.f32 v33, v38;
	v38 =	vld [tilespmem:s13+$0x8580]  }
0x3dc: {  	v40 =	vmul.f32 v41, v6  }
0x3dd: {  	v32 =	vadd.f32 v35, v32;
	v41 =	vmul.f32 v42, v0;
	v36 =	vadd.f32 v37, v36;
	_ =	sdelay $0x1  }
0x3de: {  	v35 =	vadd.f32 v39, v41;
	v37 =	vmul.f32 v44, v7;
	[tilespmem:s13+$0x14600] =	vst v34  }
0x3df: {  	v34 =	vmul.f32 v43, v13;
	[tilespmem:s13+$0x14400] =	vst v33;
	v33 =	vmul.f32 v38, v12  }
0x3e0: {  	v37 =	vadd.f32 v37, v40;
	[tilespmem:s13+$0x14500] =	vst v32  }
0x3e1: {  	[tilespmem:s13+$0x14380] =	vst v36;
	v32 =	vadd.f32 v34, v33  }
0x3e2: {  	[tilespmem:s13+$0x14300] =	vst v35  }
0x3e3: {  	s23 =	sor.u32 s25, s17;
	[tilespmem:s13+$0x14580] =	vst v32  }
0x3e4: {  	s10 =	sor.u32 $0x380, s23;
	[tilespmem:s13+$0x14480] =	vst v37  }
0x3e5: {  	v32 =	vld [tilespmem:s10+$0x8300]  }
0x3e6: {  	v33 =	vld [tilespmem:s10+$0xC300];
	_ =	sdelay $0x4  }
0x3e7: {  	v32 =	vmul.f32 v32, v26;
	v33 =	vmul.f32 v33, v29;
	_ =	sdelay $0x1  }
0x3e8: {  	v32 =	vadd.f32 v33, v32;
	_ =	sdelay $0x1  }
.Ltmp34:
0x3e9: {  	[tilespmem:s10+$0x14300] =	vst v32;
	(pc) =	sbr.rel @p0 .LBB2_71-.Ltmp34, $4  }
0x3ea: {  	v34 =	vld [tilespmem:s13+$0xA300]  }
0x3eb: {  	v35 =	vld [tilespmem:s13+$0xE300]  }
0x3ec: {  	v32 =	vld [tilespmem:s13+$0xA580]  }
0x3ed: {  	v33 =	vld [tilespmem:s13+$0xE500]  }
0x3ee: {  	v0 =	vld [tilespmem:s13+$0xE600]  }
0x3ef: {  	v1 =	vld [tilespmem:s13+$0xA600]  }
0x3f0: {  	v4 =	vld [tilespmem:s13+$0xE580]  }
0x3f1: {  	v5 =	vld [tilespmem:s13+$0xA500]  }
0x3f2: {  	v57 =	vld [tilespmem:s13+$0xE400]  }
0x3f3: {  	v6 =	vld [tilespmem:s13+$0xE480]  }
0x3f4: {  	v58 =	vld [tilespmem:s13+$0xA480]  }
0x3f5: {  	v9 =	vld [tilespmem:s13+$0xA400]  }
0x3f6: {  	v7 =	vld [tilespmem:s13+$0xA380];
	v2 =	vmul.f32 v34, v27;
	v3 =	vmul.f32 v35, v28  }
0x3f7: {  	v8 =	vld [tilespmem:s13+$0xE380];
	v0 =	vmul.f32 v0, v31;
	v1 =	vmul.f32 v1, v30  }
0x3f8: {  	v2 =	vadd.f32 v3, v2;
	v10 =	vmul.f32 v33, v23;
	v5 =	vmul.f32 v5, v22  }
0x3f9: {  	v59 =	vmul.f32 v32, v24;
	v4 =	vmul.f32 v4, v25;
	v0 =	vadd.f32 v0, v1  }
0x3fa: {  	v62 =	vmul.f32 v9, v14;
	v3 =	vmul.f32 v57, v15;
	[tilespmem:s13+$0x16300] =	vst v2;
	v5 =	vadd.f32 v10, v5  }
0x3fb: {  	v6 =	vmul.f32 v6, v21;
	v2 =	vmul.f32 v58, v20;
	v1 =	vadd.f32 v4, v59;
	[tilespmem:s13+$0x16600] =	vst v0  }
0x3fc: {  	v60 =	vmul.f32 v7, v17;
	v61 =	vmul.f32 v8, v16;
	v63 =	vadd.f32 v3, v62;
	[tilespmem:s13+$0x16500] =	vst v5  }
0x3fd: {  	v2 =	vadd.f32 v6, v2;
	[tilespmem:s13+$0x16580] =	vst v1  }
0x3fe: {  	v0 =	vadd.f32 v61, v60;
	[tilespmem:s13+$0x16400] =	vst v63  }
0x3ff: {  	[tilespmem:s13+$0x16480] =	vst v2  }
0x400: {  	s10 =	sor.u32 $0x2380, s23;
	[tilespmem:s13+$0x16380] =	vst v0  }
0x401: {  	v0 =	vld [tilespmem:s10+$0x8300]  }
0x402: {  	v1 =	vld [tilespmem:s10+$0xC300];
	_ =	sdelay $0x3  }
0x403: {  	s9 =	sadd.s32 $0x1, s9  }
0x404: {  	s11 =	rddreg [dreg:$0xb];
	s31 =	simm.s32 $0x0;
	p0 =	sne.s32 s9, $0x4;
	v0 =	vmul.f32 v0, v18;
	v1 =	vmul.f32 v1, v19  }
.Ltmp35:
0x405: {  	s12 =	simm.s32 $0x14300;
	s6 =	sadd.s32 $0x20, s6;
	(pc) =	sbr.rel @p0 .LBB2_24-.Ltmp35, $4  }
.Ltmp36:
0x406: {  	s22 =	sadd.s32 $0x20, s22;
	s11 =	sadd.s32 s11, s16;
	v0 =	vadd.f32 v1, v0;
	(pc) =	sbr.rel @!p0 .LBB2_73-.Ltmp36, $4  }
0x407: {  	s19 =	sadd.s32 $0x1000, s19;
	s14 =	sadd.s32 $0x20, s14;
	s11 =	sshll.u32 s11, $0x7  }
0x408: {  	s15 =	sadd.s32 $0x20, s15;
	s20 =	sadd.s32 $0x1000, s20;
	s30 =	sadd.s32 s26, s11;
	[tilespmem:s10+$0x14300] =	vst v0  }
0x409: {  	[hbm4b:s30+s31] =	stream.linear.scatter [tilespmem:s12], [sflag:$0x4], $0x4000, $0x38;
	[tilespmem:$0x18300] =	vst v63  }
0x40a: {  	_ = 	snop  }
.LBB2_69:
0x40b: {  	s30 =	sadd.s32 $0x10, s30  }
0x40c: {  	p1 =	sne.s32 s30, $0x100  }
.Ltmp37:
0x40d: {  	_ = 	snop;
	(pc) =	sbr.rel @!p1 .LBB2_70-.Ltmp37, $3  }
0x40e: {  	_ =	sdelay $0x1  }
0x40f: {  	s29 =	sadd.s32 $0x80, s29  }
0x410: {  	s17 =	sadd.s32 $0x400, s17;
	s23 =	sadd.s32 $0x1, s23;
	s13 =	sadd.s32 $0x1, s13  }
.LBB2_49:
0x411: {  	v0 =	vld [tilespmem:s13+$0x0];
	_ =	sdelay $0x4  }
0x412: {  	(v2sf) =	vpush v0, $0x0  }
0x413: {  	v1 =	vld [tilespmem:s23+$0x0];
	_ =	sdelay $0x4  }
0x414: {  	(v2sf) =	vpush v1, $0x0;
	_ =	sdelay $0x8  }
0x415: {  	s25 =	spop (v2sf)  }
0x416: {  	p1 =	slt.f32 s25, $4.000000000e+00  }
.Ltmp38:
0x417: {  	_ = 	snop;
	(pc) =	sbr.rel @!p1 .LBB2_54-.Ltmp38, $2  }
0x418: {  	_ =	sdelay $0x2  }
0x419: {  	s21 =	spop (v2sf)  }
0x41a: {  	p1 =	slt.f32 s25, $2.000000000e+00  }
.Ltmp39:
0x41b: {  	_ = 	snop;
	(pc) =	sbr.rel @!p1 .LBB2_52-.Ltmp39, $1  }
0x41c: {  	_ =	sdelay $0x3  }
0x41d: {  	p1 =	slt.f32 s25, $1.000000000e+00;
	_ =	sdelay $0x1  }
0x41e: {  	s10 =	sand.u32 @p1 $0x2000, s17  }
0x41f: {  	s11 =	sand.u32 @p1 $0x380, s29;
	s12 =	sadd.s32 @p1 s29, s20;
	s24 =	sand.u32 @p1 $0x70, s30  }
0x420: {  	s10 =	sor.u32 @p1 s11, s10;
	s11 =	sand.u32 @p1 $0xFFFF400, s12;
	s12 =	sadd.s32 @p1 s0, s24  }
0x421: {  	s24 =	sadd.s32 @p1 $0x300, s10;
	s11 =	sadd.s32 @p1 s11, s12;
	s12 =	simm.s32 @p1 $0x0  }
0x422: {  	[tilespmem:s24], [sflag:$0x1] =	stream.linear.gather @p1 [hbm4b:s11+s12], $0x80, $0x38;
	[tilespmem:$0x18300] =	vst v63  }
0x423: {  	s28 =	sadd.s32 @p1 $0x700, s10;
	s24 =	sadd.s32 @p1 $0x80, s11  }
0x424: {  	[tilespmem:s28], [sflag:$0x1] =	stream.linear.gather @p1 [hbm4b:s24+s12], $0x80, $0x38;
	[tilespmem:$0x18300] =	vst v63  }
0x425: {  	s24 =	sadd.s32 @p1 $0x100, s11;
	s28 =	sadd.s32 @p1 $0xB00, s10  }
0x426: {  	[tilespmem:s28], [sflag:$0x1] =	stream.linear.gather @p1 [hbm4b:s24+s12], $0x80, $0x38;
	[tilespmem:$0x18300] =	vst v63  }
0x427: {  	s24 =	sadd.s32 @p1 $0x180, s11;
	s28 =	sadd.s32 @p1 $0xF00, s10  }
0x428: {  	[tilespmem:s28], [sflag:$0x1] =	stream.linear.gather @p1 [hbm4b:s24+s12], $0x80, $0x38;
	[tilespmem:$0x18300] =	vst v63  }
0x429: {  	s24 =	sadd.s32 @p1 $0x200, s11;
	s28 =	sadd.s32 @p1 $0x1300, s10  }
0x42a: {  	[tilespmem:s28], [sflag:$0x1] =	stream.linear.gather @p1 [hbm4b:s24+s12], $0x80, $0x38;
	[tilespmem:$0x18300] =	vst v63  }
0x42b: {  	s24 =	sadd.s32 @p1 $0x280, s11;
	s28 =	sadd.s32 @p1 $0x1700, s10  }
0x42c: {  	[tilespmem:s28], [sflag:$0x1] =	stream.linear.gather @p1 [hbm4b:s24+s12], $0x80, $0x38;
	[tilespmem:$0x18300] =	vst v63  }
0x42d: {  	p2 =	sge.f32 s25, $1.000000000e+00;
	s24 =	sadd.s32 @p1 $0x300, s11;
	s28 =	sadd.s32 @p1 $0x1B00, s10  }
0x42e: {  	[tilespmem:s28], [sflag:$0x1] =	stream.linear.gather @p1 [hbm4b:s24+s12], $0x80, $0x38;
	[tilespmem:$0x18300] =	vst v63  }
0x42f: {  	s11 =	sadd.s32 @p1 $0x380, s11;
	s10 =	sadd.s32 @p1 $0x1F00, s10;
	s24 =	sand.u32 @p2 $0x70, s30  }
0x430: {  	[tilespmem:s10], [sflag:$0x1] =	stream.linear.gather @p1 [hbm4b:s11+s12], $0x80, $0x38;
	[tilespmem:$0x18300] =	vst v63  }
0x431: {  	s10 =	sand.u32 @p2 $0x2000, s17;
	s11 =	sand.u32 @p2 $0x380, s29;
	s12 =	sadd.s32 @p2 s29, s20  }
0x432: {  	s10 =	sor.u32 @p2 s11, s10;
	s11 =	sand.u32 @p2 $0xFFFF400, s12;
	s12 =	sadd.s32 @p2 s1, s24  }
0x433: {  	s24 =	sadd.s32 @p2 $0x300, s10;
	s11 =	sadd.s32 @p2 s11, s12;
	s12 =	simm.s32 @p2 $0x0  }
0x434: {  	[tilespmem:s24], [sflag:$0x1] =	stream.linear.gather @p2 [hbm4b:s11+s12], $0x80, $0x38;
	[tilespmem:$0x18300] =	vst v63  }
0x435: {  	s28 =	sadd.s32 @p2 $0x700, s10;
	s24 =	sadd.s32 @p2 $0x80, s11  }
0x436: {  	[tilespmem:s28], [sflag:$0x1] =	stream.linear.gather @p2 [hbm4b:s24+s12], $0x80, $0x38;
	[tilespmem:$0x18300] =	vst v63  }
0x437: {  	s24 =	sadd.s32 @p2 $0x100, s11;
	s28 =	sadd.s32 @p2 $0xB00, s10  }
0x438: {  	[tilespmem:s28], [sflag:$0x1] =	stream.linear.gather @p2 [hbm4b:s24+s12], $0x80, $0x38;
	[tilespmem:$0x18300] =	vst v63  }
0x439: {  	s24 =	sadd.s32 @p2 $0x180, s11;
	s28 =	sadd.s32 @p2 $0xF00, s10  }
0x43a: {  	[tilespmem:s28], [sflag:$0x1] =	stream.linear.gather @p2 [hbm4b:s24+s12], $0x80, $0x38;
	[tilespmem:$0x18300] =	vst v63  }
0x43b: {  	s24 =	sadd.s32 @p2 $0x200, s11;
	s28 =	sadd.s32 @p2 $0x1300, s10  }
0x43c: {  	[tilespmem:s28], [sflag:$0x1] =	stream.linear.gather @p2 [hbm4b:s24+s12], $0x80, $0x38;
	[tilespmem:$0x18300] =	vst v63  }
0x43d: {  	s24 =	sadd.s32 @p2 $0x280, s11;
	s28 =	sadd.s32 @p2 $0x1700, s10  }
0x43e: {  	[tilespmem:s28], [sflag:$0x1] =	stream.linear.gather @p2 [hbm4b:s24+s12], $0x80, $0x38;
	[tilespmem:$0x18300] =	vst v63  }
0x43f: {  	s24 =	sadd.s32 @p2 $0x300, s11;
	s28 =	sadd.s32 @p2 $0x1B00, s10  }
0x440: {  	[tilespmem:s28], [sflag:$0x1] =	stream.linear.gather @p2 [hbm4b:s24+s12], $0x80, $0x38;
	[tilespmem:$0x18300] =	vst v63  }
0x441: {  	s11 =	sadd.s32 @p2 $0x380, s11;
	s10 =	sadd.s32 @p2 $0x1F00, s10  }
0x442: {  	[tilespmem:s10], [sflag:$0x1] =	stream.linear.gather @p2 [hbm4b:s11+s12], $0x80, $0x38;
	[tilespmem:$0x18300] =	vst v63  }
.LBB2_52:
0x443: {  	p1 =	sge.f32 s25, $2.000000000e+00  }
.Ltmp40:
0x444: {  	_ = 	snop;
	(pc) =	sbr.rel @!p1 .LBB2_54-.Ltmp40, $1  }
0x445: {  	_ =	sdelay $0x3  }
0x446: {  	p1 =	slt.f32 s25, $3.000000000e+00;
	_ =	sdelay $0x1  }
0x447: {  	s10 =	sand.u32 @p1 $0x2000, s17  }
0x448: {  	s11 =	sand.u32 @p1 $0x380, s29;
	s12 =	sadd.s32 @p1 s29, s20;
	s24 =	sand.u32 @p1 $0x70, s30  }
0x449: {  	s10 =	sor.u32 @p1 s11, s10;
	s11 =	sand.u32 @p1 $0xFFFF400, s12;
	s12 =	sadd.s32 @p1 s2, s24  }
0x44a: {  	s24 =	sadd.s32 @p1 $0x300, s10;
	s11 =	sadd.s32 @p1 s11, s12;
	s12 =	simm.s32 @p1 $0x0  }
0x44b: {  	[tilespmem:s24], [sflag:$0x1] =	stream.linear.gather @p1 [hbm4b:s11+s12], $0x80, $0x38;
	[tilespmem:$0x18300] =	vst v63  }
0x44c: {  	s28 =	sadd.s32 @p1 $0x700, s10;
	s24 =	sadd.s32 @p1 $0x80, s11  }
0x44d: {  	[tilespmem:s28], [sflag:$0x1] =	stream.linear.gather @p1 [hbm4b:s24+s12], $0x80, $0x38;
	[tilespmem:$0x18300] =	vst v63  }
0x44e: {  	s24 =	sadd.s32 @p1 $0x100, s11;
	s28 =	sadd.s32 @p1 $0xB00, s10  }
0x44f: {  	[tilespmem:s28], [sflag:$0x1] =	stream.linear.gather @p1 [hbm4b:s24+s12], $0x80, $0x38;
	[tilespmem:$0x18300] =	vst v63  }
0x450: {  	s24 =	sadd.s32 @p1 $0x180, s11;
	s28 =	sadd.s32 @p1 $0xF00, s10  }
0x451: {  	[tilespmem:s28], [sflag:$0x1] =	stream.linear.gather @p1 [hbm4b:s24+s12], $0x80, $0x38;
	[tilespmem:$0x18300] =	vst v63  }
0x452: {  	s24 =	sadd.s32 @p1 $0x200, s11;
	s28 =	sadd.s32 @p1 $0x1300, s10  }
0x453: {  	[tilespmem:s28], [sflag:$0x1] =	stream.linear.gather @p1 [hbm4b:s24+s12], $0x80, $0x38;
	[tilespmem:$0x18300] =	vst v63  }
0x454: {  	s24 =	sadd.s32 @p1 $0x280, s11;
	s28 =	sadd.s32 @p1 $0x1700, s10  }
0x455: {  	[tilespmem:s28], [sflag:$0x1] =	stream.linear.gather @p1 [hbm4b:s24+s12], $0x80, $0x38;
	[tilespmem:$0x18300] =	vst v63  }
0x456: {  	p2 =	sge.f32 s25, $3.000000000e+00;
	s24 =	sadd.s32 @p1 $0x300, s11;
	s28 =	sadd.s32 @p1 $0x1B00, s10  }
0x457: {  	[tilespmem:s28], [sflag:$0x1] =	stream.linear.gather @p1 [hbm4b:s24+s12], $0x80, $0x38;
	[tilespmem:$0x18300] =	vst v63  }
0x458: {  	s11 =	sadd.s32 @p1 $0x380, s11;
	s10 =	sadd.s32 @p1 $0x1F00, s10;
	s24 =	sand.u32 @p2 $0x70, s30  }
0x459: {  	[tilespmem:s10], [sflag:$0x1] =	stream.linear.gather @p1 [hbm4b:s11+s12], $0x80, $0x38;
	[tilespmem:$0x18300] =	vst v63  }
0x45a: {  	s10 =	sand.u32 @p2 $0x2000, s17;
	s11 =	sand.u32 @p2 $0x380, s29;
	s12 =	sadd.s32 @p2 s29, s20  }
0x45b: {  	s10 =	sor.u32 @p2 s11, s10;
	s11 =	sand.u32 @p2 $0xFFFF400, s12;
	s12 =	sadd.s32 @p2 s3, s24  }
0x45c: {  	s24 =	sadd.s32 @p2 $0x300, s10;
	s11 =	sadd.s32 @p2 s11, s12;
	s12 =	simm.s32 @p2 $0x0  }
0x45d: {  	[tilespmem:s24], [sflag:$0x1] =	stream.linear.gather @p2 [hbm4b:s11+s12], $0x80, $0x38;
	[tilespmem:$0x18300] =	vst v63  }
0x45e: {  	s28 =	sadd.s32 @p2 $0x700, s10;
	s24 =	sadd.s32 @p2 $0x80, s11  }
0x45f: {  	[tilespmem:s28], [sflag:$0x1] =	stream.linear.gather @p2 [hbm4b:s24+s12], $0x80, $0x38;
	[tilespmem:$0x18300] =	vst v63  }
0x460: {  	s24 =	sadd.s32 @p2 $0x100, s11;
	s28 =	sadd.s32 @p2 $0xB00, s10  }
0x461: {  	[tilespmem:s28], [sflag:$0x1] =	stream.linear.gather @p2 [hbm4b:s24+s12], $0x80, $0x38;
	[tilespmem:$0x18300] =	vst v63  }
0x462: {  	s24 =	sadd.s32 @p2 $0x180, s11;
	s28 =	sadd.s32 @p2 $0xF00, s10  }
0x463: {  	[tilespmem:s28], [sflag:$0x1] =	stream.linear.gather @p2 [hbm4b:s24+s12], $0x80, $0x38;
	[tilespmem:$0x18300] =	vst v63  }
0x464: {  	s24 =	sadd.s32 @p2 $0x200, s11;
	s28 =	sadd.s32 @p2 $0x1300, s10  }
0x465: {  	[tilespmem:s28], [sflag:$0x1] =	stream.linear.gather @p2 [hbm4b:s24+s12], $0x80, $0x38;
	[tilespmem:$0x18300] =	vst v63  }
0x466: {  	s24 =	sadd.s32 @p2 $0x280, s11;
	s28 =	sadd.s32 @p2 $0x1700, s10  }
0x467: {  	[tilespmem:s28], [sflag:$0x1] =	stream.linear.gather @p2 [hbm4b:s24+s12], $0x80, $0x38;
	[tilespmem:$0x18300] =	vst v63  }
0x468: {  	s24 =	sadd.s32 @p2 $0x300, s11;
	s28 =	sadd.s32 @p2 $0x1B00, s10  }
0x469: {  	[tilespmem:s28], [sflag:$0x1] =	stream.linear.gather @p2 [hbm4b:s24+s12], $0x80, $0x38;
	[tilespmem:$0x18300] =	vst v63  }
0x46a: {  	s11 =	sadd.s32 @p2 $0x380, s11;
	s10 =	sadd.s32 @p2 $0x1F00, s10  }
0x46b: {  	[tilespmem:s10], [sflag:$0x1] =	stream.linear.gather @p2 [hbm4b:s11+s12], $0x80, $0x38;
	[tilespmem:$0x18300] =	vst v63  }
.LBB2_54:
0x46c: {  	p1 =	sge.f32 s25, $4.000000000e+00  }
.Ltmp41:
0x46d: {  	_ = 	snop;
	(pc) =	sbr.rel @!p1 .LBB2_59-.Ltmp41, $1  }
0x46e: {  	_ =	sdelay $0x3  }
0x46f: {  	p1 =	slt.f32 s25, $6.000000000e+00  }
.Ltmp42:
0x470: {  	_ = 	snop;
	(pc) =	sbr.rel @!p1 .LBB2_57-.Ltmp42, $1  }
0x471: {  	_ =	sdelay $0x3  }
0x472: {  	p1 =	slt.f32 s25, $5.000000000e+00;
	_ =	sdelay $0x1  }
0x473: {  	s10 =	sand.u32 @p1 $0x2000, s17  }
0x474: {  	s11 =	sand.u32 @p1 $0x380, s29;
	s12 =	sadd.s32 @p1 s29, s20;
	s24 =	sand.u32 @p1 $0x70, s30  }
0x475: {  	s10 =	sor.u32 @p1 s11, s10;
	s11 =	sand.u32 @p1 $0xFFFF400, s12;
	s12 =	sadd.s32 @p1 s4, s24  }
0x476: {  	s24 =	sadd.s32 @p1 $0x300, s10;
	s11 =	sadd.s32 @p1 s11, s12;
	s12 =	simm.s32 @p1 $0x0  }
0x477: {  	[tilespmem:s24], [sflag:$0x1] =	stream.linear.gather @p1 [hbm4b:s11+s12], $0x80, $0x38;
	[tilespmem:$0x18300] =	vst v63  }
0x478: {  	s28 =	sadd.s32 @p1 $0x700, s10;
	s24 =	sadd.s32 @p1 $0x80, s11  }
0x479: {  	[tilespmem:s28], [sflag:$0x1] =	stream.linear.gather @p1 [hbm4b:s24+s12], $0x80, $0x38;
	[tilespmem:$0x18300] =	vst v63  }
0x47a: {  	s24 =	sadd.s32 @p1 $0x100, s11;
	s28 =	sadd.s32 @p1 $0xB00, s10  }
0x47b: {  	[tilespmem:s28], [sflag:$0x1] =	stream.linear.gather @p1 [hbm4b:s24+s12], $0x80, $0x38;
	[tilespmem:$0x18300] =	vst v63  }
0x47c: {  	s24 =	sadd.s32 @p1 $0x180, s11;
	s28 =	sadd.s32 @p1 $0xF00, s10  }
0x47d: {  	[tilespmem:s28], [sflag:$0x1] =	stream.linear.gather @p1 [hbm4b:s24+s12], $0x80, $0x38;
	[tilespmem:$0x18300] =	vst v63  }
0x47e: {  	s24 =	sadd.s32 @p1 $0x200, s11;
	s28 =	sadd.s32 @p1 $0x1300, s10  }
0x47f: {  	[tilespmem:s28], [sflag:$0x1] =	stream.linear.gather @p1 [hbm4b:s24+s12], $0x80, $0x38;
	[tilespmem:$0x18300] =	vst v63  }
0x480: {  	s24 =	sadd.s32 @p1 $0x280, s11;
	s28 =	sadd.s32 @p1 $0x1700, s10  }
0x481: {  	[tilespmem:s28], [sflag:$0x1] =	stream.linear.gather @p1 [hbm4b:s24+s12], $0x80, $0x38;
	[tilespmem:$0x18300] =	vst v63  }
0x482: {  	p2 =	sge.f32 s25, $5.000000000e+00;
	s24 =	sadd.s32 @p1 $0x300, s11;
	s28 =	sadd.s32 @p1 $0x1B00, s10  }
0x483: {  	[tilespmem:s28], [sflag:$0x1] =	stream.linear.gather @p1 [hbm4b:s24+s12], $0x80, $0x38;
	[tilespmem:$0x18300] =	vst v63  }
0x484: {  	s11 =	sadd.s32 @p1 $0x380, s11;
	s10 =	sadd.s32 @p1 $0x1F00, s10;
	s24 =	sand.u32 @p2 $0x70, s30  }
0x485: {  	[tilespmem:s10], [sflag:$0x1] =	stream.linear.gather @p1 [hbm4b:s11+s12], $0x80, $0x38;
	[tilespmem:$0x18300] =	vst v63  }
0x486: {  	s10 =	sand.u32 @p2 $0x2000, s17;
	s11 =	sand.u32 @p2 $0x380, s29;
	s12 =	sadd.s32 @p2 s29, s20  }
0x487: {  	s10 =	sor.u32 @p2 s11, s10;
	s11 =	sand.u32 @p2 $0xFFFF400, s12;
	s12 =	sadd.s32 @p2 s5, s24  }
0x488: {  	s24 =	sadd.s32 @p2 $0x300, s10;
	s11 =	sadd.s32 @p2 s11, s12;
	s12 =	simm.s32 @p2 $0x0  }
0x489: {  	[tilespmem:s24], [sflag:$0x1] =	stream.linear.gather @p2 [hbm4b:s11+s12], $0x80, $0x38;
	[tilespmem:$0x18300] =	vst v63  }
0x48a: {  	s28 =	sadd.s32 @p2 $0x700, s10;
	s24 =	sadd.s32 @p2 $0x80, s11  }
0x48b: {  	[tilespmem:s28], [sflag:$0x1] =	stream.linear.gather @p2 [hbm4b:s24+s12], $0x80, $0x38;
	[tilespmem:$0x18300] =	vst v63  }
0x48c: {  	s24 =	sadd.s32 @p2 $0x100, s11;
	s28 =	sadd.s32 @p2 $0xB00, s10  }
0x48d: {  	[tilespmem:s28], [sflag:$0x1] =	stream.linear.gather @p2 [hbm4b:s24+s12], $0x80, $0x38;
	[tilespmem:$0x18300] =	vst v63  }
0x48e: {  	s24 =	sadd.s32 @p2 $0x180, s11;
	s28 =	sadd.s32 @p2 $0xF00, s10  }
0x48f: {  	[tilespmem:s28], [sflag:$0x1] =	stream.linear.gather @p2 [hbm4b:s24+s12], $0x80, $0x38;
	[tilespmem:$0x18300] =	vst v63  }
0x490: {  	s24 =	sadd.s32 @p2 $0x200, s11;
	s28 =	sadd.s32 @p2 $0x1300, s10  }
0x491: {  	[tilespmem:s28], [sflag:$0x1] =	stream.linear.gather @p2 [hbm4b:s24+s12], $0x80, $0x38;
	[tilespmem:$0x18300] =	vst v63  }
0x492: {  	s24 =	sadd.s32 @p2 $0x280, s11;
	s28 =	sadd.s32 @p2 $0x1700, s10  }
0x493: {  	[tilespmem:s28], [sflag:$0x1] =	stream.linear.gather @p2 [hbm4b:s24+s12], $0x80, $0x38;
	[tilespmem:$0x18300] =	vst v63  }
0x494: {  	s24 =	sadd.s32 @p2 $0x300, s11;
	s28 =	sadd.s32 @p2 $0x1B00, s10  }
0x495: {  	[tilespmem:s28], [sflag:$0x1] =	stream.linear.gather @p2 [hbm4b:s24+s12], $0x80, $0x38;
	[tilespmem:$0x18300] =	vst v63  }
0x496: {  	s11 =	sadd.s32 @p2 $0x380, s11;
	s10 =	sadd.s32 @p2 $0x1F00, s10  }
0x497: {  	[tilespmem:s10], [sflag:$0x1] =	stream.linear.gather @p2 [hbm4b:s11+s12], $0x80, $0x38;
	[tilespmem:$0x18300] =	vst v63  }
.LBB2_57:
0x498: {  	p1 =	sge.f32 s25, $6.000000000e+00  }
.Ltmp43:
0x499: {  	_ = 	snop;
	(pc) =	sbr.rel @!p1 .LBB2_59-.Ltmp43, $1  }
0x49a: {  	_ =	sdelay $0x3  }
0x49b: {  	p1 =	slt.f32 s25, $7.000000000e+00;
	_ =	sdelay $0x1  }
0x49c: {  	s10 =	sand.u32 @p1 $0x2000, s17  }
0x49d: {  	s11 =	sand.u32 @p1 $0x380, s29;
	s12 =	sadd.s32 @p1 s29, s20;
	s24 =	sand.u32 @p1 $0x70, s30  }
0x49e: {  	s10 =	sor.u32 @p1 s11, s10;
	s11 =	sand.u32 @p1 $0xFFFF400, s12;
	s12 =	sadd.s32 @p1 s7, s24  }
0x49f: {  	s24 =	sadd.s32 @p1 $0x300, s10;
	s11 =	sadd.s32 @p1 s11, s12;
	s12 =	simm.s32 @p1 $0x0  }
0x4a0: {  	[tilespmem:s24], [sflag:$0x1] =	stream.linear.gather @p1 [hbm4b:s11+s12], $0x80, $0x38;
	[tilespmem:$0x18300] =	vst v63  }
0x4a1: {  	s28 =	sadd.s32 @p1 $0x700, s10;
	s24 =	sadd.s32 @p1 $0x80, s11  }
0x4a2: {  	[tilespmem:s28], [sflag:$0x1] =	stream.linear.gather @p1 [hbm4b:s24+s12], $0x80, $0x38;
	[tilespmem:$0x18300] =	vst v63  }
0x4a3: {  	s24 =	sadd.s32 @p1 $0x100, s11;
	s28 =	sadd.s32 @p1 $0xB00, s10  }
0x4a4: {  	[tilespmem:s28], [sflag:$0x1] =	stream.linear.gather @p1 [hbm4b:s24+s12], $0x80, $0x38;
	[tilespmem:$0x18300] =	vst v63  }
0x4a5: {  	s24 =	sadd.s32 @p1 $0x180, s11;
	s28 =	sadd.s32 @p1 $0xF00, s10  }
0x4a6: {  	[tilespmem:s28], [sflag:$0x1] =	stream.linear.gather @p1 [hbm4b:s24+s12], $0x80, $0x38;
	[tilespmem:$0x18300] =	vst v63  }
0x4a7: {  	s24 =	sadd.s32 @p1 $0x200, s11;
	s28 =	sadd.s32 @p1 $0x1300, s10  }
0x4a8: {  	[tilespmem:s28], [sflag:$0x1] =	stream.linear.gather @p1 [hbm4b:s24+s12], $0x80, $0x38;
	[tilespmem:$0x18300] =	vst v63  }
0x4a9: {  	s24 =	sadd.s32 @p1 $0x280, s11;
	s28 =	sadd.s32 @p1 $0x1700, s10  }
0x4aa: {  	[tilespmem:s28], [sflag:$0x1] =	stream.linear.gather @p1 [hbm4b:s24+s12], $0x80, $0x38;
	[tilespmem:$0x18300] =	vst v63  }
0x4ab: {  	p2 =	sge.f32 s25, $7.000000000e+00;
	s24 =	sadd.s32 @p1 $0x300, s11;
	s28 =	sadd.s32 @p1 $0x1B00, s10  }
0x4ac: {  	[tilespmem:s28], [sflag:$0x1] =	stream.linear.gather @p1 [hbm4b:s24+s12], $0x80, $0x38;
	[tilespmem:$0x18300] =	vst v63  }
0x4ad: {  	s11 =	sadd.s32 @p1 $0x380, s11;
	s10 =	sadd.s32 @p1 $0x1F00, s10;
	s24 =	sand.u32 @p2 $0x70, s30  }
0x4ae: {  	[tilespmem:s10], [sflag:$0x1] =	stream.linear.gather @p1 [hbm4b:s11+s12], $0x80, $0x38;
	[tilespmem:$0x18300] =	vst v63  }
0x4af: {  	s10 =	sand.u32 @p2 $0x2000, s17;
	s11 =	sand.u32 @p2 $0x380, s29;
	s12 =	sadd.s32 @p2 s29, s20  }
0x4b0: {  	s10 =	sor.u32 @p2 s11, s10;
	s11 =	sand.u32 @p2 $0xFFFF400, s12;
	s12 =	sadd.s32 @p2 s8, s24  }
0x4b1: {  	s24 =	sadd.s32 @p2 $0x300, s10;
	s11 =	sadd.s32 @p2 s11, s12;
	s12 =	simm.s32 @p2 $0x0  }
0x4b2: {  	[tilespmem:s24], [sflag:$0x1] =	stream.linear.gather @p2 [hbm4b:s11+s12], $0x80, $0x38;
	[tilespmem:$0x18300] =	vst v63  }
0x4b3: {  	s25 =	sadd.s32 @p2 $0x700, s10;
	s24 =	sadd.s32 @p2 $0x80, s11  }
0x4b4: {  	[tilespmem:s25], [sflag:$0x1] =	stream.linear.gather @p2 [hbm4b:s24+s12], $0x80, $0x38;
	[tilespmem:$0x18300] =	vst v63  }
0x4b5: {  	s24 =	sadd.s32 @p2 $0x100, s11;
	s25 =	sadd.s32 @p2 $0xB00, s10  }
0x4b6: {  	[tilespmem:s25], [sflag:$0x1] =	stream.linear.gather @p2 [hbm4b:s24+s12], $0x80, $0x38;
	[tilespmem:$0x18300] =	vst v63  }
0x4b7: {  	s24 =	sadd.s32 @p2 $0x180, s11;
	s25 =	sadd.s32 @p2 $0xF00, s10  }
0x4b8: {  	[tilespmem:s25], [sflag:$0x1] =	stream.linear.gather @p2 [hbm4b:s24+s12], $0x80, $0x38;
	[tilespmem:$0x18300] =	vst v63  }
0x4b9: {  	s24 =	sadd.s32 @p2 $0x200, s11;
	s25 =	sadd.s32 @p2 $0x1300, s10  }
0x4ba: {  	[tilespmem:s25], [sflag:$0x1] =	stream.linear.gather @p2 [hbm4b:s24+s12], $0x80, $0x38;
	[tilespmem:$0x18300] =	vst v63  }
0x4bb: {  	s24 =	sadd.s32 @p2 $0x280, s11;
	s25 =	sadd.s32 @p2 $0x1700, s10  }
0x4bc: {  	[tilespmem:s25], [sflag:$0x1] =	stream.linear.gather @p2 [hbm4b:s24+s12], $0x80, $0x38;
	[tilespmem:$0x18300] =	vst v63  }
0x4bd: {  	s24 =	sadd.s32 @p2 $0x300, s11;
	s25 =	sadd.s32 @p2 $0x1B00, s10  }
0x4be: {  	[tilespmem:s25], [sflag:$0x1] =	stream.linear.gather @p2 [hbm4b:s24+s12], $0x80, $0x38;
	[tilespmem:$0x18300] =	vst v63  }
0x4bf: {  	s11 =	sadd.s32 @p2 $0x380, s11;
	s10 =	sadd.s32 @p2 $0x1F00, s10  }
0x4c0: {  	[tilespmem:s10], [sflag:$0x1] =	stream.linear.gather @p2 [hbm4b:s11+s12], $0x80, $0x38;
	[tilespmem:$0x18300] =	vst v63  }
.LBB2_59:
0x4c1: {  	p1 =	slt.f32 s21, $4.000000000e+00  }
.Ltmp44:
0x4c2: {  	_ = 	snop;
	(pc) =	sbr.rel @!p1 .LBB2_64-.Ltmp44, $1  }
0x4c3: {  	_ =	sdelay $0x3  }
0x4c4: {  	p1 =	slt.f32 s21, $2.000000000e+00  }
.Ltmp45:
0x4c5: {  	_ = 	snop;
	(pc) =	sbr.rel @!p1 .LBB2_62-.Ltmp45, $1  }
0x4c6: {  	_ =	sdelay $0x3  }
0x4c7: {  	p1 =	slt.f32 s21, $1.000000000e+00;
	_ =	sdelay $0x1  }
0x4c8: {  	s10 =	sand.u32 @p1 $0x2000, s17  }
0x4c9: {  	s11 =	sand.u32 @p1 $0x380, s29;
	s12 =	sadd.s32 @p1 s29, s20;
	s24 =	sand.u32 @p1 $0x70, s30  }
0x4ca: {  	s10 =	sor.u32 @p1 s11, s10;
	s11 =	sand.u32 @p1 $0xFFFF400, s12;
	s12 =	sadd.s32 @p1 s0, s24  }
0x4cb: {  	s24 =	sadd.s32 @p1 $0x4300, s10;
	s11 =	sadd.s32 @p1 s11, s12;
	s12 =	simm.s32 @p1 $0x0  }
0x4cc: {  	[tilespmem:s24], [sflag:$0x1] =	stream.linear.gather @p1 [hbm4b:s11+s12], $0x80, $0x38;
	[tilespmem:$0x18300] =	vst v63  }
0x4cd: {  	s25 =	sadd.s32 @p1 $0x4700, s10;
	s24 =	sadd.s32 @p1 $0x80, s11  }
0x4ce: {  	[tilespmem:s25], [sflag:$0x1] =	stream.linear.gather @p1 [hbm4b:s24+s12], $0x80, $0x38;
	[tilespmem:$0x18300] =	vst v63  }
0x4cf: {  	s24 =	sadd.s32 @p1 $0x100, s11;
	s25 =	sadd.s32 @p1 $0x4B00, s10  }
0x4d0: {  	[tilespmem:s25], [sflag:$0x1] =	stream.linear.gather @p1 [hbm4b:s24+s12], $0x80, $0x38;
	[tilespmem:$0x18300] =	vst v63  }
0x4d1: {  	s24 =	sadd.s32 @p1 $0x180, s11;
	s25 =	sadd.s32 @p1 $0x4F00, s10  }
0x4d2: {  	[tilespmem:s25], [sflag:$0x1] =	stream.linear.gather @p1 [hbm4b:s24+s12], $0x80, $0x38;
	[tilespmem:$0x18300] =	vst v63  }
0x4d3: {  	s24 =	sadd.s32 @p1 $0x200, s11;
	s25 =	sadd.s32 @p1 $0x5300, s10  }
0x4d4: {  	[tilespmem:s25], [sflag:$0x1] =	stream.linear.gather @p1 [hbm4b:s24+s12], $0x80, $0x38;
	[tilespmem:$0x18300] =	vst v63  }
0x4d5: {  	s24 =	sadd.s32 @p1 $0x280, s11;
	s25 =	sadd.s32 @p1 $0x5700, s10  }
0x4d6: {  	[tilespmem:s25], [sflag:$0x1] =	stream.linear.gather @p1 [hbm4b:s24+s12], $0x80, $0x38;
	[tilespmem:$0x18300] =	vst v63  }
0x4d7: {  	p2 =	sge.f32 s21, $1.000000000e+00;
	s24 =	sadd.s32 @p1 $0x300, s11;
	s25 =	sadd.s32 @p1 $0x5B00, s10  }
0x4d8: {  	[tilespmem:s25], [sflag:$0x1] =	stream.linear.gather @p1 [hbm4b:s24+s12], $0x80, $0x38;
	[tilespmem:$0x18300] =	vst v63  }
0x4d9: {  	s11 =	sadd.s32 @p1 $0x380, s11;
	s10 =	sadd.s32 @p1 $0x5F00, s10;
	s24 =	sand.u32 @p2 $0x70, s30  }
0x4da: {  	[tilespmem:s10], [sflag:$0x1] =	stream.linear.gather @p1 [hbm4b:s11+s12], $0x80, $0x38;
	[tilespmem:$0x18300] =	vst v63  }
0x4db: {  	s10 =	sand.u32 @p2 $0x2000, s17;
	s11 =	sand.u32 @p2 $0x380, s29;
	s12 =	sadd.s32 @p2 s29, s20  }
0x4dc: {  	s10 =	sor.u32 @p2 s11, s10;
	s11 =	sand.u32 @p2 $0xFFFF400, s12;
	s12 =	sadd.s32 @p2 s1, s24  }
0x4dd: {  	s24 =	sadd.s32 @p2 $0x4300, s10;
	s11 =	sadd.s32 @p2 s11, s12;
	s12 =	simm.s32 @p2 $0x0  }
0x4de: {  	[tilespmem:s24], [sflag:$0x1] =	stream.linear.gather @p2 [hbm4b:s11+s12], $0x80, $0x38;
	[tilespmem:$0x18300] =	vst v63  }
0x4df: {  	s25 =	sadd.s32 @p2 $0x4700, s10;
	s24 =	sadd.s32 @p2 $0x80, s11  }
0x4e0: {  	[tilespmem:s25], [sflag:$0x1] =	stream.linear.gather @p2 [hbm4b:s24+s12], $0x80, $0x38;
	[tilespmem:$0x18300] =	vst v63  }
0x4e1: {  	s24 =	sadd.s32 @p2 $0x100, s11;
	s25 =	sadd.s32 @p2 $0x4B00, s10  }
0x4e2: {  	[tilespmem:s25], [sflag:$0x1] =	stream.linear.gather @p2 [hbm4b:s24+s12], $0x80, $0x38;
	[tilespmem:$0x18300] =	vst v63  }
0x4e3: {  	s24 =	sadd.s32 @p2 $0x180, s11;
	s25 =	sadd.s32 @p2 $0x4F00, s10  }
0x4e4: {  	[tilespmem:s25], [sflag:$0x1] =	stream.linear.gather @p2 [hbm4b:s24+s12], $0x80, $0x38;
	[tilespmem:$0x18300] =	vst v63  }
0x4e5: {  	s24 =	sadd.s32 @p2 $0x200, s11;
	s25 =	sadd.s32 @p2 $0x5300, s10  }
0x4e6: {  	[tilespmem:s25], [sflag:$0x1] =	stream.linear.gather @p2 [hbm4b:s24+s12], $0x80, $0x38;
	[tilespmem:$0x18300] =	vst v63  }
0x4e7: {  	s24 =	sadd.s32 @p2 $0x280, s11;
	s25 =	sadd.s32 @p2 $0x5700, s10  }
0x4e8: {  	[tilespmem:s25], [sflag:$0x1] =	stream.linear.gather @p2 [hbm4b:s24+s12], $0x80, $0x38;
	[tilespmem:$0x18300] =	vst v63  }
0x4e9: {  	s24 =	sadd.s32 @p2 $0x300, s11;
	s25 =	sadd.s32 @p2 $0x5B00, s10  }
0x4ea: {  	[tilespmem:s25], [sflag:$0x1] =	stream.linear.gather @p2 [hbm4b:s24+s12], $0x80, $0x38;
	[tilespmem:$0x18300] =	vst v63  }
0x4eb: {  	s11 =	sadd.s32 @p2 $0x380, s11;
	s10 =	sadd.s32 @p2 $0x5F00, s10  }
0x4ec: {  	[tilespmem:s10], [sflag:$0x1] =	stream.linear.gather @p2 [hbm4b:s11+s12], $0x80, $0x38;
	[tilespmem:$0x18300] =	vst v63  }
.LBB2_62:
0x4ed: {  	p1 =	sge.f32 s21, $2.000000000e+00  }
.Ltmp46:
0x4ee: {  	_ = 	snop;
	(pc) =	sbr.rel @!p1 .LBB2_64-.Ltmp46, $1  }
0x4ef: {  	_ =	sdelay $0x3  }
0x4f0: {  	p1 =	slt.f32 s21, $3.000000000e+00;
	_ =	sdelay $0x1  }
0x4f1: {  	s10 =	sand.u32 @p1 $0x2000, s17  }
0x4f2: {  	s11 =	sand.u32 @p1 $0x380, s29;
	s12 =	sadd.s32 @p1 s29, s20;
	s24 =	sand.u32 @p1 $0x70, s30  }
0x4f3: {  	s10 =	sor.u32 @p1 s11, s10;
	s11 =	sand.u32 @p1 $0xFFFF400, s12;
	s12 =	sadd.s32 @p1 s2, s24  }
0x4f4: {  	s24 =	sadd.s32 @p1 $0x4300, s10;
	s11 =	sadd.s32 @p1 s11, s12;
	s12 =	simm.s32 @p1 $0x0  }
0x4f5: {  	[tilespmem:s24], [sflag:$0x1] =	stream.linear.gather @p1 [hbm4b:s11+s12], $0x80, $0x38;
	[tilespmem:$0x18300] =	vst v63  }
0x4f6: {  	s25 =	sadd.s32 @p1 $0x4700, s10;
	s24 =	sadd.s32 @p1 $0x80, s11  }
0x4f7: {  	[tilespmem:s25], [sflag:$0x1] =	stream.linear.gather @p1 [hbm4b:s24+s12], $0x80, $0x38;
	[tilespmem:$0x18300] =	vst v63  }
0x4f8: {  	s24 =	sadd.s32 @p1 $0x100, s11;
	s25 =	sadd.s32 @p1 $0x4B00, s10  }
0x4f9: {  	[tilespmem:s25], [sflag:$0x1] =	stream.linear.gather @p1 [hbm4b:s24+s12], $0x80, $0x38;
	[tilespmem:$0x18300] =	vst v63  }
0x4fa: {  	s24 =	sadd.s32 @p1 $0x180, s11;
	s25 =	sadd.s32 @p1 $0x4F00, s10  }
0x4fb: {  	[tilespmem:s25], [sflag:$0x1] =	stream.linear.gather @p1 [hbm4b:s24+s12], $0x80, $0x38;
	[tilespmem:$0x18300] =	vst v63  }
0x4fc: {  	s24 =	sadd.s32 @p1 $0x200, s11;
	s25 =	sadd.s32 @p1 $0x5300, s10  }
0x4fd: {  	[tilespmem:s25], [sflag:$0x1] =	stream.linear.gather @p1 [hbm4b:s24+s12], $0x80, $0x38;
	[tilespmem:$0x18300] =	vst v63  }
0x4fe: {  	s24 =	sadd.s32 @p1 $0x280, s11;
	s25 =	sadd.s32 @p1 $0x5700, s10  }
0x4ff: {  	[tilespmem:s25], [sflag:$0x1] =	stream.linear.gather @p1 [hbm4b:s24+s12], $0x80, $0x38;
	[tilespmem:$0x18300] =	vst v63  }
0x500: {  	p2 =	sge.f32 s21, $3.000000000e+00;
	s24 =	sadd.s32 @p1 $0x300, s11;
	s25 =	sadd.s32 @p1 $0x5B00, s10  }
0x501: {  	[tilespmem:s25], [sflag:$0x1] =	stream.linear.gather @p1 [hbm4b:s24+s12], $0x80, $0x38;
	[tilespmem:$0x18300] =	vst v63  }
0x502: {  	s11 =	sadd.s32 @p1 $0x380, s11;
	s10 =	sadd.s32 @p1 $0x5F00, s10;
	s24 =	sand.u32 @p2 $0x70, s30  }
0x503: {  	[tilespmem:s10], [sflag:$0x1] =	stream.linear.gather @p1 [hbm4b:s11+s12], $0x80, $0x38;
	[tilespmem:$0x18300] =	vst v63  }
0x504: {  	s10 =	sand.u32 @p2 $0x2000, s17;
	s11 =	sand.u32 @p2 $0x380, s29;
	s12 =	sadd.s32 @p2 s29, s20  }
0x505: {  	s10 =	sor.u32 @p2 s11, s10;
	s11 =	sand.u32 @p2 $0xFFFF400, s12;
	s12 =	sadd.s32 @p2 s3, s24  }
0x506: {  	s24 =	sadd.s32 @p2 $0x4300, s10;
	s11 =	sadd.s32 @p2 s11, s12;
	s12 =	simm.s32 @p2 $0x0  }
0x507: {  	[tilespmem:s24], [sflag:$0x1] =	stream.linear.gather @p2 [hbm4b:s11+s12], $0x80, $0x38;
	[tilespmem:$0x18300] =	vst v63  }
0x508: {  	s25 =	sadd.s32 @p2 $0x4700, s10;
	s24 =	sadd.s32 @p2 $0x80, s11  }
0x509: {  	[tilespmem:s25], [sflag:$0x1] =	stream.linear.gather @p2 [hbm4b:s24+s12], $0x80, $0x38;
	[tilespmem:$0x18300] =	vst v63  }
0x50a: {  	s24 =	sadd.s32 @p2 $0x100, s11;
	s25 =	sadd.s32 @p2 $0x4B00, s10  }
0x50b: {  	[tilespmem:s25], [sflag:$0x1] =	stream.linear.gather @p2 [hbm4b:s24+s12], $0x80, $0x38;
	[tilespmem:$0x18300] =	vst v63  }
0x50c: {  	s24 =	sadd.s32 @p2 $0x180, s11;
	s25 =	sadd.s32 @p2 $0x4F00, s10  }
0x50d: {  	[tilespmem:s25], [sflag:$0x1] =	stream.linear.gather @p2 [hbm4b:s24+s12], $0x80, $0x38;
	[tilespmem:$0x18300] =	vst v63  }
0x50e: {  	s24 =	sadd.s32 @p2 $0x200, s11;
	s25 =	sadd.s32 @p2 $0x5300, s10  }
0x50f: {  	[tilespmem:s25], [sflag:$0x1] =	stream.linear.gather @p2 [hbm4b:s24+s12], $0x80, $0x38;
	[tilespmem:$0x18300] =	vst v63  }
0x510: {  	s24 =	sadd.s32 @p2 $0x280, s11;
	s25 =	sadd.s32 @p2 $0x5700, s10  }
0x511: {  	[tilespmem:s25], [sflag:$0x1] =	stream.linear.gather @p2 [hbm4b:s24+s12], $0x80, $0x38;
	[tilespmem:$0x18300] =	vst v63  }
0x512: {  	s24 =	sadd.s32 @p2 $0x300, s11;
	s25 =	sadd.s32 @p2 $0x5B00, s10  }
0x513: {  	[tilespmem:s25], [sflag:$0x1] =	stream.linear.gather @p2 [hbm4b:s24+s12], $0x80, $0x38;
	[tilespmem:$0x18300] =	vst v63  }
0x514: {  	s11 =	sadd.s32 @p2 $0x380, s11;
	s10 =	sadd.s32 @p2 $0x5F00, s10  }
0x515: {  	[tilespmem:s10], [sflag:$0x1] =	stream.linear.gather @p2 [hbm4b:s11+s12], $0x80, $0x38;
	[tilespmem:$0x18300] =	vst v63  }
.LBB2_64:
0x516: {  	p1 =	sge.f32 s21, $4.000000000e+00  }
.Ltmp47:
0x517: {  	_ = 	snop;
	(pc) =	sbr.rel @!p1 .LBB2_69-.Ltmp47, $1  }
0x518: {  	_ =	sdelay $0x3  }
0x519: {  	p1 =	slt.f32 s21, $6.000000000e+00  }
.Ltmp48:
0x51a: {  	_ = 	snop;
	(pc) =	sbr.rel @!p1 .LBB2_67-.Ltmp48, $1  }
0x51b: {  	_ =	sdelay $0x3  }
0x51c: {  	p1 =	slt.f32 s21, $5.000000000e+00;
	_ =	sdelay $0x1  }
0x51d: {  	s10 =	sand.u32 @p1 $0x2000, s17  }
0x51e: {  	s11 =	sand.u32 @p1 $0x380, s29;
	s12 =	sadd.s32 @p1 s29, s20;
	s24 =	sand.u32 @p1 $0x70, s30  }
0x51f: {  	s10 =	sor.u32 @p1 s11, s10;
	s11 =	sand.u32 @p1 $0xFFFF400, s12;
	s12 =	sadd.s32 @p1 s4, s24  }
0x520: {  	s24 =	sadd.s32 @p1 $0x4300, s10;
	s11 =	sadd.s32 @p1 s11, s12;
	s12 =	simm.s32 @p1 $0x0  }
0x521: {  	[tilespmem:s24], [sflag:$0x1] =	stream.linear.gather @p1 [hbm4b:s11+s12], $0x80, $0x38;
	[tilespmem:$0x18300] =	vst v63  }
0x522: {  	s25 =	sadd.s32 @p1 $0x4700, s10;
	s24 =	sadd.s32 @p1 $0x80, s11  }
0x523: {  	[tilespmem:s25], [sflag:$0x1] =	stream.linear.gather @p1 [hbm4b:s24+s12], $0x80, $0x38;
	[tilespmem:$0x18300] =	vst v63  }
0x524: {  	s24 =	sadd.s32 @p1 $0x100, s11;
	s25 =	sadd.s32 @p1 $0x4B00, s10  }
0x525: {  	[tilespmem:s25], [sflag:$0x1] =	stream.linear.gather @p1 [hbm4b:s24+s12], $0x80, $0x38;
	[tilespmem:$0x18300] =	vst v63  }
0x526: {  	s24 =	sadd.s32 @p1 $0x180, s11;
	s25 =	sadd.s32 @p1 $0x4F00, s10  }
0x527: {  	[tilespmem:s25], [sflag:$0x1] =	stream.linear.gather @p1 [hbm4b:s24+s12], $0x80, $0x38;
	[tilespmem:$0x18300] =	vst v63  }
0x528: {  	s24 =	sadd.s32 @p1 $0x200, s11;
	s25 =	sadd.s32 @p1 $0x5300, s10  }
0x529: {  	[tilespmem:s25], [sflag:$0x1] =	stream.linear.gather @p1 [hbm4b:s24+s12], $0x80, $0x38;
	[tilespmem:$0x18300] =	vst v63  }
0x52a: {  	s24 =	sadd.s32 @p1 $0x280, s11;
	s25 =	sadd.s32 @p1 $0x5700, s10  }
0x52b: {  	[tilespmem:s25], [sflag:$0x1] =	stream.linear.gather @p1 [hbm4b:s24+s12], $0x80, $0x38;
	[tilespmem:$0x18300] =	vst v63  }
0x52c: {  	p2 =	sge.f32 s21, $5.000000000e+00;
	s24 =	sadd.s32 @p1 $0x300, s11;
	s25 =	sadd.s32 @p1 $0x5B00, s10  }
0x52d: {  	[tilespmem:s25], [sflag:$0x1] =	stream.linear.gather @p1 [hbm4b:s24+s12], $0x80, $0x38;
	[tilespmem:$0x18300] =	vst v63  }
0x52e: {  	s11 =	sadd.s32 @p1 $0x380, s11;
	s10 =	sadd.s32 @p1 $0x5F00, s10;
	s24 =	sand.u32 @p2 $0x70, s30  }
0x52f: {  	[tilespmem:s10], [sflag:$0x1] =	stream.linear.gather @p1 [hbm4b:s11+s12], $0x80, $0x38;
	[tilespmem:$0x18300] =	vst v63  }
0x530: {  	s10 =	sand.u32 @p2 $0x2000, s17;
	s11 =	sand.u32 @p2 $0x380, s29;
	s12 =	sadd.s32 @p2 s29, s20  }
0x531: {  	s10 =	sor.u32 @p2 s11, s10;
	s11 =	sand.u32 @p2 $0xFFFF400, s12;
	s12 =	sadd.s32 @p2 s5, s24  }
0x532: {  	s24 =	sadd.s32 @p2 $0x4300, s10;
	s11 =	sadd.s32 @p2 s11, s12;
	s12 =	simm.s32 @p2 $0x0  }
0x533: {  	[tilespmem:s24], [sflag:$0x1] =	stream.linear.gather @p2 [hbm4b:s11+s12], $0x80, $0x38;
	[tilespmem:$0x18300] =	vst v63  }
0x534: {  	s25 =	sadd.s32 @p2 $0x4700, s10;
	s24 =	sadd.s32 @p2 $0x80, s11  }
0x535: {  	[tilespmem:s25], [sflag:$0x1] =	stream.linear.gather @p2 [hbm4b:s24+s12], $0x80, $0x38;
	[tilespmem:$0x18300] =	vst v63  }
0x536: {  	s24 =	sadd.s32 @p2 $0x100, s11;
	s25 =	sadd.s32 @p2 $0x4B00, s10  }
0x537: {  	[tilespmem:s25], [sflag:$0x1] =	stream.linear.gather @p2 [hbm4b:s24+s12], $0x80, $0x38;
	[tilespmem:$0x18300] =	vst v63  }
0x538: {  	s24 =	sadd.s32 @p2 $0x180, s11;
	s25 =	sadd.s32 @p2 $0x4F00, s10  }
0x539: {  	[tilespmem:s25], [sflag:$0x1] =	stream.linear.gather @p2 [hbm4b:s24+s12], $0x80, $0x38;
	[tilespmem:$0x18300] =	vst v63  }
0x53a: {  	s24 =	sadd.s32 @p2 $0x200, s11;
	s25 =	sadd.s32 @p2 $0x5300, s10  }
0x53b: {  	[tilespmem:s25], [sflag:$0x1] =	stream.linear.gather @p2 [hbm4b:s24+s12], $0x80, $0x38;
	[tilespmem:$0x18300] =	vst v63  }
0x53c: {  	s24 =	sadd.s32 @p2 $0x280, s11;
	s25 =	sadd.s32 @p2 $0x5700, s10  }
0x53d: {  	[tilespmem:s25], [sflag:$0x1] =	stream.linear.gather @p2 [hbm4b:s24+s12], $0x80, $0x38;
	[tilespmem:$0x18300] =	vst v63  }
0x53e: {  	s24 =	sadd.s32 @p2 $0x300, s11;
	s25 =	sadd.s32 @p2 $0x5B00, s10  }
0x53f: {  	[tilespmem:s25], [sflag:$0x1] =	stream.linear.gather @p2 [hbm4b:s24+s12], $0x80, $0x38;
	[tilespmem:$0x18300] =	vst v63  }
0x540: {  	s11 =	sadd.s32 @p2 $0x380, s11;
	s10 =	sadd.s32 @p2 $0x5F00, s10  }
0x541: {  	[tilespmem:s10], [sflag:$0x1] =	stream.linear.gather @p2 [hbm4b:s11+s12], $0x80, $0x38;
	[tilespmem:$0x18300] =	vst v63  }
.LBB2_67:
0x542: {  	p1 =	sge.f32 s21, $6.000000000e+00  }
.Ltmp49:
0x543: {  	_ = 	snop;
	(pc) =	sbr.rel @!p1 .LBB2_69-.Ltmp49, $1  }
0x544: {  	_ =	sdelay $0x3  }
0x545: {  	p1 =	slt.f32 s21, $7.000000000e+00;
	_ =	sdelay $0x1  }
0x546: {  	s10 =	sand.u32 @p1 $0x2000, s17  }
0x547: {  	s11 =	sand.u32 @p1 $0x380, s29;
	s12 =	sadd.s32 @p1 s29, s20;
	s24 =	sand.u32 @p1 $0x70, s30  }
0x548: {  	s10 =	sor.u32 @p1 s11, s10;
	s11 =	sand.u32 @p1 $0xFFFF400, s12;
	s12 =	sadd.s32 @p1 s7, s24  }
0x549: {  	s24 =	sadd.s32 @p1 $0x4300, s10;
	s11 =	sadd.s32 @p1 s11, s12;
	s12 =	simm.s32 @p1 $0x0  }
0x54a: {  	[tilespmem:s24], [sflag:$0x1] =	stream.linear.gather @p1 [hbm4b:s11+s12], $0x80, $0x38;
	[tilespmem:$0x18300] =	vst v63  }
0x54b: {  	s25 =	sadd.s32 @p1 $0x4700, s10;
	s24 =	sadd.s32 @p1 $0x80, s11  }
0x54c: {  	[tilespmem:s25], [sflag:$0x1] =	stream.linear.gather @p1 [hbm4b:s24+s12], $0x80, $0x38;
	[tilespmem:$0x18300] =	vst v63  }
0x54d: {  	s24 =	sadd.s32 @p1 $0x100, s11;
	s25 =	sadd.s32 @p1 $0x4B00, s10  }
0x54e: {  	[tilespmem:s25], [sflag:$0x1] =	stream.linear.gather @p1 [hbm4b:s24+s12], $0x80, $0x38;
	[tilespmem:$0x18300] =	vst v63  }
0x54f: {  	s24 =	sadd.s32 @p1 $0x180, s11;
	s25 =	sadd.s32 @p1 $0x4F00, s10  }
0x550: {  	[tilespmem:s25], [sflag:$0x1] =	stream.linear.gather @p1 [hbm4b:s24+s12], $0x80, $0x38;
	[tilespmem:$0x18300] =	vst v63  }
0x551: {  	s24 =	sadd.s32 @p1 $0x200, s11;
	s25 =	sadd.s32 @p1 $0x5300, s10  }
0x552: {  	[tilespmem:s25], [sflag:$0x1] =	stream.linear.gather @p1 [hbm4b:s24+s12], $0x80, $0x38;
	[tilespmem:$0x18300] =	vst v63  }
0x553: {  	s24 =	sadd.s32 @p1 $0x280, s11;
	s25 =	sadd.s32 @p1 $0x5700, s10  }
0x554: {  	[tilespmem:s25], [sflag:$0x1] =	stream.linear.gather @p1 [hbm4b:s24+s12], $0x80, $0x38;
	[tilespmem:$0x18300] =	vst v63  }
0x555: {  	p2 =	sge.f32 s21, $7.000000000e+00;
	s24 =	sadd.s32 @p1 $0x300, s11;
	s25 =	sadd.s32 @p1 $0x5B00, s10  }
0x556: {  	[tilespmem:s25], [sflag:$0x1] =	stream.linear.gather @p1 [hbm4b:s24+s12], $0x80, $0x38;
	[tilespmem:$0x18300] =	vst v63  }
0x557: {  	s21 =	sand.u32 @p2 $0x70, s30;
	s11 =	sadd.s32 @p1 $0x380, s11;
	s10 =	sadd.s32 @p1 $0x5F00, s10  }
0x558: {  	[tilespmem:s10], [sflag:$0x1] =	stream.linear.gather @p1 [hbm4b:s11+s12], $0x80, $0x38;
	[tilespmem:$0x18300] =	vst v63  }
0x559: {  	s10 =	sand.u32 @p2 $0x2000, s17;
	s11 =	sand.u32 @p2 $0x380, s29;
	s12 =	sadd.s32 @p2 s29, s20  }
0x55a: {  	s10 =	sor.u32 @p2 s11, s10;
	s11 =	sand.u32 @p2 $0xFFFF400, s12;
	s12 =	sadd.s32 @p2 s8, s21  }
0x55b: {  	s21 =	sadd.s32 @p2 $0x4300, s10;
	s11 =	sadd.s32 @p2 s11, s12;
	s12 =	simm.s32 @p2 $0x0  }
0x55c: {  	[tilespmem:s21], [sflag:$0x1] =	stream.linear.gather @p2 [hbm4b:s11+s12], $0x80, $0x38;
	[tilespmem:$0x18300] =	vst v63  }
0x55d: {  	s24 =	sadd.s32 @p2 $0x4700, s10;
	s21 =	sadd.s32 @p2 $0x80, s11  }
0x55e: {  	[tilespmem:s24], [sflag:$0x1] =	stream.linear.gather @p2 [hbm4b:s21+s12], $0x80, $0x38;
	[tilespmem:$0x18300] =	vst v63  }
0x55f: {  	s21 =	sadd.s32 @p2 $0x100, s11;
	s24 =	sadd.s32 @p2 $0x4B00, s10  }
0x560: {  	[tilespmem:s24], [sflag:$0x1] =	stream.linear.gather @p2 [hbm4b:s21+s12], $0x80, $0x38;
	[tilespmem:$0x18300] =	vst v63  }
0x561: {  	s21 =	sadd.s32 @p2 $0x180, s11;
	s24 =	sadd.s32 @p2 $0x4F00, s10  }
0x562: {  	[tilespmem:s24], [sflag:$0x1] =	stream.linear.gather @p2 [hbm4b:s21+s12], $0x80, $0x38;
	[tilespmem:$0x18300] =	vst v63  }
0x563: {  	s21 =	sadd.s32 @p2 $0x200, s11;
	s24 =	sadd.s32 @p2 $0x5300, s10  }
0x564: {  	[tilespmem:s24], [sflag:$0x1] =	stream.linear.gather @p2 [hbm4b:s21+s12], $0x80, $0x38;
	[tilespmem:$0x18300] =	vst v63  }
0x565: {  	s21 =	sadd.s32 @p2 $0x280, s11;
	s24 =	sadd.s32 @p2 $0x5700, s10  }
0x566: {  	[tilespmem:s24], [sflag:$0x1] =	stream.linear.gather @p2 [hbm4b:s21+s12], $0x80, $0x38;
	[tilespmem:$0x18300] =	vst v63  }
.Ltmp50:
0x567: {  	_ = 	snop;
	(pc) =	sbr.rel .LBB2_69-.Ltmp50, $4  }
0x568: {  	s21 =	sadd.s32 @p2 $0x300, s11;
	s24 =	sadd.s32 @p2 $0x5B00, s10  }
0x569: {  	[tilespmem:s24], [sflag:$0x1] =	stream.linear.gather @p2 [hbm4b:s21+s12], $0x80, $0x38;
	[tilespmem:$0x18300] =	vst v63  }
0x56a: {  	s11 =	sadd.s32 @p2 $0x380, s11;
	s10 =	sadd.s32 @p2 $0x5F00, s10  }
0x56b: {  	[tilespmem:s10], [sflag:$0x1] =	stream.linear.gather @p2 [hbm4b:s11+s12], $0x80, $0x38;
	[tilespmem:$0x18300] =	vst v63  }
.LBB2_74:
0x56c: {  	_ =	sfence.sel $0x180000  }
0x56d: {  	[bflag:$0x0] =	sbarrier.arrive $0xFFFF  }
0x56e: {  	_ =	strace $0x90000047  }
0x56f: {  	s0 =	stileid.u32;
	[bflag:$0x2] =	sbarrier.arrive $0xFFFF  }
0x570: {  	p0 =	sne.s32 s0, $0x0;
	s0 =	rddreg [dreg:$0xa]  }
0x571: {  	s0 =	sadd.s32 @!p0 $0x100000, s0  }
0x572: {  	[sflag:s0] =	ssyncadd.tile.s32 @!p0 $0x1;
	_ =	shalt  }
.Lfunc_end2:
_tile_overlayer_lowered:
.L_overlay_start_2:
0x573: {  	(tag) =	ssettag $0x2  }
0x574: {  	s0 =	rddreg [dreg:$0x0];
	s2 =	stileid.u32  }
0x575: {  	s1 =	rddreg [dreg:$0x1];
	p0 =	sne.s32 s2, $0x0  }
0x576: {  	s3 =	rddreg [dreg:$0x2];
	[bflag:$0x3] =	sbarrier.arrive $0xFFFF;
	s2 =	simm.s32 @!p0 $0x1C05  }
0x577: {  	[timem:s3], [sflag:s2] =	dma.local @!p0 [hbm:s0], s1  }
0x578: {  	s0 =	simm.s32 @!p0 $0x5  }
0x579: {  	_ =	swait.ge @!p0 [sflag:s0], s1  }
0x57a: {  	s1 =	ssub.s32 @!p0 $0x0, s1;
	[sflag:s0] =	ssyncset.done @!p0 $0x0  }
0x57b: {  	[sflag:s0] =	ssyncadd.s32 @!p0 s1  }
0x57c: {  	[bflag:$0x3] =	sbarrier.arrive $0xFFFF  }
0x57d: {  	_ =	shalt  }

</sc_bundles>
